<compile_context>
chip_gen: v7x
topology: tpu7x:2x2x1
jax: 0.10.2.dev20260603
libtpu: 0.0.44.dev20260713+nightly
codegen_flags: <defaults>
</compile_context>

<pallas_src>
import functools
import math

import jax
import jax.numpy as jnp
import numpy as np
from jax import lax
from jax.experimental import pallas as pl
from jax.experimental.pallas import tpu as pltpu
from jax.experimental.pallas import tpu_sc as plsc

_VOCAB = 1000000
_D = 32
_W = 200
_B = 4096

_NW = 32
_SCALE = math.sqrt(float(_D))

_BLK = 128
_JB = _B // _BLK
_NBLK = _W * _JB
_BPW = _NBLK // _NW
_NBUF = 8
_NGROUP = _BPW // _NBUF
_BLKP = _BLK + 1

def _pe() -> np.ndarray:
    half = _D / 2
    positions = np.arange(_W)[:, np.newaxis]
    depths = np.arange(half)[np.newaxis, :] / half
    angle_rads = positions * (1.0 / 10000**depths)
    pe = np.concatenate([np.sin(angle_rads), np.cos(angle_rads)], axis=-1)
    return pe.astype(np.float32)


_PE = _pe()


def _make_lookup_call():
    mesh = plsc.VectorSubcoreMesh(core_axis_name="c", subcore_axis_name="s")

    scratch = [
        pltpu.VMEM((_BPW * _BLK,), jnp.int32),
        pltpu.VMEM((_W, _D), jnp.float32),
    ]
    scratch += [pltpu.VMEM((_BLK, _D), jnp.float32) for _ in range(_NBUF)]
    scratch += [pltpu.VMEM((_D, _BLKP), jnp.float32) for _ in range(_NBUF)]
    scratch += [pltpu.SemaphoreType.DMA for _ in range(2 * _NBUF)]

    @functools.partial(
        pl.kernel,
        mesh=mesh,
        out_type=jax.ShapeDtypeStruct((_W, _D // 8, _JB, 8, _BLK), jnp.float32),
        scratch_types=scratch,
        compiler_params=pltpu.CompilerParams(
            use_tc_tiling_on_sc=False, needs_layout_passes=False
        ),
    )
    def k(table_hbm, xt_hbm, pe_hbm, out_hbm, idx_v, pe_v, *rest):
        rows_bufs = rest[:_NBUF]
        blk_bufs = rest[_NBUF : 2 * _NBUF]
        gsems = rest[2 * _NBUF : 3 * _NBUF]
        osems = rest[3 * _NBUF :]

        wid = lax.axis_index("s") * 2 + lax.axis_index("c")
        base = wid * _BPW

        pltpu.sync_copy(pe_hbm, pe_v)
        pltpu.sync_copy(xt_hbm.at[pl.ds(base * _BLK, _BPW * _BLK)], idx_v)

        lane = lax.iota(jnp.int32, 16)

        def compute(rows, blk, w):
            pe0 = pe_v[w, pl.ds(0, 16)]
            pe1 = pe_v[w, pl.ds(16, 16)]

            @plsc.parallel_loop(0, _BLK, step=1, unroll=4, carry=(pe0, pe1))
            def _col_body(c, carry):
                p0, p1 = carry
                col = jnp.broadcast_to(c, (16,)).astype(jnp.int32)
                v0 = rows[c, pl.ds(0, 16)] * _SCALE + p0
                v1 = rows[c, pl.ds(16, 16)] * _SCALE + p1
                plsc.store_scatter(blk, [lane, col], v0)
                plsc.store_scatter(blk, [lane + 16, col], v1)
                return carry

        def group_body(g, _):
            handles = []
            for u in range(_NBUF):
                l = g * _NBUF + u

                @pl.when(g > 0)
                def _wait_prev(u=u):
                    for i in range(4):
                        pltpu.make_async_copy(
                            blk_bufs[u].at[pl.ds(8 * i, 8), pl.ds(0, _BLK)],
                            out_hbm.at[0, i, 0],
                            osems[u],
                        ).wait()

                handles.append(
                    pltpu.async_copy(
                        table_hbm.at[idx_v.at[pl.ds(l * _BLK, _BLK)]],
                        rows_bufs[u],
                        gsems[u],
                    )
                )

            for u in range(_NBUF):
                gid = base + g * _NBUF + u
                w = gid // _JB
                j = lax.rem(gid, _JB)
                handles[u].wait()
                compute(rows_bufs[u], blk_bufs[u], w)
                for i in range(4):
                    pltpu.async_copy(
                        blk_bufs[u].at[pl.ds(8 * i, 8), pl.ds(0, _BLK)],
                        out_hbm.at[w, i, j],
                        osems[u],
                    )
            return 0

        lax.fori_loop(0, _NGROUP, group_body, 0)

        for u in range(_NBUF):
            for i in range(4):
                pltpu.make_async_copy(
                    blk_bufs[u].at[pl.ds(8 * i, 8), pl.ds(0, _BLK)],
                    out_hbm.at[0, i, 0],
                    osems[u],
                ).wait()

    return k


_LOOKUP_CALL = _make_lookup_call()


@jax.jit
def kernel(x, table):
    xt_flat = jnp.reshape(jnp.transpose(x), (-1,)).astype(jnp.int32)
    pe = jnp.asarray(_PE)
    out5 = _LOOKUP_CALL(table, xt_flat, pe)
    return jnp.reshape(jnp.transpose(out5, (2, 4, 0, 1, 3)), (_B, _W, _D))

# --- scband reference (transcript-rebuilt; emitter-appended) ---
"""Pipeline reference for scband-positional-encoding-11836929868652 (READ-ONLY COPY).

The authoritative reference and input builder live on the scoring server;
editing this copy changes nothing except your own understanding.
"""

import jax, jax.numpy as jnp
import numpy as np

VOCAB_SIZE = 1000000
EMBED_SIZE = 32
WINDOW_SIZE = 200
BATCH = 4096


def positional_encoding(length, depth):
    half = depth / 2
    positions = np.arange(length)[:, np.newaxis]
    depths = np.arange(half)[np.newaxis, :] / half
    angle_rates = 1 / 10000 ** depths
    angle_rads = positions * angle_rates
    pos_encoding = np.concatenate([np.sin(angle_rads), np.cos(angle_rads)], axis=-1)
    return jnp.asarray(pos_encoding, dtype=jnp.float32)


def setup_inputs(seed: int = 0) -> dict:
    key = jax.random.key(seed)
    k1, k2 = jax.random.split(key)
    x = jax.random.randint(k1, (BATCH, WINDOW_SIZE), 0, VOCAB_SIZE)
    # Embedding table parameter (Keras Embedding uses uniform init; scale is immaterial for the op)
    table = jax.random.uniform(k2, (VOCAB_SIZE, EMBED_SIZE), dtype=jnp.float32, minval=-0.05, maxval=0.05)
    return {"x": x, "table": table}


def reference(x, table):
    scaler = jnp.sqrt(jnp.float32(EMBED_SIZE))
    pe = positional_encoding(WINDOW_SIZE, EMBED_SIZE)  # [WINDOW_SIZE, EMBED_SIZE]
    out = jnp.take(table, x, axis=0) * scaler  # [B, W, D] gather = embedding lookup
    out = out + pe[None, :, :]
    return out

if __name__ == "__main__":
    import jax
    _d = setup_inputs()
    print(jax.jit(kernel)(*tuple(_d.values())))

</pallas_src>

<mosaic_0001>
#map = affine_map<(d0, d1) -> (0, 0)>
#map1 = affine_map<(d0, d1) -> (0)>
#map2 = affine_map<(d0, d1) -> (0, 0, 0, 0, 0)>
module attributes {stable_mosaic.version = 14 : i64} {
  func.func @k(%arg0: i32, %arg1: i32, %arg2: memref<1000000x32xf32, #tpu.memory_space<hbm>>, %arg3: memref<819200xi32, #tpu.memory_space<hbm>>, %arg4: memref<200x32xf32, #tpu.memory_space<hbm>>, %arg5: memref<200x4x32x8x128xf32, #tpu.memory_space<hbm>>, %arg6: memref<25600xi32, #tpu.memory_space<vmem>>, %arg7: memref<200x32xf32, #tpu.memory_space<vmem>>, %arg8: memref<128x32xf32, #tpu.memory_space<vmem>>, %arg9: memref<128x32xf32, #tpu.memory_space<vmem>>, %arg10: memref<128x32xf32, #tpu.memory_space<vmem>>, %arg11: memref<128x32xf32, #tpu.memory_space<vmem>>, %arg12: memref<128x32xf32, #tpu.memory_space<vmem>>, %arg13: memref<128x32xf32, #tpu.memory_space<vmem>>, %arg14: memref<128x32xf32, #tpu.memory_space<vmem>>, %arg15: memref<128x32xf32, #tpu.memory_space<vmem>>, %arg16: memref<32x129xf32, #tpu.memory_space<vmem>>, %arg17: memref<32x129xf32, #tpu.memory_space<vmem>>, %arg18: memref<32x129xf32, #tpu.memory_space<vmem>>, %arg19: memref<32x129xf32, #tpu.memory_space<vmem>>, %arg20: memref<32x129xf32, #tpu.memory_space<vmem>>, %arg21: memref<32x129xf32, #tpu.memory_space<vmem>>, %arg22: memref<32x129xf32, #tpu.memory_space<vmem>>, %arg23: memref<32x129xf32, #tpu.memory_space<vmem>>, %arg24: memref<!tpu.dma_semaphore, #tpu.memory_space<semaphore_mem>>, %arg25: memref<!tpu.dma_semaphore, #tpu.memory_space<semaphore_mem>>, %arg26: memref<!tpu.dma_semaphore, #tpu.memory_space<semaphore_mem>>, %arg27: memref<!tpu.dma_semaphore, #tpu.memory_space<semaphore_mem>>, %arg28: memref<!tpu.dma_semaphore, #tpu.memory_space<semaphore_mem>>, %arg29: memref<!tpu.dma_semaphore, #tpu.memory_space<semaphore_mem>>, %arg30: memref<!tpu.dma_semaphore, #tpu.memory_space<semaphore_mem>>, %arg31: memref<!tpu.dma_semaphore, #tpu.memory_space<semaphore_mem>>, %arg32: memref<!tpu.dma_semaphore, #tpu.memory_space<semaphore_mem>>, %arg33: memref<!tpu.dma_semaphore, #tpu.memory_space<semaphore_mem>>, %arg34: memref<!tpu.dma_semaphore, #tpu.memory_space<semaphore_mem>>, %arg35: memref<!tpu.dma_semaphore, #tpu.memory_space<semaphore_mem>>, %arg36: memref<!tpu.dma_semaphore, #tpu.memory_space<semaphore_mem>>, %arg37: memref<!tpu.dma_semaphore, #tpu.memory_space<semaphore_mem>>, %arg38: memref<!tpu.dma_semaphore, #tpu.memory_space<semaphore_mem>>, %arg39: memref<!tpu.dma_semaphore, #tpu.memory_space<semaphore_mem>>) attributes {dimension_semantics = [#tpu.dimension_semantics<core_parallel>, #tpu.dimension_semantics<subcore_parallel>], iteration_bounds = array<i64: 2, 16>, scalar_prefetch = 0 : i64, scratch_operands = 34 : i64, tpu.core_type = #tpu.core_type<sc_vector_subcore>, window_params = [{transform_indices = #map}, {transform_indices = #map1}, {transform_indices = #map}, {transform_indices = #map2}]} {
    %mul3A = arith.constant 2 : i32
    %mul3A_0 = arith.muli %arg1, %mul3A : i32
    %add3A = arith.addi %mul3A_0, %arg0 : i32
    %mul3A_1 = arith.constant 200 : i32
    %mul3A_2 = arith.muli %add3A, %mul3A_1 : i32
    "tpu.region"() ({
      %run_scoped3A = tpu.sem_alloc : memref<!tpu.dma_semaphore, #tpu.memory_space<semaphore_mem>>
      tpu.enqueue_dma source(%arg4 : memref<200x32xf32, #tpu.memory_space<hbm>>) target(%arg7 : memref<200x32xf32, #tpu.memory_space<vmem>>) target_semaphore(%run_scoped3A : memref<!tpu.dma_semaphore, #tpu.memory_space<semaphore_mem>>)
      tpu.wait_dma2 semaphore(%run_scoped3A : memref<!tpu.dma_semaphore, #tpu.memory_space<semaphore_mem>>) src(%arg4 : memref<200x32xf32, #tpu.memory_space<hbm>>) dst(%arg7 : memref<200x32xf32, #tpu.memory_space<vmem>>)
      tpu.yield
    }) : () -> ()
    %mul3A_3 = arith.constant 128 : i32
    %mul3A_4 = arith.muli %mul3A_2, %mul3A_3 : i32
    "tpu.region"() ({
      %run_scoped3A = tpu.sem_alloc : memref<!tpu.dma_semaphore, #tpu.memory_space<semaphore_mem>>
      %dma_start3A = tpu.memref_slice %arg3[%mul3A_4] : memref<819200xi32, #tpu.memory_space<hbm>> -> memref<25600xi32, #tpu.memory_space<hbm>>
      %dma_start3A_554 = tpu.memref_slice %arg3[%mul3A_4] : memref<819200xi32, #tpu.memory_space<hbm>> -> memref<25600xi32, #tpu.memory_space<hbm>>
      tpu.enqueue_dma source(%dma_start3A_554 : memref<25600xi32, #tpu.memory_space<hbm>>) target(%arg6 : memref<25600xi32, #tpu.memory_space<vmem>>) target_semaphore(%run_scoped3A : memref<!tpu.dma_semaphore, #tpu.memory_space<semaphore_mem>>)
      %dma_wait3A_555 = tpu.memref_slice %arg3[%mul3A_4] : memref<819200xi32, #tpu.memory_space<hbm>> -> memref<25600xi32, #tpu.memory_space<hbm>>
      %dma_wait3A_556 = tpu.memref_slice %arg3[%mul3A_4] : memref<819200xi32, #tpu.memory_space<hbm>> -> memref<25600xi32, #tpu.memory_space<hbm>>
      tpu.wait_dma2 semaphore(%run_scoped3A : memref<!tpu.dma_semaphore, #tpu.memory_space<semaphore_mem>>) src(%dma_wait3A_556 : memref<25600xi32, #tpu.memory_space<hbm>>) dst(%arg6 : memref<25600xi32, #tpu.memory_space<vmem>>)
      tpu.yield
    }) : () -> ()
    %iota3A = tpu.iota {dimensions = array<i32: 0>} : vector<16xi32>
    %scan3A = arith.constant 0 : i32
    %scan3A_5 = arith.constant 0 : i32
    %scan3A_6 = arith.constant 25 : i32
    %scan3A_7 = arith.addi %scan3A_5, %scan3A_6 : i32
    %scan3A_8 = arith.constant 1 : i32
    %scan3A_9 = scf.for %scan3A_554 = %scan3A_5 to %scan3A_7 step %scan3A_8 iter_args(%scan3A_555 = %scan3A) -> (i32)  : i32 {
      %mul3A_556 = arith.constant 8 : i32
      %mul3A_557 = arith.muli %scan3A_554, %mul3A_556 : i32
      %add3A_558 = arith.constant 0 : i32
      %add3A_559 = arith.addi %mul3A_557, %add3A_558 : i32
      %gt3A = arith.constant 0 : i32
      %gt3A_560 = arith.cmpi sgt, %scan3A_554, %gt3A : i32
      %convert_element_type3A = arith.extui %gt3A_560 : i1 to i32
      %cond3A = arith.constant 0 : i32
      %cond3A_561 = arith.cmpi ne, %convert_element_type3A, %cond3A : i32
      scf.if %cond3A_561 {
        %dma_wait3A_1503 = arith.constant 0 : i32
        %dma_wait3A_1504 = arith.constant 0 : i32
        %dma_wait3A_1505 = arith.constant 0 : i32
        %dma_wait3A_1506 = arith.constant 0 : i32
        %dma_wait3A_1507 = arith.constant 0 : i32
        %dma_wait3A_1508 = tpu.memref_slice %arg16[%dma_wait3A_1506, %dma_wait3A_1507] : memref<32x129xf32, #tpu.memory_space<vmem>> -> memref<8x128xf32, #tpu.memory_space<vmem>>
        %dma_wait3A_1509 = arith.constant 0 : i32
        %dma_wait3A_1510 = arith.constant 0 : i32
        %dma_wait3A_1511 = tpu.memref_slice %arg5[%dma_wait3A_1503, %dma_wait3A_1504, %dma_wait3A_1505, %dma_wait3A_1509, %dma_wait3A_1510] : memref<200x4x32x8x128xf32, #tpu.memory_space<hbm>> -> memref<1x1x1x8x128xf32, #tpu.memory_space<hbm>>
        %dma_wait3A_1512 = tpu.memref_squeeze %dma_wait3A_1511 : memref<1x1x1x8x128xf32, #tpu.memory_space<hbm>> -> memref<8x128xf32, #tpu.memory_space<hbm>>
        %dma_wait3A_1513 = arith.constant 0 : i32
        %dma_wait3A_1514 = arith.constant 0 : i32
        %dma_wait3A_1515 = tpu.memref_slice %arg5[%dma_wait3A_1503, %dma_wait3A_1504, %dma_wait3A_1505, %dma_wait3A_1513, %dma_wait3A_1514] : memref<200x4x32x8x128xf32, #tpu.memory_space<hbm>> -> memref<1x1x1x8x128xf32, #tpu.memory_space<hbm>>
        %dma_wait3A_1516 = tpu.memref_squeeze %dma_wait3A_1515 : memref<1x1x1x8x128xf32, #tpu.memory_space<hbm>> -> memref<8x128xf32, #tpu.memory_space<hbm>>
        %dma_wait3A_1517 = arith.constant 0 : i32
        %dma_wait3A_1518 = arith.constant 0 : i32
        %dma_wait3A_1519 = tpu.memref_slice %arg16[%dma_wait3A_1517, %dma_wait3A_1518] : memref<32x129xf32, #tpu.memory_space<vmem>> -> memref<8x128xf32, #tpu.memory_space<vmem>>
        tpu.wait_dma2 semaphore(%arg32 : memref<!tpu.dma_semaphore, #tpu.memory_space<semaphore_mem>>) src(%dma_wait3A_1519 : memref<8x128xf32, #tpu.memory_space<vmem>>) dst(%dma_wait3A_1516 : memref<8x128xf32, #tpu.memory_space<hbm>>)
        %dma_wait3A_1520 = arith.constant 0 : i32
        %dma_wait3A_1521 = arith.constant 1 : i32
        %dma_wait3A_1522 = arith.constant 0 : i32
        %dma_wait3A_1523 = arith.constant 8 : i32
        %dma_wait3A_1524 = arith.constant 0 : i32
        %dma_wait3A_1525 = tpu.memref_slice %arg16[%dma_wait3A_1523, %dma_wait3A_1524] : memref<32x129xf32, #tpu.memory_space<vmem>> -> memref<8x128xf32, #tpu.memory_space<vmem>>
        %dma_wait3A_1526 = arith.constant 0 : i32
        %dma_wait3A_1527 = arith.constant 0 : i32
        %dma_wait3A_1528 = tpu.memref_slice %arg5[%dma_wait3A_1520, %dma_wait3A_1521, %dma_wait3A_1522, %dma_wait3A_1526, %dma_wait3A_1527] : memref<200x4x32x8x128xf32, #tpu.memory_space<hbm>> -> memref<1x1x1x8x128xf32, #tpu.memory_space<hbm>>
        %dma_wait3A_1529 = tpu.memref_squeeze %dma_wait3A_1528 : memref<1x1x1x8x128xf32, #tpu.memory_space<hbm>> -> memref<8x128xf32, #tpu.memory_space<hbm>>
        %dma_wait3A_1530 = arith.constant 0 : i32
        %dma_wait3A_1531 = arith.constant 0 : i32
        %dma_wait3A_1532 = tpu.memref_slice %arg5[%dma_wait3A_1520, %dma_wait3A_1521, %dma_wait3A_1522, %dma_wait3A_1530, %dma_wait3A_1531] : memref<200x4x32x8x128xf32, #tpu.memory_space<hbm>> -> memref<1x1x1x8x128xf32, #tpu.memory_space<hbm>>
        %dma_wait3A_1533 = tpu.memref_squeeze %dma_wait3A_1532 : memref<1x1x1x8x128xf32, #tpu.memory_space<hbm>> -> memref<8x128xf32, #tpu.memory_space<hbm>>
        %dma_wait3A_1534 = arith.constant 8 : i32
        %dma_wait3A_1535 = arith.constant 0 : i32
        %dma_wait3A_1536 = tpu.memref_slice %arg16[%dma_wait3A_1534, %dma_wait3A_1535] : memref<32x129xf32, #tpu.memory_space<vmem>> -> memref<8x128xf32, #tpu.memory_space<vmem>>
        tpu.wait_dma2 semaphore(%arg32 : memref<!tpu.dma_semaphore, #tpu.memory_space<semaphore_mem>>) src(%dma_wait3A_1536 : memref<8x128xf32, #tpu.memory_space<vmem>>) dst(%dma_wait3A_1533 : memref<8x128xf32, #tpu.memory_space<hbm>>)
        %dma_wait3A_1537 = arith.constant 0 : i32
        %dma_wait3A_1538 = arith.constant 2 : i32
        %dma_wait3A_1539 = arith.constant 0 : i32
        %dma_wait3A_1540 = arith.constant 16 : i32
        %dma_wait3A_1541 = arith.constant 0 : i32
        %dma_wait3A_1542 = tpu.memref_slice %arg16[%dma_wait3A_1540, %dma_wait3A_1541] : memref<32x129xf32, #tpu.memory_space<vmem>> -> memref<8x128xf32, #tpu.memory_space<vmem>>
        %dma_wait3A_1543 = arith.constant 0 : i32
        %dma_wait3A_1544 = arith.constant 0 : i32
        %dma_wait3A_1545 = tpu.memref_slice %arg5[%dma_wait3A_1537, %dma_wait3A_1538, %dma_wait3A_1539, %dma_wait3A_1543, %dma_wait3A_1544] : memref<200x4x32x8x128xf32, #tpu.memory_space<hbm>> -> memref<1x1x1x8x128xf32, #tpu.memory_space<hbm>>
        %dma_wait3A_1546 = tpu.memref_squeeze %dma_wait3A_1545 : memref<1x1x1x8x128xf32, #tpu.memory_space<hbm>> -> memref<8x128xf32, #tpu.memory_space<hbm>>
        %dma_wait3A_1547 = arith.constant 0 : i32
        %dma_wait3A_1548 = arith.constant 0 : i32
        %dma_wait3A_1549 = tpu.memref_slice %arg5[%dma_wait3A_1537, %dma_wait3A_1538, %dma_wait3A_1539, %dma_wait3A_1547, %dma_wait3A_1548] : memref<200x4x32x8x128xf32, #tpu.memory_space<hbm>> -> memref<1x1x1x8x128xf32, #tpu.memory_space<hbm>>
        %dma_wait3A_1550 = tpu.memref_squeeze %dma_wait3A_1549 : memref<1x1x1x8x128xf32, #tpu.memory_space<hbm>> -> memref<8x128xf32, #tpu.memory_space<hbm>>
        %dma_wait3A_1551 = arith.constant 16 : i32
        %dma_wait3A_1552 = arith.constant 0 : i32
        %dma_wait3A_1553 = tpu.memref_slice %arg16[%dma_wait3A_1551, %dma_wait3A_1552] : memref<32x129xf32, #tpu.memory_space<vmem>> -> memref<8x128xf32, #tpu.memory_space<vmem>>
        tpu.wait_dma2 semaphore(%arg32 : memref<!tpu.dma_semaphore, #tpu.memory_space<semaphore_mem>>) src(%dma_wait3A_1553 : memref<8x128xf32, #tpu.memory_space<vmem>>) dst(%dma_wait3A_1550 : memref<8x128xf32, #tpu.memory_space<hbm>>)
        %dma_wait3A_1554 = arith.constant 0 : i32
        %dma_wait3A_1555 = arith.constant 3 : i32
        %dma_wait3A_1556 = arith.constant 0 : i32
        %dma_wait3A_1557 = arith.constant 24 : i32
        %dma_wait3A_1558 = arith.constant 0 : i32
        %dma_wait3A_1559 = tpu.memref_slice %arg16[%dma_wait3A_1557, %dma_wait3A_1558] : memref<32x129xf32, #tpu.memory_space<vmem>> -> memref<8x128xf32, #tpu.memory_space<vmem>>
        %dma_wait3A_1560 = arith.constant 0 : i32
        %dma_wait3A_1561 = arith.constant 0 : i32
        %dma_wait3A_1562 = tpu.memref_slice %arg5[%dma_wait3A_1554, %dma_wait3A_1555, %dma_wait3A_1556, %dma_wait3A_1560, %dma_wait3A_1561] : memref<200x4x32x8x128xf32, #tpu.memory_space<hbm>> -> memref<1x1x1x8x128xf32, #tpu.memory_space<hbm>>
        %dma_wait3A_1563 = tpu.memref_squeeze %dma_wait3A_1562 : memref<1x1x1x8x128xf32, #tpu.memory_space<hbm>> -> memref<8x128xf32, #tpu.memory_space<hbm>>
        %dma_wait3A_1564 = arith.constant 0 : i32
        %dma_wait3A_1565 = arith.constant 0 : i32
        %dma_wait3A_1566 = tpu.memref_slice %arg5[%dma_wait3A_1554, %dma_wait3A_1555, %dma_wait3A_1556, %dma_wait3A_1564, %dma_wait3A_1565] : memref<200x4x32x8x128xf32, #tpu.memory_space<hbm>> -> memref<1x1x1x8x128xf32, #tpu.memory_space<hbm>>
        %dma_wait3A_1567 = tpu.memref_squeeze %dma_wait3A_1566 : memref<1x1x1x8x128xf32, #tpu.memory_space<hbm>> -> memref<8x128xf32, #tpu.memory_space<hbm>>
        %dma_wait3A_1568 = arith.constant 24 : i32
        %dma_wait3A_1569 = arith.constant 0 : i32
        %dma_wait3A_1570 = tpu.memref_slice %arg16[%dma_wait3A_1568, %dma_wait3A_1569] : memref<32x129xf32, #tpu.memory_space<vmem>> -> memref<8x128xf32, #tpu.memory_space<vmem>>
        tpu.wait_dma2 semaphore(%arg32 : memref<!tpu.dma_semaphore, #tpu.memory_space<semaphore_mem>>) src(%dma_wait3A_1570 : memref<8x128xf32, #tpu.memory_space<vmem>>) dst(%dma_wait3A_1567 : memref<8x128xf32, #tpu.memory_space<hbm>>)
      } else {
      }
      %mul3A_562 = arith.constant 128 : i32
      %mul3A_563 = arith.muli %add3A_559, %mul3A_562 : i32
      %dma_start3A = tpu.memref_slice %arg6[%mul3A_563] : memref<25600xi32, #tpu.memory_space<vmem>> -> memref<128xi32, #tpu.memory_space<vmem>>
      %dma_start3A_564 = arith.constant 0 : i32
      %dma_start3A_565 = arith.constant 0 : i32
      %dma_start3A_566 = tpu.memref_slice %arg2[%dma_start3A_564, %dma_start3A_565] : memref<1000000x32xf32, #tpu.memory_space<hbm>> -> memref<1000000x32xf32, #tpu.memory_space<hbm>>
      tpu.enqueue_indirect_dma source(%dma_start3A_566 : memref<1000000x32xf32, #tpu.memory_space<hbm>>) target(%arg8 : memref<128x32xf32, #tpu.memory_space<vmem>>) offsets(%dma_start3A : memref<128xi32, #tpu.memory_space<vmem>>) semaphore(%arg24 : memref<!tpu.dma_semaphore, #tpu.memory_space<semaphore_mem>>)
      %mul3A_567 = arith.constant 8 : i32
      %mul3A_568 = arith.muli %scan3A_554, %mul3A_567 : i32
      %add3A_569 = arith.constant 1 : i32
      %add3A_570 = arith.addi %mul3A_568, %add3A_569 : i32
      %gt3A_571 = arith.constant 0 : i32
      %gt3A_572 = arith.cmpi sgt, %scan3A_554, %gt3A_571 : i32
      %convert_element_type3A_573 = arith.extui %gt3A_572 : i1 to i32
      %cond3A_574 = arith.constant 0 : i32
      %cond3A_575 = arith.cmpi ne, %convert_element_type3A_573, %cond3A_574 : i32
      scf.if %cond3A_575 {
        %dma_wait3A_1503 = arith.constant 0 : i32
        %dma_wait3A_1504 = arith.constant 0 : i32
        %dma_wait3A_1505 = arith.constant 0 : i32
        %dma_wait3A_1506 = arith.constant 0 : i32
        %dma_wait3A_1507 = arith.constant 0 : i32
        %dma_wait3A_1508 = tpu.memref_slice %arg17[%dma_wait3A_1506, %dma_wait3A_1507] : memref<32x129xf32, #tpu.memory_space<vmem>> -> memref<8x128xf32, #tpu.memory_space<vmem>>
        %dma_wait3A_1509 = arith.constant 0 : i32
        %dma_wait3A_1510 = arith.constant 0 : i32
        %dma_wait3A_1511 = tpu.memref_slice %arg5[%dma_wait3A_1503, %dma_wait3A_1504, %dma_wait3A_1505, %dma_wait3A_1509, %dma_wait3A_1510] : memref<200x4x32x8x128xf32, #tpu.memory_space<hbm>> -> memref<1x1x1x8x128xf32, #tpu.memory_space<hbm>>
        %dma_wait3A_1512 = tpu.memref_squeeze %dma_wait3A_1511 : memref<1x1x1x8x128xf32, #tpu.memory_space<hbm>> -> memref<8x128xf32, #tpu.memory_space<hbm>>
        %dma_wait3A_1513 = arith.constant 0 : i32
        %dma_wait3A_1514 = arith.constant 0 : i32
        %dma_wait3A_1515 = tpu.memref_slice %arg5[%dma_wait3A_1503, %dma_wait3A_1504, %dma_wait3A_1505, %dma_wait3A_1513, %dma_wait3A_1514] : memref<200x4x32x8x128xf32, #tpu.memory_space<hbm>> -> memref<1x1x1x8x128xf32, #tpu.memory_space<hbm>>
        %dma_wait3A_1516 = tpu.memref_squeeze %dma_wait3A_1515 : memref<1x1x1x8x128xf32, #tpu.memory_space<hbm>> -> memref<8x128xf32, #tpu.memory_space<hbm>>
        %dma_wait3A_1517 = arith.constant 0 : i32
        %dma_wait3A_1518 = arith.constant 0 : i32
        %dma_wait3A_1519 = tpu.memref_slice %arg17[%dma_wait3A_1517, %dma_wait3A_1518] : memref<32x129xf32, #tpu.memory_space<vmem>> -> memref<8x128xf32, #tpu.memory_space<vmem>>
        tpu.wait_dma2 semaphore(%arg33 : memref<!tpu.dma_semaphore, #tpu.memory_space<semaphore_mem>>) src(%dma_wait3A_1519 : memref<8x128xf32, #tpu.memory_space<vmem>>) dst(%dma_wait3A_1516 : memref<8x128xf32, #tpu.memory_space<hbm>>)
        %dma_wait3A_1520 = arith.constant 0 : i32
        %dma_wait3A_1521 = arith.constant 1 : i32
        %dma_wait3A_1522 = arith.constant 0 : i32
        %dma_wait3A_1523 = arith.constant 8 : i32
        %dma_wait3A_1524 = arith.constant 0 : i32
        %dma_wait3A_1525 = tpu.memref_slice %arg17[%dma_wait3A_1523, %dma_wait3A_1524] : memref<32x129xf32, #tpu.memory_space<vmem>> -> memref<8x128xf32, #tpu.memory_space<vmem>>
        %dma_wait3A_1526 = arith.constant 0 : i32
        %dma_wait3A_1527 = arith.constant 0 : i32
        %dma_wait3A_1528 = tpu.memref_slice %arg5[%dma_wait3A_1520, %dma_wait3A_1521, %dma_wait3A_1522, %dma_wait3A_1526, %dma_wait3A_1527] : memref<200x4x32x8x128xf32, #tpu.memory_space<hbm>> -> memref<1x1x1x8x128xf32, #tpu.memory_space<hbm>>
        %dma_wait3A_1529 = tpu.memref_squeeze %dma_wait3A_1528 : memref<1x1x1x8x128xf32, #tpu.memory_space<hbm>> -> memref<8x128xf32, #tpu.memory_space<hbm>>
        %dma_wait3A_1530 = arith.constant 0 : i32
        %dma_wait3A_1531 = arith.constant 0 : i32
        %dma_wait3A_1532 = tpu.memref_slice %arg5[%dma_wait3A_1520, %dma_wait3A_1521, %dma_wait3A_1522, %dma_wait3A_1530, %dma_wait3A_1531] : memref<200x4x32x8x128xf32, #tpu.memory_space<hbm>> -> memref<1x1x1x8x128xf32, #tpu.memory_space<hbm>>
        %dma_wait3A_1533 = tpu.memref_squeeze %dma_wait3A_1532 : memref<1x1x1x8x128xf32, #tpu.memory_space<hbm>> -> memref<8x128xf32, #tpu.memory_space<hbm>>
        %dma_wait3A_1534 = arith.constant 8 : i32
        %dma_wait3A_1535 = arith.constant 0 : i32
        %dma_wait3A_1536 = tpu.memref_slice %arg17[%dma_wait3A_1534, %dma_wait3A_1535] : memref<32x129xf32, #tpu.memory_space<vmem>> -> memref<8x128xf32, #tpu.memory_space<vmem>>
        tpu.wait_dma2 semaphore(%arg33 : memref<!tpu.dma_semaphore, #tpu.memory_space<semaphore_mem>>) src(%dma_wait3A_1536 : memref<8x128xf32, #tpu.memory_space<vmem>>) dst(%dma_wait3A_1533 : memref<8x128xf32, #tpu.memory_space<hbm>>)
        %dma_wait3A_1537 = arith.constant 0 : i32
        %dma_wait3A_1538 = arith.constant 2 : i32
        %dma_wait3A_1539 = arith.constant 0 : i32
        %dma_wait3A_1540 = arith.constant 16 : i32
        %dma_wait3A_1541 = arith.constant 0 : i32
        %dma_wait3A_1542 = tpu.memref_slice %arg17[%dma_wait3A_1540, %dma_wait3A_1541] : memref<32x129xf32, #tpu.memory_space<vmem>> -> memref<8x128xf32, #tpu.memory_space<vmem>>
        %dma_wait3A_1543 = arith.constant 0 : i32
        %dma_wait3A_1544 = arith.constant 0 : i32
        %dma_wait3A_1545 = tpu.memref_slice %arg5[%dma_wait3A_1537, %dma_wait3A_1538, %dma_wait3A_1539, %dma_wait3A_1543, %dma_wait3A_1544] : memref<200x4x32x8x128xf32, #tpu.memory_space<hbm>> -> memref<1x1x1x8x128xf32, #tpu.memory_space<hbm>>
        %dma_wait3A_1546 = tpu.memref_squeeze %dma_wait3A_1545 : memref<1x1x1x8x128xf32, #tpu.memory_space<hbm>> -> memref<8x128xf32, #tpu.memory_space<hbm>>
        %dma_wait3A_1547 = arith.constant 0 : i32
        %dma_wait3A_1548 = arith.constant 0 : i32
        %dma_wait3A_1549 = tpu.memref_slice %arg5[%dma_wait3A_1537, %dma_wait3A_1538, %dma_wait3A_1539, %dma_wait3A_1547, %dma_wait3A_1548] : memref<200x4x32x8x128xf32, #tpu.memory_space<hbm>> -> memref<1x1x1x8x128xf32, #tpu.memory_space<hbm>>
        %dma_wait3A_1550 = tpu.memref_squeeze %dma_wait3A_1549 : memref<1x1x1x8x128xf32, #tpu.memory_space<hbm>> -> memref<8x128xf32, #tpu.memory_space<hbm>>
        %dma_wait3A_1551 = arith.constant 16 : i32
        %dma_wait3A_1552 = arith.constant 0 : i32
        %dma_wait3A_1553 = tpu.memref_slice %arg17[%dma_wait3A_1551, %dma_wait3A_1552] : memref<32x129xf32, #tpu.memory_space<vmem>> -> memref<8x128xf32, #tpu.memory_space<vmem>>
        tpu.wait_dma2 semaphore(%arg33 : memref<!tpu.dma_semaphore, #tpu.memory_space<semaphore_mem>>) src(%dma_wait3A_1553 : memref<8x128xf32, #tpu.memory_space<vmem>>) dst(%dma_wait3A_1550 : memref<8x128xf32, #tpu.memory_space<hbm>>)
        %dma_wait3A_1554 = arith.constant 0 : i32
        %dma_wait3A_1555 = arith.constant 3 : i32
        %dma_wait3A_1556 = arith.constant 0 : i32
        %dma_wait3A_1557 = arith.constant 24 : i32
        %dma_wait3A_1558 = arith.constant 0 : i32
        %dma_wait3A_1559 = tpu.memref_slice %arg17[%dma_wait3A_1557, %dma_wait3A_1558] : memref<32x129xf32, #tpu.memory_space<vmem>> -> memref<8x128xf32, #tpu.memory_space<vmem>>
        %dma_wait3A_1560 = arith.constant 0 : i32
        %dma_wait3A_1561 = arith.constant 0 : i32
        %dma_wait3A_1562 = tpu.memref_slice %arg5[%dma_wait3A_1554, %dma_wait3A_1555, %dma_wait3A_1556, %dma_wait3A_1560, %dma_wait3A_1561] : memref<200x4x32x8x128xf32, #tpu.memory_space<hbm>> -> memref<1x1x1x8x128xf32, #tpu.memory_space<hbm>>
        %dma_wait3A_1563 = tpu.memref_squeeze %dma_wait3A_1562 : memref<1x1x1x8x128xf32, #tpu.memory_space<hbm>> -> memref<8x128xf32, #tpu.memory_space<hbm>>
        %dma_wait3A_1564 = arith.constant 0 : i32
        %dma_wait3A_1565 = arith.constant 0 : i32
        %dma_wait3A_1566 = tpu.memref_slice %arg5[%dma_wait3A_1554, %dma_wait3A_1555, %dma_wait3A_1556, %dma_wait3A_1564, %dma_wait3A_1565] : memref<200x4x32x8x128xf32, #tpu.memory_space<hbm>> -> memref<1x1x1x8x128xf32, #tpu.memory_space<hbm>>
        %dma_wait3A_1567 = tpu.memref_squeeze %dma_wait3A_1566 : memref<1x1x1x8x128xf32, #tpu.memory_space<hbm>> -> memref<8x128xf32, #tpu.memory_space<hbm>>
        %dma_wait3A_1568 = arith.constant 24 : i32
        %dma_wait3A_1569 = arith.constant 0 : i32
        %dma_wait3A_1570 = tpu.memref_slice %arg17[%dma_wait3A_1568, %dma_wait3A_1569] : memref<32x129xf32, #tpu.memory_space<vmem>> -> memref<8x128xf32, #tpu.memory_space<vmem>>
        tpu.wait_dma2 semaphore(%arg33 : memref<!tpu.dma_semaphore, #tpu.memory_space<semaphore_mem>>) src(%dma_wait3A_1570 : memref<8x128xf32, #tpu.memory_space<vmem>>) dst(%dma_wait3A_1567 : memref<8x128xf32, #tpu.memory_space<hbm>>)
      } else {
      }
      %mul3A_576 = arith.constant 128 : i32
      %mul3A_577 = arith.muli %add3A_570, %mul3A_576 : i32
      %dma_start3A_578 = tpu.memref_slice %arg6[%mul3A_577] : memref<25600xi32, #tpu.memory_space<vmem>> -> memref<128xi32, #tpu.memory_space<vmem>>
      %dma_start3A_579 = arith.constant 0 : i32
      %dma_start3A_580 = arith.constant 0 : i32
      %dma_start3A_581 = tpu.memref_slice %arg2[%dma_start3A_579, %dma_start3A_580] : memref<1000000x32xf32, #tpu.memory_space<hbm>> -> memref<1000000x32xf32, #tpu.memory_space<hbm>>
      tpu.enqueue_indirect_dma source(%dma_start3A_581 : memref<1000000x32xf32, #tpu.memory_space<hbm>>) target(%arg9 : memref<128x32xf32, #tpu.memory_space<vmem>>) offsets(%dma_start3A_578 : memref<128xi32, #tpu.memory_space<vmem>>) semaphore(%arg25 : memref<!tpu.dma_semaphore, #tpu.memory_space<semaphore_mem>>)
      %mul3A_582 = arith.constant 8 : i32
      %mul3A_583 = arith.muli %scan3A_554, %mul3A_582 : i32
      %add3A_584 = arith.constant 2 : i32
      %add3A_585 = arith.addi %mul3A_583, %add3A_584 : i32
      %gt3A_586 = arith.constant 0 : i32
      %gt3A_587 = arith.cmpi sgt, %scan3A_554, %gt3A_586 : i32
      %convert_element_type3A_588 = arith.extui %gt3A_587 : i1 to i32
      %cond3A_589 = arith.constant 0 : i32
      %cond3A_590 = arith.cmpi ne, %convert_element_type3A_588, %cond3A_589 : i32
      scf.if %cond3A_590 {
        %dma_wait3A_1503 = arith.constant 0 : i32
        %dma_wait3A_1504 = arith.constant 0 : i32
        %dma_wait3A_1505 = arith.constant 0 : i32
        %dma_wait3A_1506 = arith.constant 0 : i32
        %dma_wait3A_1507 = arith.constant 0 : i32
        %dma_wait3A_1508 = tpu.memref_slice %arg18[%dma_wait3A_1506, %dma_wait3A_1507] : memref<32x129xf32, #tpu.memory_space<vmem>> -> memref<8x128xf32, #tpu.memory_space<vmem>>
        %dma_wait3A_1509 = arith.constant 0 : i32
        %dma_wait3A_1510 = arith.constant 0 : i32
        %dma_wait3A_1511 = tpu.memref_slice %arg5[%dma_wait3A_1503, %dma_wait3A_1504, %dma_wait3A_1505, %dma_wait3A_1509, %dma_wait3A_1510] : memref<200x4x32x8x128xf32, #tpu.memory_space<hbm>> -> memref<1x1x1x8x128xf32, #tpu.memory_space<hbm>>
        %dma_wait3A_1512 = tpu.memref_squeeze %dma_wait3A_1511 : memref<1x1x1x8x128xf32, #tpu.memory_space<hbm>> -> memref<8x128xf32, #tpu.memory_space<hbm>>
        %dma_wait3A_1513 = arith.constant 0 : i32
        %dma_wait3A_1514 = arith.constant 0 : i32
        %dma_wait3A_1515 = tpu.memref_slice %arg5[%dma_wait3A_1503, %dma_wait3A_1504, %dma_wait3A_1505, %dma_wait3A_1513, %dma_wait3A_1514] : memref<200x4x32x8x128xf32, #tpu.memory_space<hbm>> -> memref<1x1x1x8x128xf32, #tpu.memory_space<hbm>>
        %dma_wait3A_1516 = tpu.memref_squeeze %dma_wait3A_1515 : memref<1x1x1x8x128xf32, #tpu.memory_space<hbm>> -> memref<8x128xf32, #tpu.memory_space<hbm>>
        %dma_wait3A_1517 = arith.constant 0 : i32
        %dma_wait3A_1518 = arith.constant 0 : i32
        %dma_wait3A_1519 = tpu.memref_slice %arg18[%dma_wait3A_1517, %dma_wait3A_1518] : memref<32x129xf32, #tpu.memory_space<vmem>> -> memref<8x128xf32, #tpu.memory_space<vmem>>
        tpu.wait_dma2 semaphore(%arg34 : memref<!tpu.dma_semaphore, #tpu.memory_space<semaphore_mem>>) src(%dma_wait3A_1519 : memref<8x128xf32, #tpu.memory_space<vmem>>) dst(%dma_wait3A_1516 : memref<8x128xf32, #tpu.memory_space<hbm>>)
        %dma_wait3A_1520 = arith.constant 0 : i32
        %dma_wait3A_1521 = arith.constant 1 : i32
        %dma_wait3A_1522 = arith.constant 0 : i32
        %dma_wait3A_1523 = arith.constant 8 : i32
        %dma_wait3A_1524 = arith.constant 0 : i32
        %dma_wait3A_1525 = tpu.memref_slice %arg18[%dma_wait3A_1523, %dma_wait3A_1524] : memref<32x129xf32, #tpu.memory_space<vmem>> -> memref<8x128xf32, #tpu.memory_space<vmem>>
        %dma_wait3A_1526 = arith.constant 0 : i32
        %dma_wait3A_1527 = arith.constant 0 : i32
        %dma_wait3A_1528 = tpu.memref_slice %arg5[%dma_wait3A_1520, %dma_wait3A_1521, %dma_wait3A_1522, %dma_wait3A_1526, %dma_wait3A_1527] : memref<200x4x32x8x128xf32, #tpu.memory_space<hbm>> -> memref<1x1x1x8x128xf32, #tpu.memory_space<hbm>>
        %dma_wait3A_1529 = tpu.memref_squeeze %dma_wait3A_1528 : memref<1x1x1x8x128xf32, #tpu.memory_space<hbm>> -> memref<8x128xf32, #tpu.memory_space<hbm>>
        %dma_wait3A_1530 = arith.constant 0 : i32
        %dma_wait3A_1531 = arith.constant 0 : i32
        %dma_wait3A_1532 = tpu.memref_slice %arg5[%dma_wait3A_1520, %dma_wait3A_1521, %dma_wait3A_1522, %dma_wait3A_1530, %dma_wait3A_1531] : memref<200x4x32x8x128xf32, #tpu.memory_space<hbm>> -> memref<1x1x1x8x128xf32, #tpu.memory_space<hbm>>
        %dma_wait3A_1533 = tpu.memref_squeeze %dma_wait3A_1532 : memref<1x1x1x8x128xf32, #tpu.memory_space<hbm>> -> memref<8x128xf32, #tpu.memory_space<hbm>>
        %dma_wait3A_1534 = arith.constant 8 : i32
        %dma_wait3A_1535 = arith.constant 0 : i32
        %dma_wait3A_1536 = tpu.memref_slice %arg18[%dma_wait3A_1534, %dma_wait3A_1535] : memref<32x129xf32, #tpu.memory_space<vmem>> -> memref<8x128xf32, #tpu.memory_space<vmem>>
        tpu.wait_dma2 semaphore(%arg34 : memref<!tpu.dma_semaphore, #tpu.memory_space<semaphore_mem>>) src(%dma_wait3A_1536 : memref<8x128xf32, #tpu.memory_space<vmem>>) dst(%dma_wait3A_1533 : memref<8x128xf32, #tpu.memory_space<hbm>>)
        %dma_wait3A_1537 = arith.constant 0 : i32
        %dma_wait3A_1538 = arith.constant 2 : i32
        %dma_wait3A_1539 = arith.constant 0 : i32
        %dma_wait3A_1540 = arith.constant 16 : i32
        %dma_wait3A_1541 = arith.constant 0 : i32
        %dma_wait3A_1542 = tpu.memref_slice %arg18[%dma_wait3A_1540, %dma_wait3A_1541] : memref<32x129xf32, #tpu.memory_space<vmem>> -> memref<8x128xf32, #tpu.memory_space<vmem>>
        %dma_wait3A_1543 = arith.constant 0 : i32
        %dma_wait3A_1544 = arith.constant 0 : i32
        %dma_wait3A_1545 = tpu.memref_slice %arg5[%dma_wait3A_1537, %dma_wait3A_1538, %dma_wait3A_1539, %dma_wait3A_1543, %dma_wait3A_1544] : memref<200x4x32x8x128xf32, #tpu.memory_space<hbm>> -> memref<1x1x1x8x128xf32, #tpu.memory_space<hbm>>
        %dma_wait3A_1546 = tpu.memref_squeeze %dma_wait3A_1545 : memref<1x1x1x8x128xf32, #tpu.memory_space<hbm>> -> memref<8x128xf32, #tpu.memory_space<hbm>>
        %dma_wait3A_1547 = arith.constant 0 : i32
        %dma_wait3A_1548 = arith.constant 0 : i32
        %dma_wait3A_1549 = tpu.memref_slice %arg5[%dma_wait3A_1537, %dma_wait3A_1538, %dma_wait3A_1539, %dma_wait3A_1547, %dma_wait3A_1548] : memref<200x4x32x8x128xf32, #tpu.memory_space<hbm>> -> memref<1x1x1x8x128xf32, #tpu.memory_space<hbm>>
        %dma_wait3A_1550 = tpu.memref_squeeze %dma_wait3A_1549 : memref<1x1x1x8x128xf32, #tpu.memory_space<hbm>> -> memref<8x128xf32, #tpu.memory_space<hbm>>
        %dma_wait3A_1551 = arith.constant 16 : i32
        %dma_wait3A_1552 = arith.constant 0 : i32
        %dma_wait3A_1553 = tpu.memref_slice %arg18[%dma_wait3A_1551, %dma_wait3A_1552] : memref<32x129xf32, #tpu.memory_space<vmem>> -> memref<8x128xf32, #tpu.memory_space<vmem>>
        tpu.wait_dma2 semaphore(%arg34 : memref<!tpu.dma_semaphore, #tpu.memory_space<semaphore_mem>>) src(%dma_wait3A_1553 : memref<8x128xf32, #tpu.memory_space<vmem>>) dst(%dma_wait3A_1550 : memref<8x128xf32, #tpu.memory_space<hbm>>)
        %dma_wait3A_1554 = arith.constant 0 : i32
        %dma_wait3A_1555 = arith.constant 3 : i32
        %dma_wait3A_1556 = arith.constant 0 : i32
        %dma_wait3A_1557 = arith.constant 24 : i32
        %dma_wait3A_1558 = arith.constant 0 : i32
        %dma_wait3A_1559 = tpu.memref_slice %arg18[%dma_wait3A_1557, %dma_wait3A_1558] : memref<32x129xf32, #tpu.memory_space<vmem>> -> memref<8x128xf32, #tpu.memory_space<vmem>>
        %dma_wait3A_1560 = arith.constant 0 : i32
        %dma_wait3A_1561 = arith.constant 0 : i32
        %dma_wait3A_1562 = tpu.memref_slice %arg5[%dma_wait3A_1554, %dma_wait3A_1555, %dma_wait3A_1556, %dma_wait3A_1560, %dma_wait3A_1561] : memref<200x4x32x8x128xf32, #tpu.memory_space<hbm>> -> memref<1x1x1x8x128xf32, #tpu.memory_space<hbm>>
        %dma_wait3A_1563 = tpu.memref_squeeze %dma_wait3A_1562 : memref<1x1x1x8x128xf32, #tpu.memory_space<hbm>> -> memref<8x128xf32, #tpu.memory_space<hbm>>
        %dma_wait3A_1564 = arith.constant 0 : i32
        %dma_wait3A_1565 = arith.constant 0 : i32
        %dma_wait3A_1566 = tpu.memref_slice %arg5[%dma_wait3A_1554, %dma_wait3A_1555, %dma_wait3A_1556, %dma_wait3A_1564, %dma_wait3A_1565] : memref<200x4x32x8x128xf32, #tpu.memory_space<hbm>> -> memref<1x1x1x8x128xf32, #tpu.memory_space<hbm>>
        %dma_wait3A_1567 = tpu.memref_squeeze %dma_wait3A_1566 : memref<1x1x1x8x128xf32, #tpu.memory_space<hbm>> -> memref<8x128xf32, #tpu.memory_space<hbm>>
        %dma_wait3A_1568 = arith.constant 24 : i32
        %dma_wait3A_1569 = arith.constant 0 : i32
        %dma_wait3A_1570 = tpu.memref_slice %arg18[%dma_wait3A_1568, %dma_wait3A_1569] : memref<32x129xf32, #tpu.memory_space<vmem>> -> memref<8x128xf32, #tpu.memory_space<vmem>>
        tpu.wait_dma2 semaphore(%arg34 : memref<!tpu.dma_semaphore, #tpu.memory_space<semaphore_mem>>) src(%dma_wait3A_1570 : memref<8x128xf32, #tpu.memory_space<vmem>>) dst(%dma_wait3A_1567 : memref<8x128xf32, #tpu.memory_space<hbm>>)
      } else {
      }
      %mul3A_591 = arith.constant 128 : i32
      %mul3A_592 = arith.muli %add3A_585, %mul3A_591 : i32
      %dma_start3A_593 = tpu.memref_slice %arg6[%mul3A_592] : memref<25600xi32, #tpu.memory_space<vmem>> -> memref<128xi32, #tpu.memory_space<vmem>>
      %dma_start3A_594 = arith.constant 0 : i32
      %dma_start3A_595 = arith.constant 0 : i32
      %dma_start3A_596 = tpu.memref_slice %arg2[%dma_start3A_594, %dma_start3A_595] : memref<1000000x32xf32, #tpu.memory_space<hbm>> -> memref<1000000x32xf32, #tpu.memory_space<hbm>>
      tpu.enqueue_indirect_dma source(%dma_start3A_596 : memref<1000000x32xf32, #tpu.memory_space<hbm>>) target(%arg10 : memref<128x32xf32, #tpu.memory_space<vmem>>) offsets(%dma_start3A_593 : memref<128xi32, #tpu.memory_space<vmem>>) semaphore(%arg26 : memref<!tpu.dma_semaphore, #tpu.memory_space<semaphore_mem>>)
      %mul3A_597 = arith.constant 8 : i32
      %mul3A_598 = arith.muli %scan3A_554, %mul3A_597 : i32
      %add3A_599 = arith.constant 3 : i32
      %add3A_600 = arith.addi %mul3A_598, %add3A_599 : i32
      %gt3A_601 = arith.constant 0 : i32
      %gt3A_602 = arith.cmpi sgt, %scan3A_554, %gt3A_601 : i32
      %convert_element_type3A_603 = arith.extui %gt3A_602 : i1 to i32
      %cond3A_604 = arith.constant 0 : i32
      %cond3A_605 = arith.cmpi ne, %convert_element_type3A_603, %cond3A_604 : i32
      scf.if %cond3A_605 {
        %dma_wait3A_1503 = arith.constant 0 : i32
        %dma_wait3A_1504 = arith.constant 0 : i32
        %dma_wait3A_1505 = arith.constant 0 : i32
        %dma_wait3A_1506 = arith.constant 0 : i32
        %dma_wait3A_1507 = arith.constant 0 : i32
        %dma_wait3A_1508 = tpu.memref_slice %arg19[%dma_wait3A_1506, %dma_wait3A_1507] : memref<32x129xf32, #tpu.memory_space<vmem>> -> memref<8x128xf32, #tpu.memory_space<vmem>>
        %dma_wait3A_1509 = arith.constant 0 : i32
        %dma_wait3A_1510 = arith.constant 0 : i32
        %dma_wait3A_1511 = tpu.memref_slice %arg5[%dma_wait3A_1503, %dma_wait3A_1504, %dma_wait3A_1505, %dma_wait3A_1509, %dma_wait3A_1510] : memref<200x4x32x8x128xf32, #tpu.memory_space<hbm>> -> memref<1x1x1x8x128xf32, #tpu.memory_space<hbm>>
        %dma_wait3A_1512 = tpu.memref_squeeze %dma_wait3A_1511 : memref<1x1x1x8x128xf32, #tpu.memory_space<hbm>> -> memref<8x128xf32, #tpu.memory_space<hbm>>
        %dma_wait3A_1513 = arith.constant 0 : i32
        %dma_wait3A_1514 = arith.constant 0 : i32
        %dma_wait3A_1515 = tpu.memref_slice %arg5[%dma_wait3A_1503, %dma_wait3A_1504, %dma_wait3A_1505, %dma_wait3A_1513, %dma_wait3A_1514] : memref<200x4x32x8x128xf32, #tpu.memory_space<hbm>> -> memref<1x1x1x8x128xf32, #tpu.memory_space<hbm>>
        %dma_wait3A_1516 = tpu.memref_squeeze %dma_wait3A_1515 : memref<1x1x1x8x128xf32, #tpu.memory_space<hbm>> -> memref<8x128xf32, #tpu.memory_space<hbm>>
        %dma_wait3A_1517 = arith.constant 0 : i32
        %dma_wait3A_1518 = arith.constant 0 : i32
        %dma_wait3A_1519 = tpu.memref_slice %arg19[%dma_wait3A_1517, %dma_wait3A_1518] : memref<32x129xf32, #tpu.memory_space<vmem>> -> memref<8x128xf32, #tpu.memory_space<vmem>>
        tpu.wait_dma2 semaphore(%arg35 : memref<!tpu.dma_semaphore, #tpu.memory_space<semaphore_mem>>) src(%dma_wait3A_1519 : memref<8x128xf32, #tpu.memory_space<vmem>>) dst(%dma_wait3A_1516 : memref<8x128xf32, #tpu.memory_space<hbm>>)
        %dma_wait3A_1520 = arith.constant 0 : i32
        %dma_wait3A_1521 = arith.constant 1 : i32
        %dma_wait3A_1522 = arith.constant 0 : i32
        %dma_wait3A_1523 = arith.constant 8 : i32
        %dma_wait3A_1524 = arith.constant 0 : i32
        %dma_wait3A_1525 = tpu.memref_slice %arg19[%dma_wait3A_1523, %dma_wait3A_1524] : memref<32x129xf32, #tpu.memory_space<vmem>> -> memref<8x128xf32, #tpu.memory_space<vmem>>
        %dma_wait3A_1526 = arith.constant 0 : i32
        %dma_wait3A_1527 = arith.constant 0 : i32
        %dma_wait3A_1528 = tpu.memref_slice %arg5[%dma_wait3A_1520, %dma_wait3A_1521, %dma_wait3A_1522, %dma_wait3A_1526, %dma_wait3A_1527] : memref<200x4x32x8x128xf32, #tpu.memory_space<hbm>> -> memref<1x1x1x8x128xf32, #tpu.memory_space<hbm>>
        %dma_wait3A_1529 = tpu.memref_squeeze %dma_wait3A_1528 : memref<1x1x1x8x128xf32, #tpu.memory_space<hbm>> -> memref<8x128xf32, #tpu.memory_space<hbm>>
        %dma_wait3A_1530 = arith.constant 0 : i32
        %dma_wait3A_1531 = arith.constant 0 : i32
        %dma_wait3A_1532 = tpu.memref_slice %arg5[%dma_wait3A_1520, %dma_wait3A_1521, %dma_wait3A_1522, %dma_wait3A_1530, %dma_wait3A_1531] : memref<200x4x32x8x128xf32, #tpu.memory_space<hbm>> -> memref<1x1x1x8x128xf32, #tpu.memory_space<hbm>>
        %dma_wait3A_1533 = tpu.memref_squeeze %dma_wait3A_1532 : memref<1x1x1x8x128xf32, #tpu.memory_space<hbm>> -> memref<8x128xf32, #tpu.memory_space<hbm>>
        %dma_wait3A_1534 = arith.constant 8 : i32
        %dma_wait3A_1535 = arith.constant 0 : i32
        %dma_wait3A_1536 = tpu.memref_slice %arg19[%dma_wait3A_1534, %dma_wait3A_1535] : memref<32x129xf32, #tpu.memory_space<vmem>> -> memref<8x128xf32, #tpu.memory_space<vmem>>
        tpu.wait_dma2 semaphore(%arg35 : memref<!tpu.dma_semaphore, #tpu.memory_space<semaphore_mem>>) src(%dma_wait3A_1536 : memref<8x128xf32, #tpu.memory_space<vmem>>) dst(%dma_wait3A_1533 : memref<8x128xf32, #tpu.memory_space<hbm>>)
        %dma_wait3A_1537 = arith.constant 0 : i32
        %dma_wait3A_1538 = arith.constant 2 : i32
        %dma_wait3A_1539 = arith.constant 0 : i32
        %dma_wait3A_1540 = arith.constant 16 : i32
        %dma_wait3A_1541 = arith.constant 0 : i32
        %dma_wait3A_1542 = tpu.memref_slice %arg19[%dma_wait3A_1540, %dma_wait3A_1541] : memref<32x129xf32, #tpu.memory_space<vmem>> -> memref<8x128xf32, #tpu.memory_space<vmem>>
        %dma_wait3A_1543 = arith.constant 0 : i32
        %dma_wait3A_1544 = arith.constant 0 : i32
        %dma_wait3A_1545 = tpu.memref_slice %arg5[%dma_wait3A_1537, %dma_wait3A_1538, %dma_wait3A_1539, %dma_wait3A_1543, %dma_wait3A_1544] : memref<200x4x32x8x128xf32, #tpu.memory_space<hbm>> -> memref<1x1x1x8x128xf32, #tpu.memory_space<hbm>>
        %dma_wait3A_1546 = tpu.memref_squeeze %dma_wait3A_1545 : memref<1x1x1x8x128xf32, #tpu.memory_space<hbm>> -> memref<8x128xf32, #tpu.memory_space<hbm>>
        %dma_wait3A_1547 = arith.constant 0 : i32
        %dma_wait3A_1548 = arith.constant 0 : i32
        %dma_wait3A_1549 = tpu.memref_slice %arg5[%dma_wait3A_1537, %dma_wait3A_1538, %dma_wait3A_1539, %dma_wait3A_1547, %dma_wait3A_1548] : memref<200x4x32x8x128xf32, #tpu.memory_space<hbm>> -> memref<1x1x1x8x128xf32, #tpu.memory_space<hbm>>
        %dma_wait3A_1550 = tpu.memref_squeeze %dma_wait3A_1549 : memref<1x1x1x8x128xf32, #tpu.memory_space<hbm>> -> memref<8x128xf32, #tpu.memory_space<hbm>>
        %dma_wait3A_1551 = arith.constant 16 : i32
        %dma_wait3A_1552 = arith.constant 0 : i32
        %dma_wait3A_1553 = tpu.memref_slice %arg19[%dma_wait3A_1551, %dma_wait3A_1552] : memref<32x129xf32, #tpu.memory_space<vmem>> -> memref<8x128xf32, #tpu.memory_space<vmem>>
        tpu.wait_dma2 semaphore(%arg35 : memref<!tpu.dma_semaphore, #tpu.memory_space<semaphore_mem>>) src(%dma_wait3A_1553 : memref<8x128xf32, #tpu.memory_space<vmem>>) dst(%dma_wait3A_1550 : memref<8x128xf32, #tpu.memory_space<hbm>>)
        %dma_wait3A_1554 = arith.constant 0 : i32
        %dma_wait3A_1555 = arith.constant 3 : i32
        %dma_wait3A_1556 = arith.constant 0 : i32
        %dma_wait3A_1557 = arith.constant 24 : i32
        %dma_wait3A_1558 = arith.constant 0 : i32
        %dma_wait3A_1559 = tpu.memref_slice %arg19[%dma_wait3A_1557, %dma_wait3A_1558] : memref<32x129xf32, #tpu.memory_space<vmem>> -> memref<8x128xf32, #tpu.memory_space<vmem>>
        %dma_wait3A_1560 = arith.constant 0 : i32
        %dma_wait3A_1561 = arith.constant 0 : i32
        %dma_wait3A_1562 = tpu.memref_slice %arg5[%dma_wait3A_1554, %dma_wait3A_1555, %dma_wait3A_1556, %dma_wait3A_1560, %dma_wait3A_1561] : memref<200x4x32x8x128xf32, #tpu.memory_space<hbm>> -> memref<1x1x1x8x128xf32, #tpu.memory_space<hbm>>
        %dma_wait3A_1563 = tpu.memref_squeeze %dma_wait3A_1562 : memref<1x1x1x8x128xf32, #tpu.memory_space<hbm>> -> memref<8x128xf32, #tpu.memory_space<hbm>>
        %dma_wait3A_1564 = arith.constant 0 : i32
        %dma_wait3A_1565 = arith.constant 0 : i32
        %dma_wait3A_1566 = tpu.memref_slice %arg5[%dma_wait3A_1554, %dma_wait3A_1555, %dma_wait3A_1556, %dma_wait3A_1564, %dma_wait3A_1565] : memref<200x4x32x8x128xf32, #tpu.memory_space<hbm>> -> memref<1x1x1x8x128xf32, #tpu.memory_space<hbm>>
        %dma_wait3A_1567 = tpu.memref_squeeze %dma_wait3A_1566 : memref<1x1x1x8x128xf32, #tpu.memory_space<hbm>> -> memref<8x128xf32, #tpu.memory_space<hbm>>
        %dma_wait3A_1568 = arith.constant 24 : i32
        %dma_wait3A_1569 = arith.constant 0 : i32
        %dma_wait3A_1570 = tpu.memref_slice %arg19[%dma_wait3A_1568, %dma_wait3A_1569] : memref<32x129xf32, #tpu.memory_space<vmem>> -> memref<8x128xf32, #tpu.memory_space<vmem>>
        tpu.wait_dma2 semaphore(%arg35 : memref<!tpu.dma_semaphore, #tpu.memory_space<semaphore_mem>>) src(%dma_wait3A_1570 : memref<8x128xf32, #tpu.memory_space<vmem>>) dst(%dma_wait3A_1567 : memref<8x128xf32, #tpu.memory_space<hbm>>)
      } else {
      }
      %mul3A_606 = arith.constant 128 : i32
      %mul3A_607 = arith.muli %add3A_600, %mul3A_606 : i32
      %dma_start3A_608 = tpu.memref_slice %arg6[%mul3A_607] : memref<25600xi32, #tpu.memory_space<vmem>> -> memref<128xi32, #tpu.memory_space<vmem>>
      %dma_start3A_609 = arith.constant 0 : i32
      %dma_start3A_610 = arith.constant 0 : i32
      %dma_start3A_611 = tpu.memref_slice %arg2[%dma_start3A_609, %dma_start3A_610] : memref<1000000x32xf32, #tpu.memory_space<hbm>> -> memref<1000000x32xf32, #tpu.memory_space<hbm>>
      tpu.enqueue_indirect_dma source(%dma_start3A_611 : memref<1000000x32xf32, #tpu.memory_space<hbm>>) target(%arg11 : memref<128x32xf32, #tpu.memory_space<vmem>>) offsets(%dma_start3A_608 : memref<128xi32, #tpu.memory_space<vmem>>) semaphore(%arg27 : memref<!tpu.dma_semaphore, #tpu.memory_space<semaphore_mem>>)
      %mul3A_612 = arith.constant 8 : i32
      %mul3A_613 = arith.muli %scan3A_554, %mul3A_612 : i32
      %add3A_614 = arith.constant 4 : i32
      %add3A_615 = arith.addi %mul3A_613, %add3A_614 : i32
      %gt3A_616 = arith.constant 0 : i32
      %gt3A_617 = arith.cmpi sgt, %scan3A_554, %gt3A_616 : i32
      %convert_element_type3A_618 = arith.extui %gt3A_617 : i1 to i32
      %cond3A_619 = arith.constant 0 : i32
      %cond3A_620 = arith.cmpi ne, %convert_element_type3A_618, %cond3A_619 : i32
      scf.if %cond3A_620 {
        %dma_wait3A_1503 = arith.constant 0 : i32
        %dma_wait3A_1504 = arith.constant 0 : i32
        %dma_wait3A_1505 = arith.constant 0 : i32
        %dma_wait3A_1506 = arith.constant 0 : i32
        %dma_wait3A_1507 = arith.constant 0 : i32
        %dma_wait3A_1508 = tpu.memref_slice %arg20[%dma_wait3A_1506, %dma_wait3A_1507] : memref<32x129xf32, #tpu.memory_space<vmem>> -> memref<8x128xf32, #tpu.memory_space<vmem>>
        %dma_wait3A_1509 = arith.constant 0 : i32
        %dma_wait3A_1510 = arith.constant 0 : i32
        %dma_wait3A_1511 = tpu.memref_slice %arg5[%dma_wait3A_1503, %dma_wait3A_1504, %dma_wait3A_1505, %dma_wait3A_1509, %dma_wait3A_1510] : memref<200x4x32x8x128xf32, #tpu.memory_space<hbm>> -> memref<1x1x1x8x128xf32, #tpu.memory_space<hbm>>
        %dma_wait3A_1512 = tpu.memref_squeeze %dma_wait3A_1511 : memref<1x1x1x8x128xf32, #tpu.memory_space<hbm>> -> memref<8x128xf32, #tpu.memory_space<hbm>>
        %dma_wait3A_1513 = arith.constant 0 : i32
        %dma_wait3A_1514 = arith.constant 0 : i32
        %dma_wait3A_1515 = tpu.memref_slice %arg5[%dma_wait3A_1503, %dma_wait3A_1504, %dma_wait3A_1505, %dma_wait3A_1513, %dma_wait3A_1514] : memref<200x4x32x8x128xf32, #tpu.memory_space<hbm>> -> memref<1x1x1x8x128xf32, #tpu.memory_space<hbm>>
        %dma_wait3A_1516 = tpu.memref_squeeze %dma_wait3A_1515 : memref<1x1x1x8x128xf32, #tpu.memory_space<hbm>> -> memref<8x128xf32, #tpu.memory_space<hbm>>
        %dma_wait3A_1517 = arith.constant 0 : i32
        %dma_wait3A_1518 = arith.constant 0 : i32
        %dma_wait3A_1519 = tpu.memref_slice %arg20[%dma_wait3A_1517, %dma_wait3A_1518] : memref<32x129xf32, #tpu.memory_space<vmem>> -> memref<8x128xf32, #tpu.memory_space<vmem>>
        tpu.wait_dma2 semaphore(%arg36 : memref<!tpu.dma_semaphore, #tpu.memory_space<semaphore_mem>>) src(%dma_wait3A_1519 : memref<8x128xf32, #tpu.memory_space<vmem>>) dst(%dma_wait3A_1516 : memref<8x128xf32, #tpu.memory_space<hbm>>)
        %dma_wait3A_1520 = arith.constant 0 : i32
        %dma_wait3A_1521 = arith.constant 1 : i32
        %dma_wait3A_1522 = arith.constant 0 : i32
        %dma_wait3A_1523 = arith.constant 8 : i32
        %dma_wait3A_1524 = arith.constant 0 : i32
        %dma_wait3A_1525 = tpu.memref_slice %arg20[%dma_wait3A_1523, %dma_wait3A_1524] : memref<32x129xf32, #tpu.memory_space<vmem>> -> memref<8x128xf32, #tpu.memory_space<vmem>>
        %dma_wait3A_1526 = arith.constant 0 : i32
        %dma_wait3A_1527 = arith.constant 0 : i32
        %dma_wait3A_1528 = tpu.memref_slice %arg5[%dma_wait3A_1520, %dma_wait3A_1521, %dma_wait3A_1522, %dma_wait3A_1526, %dma_wait3A_1527] : memref<200x4x32x8x128xf32, #tpu.memory_space<hbm>> -> memref<1x1x1x8x128xf32, #tpu.memory_space<hbm>>
        %dma_wait3A_1529 = tpu.memref_squeeze %dma_wait3A_1528 : memref<1x1x1x8x128xf32, #tpu.memory_space<hbm>> -> memref<8x128xf32, #tpu.memory_space<hbm>>
        %dma_wait3A_1530 = arith.constant 0 : i32
        %dma_wait3A_1531 = arith.constant 0 : i32
        %dma_wait3A_1532 = tpu.memref_slice %arg5[%dma_wait3A_1520, %dma_wait3A_1521, %dma_wait3A_1522, %dma_wait3A_1530, %dma_wait3A_1531] : memref<200x4x32x8x128xf32, #tpu.memory_space<hbm>> -> memref<1x1x1x8x128xf32, #tpu.memory_space<hbm>>
        %dma_wait3A_1533 = tpu.memref_squeeze %dma_wait3A_1532 : memref<1x1x1x8x128xf32, #tpu.memory_space<hbm>> -> memref<8x128xf32, #tpu.memory_space<hbm>>
        %dma_wait3A_1534 = arith.constant 8 : i32
        %dma_wait3A_1535 = arith.constant 0 : i32
        %dma_wait3A_1536 = tpu.memref_slice %arg20[%dma_wait3A_1534, %dma_wait3A_1535] : memref<32x129xf32, #tpu.memory_space<vmem>> -> memref<8x128xf32, #tpu.memory_space<vmem>>
        tpu.wait_dma2 semaphore(%arg36 : memref<!tpu.dma_semaphore, #tpu.memory_space<semaphore_mem>>) src(%dma_wait3A_1536 : memref<8x128xf32, #tpu.memory_space<vmem>>) dst(%dma_wait3A_1533 : memref<8x128xf32, #tpu.memory_space<hbm>>)
        %dma_wait3A_1537 = arith.constant 0 : i32
        %dma_wait3A_1538 = arith.constant 2 : i32
        %dma_wait3A_1539 = arith.constant 0 : i32
        %dma_wait3A_1540 = arith.constant 16 : i32
        %dma_wait3A_1541 = arith.constant 0 : i32
        %dma_wait3A_1542 = tpu.memref_slice %arg20[%dma_wait3A_1540, %dma_wait3A_1541] : memref<32x129xf32, #tpu.memory_space<vmem>> -> memref<8x128xf32, #tpu.memory_space<vmem>>
        %dma_wait3A_1543 = arith.constant 0 : i32
        %dma_wait3A_1544 = arith.constant 0 : i32
        %dma_wait3A_1545 = tpu.memref_slice %arg5[%dma_wait3A_1537, %dma_wait3A_1538, %dma_wait3A_1539, %dma_wait3A_1543, %dma_wait3A_1544] : memref<200x4x32x8x128xf32, #tpu.memory_space<hbm>> -> memref<1x1x1x8x128xf32, #tpu.memory_space<hbm>>
        %dma_wait3A_1546 = tpu.memref_squeeze %dma_wait3A_1545 : memref<1x1x1x8x128xf32, #tpu.memory_space<hbm>> -> memref<8x128xf32, #tpu.memory_space<hbm>>
        %dma_wait3A_1547 = arith.constant 0 : i32
        %dma_wait3A_1548 = arith.constant 0 : i32
        %dma_wait3A_1549 = tpu.memref_slice %arg5[%dma_wait3A_1537, %dma_wait3A_1538, %dma_wait3A_1539, %dma_wait3A_1547, %dma_wait3A_1548] : memref<200x4x32x8x128xf32, #tpu.memory_space<hbm>> -> memref<1x1x1x8x128xf32, #tpu.memory_space<hbm>>
        %dma_wait3A_1550 = tpu.memref_squeeze %dma_wait3A_1549 : memref<1x1x1x8x128xf32, #tpu.memory_space<hbm>> -> memref<8x128xf32, #tpu.memory_space<hbm>>
        %dma_wait3A_1551 = arith.constant 16 : i32
        %dma_wait3A_1552 = arith.constant 0 : i32
        %dma_wait3A_1553 = tpu.memref_slice %arg20[%dma_wait3A_1551, %dma_wait3A_1552] : memref<32x129xf32, #tpu.memory_space<vmem>> -> memref<8x128xf32, #tpu.memory_space<vmem>>
        tpu.wait_dma2 semaphore(%arg36 : memref<!tpu.dma_semaphore, #tpu.memory_space<semaphore_mem>>) src(%dma_wait3A_1553 : memref<8x128xf32, #tpu.memory_space<vmem>>) dst(%dma_wait3A_1550 : memref<8x128xf32, #tpu.memory_space<hbm>>)
        %dma_wait3A_1554 = arith.constant 0 : i32
        %dma_wait3A_1555 = arith.constant 3 : i32
        %dma_wait3A_1556 = arith.constant 0 : i32
        %dma_wait3A_1557 = arith.constant 24 : i32
        %dma_wait3A_1558 = arith.constant 0 : i32
        %dma_wait3A_1559 = tpu.memref_slice %arg20[%dma_wait3A_1557, %dma_wait3A_1558] : memref<32x129xf32, #tpu.memory_space<vmem>> -> memref<8x128xf32, #tpu.memory_space<vmem>>
        %dma_wait3A_1560 = arith.constant 0 : i32
        %dma_wait3A_1561 = arith.constant 0 : i32
        %dma_wait3A_1562 = tpu.memref_slice %arg5[%dma_wait3A_1554, %dma_wait3A_1555, %dma_wait3A_1556, %dma_wait3A_1560, %dma_wait3A_1561] : memref<200x4x32x8x128xf32, #tpu.memory_space<hbm>> -> memref<1x1x1x8x128xf32, #tpu.memory_space<hbm>>
        %dma_wait3A_1563 = tpu.memref_squeeze %dma_wait3A_1562 : memref<1x1x1x8x128xf32, #tpu.memory_space<hbm>> -> memref<8x128xf32, #tpu.memory_space<hbm>>
        %dma_wait3A_1564 = arith.constant 0 : i32
        %dma_wait3A_1565 = arith.constant 0 : i32
        %dma_wait3A_1566 = tpu.memref_slice %arg5[%dma_wait3A_1554, %dma_wait3A_1555, %dma_wait3A_1556, %dma_wait3A_1564, %dma_wait3A_1565] : memref<200x4x32x8x128xf32, #tpu.memory_space<hbm>> -> memref<1x1x1x8x128xf32, #tpu.memory_space<hbm>>
        %dma_wait3A_1567 = tpu.memref_squeeze %dma_wait3A_1566 : memref<1x1x1x8x128xf32, #tpu.memory_space<hbm>> -> memref<8x128xf32, #tpu.memory_space<hbm>>
        %dma_wait3A_1568 = arith.constant 24 : i32
        %dma_wait3A_1569 = arith.constant 0 : i32
        %dma_wait3A_1570 = tpu.memref_slice %arg20[%dma_wait3A_1568, %dma_wait3A_1569] : memref<32x129xf32, #tpu.memory_space<vmem>> -> memref<8x128xf32, #tpu.memory_space<vmem>>
        tpu.wait_dma2 semaphore(%arg36 : memref<!tpu.dma_semaphore, #tpu.memory_space<semaphore_mem>>) src(%dma_wait3A_1570 : memref<8x128xf32, #tpu.memory_space<vmem>>) dst(%dma_wait3A_1567 : memref<8x128xf32, #tpu.memory_space<hbm>>)
      } else {
      }
      %mul3A_621 = arith.constant 128 : i32
      %mul3A_622 = arith.muli %add3A_615, %mul3A_621 : i32
      %dma_start3A_623 = tpu.memref_slice %arg6[%mul3A_622] : memref<25600xi32, #tpu.memory_space<vmem>> -> memref<128xi32, #tpu.memory_space<vmem>>
      %dma_start3A_624 = arith.constant 0 : i32
      %dma_start3A_625 = arith.constant 0 : i32
      %dma_start3A_626 = tpu.memref_slice %arg2[%dma_start3A_624, %dma_start3A_625] : memref<1000000x32xf32, #tpu.memory_space<hbm>> -> memref<1000000x32xf32, #tpu.memory_space<hbm>>
      tpu.enqueue_indirect_dma source(%dma_start3A_626 : memref<1000000x32xf32, #tpu.memory_space<hbm>>) target(%arg12 : memref<128x32xf32, #tpu.memory_space<vmem>>) offsets(%dma_start3A_623 : memref<128xi32, #tpu.memory_space<vmem>>) semaphore(%arg28 : memref<!tpu.dma_semaphore, #tpu.memory_space<semaphore_mem>>)
      %mul3A_627 = arith.constant 8 : i32
      %mul3A_628 = arith.muli %scan3A_554, %mul3A_627 : i32
      %add3A_629 = arith.constant 5 : i32
      %add3A_630 = arith.addi %mul3A_628, %add3A_629 : i32
      %gt3A_631 = arith.constant 0 : i32
      %gt3A_632 = arith.cmpi sgt, %scan3A_554, %gt3A_631 : i32
      %convert_element_type3A_633 = arith.extui %gt3A_632 : i1 to i32
      %cond3A_634 = arith.constant 0 : i32
      %cond3A_635 = arith.cmpi ne, %convert_element_type3A_633, %cond3A_634 : i32
      scf.if %cond3A_635 {
        %dma_wait3A_1503 = arith.constant 0 : i32
        %dma_wait3A_1504 = arith.constant 0 : i32
        %dma_wait3A_1505 = arith.constant 0 : i32
        %dma_wait3A_1506 = arith.constant 0 : i32
        %dma_wait3A_1507 = arith.constant 0 : i32
        %dma_wait3A_1508 = tpu.memref_slice %arg21[%dma_wait3A_1506, %dma_wait3A_1507] : memref<32x129xf32, #tpu.memory_space<vmem>> -> memref<8x128xf32, #tpu.memory_space<vmem>>
        %dma_wait3A_1509 = arith.constant 0 : i32
        %dma_wait3A_1510 = arith.constant 0 : i32
        %dma_wait3A_1511 = tpu.memref_slice %arg5[%dma_wait3A_1503, %dma_wait3A_1504, %dma_wait3A_1505, %dma_wait3A_1509, %dma_wait3A_1510] : memref<200x4x32x8x128xf32, #tpu.memory_space<hbm>> -> memref<1x1x1x8x128xf32, #tpu.memory_space<hbm>>
        %dma_wait3A_1512 = tpu.memref_squeeze %dma_wait3A_1511 : memref<1x1x1x8x128xf32, #tpu.memory_space<hbm>> -> memref<8x128xf32, #tpu.memory_space<hbm>>
        %dma_wait3A_1513 = arith.constant 0 : i32
        %dma_wait3A_1514 = arith.constant 0 : i32
        %dma_wait3A_1515 = tpu.memref_slice %arg5[%dma_wait3A_1503, %dma_wait3A_1504, %dma_wait3A_1505, %dma_wait3A_1513, %dma_wait3A_1514] : memref<200x4x32x8x128xf32, #tpu.memory_space<hbm>> -> memref<1x1x1x8x128xf32, #tpu.memory_space<hbm>>
        %dma_wait3A_1516 = tpu.memref_squeeze %dma_wait3A_1515 : memref<1x1x1x8x128xf32, #tpu.memory_space<hbm>> -> memref<8x128xf32, #tpu.memory_space<hbm>>
        %dma_wait3A_1517 = arith.constant 0 : i32
        %dma_wait3A_1518 = arith.constant 0 : i32
        %dma_wait3A_1519 = tpu.memref_slice %arg21[%dma_wait3A_1517, %dma_wait3A_1518] : memref<32x129xf32, #tpu.memory_space<vmem>> -> memref<8x128xf32, #tpu.memory_space<vmem>>
        tpu.wait_dma2 semaphore(%arg37 : memref<!tpu.dma_semaphore, #tpu.memory_space<semaphore_mem>>) src(%dma_wait3A_1519 : memref<8x128xf32, #tpu.memory_space<vmem>>) dst(%dma_wait3A_1516 : memref<8x128xf32, #tpu.memory_space<hbm>>)
        %dma_wait3A_1520 = arith.constant 0 : i32
        %dma_wait3A_1521 = arith.constant 1 : i32
        %dma_wait3A_1522 = arith.constant 0 : i32
        %dma_wait3A_1523 = arith.constant 8 : i32
        %dma_wait3A_1524 = arith.constant 0 : i32
        %dma_wait3A_1525 = tpu.memref_slice %arg21[%dma_wait3A_1523, %dma_wait3A_1524] : memref<32x129xf32, #tpu.memory_space<vmem>> -> memref<8x128xf32, #tpu.memory_space<vmem>>
        %dma_wait3A_1526 = arith.constant 0 : i32
        %dma_wait3A_1527 = arith.constant 0 : i32
        %dma_wait3A_1528 = tpu.memref_slice %arg5[%dma_wait3A_1520, %dma_wait3A_1521, %dma_wait3A_1522, %dma_wait3A_1526, %dma_wait3A_1527] : memref<200x4x32x8x128xf32, #tpu.memory_space<hbm>> -> memref<1x1x1x8x128xf32, #tpu.memory_space<hbm>>
        %dma_wait3A_1529 = tpu.memref_squeeze %dma_wait3A_1528 : memref<1x1x1x8x128xf32, #tpu.memory_space<hbm>> -> memref<8x128xf32, #tpu.memory_space<hbm>>
        %dma_wait3A_1530 = arith.constant 0 : i32
        %dma_wait3A_1531 = arith.constant 0 : i32
        %dma_wait3A_1532 = tpu.memref_slice %arg5[%dma_wait3A_1520, %dma_wait3A_1521, %dma_wait3A_1522, %dma_wait3A_1530, %dma_wait3A_1531] : memref<200x4x32x8x128xf32, #tpu.memory_space<hbm>> -> memref<1x1x1x8x128xf32, #tpu.memory_space<hbm>>
        %dma_wait3A_1533 = tpu.memref_squeeze %dma_wait3A_1532 : memref<1x1x1x8x128xf32, #tpu.memory_space<hbm>> -> memref<8x128xf32, #tpu.memory_space<hbm>>
        %dma_wait3A_1534 = arith.constant 8 : i32
        %dma_wait3A_1535 = arith.constant 0 : i32
        %dma_wait3A_1536 = tpu.memref_slice %arg21[%dma_wait3A_1534, %dma_wait3A_1535] : memref<32x129xf32, #tpu.memory_space<vmem>> -> memref<8x128xf32, #tpu.memory_space<vmem>>
        tpu.wait_dma2 semaphore(%arg37 : memref<!tpu.dma_semaphore, #tpu.memory_space<semaphore_mem>>) src(%dma_wait3A_1536 : memref<8x128xf32, #tpu.memory_space<vmem>>) dst(%dma_wait3A_1533 : memref<8x128xf32, #tpu.memory_space<hbm>>)
        %dma_wait3A_1537 = arith.constant 0 : i32
        %dma_wait3A_1538 = arith.constant 2 : i32
        %dma_wait3A_1539 = arith.constant 0 : i32
        %dma_wait3A_1540 = arith.constant 16 : i32
        %dma_wait3A_1541 = arith.constant 0 : i32
        %dma_wait3A_1542 = tpu.memref_slice %arg21[%dma_wait3A_1540, %dma_wait3A_1541] : memref<32x129xf32, #tpu.memory_space<vmem>> -> memref<8x128xf32, #tpu.memory_space<vmem>>
        %dma_wait3A_1543 = arith.constant 0 : i32
        %dma_wait3A_1544 = arith.constant 0 : i32
        %dma_wait3A_1545 = tpu.memref_slice %arg5[%dma_wait3A_1537, %dma_wait3A_1538, %dma_wait3A_1539, %dma_wait3A_1543, %dma_wait3A_1544] : memref<200x4x32x8x128xf32, #tpu.memory_space<hbm>> -> memref<1x1x1x8x128xf32, #tpu.memory_space<hbm>>
        %dma_wait3A_1546 = tpu.memref_squeeze %dma_wait3A_1545 : memref<1x1x1x8x128xf32, #tpu.memory_space<hbm>> -> memref<8x128xf32, #tpu.memory_space<hbm>>
        %dma_wait3A_1547 = arith.constant 0 : i32
        %dma_wait3A_1548 = arith.constant 0 : i32
        %dma_wait3A_1549 = tpu.memref_slice %arg5[%dma_wait3A_1537, %dma_wait3A_1538, %dma_wait3A_1539, %dma_wait3A_1547, %dma_wait3A_1548] : memref<200x4x32x8x128xf32, #tpu.memory_space<hbm>> -> memref<1x1x1x8x128xf32, #tpu.memory_space<hbm>>
        %dma_wait3A_1550 = tpu.memref_squeeze %dma_wait3A_1549 : memref<1x1x1x8x128xf32, #tpu.memory_space<hbm>> -> memref<8x128xf32, #tpu.memory_space<hbm>>
        %dma_wait3A_1551 = arith.constant 16 : i32
        %dma_wait3A_1552 = arith.constant 0 : i32
        %dma_wait3A_1553 = tpu.memref_slice %arg21[%dma_wait3A_1551, %dma_wait3A_1552] : memref<32x129xf32, #tpu.memory_space<vmem>> -> memref<8x128xf32, #tpu.memory_space<vmem>>
        tpu.wait_dma2 semaphore(%arg37 : memref<!tpu.dma_semaphore, #tpu.memory_space<semaphore_mem>>) src(%dma_wait3A_1553 : memref<8x128xf32, #tpu.memory_space<vmem>>) dst(%dma_wait3A_1550 : memref<8x128xf32, #tpu.memory_space<hbm>>)
        %dma_wait3A_1554 = arith.constant 0 : i32
        %dma_wait3A_1555 = arith.constant 3 : i32
        %dma_wait3A_1556 = arith.constant 0 : i32
        %dma_wait3A_1557 = arith.constant 24 : i32
        %dma_wait3A_1558 = arith.constant 0 : i32
        %dma_wait3A_1559 = tpu.memref_slice %arg21[%dma_wait3A_1557, %dma_wait3A_1558] : memref<32x129xf32, #tpu.memory_space<vmem>> -> memref<8x128xf32, #tpu.memory_space<vmem>>
        %dma_wait3A_1560 = arith.constant 0 : i32
        %dma_wait3A_1561 = arith.constant 0 : i32
        %dma_wait3A_1562 = tpu.memref_slice %arg5[%dma_wait3A_1554, %dma_wait3A_1555, %dma_wait3A_1556, %dma_wait3A_1560, %dma_wait3A_1561] : memref<200x4x32x8x128xf32, #tpu.memory_space<hbm>> -> memref<1x1x1x8x128xf32, #tpu.memory_space<hbm>>
        %dma_wait3A_1563 = tpu.memref_squeeze %dma_wait3A_1562 : memref<1x1x1x8x128xf32, #tpu.memory_space<hbm>> -> memref<8x128xf32, #tpu.memory_space<hbm>>
        %dma_wait3A_1564 = arith.constant 0 : i32
        %dma_wait3A_1565 = arith.constant 0 : i32
        %dma_wait3A_1566 = tpu.memref_slice %arg5[%dma_wait3A_1554, %dma_wait3A_1555, %dma_wait3A_1556, %dma_wait3A_1564, %dma_wait3A_1565] : memref<200x4x32x8x128xf32, #tpu.memory_space<hbm>> -> memref<1x1x1x8x128xf32, #tpu.memory_space<hbm>>
        %dma_wait3A_1567 = tpu.memref_squeeze %dma_wait3A_1566 : memref<1x1x1x8x128xf32, #tpu.memory_space<hbm>> -> memref<8x128xf32, #tpu.memory_space<hbm>>
        %dma_wait3A_1568 = arith.constant 24 : i32
        %dma_wait3A_1569 = arith.constant 0 : i32
        %dma_wait3A_1570 = tpu.memref_slice %arg21[%dma_wait3A_1568, %dma_wait3A_1569] : memref<32x129xf32, #tpu.memory_space<vmem>> -> memref<8x128xf32, #tpu.memory_space<vmem>>
        tpu.wait_dma2 semaphore(%arg37 : memref<!tpu.dma_semaphore, #tpu.memory_space<semaphore_mem>>) src(%dma_wait3A_1570 : memref<8x128xf32, #tpu.memory_space<vmem>>) dst(%dma_wait3A_1567 : memref<8x128xf32, #tpu.memory_space<hbm>>)
      } else {
      }
      %mul3A_636 = arith.constant 128 : i32
      %mul3A_637 = arith.muli %add3A_630, %mul3A_636 : i32
      %dma_start3A_638 = tpu.memref_slice %arg6[%mul3A_637] : memref<25600xi32, #tpu.memory_space<vmem>> -> memref<128xi32, #tpu.memory_space<vmem>>
      %dma_start3A_639 = arith.constant 0 : i32
      %dma_start3A_640 = arith.constant 0 : i32
      %dma_start3A_641 = tpu.memref_slice %arg2[%dma_start3A_639, %dma_start3A_640] : memref<1000000x32xf32, #tpu.memory_space<hbm>> -> memref<1000000x32xf32, #tpu.memory_space<hbm>>
      tpu.enqueue_indirect_dma source(%dma_start3A_641 : memref<1000000x32xf32, #tpu.memory_space<hbm>>) target(%arg13 : memref<128x32xf32, #tpu.memory_space<vmem>>) offsets(%dma_start3A_638 : memref<128xi32, #tpu.memory_space<vmem>>) semaphore(%arg29 : memref<!tpu.dma_semaphore, #tpu.memory_space<semaphore_mem>>)
      %mul3A_642 = arith.constant 8 : i32
      %mul3A_643 = arith.muli %scan3A_554, %mul3A_642 : i32
      %add3A_644 = arith.constant 6 : i32
      %add3A_645 = arith.addi %mul3A_643, %add3A_644 : i32
      %gt3A_646 = arith.constant 0 : i32
      %gt3A_647 = arith.cmpi sgt, %scan3A_554, %gt3A_646 : i32
      %convert_element_type3A_648 = arith.extui %gt3A_647 : i1 to i32
      %cond3A_649 = arith.constant 0 : i32
      %cond3A_650 = arith.cmpi ne, %convert_element_type3A_648, %cond3A_649 : i32
      scf.if %cond3A_650 {
        %dma_wait3A_1503 = arith.constant 0 : i32
        %dma_wait3A_1504 = arith.constant 0 : i32
        %dma_wait3A_1505 = arith.constant 0 : i32
        %dma_wait3A_1506 = arith.constant 0 : i32
        %dma_wait3A_1507 = arith.constant 0 : i32
        %dma_wait3A_1508 = tpu.memref_slice %arg22[%dma_wait3A_1506, %dma_wait3A_1507] : memref<32x129xf32, #tpu.memory_space<vmem>> -> memref<8x128xf32, #tpu.memory_space<vmem>>
        %dma_wait3A_1509 = arith.constant 0 : i32
        %dma_wait3A_1510 = arith.constant 0 : i32
        %dma_wait3A_1511 = tpu.memref_slice %arg5[%dma_wait3A_1503, %dma_wait3A_1504, %dma_wait3A_1505, %dma_wait3A_1509, %dma_wait3A_1510] : memref<200x4x32x8x128xf32, #tpu.memory_space<hbm>> -> memref<1x1x1x8x128xf32, #tpu.memory_space<hbm>>
        %dma_wait3A_1512 = tpu.memref_squeeze %dma_wait3A_1511 : memref<1x1x1x8x128xf32, #tpu.memory_space<hbm>> -> memref<8x128xf32, #tpu.memory_space<hbm>>
        %dma_wait3A_1513 = arith.constant 0 : i32
        %dma_wait3A_1514 = arith.constant 0 : i32
        %dma_wait3A_1515 = tpu.memref_slice %arg5[%dma_wait3A_1503, %dma_wait3A_1504, %dma_wait3A_1505, %dma_wait3A_1513, %dma_wait3A_1514] : memref<200x4x32x8x128xf32, #tpu.memory_space<hbm>> -> memref<1x1x1x8x128xf32, #tpu.memory_space<hbm>>
        %dma_wait3A_1516 = tpu.memref_squeeze %dma_wait3A_1515 : memref<1x1x1x8x128xf32, #tpu.memory_space<hbm>> -> memref<8x128xf32, #tpu.memory_space<hbm>>
        %dma_wait3A_1517 = arith.constant 0 : i32
        %dma_wait3A_1518 = arith.constant 0 : i32
        %dma_wait3A_1519 = tpu.memref_slice %arg22[%dma_wait3A_1517, %dma_wait3A_1518] : memref<32x129xf32, #tpu.memory_space<vmem>> -> memref<8x128xf32, #tpu.memory_space<vmem>>
        tpu.wait_dma2 semaphore(%arg38 : memref<!tpu.dma_semaphore, #tpu.memory_space<semaphore_mem>>) src(%dma_wait3A_1519 : memref<8x128xf32, #tpu.memory_space<vmem>>) dst(%dma_wait3A_1516 : memref<8x128xf32, #tpu.memory_space<hbm>>)
        %dma_wait3A_1520 = arith.constant 0 : i32
        %dma_wait3A_1521 = arith.constant 1 : i32
        %dma_wait3A_1522 = arith.constant 0 : i32
        %dma_wait3A_1523 = arith.constant 8 : i32
        %dma_wait3A_1524 = arith.constant 0 : i32
        %dma_wait3A_1525 = tpu.memref_slice %arg22[%dma_wait3A_1523, %dma_wait3A_1524] : memref<32x129xf32, #tpu.memory_space<vmem>> -> memref<8x128xf32, #tpu.memory_space<vmem>>
        %dma_wait3A_1526 = arith.constant 0 : i32
        %dma_wait3A_1527 = arith.constant 0 : i32
        %dma_wait3A_1528 = tpu.memref_slice %arg5[%dma_wait3A_1520, %dma_wait3A_1521, %dma_wait3A_1522, %dma_wait3A_1526, %dma_wait3A_1527] : memref<200x4x32x8x128xf32, #tpu.memory_space<hbm>> -> memref<1x1x1x8x128xf32, #tpu.memory_space<hbm>>
        %dma_wait3A_1529 = tpu.memref_squeeze %dma_wait3A_1528 : memref<1x1x1x8x128xf32, #tpu.memory_space<hbm>> -> memref<8x128xf32, #tpu.memory_space<hbm>>
        %dma_wait3A_1530 = arith.constant 0 : i32
        %dma_wait3A_1531 = arith.constant 0 : i32
        %dma_wait3A_1532 = tpu.memref_slice %arg5[%dma_wait3A_1520, %dma_wait3A_1521, %dma_wait3A_1522, %dma_wait3A_1530, %dma_wait3A_1531] : memref<200x4x32x8x128xf32, #tpu.memory_space<hbm>> -> memref<1x1x1x8x128xf32, #tpu.memory_space<hbm>>
        %dma_wait3A_1533 = tpu.memref_squeeze %dma_wait3A_1532 : memref<1x1x1x8x128xf32, #tpu.memory_space<hbm>> -> memref<8x128xf32, #tpu.memory_space<hbm>>
        %dma_wait3A_1534 = arith.constant 8 : i32
        %dma_wait3A_1535 = arith.constant 0 : i32
        %dma_wait3A_1536 = tpu.memref_slice %arg22[%dma_wait3A_1534, %dma_wait3A_1535] : memref<32x129xf32, #tpu.memory_space<vmem>> -> memref<8x128xf32, #tpu.memory_space<vmem>>
        tpu.wait_dma2 semaphore(%arg38 : memref<!tpu.dma_semaphore, #tpu.memory_space<semaphore_mem>>) src(%dma_wait3A_1536 : memref<8x128xf32, #tpu.memory_space<vmem>>) dst(%dma_wait3A_1533 : memref<8x128xf32, #tpu.memory_space<hbm>>)
        %dma_wait3A_1537 = arith.constant 0 : i32
        %dma_wait3A_1538 = arith.constant 2 : i32
        %dma_wait3A_1539 = arith.constant 0 : i32
        %dma_wait3A_1540 = arith.constant 16 : i32
        %dma_wait3A_1541 = arith.constant 0 : i32
        %dma_wait3A_1542 = tpu.memref_slice %arg22[%dma_wait3A_1540, %dma_wait3A_1541] : memref<32x129xf32, #tpu.memory_space<vmem>> -> memref<8x128xf32, #tpu.memory_space<vmem>>
        %dma_wait3A_1543 = arith.constant 0 : i32
        %dma_wait3A_1544 = arith.constant 0 : i32
        %dma_wait3A_1545 = tpu.memref_slice %arg5[%dma_wait3A_1537, %dma_wait3A_1538, %dma_wait3A_1539, %dma_wait3A_1543, %dma_wait3A_1544] : memref<200x4x32x8x128xf32, #tpu.memory_space<hbm>> -> memref<1x1x1x8x128xf32, #tpu.memory_space<hbm>>
        %dma_wait3A_1546 = tpu.memref_squeeze %dma_wait3A_1545 : memref<1x1x1x8x128xf32, #tpu.memory_space<hbm>> -> memref<8x128xf32, #tpu.memory_space<hbm>>
        %dma_wait3A_1547 = arith.constant 0 : i32
        %dma_wait3A_1548 = arith.constant 0 : i32
        %dma_wait3A_1549 = tpu.memref_slice %arg5[%dma_wait3A_1537, %dma_wait3A_1538, %dma_wait3A_1539, %dma_wait3A_1547, %dma_wait3A_1548] : memref<200x4x32x8x128xf32, #tpu.memory_space<hbm>> -> memref<1x1x1x8x128xf32, #tpu.memory_space<hbm>>
        %dma_wait3A_1550 = tpu.memref_squeeze %dma_wait3A_1549 : memref<1x1x1x8x128xf32, #tpu.memory_space<hbm>> -> memref<8x128xf32, #tpu.memory_space<hbm>>
        %dma_wait3A_1551 = arith.constant 16 : i32
        %dma_wait3A_1552 = arith.constant 0 : i32
        %dma_wait3A_1553 = tpu.memref_slice %arg22[%dma_wait3A_1551, %dma_wait3A_1552] : memref<32x129xf32, #tpu.memory_space<vmem>> -> memref<8x128xf32, #tpu.memory_space<vmem>>
        tpu.wait_dma2 semaphore(%arg38 : memref<!tpu.dma_semaphore, #tpu.memory_space<semaphore_mem>>) src(%dma_wait3A_1553 : memref<8x128xf32, #tpu.memory_space<vmem>>) dst(%dma_wait3A_1550 : memref<8x128xf32, #tpu.memory_space<hbm>>)
        %dma_wait3A_1554 = arith.constant 0 : i32
        %dma_wait3A_1555 = arith.constant 3 : i32
        %dma_wait3A_1556 = arith.constant 0 : i32
        %dma_wait3A_1557 = arith.constant 24 : i32
        %dma_wait3A_1558 = arith.constant 0 : i32
        %dma_wait3A_1559 = tpu.memref_slice %arg22[%dma_wait3A_1557, %dma_wait3A_1558] : memref<32x129xf32, #tpu.memory_space<vmem>> -> memref<8x128xf32, #tpu.memory_space<vmem>>
        %dma_wait3A_1560 = arith.constant 0 : i32
        %dma_wait3A_1561 = arith.constant 0 : i32
        %dma_wait3A_1562 = tpu.memref_slice %arg5[%dma_wait3A_1554, %dma_wait3A_1555, %dma_wait3A_1556, %dma_wait3A_1560, %dma_wait3A_1561] : memref<200x4x32x8x128xf32, #tpu.memory_space<hbm>> -> memref<1x1x1x8x128xf32, #tpu.memory_space<hbm>>
        %dma_wait3A_1563 = tpu.memref_squeeze %dma_wait3A_1562 : memref<1x1x1x8x128xf32, #tpu.memory_space<hbm>> -> memref<8x128xf32, #tpu.memory_space<hbm>>
        %dma_wait3A_1564 = arith.constant 0 : i32
        %dma_wait3A_1565 = arith.constant 0 : i32
        %dma_wait3A_1566 = tpu.memref_slice %arg5[%dma_wait3A_1554, %dma_wait3A_1555, %dma_wait3A_1556, %dma_wait3A_1564, %dma_wait3A_1565] : memref<200x4x32x8x128xf32, #tpu.memory_space<hbm>> -> memref<1x1x1x8x128xf32, #tpu.memory_space<hbm>>
        %dma_wait3A_1567 = tpu.memref_squeeze %dma_wait3A_1566 : memref<1x1x1x8x128xf32, #tpu.memory_space<hbm>> -> memref<8x128xf32, #tpu.memory_space<hbm>>
        %dma_wait3A_1568 = arith.constant 24 : i32
        %dma_wait3A_1569 = arith.constant 0 : i32
        %dma_wait3A_1570 = tpu.memref_slice %arg22[%dma_wait3A_1568, %dma_wait3A_1569] : memref<32x129xf32, #tpu.memory_space<vmem>> -> memref<8x128xf32, #tpu.memory_space<vmem>>
        tpu.wait_dma2 semaphore(%arg38 : memref<!tpu.dma_semaphore, #tpu.memory_space<semaphore_mem>>) src(%dma_wait3A_1570 : memref<8x128xf32, #tpu.memory_space<vmem>>) dst(%dma_wait3A_1567 : memref<8x128xf32, #tpu.memory_space<hbm>>)
      } else {
      }
      %mul3A_651 = arith.constant 128 : i32
      %mul3A_652 = arith.muli %add3A_645, %mul3A_651 : i32
      %dma_start3A_653 = tpu.memref_slice %arg6[%mul3A_652] : memref<25600xi32, #tpu.memory_space<vmem>> -> memref<128xi32, #tpu.memory_space<vmem>>
      %dma_start3A_654 = arith.constant 0 : i32
      %dma_start3A_655 = arith.constant 0 : i32
      %dma_start3A_656 = tpu.memref_slice %arg2[%dma_start3A_654, %dma_start3A_655] : memref<1000000x32xf32, #tpu.memory_space<hbm>> -> memref<1000000x32xf32, #tpu.memory_space<hbm>>
      tpu.enqueue_indirect_dma source(%dma_start3A_656 : memref<1000000x32xf32, #tpu.memory_space<hbm>>) target(%arg14 : memref<128x32xf32, #tpu.memory_space<vmem>>) offsets(%dma_start3A_653 : memref<128xi32, #tpu.memory_space<vmem>>) semaphore(%arg30 : memref<!tpu.dma_semaphore, #tpu.memory_space<semaphore_mem>>)
      %mul3A_657 = arith.constant 8 : i32
      %mul3A_658 = arith.muli %scan3A_554, %mul3A_657 : i32
      %add3A_659 = arith.constant 7 : i32
      %add3A_660 = arith.addi %mul3A_658, %add3A_659 : i32
      %gt3A_661 = arith.constant 0 : i32
      %gt3A_662 = arith.cmpi sgt, %scan3A_554, %gt3A_661 : i32
      %convert_element_type3A_663 = arith.extui %gt3A_662 : i1 to i32
      %cond3A_664 = arith.constant 0 : i32
      %cond3A_665 = arith.cmpi ne, %convert_element_type3A_663, %cond3A_664 : i32
      scf.if %cond3A_665 {
        %dma_wait3A_1503 = arith.constant 0 : i32
        %dma_wait3A_1504 = arith.constant 0 : i32
        %dma_wait3A_1505 = arith.constant 0 : i32
        %dma_wait3A_1506 = arith.constant 0 : i32
        %dma_wait3A_1507 = arith.constant 0 : i32
        %dma_wait3A_1508 = tpu.memref_slice %arg23[%dma_wait3A_1506, %dma_wait3A_1507] : memref<32x129xf32, #tpu.memory_space<vmem>> -> memref<8x128xf32, #tpu.memory_space<vmem>>
        %dma_wait3A_1509 = arith.constant 0 : i32
        %dma_wait3A_1510 = arith.constant 0 : i32
        %dma_wait3A_1511 = tpu.memref_slice %arg5[%dma_wait3A_1503, %dma_wait3A_1504, %dma_wait3A_1505, %dma_wait3A_1509, %dma_wait3A_1510] : memref<200x4x32x8x128xf32, #tpu.memory_space<hbm>> -> memref<1x1x1x8x128xf32, #tpu.memory_space<hbm>>
        %dma_wait3A_1512 = tpu.memref_squeeze %dma_wait3A_1511 : memref<1x1x1x8x128xf32, #tpu.memory_space<hbm>> -> memref<8x128xf32, #tpu.memory_space<hbm>>
        %dma_wait3A_1513 = arith.constant 0 : i32
        %dma_wait3A_1514 = arith.constant 0 : i32
        %dma_wait3A_1515 = tpu.memref_slice %arg5[%dma_wait3A_1503, %dma_wait3A_1504, %dma_wait3A_1505, %dma_wait3A_1513, %dma_wait3A_1514] : memref<200x4x32x8x128xf32, #tpu.memory_space<hbm>> -> memref<1x1x1x8x128xf32, #tpu.memory_space<hbm>>
        %dma_wait3A_1516 = tpu.memref_squeeze %dma_wait3A_1515 : memref<1x1x1x8x128xf32, #tpu.memory_space<hbm>> -> memref<8x128xf32, #tpu.memory_space<hbm>>
        %dma_wait3A_1517 = arith.constant 0 : i32
        %dma_wait3A_1518 = arith.constant 0 : i32
        %dma_wait3A_1519 = tpu.memref_slice %arg23[%dma_wait3A_1517, %dma_wait3A_1518] : memref<32x129xf32, #tpu.memory_space<vmem>> -> memref<8x128xf32, #tpu.memory_space<vmem>>
        tpu.wait_dma2 semaphore(%arg39 : memref<!tpu.dma_semaphore, #tpu.memory_space<semaphore_mem>>) src(%dma_wait3A_1519 : memref<8x128xf32, #tpu.memory_space<vmem>>) dst(%dma_wait3A_1516 : memref<8x128xf32, #tpu.memory_space<hbm>>)
        %dma_wait3A_1520 = arith.constant 0 : i32
        %dma_wait3A_1521 = arith.constant 1 : i32
        %dma_wait3A_1522 = arith.constant 0 : i32
        %dma_wait3A_1523 = arith.constant 8 : i32
        %dma_wait3A_1524 = arith.constant 0 : i32
        %dma_wait3A_1525 = tpu.memref_slice %arg23[%dma_wait3A_1523, %dma_wait3A_1524] : memref<32x129xf32, #tpu.memory_space<vmem>> -> memref<8x128xf32, #tpu.memory_space<vmem>>
        %dma_wait3A_1526 = arith.constant 0 : i32
        %dma_wait3A_1527 = arith.constant 0 : i32
        %dma_wait3A_1528 = tpu.memref_slice %arg5[%dma_wait3A_1520, %dma_wait3A_1521, %dma_wait3A_1522, %dma_wait3A_1526, %dma_wait3A_1527] : memref<200x4x32x8x128xf32, #tpu.memory_space<hbm>> -> memref<1x1x1x8x128xf32, #tpu.memory_space<hbm>>
        %dma_wait3A_1529 = tpu.memref_squeeze %dma_wait3A_1528 : memref<1x1x1x8x128xf32, #tpu.memory_space<hbm>> -> memref<8x128xf32, #tpu.memory_space<hbm>>
        %dma_wait3A_1530 = arith.constant 0 : i32
        %dma_wait3A_1531 = arith.constant 0 : i32
        %dma_wait3A_1532 = tpu.memref_slice %arg5[%dma_wait3A_1520, %dma_wait3A_1521, %dma_wait3A_1522, %dma_wait3A_1530, %dma_wait3A_1531] : memref<200x4x32x8x128xf32, #tpu.memory_space<hbm>> -> memref<1x1x1x8x128xf32, #tpu.memory_space<hbm>>
        %dma_wait3A_1533 = tpu.memref_squeeze %dma_wait3A_1532 : memref<1x1x1x8x128xf32, #tpu.memory_space<hbm>> -> memref<8x128xf32, #tpu.memory_space<hbm>>
        %dma_wait3A_1534 = arith.constant 8 : i32
        %dma_wait3A_1535 = arith.constant 0 : i32
        %dma_wait3A_1536 = tpu.memref_slice %arg23[%dma_wait3A_1534, %dma_wait3A_1535] : memref<32x129xf32, #tpu.memory_space<vmem>> -> memref<8x128xf32, #tpu.memory_space<vmem>>
        tpu.wait_dma2 semaphore(%arg39 : memref<!tpu.dma_semaphore, #tpu.memory_space<semaphore_mem>>) src(%dma_wait3A_1536 : memref<8x128xf32, #tpu.memory_space<vmem>>) dst(%dma_wait3A_1533 : memref<8x128xf32, #tpu.memory_space<hbm>>)
        %dma_wait3A_1537 = arith.constant 0 : i32
        %dma_wait3A_1538 = arith.constant 2 : i32
        %dma_wait3A_1539 = arith.constant 0 : i32
        %dma_wait3A_1540 = arith.constant 16 : i32
        %dma_wait3A_1541 = arith.constant 0 : i32
        %dma_wait3A_1542 = tpu.memref_slice %arg23[%dma_wait3A_1540, %dma_wait3A_1541] : memref<32x129xf32, #tpu.memory_space<vmem>> -> memref<8x128xf32, #tpu.memory_space<vmem>>
        %dma_wait3A_1543 = arith.constant 0 : i32
        %dma_wait3A_1544 = arith.constant 0 : i32
        %dma_wait3A_1545 = tpu.memref_slice %arg5[%dma_wait3A_1537, %dma_wait3A_1538, %dma_wait3A_1539, %dma_wait3A_1543, %dma_wait3A_1544] : memref<200x4x32x8x128xf32, #tpu.memory_space<hbm>> -> memref<1x1x1x8x128xf32, #tpu.memory_space<hbm>>
        %dma_wait3A_1546 = tpu.memref_squeeze %dma_wait3A_1545 : memref<1x1x1x8x128xf32, #tpu.memory_space<hbm>> -> memref<8x128xf32, #tpu.memory_space<hbm>>
        %dma_wait3A_1547 = arith.constant 0 : i32
        %dma_wait3A_1548 = arith.constant 0 : i32
        %dma_wait3A_1549 = tpu.memref_slice %arg5[%dma_wait3A_1537, %dma_wait3A_1538, %dma_wait3A_1539, %dma_wait3A_1547, %dma_wait3A_1548] : memref<200x4x32x8x128xf32, #tpu.memory_space<hbm>> -> memref<1x1x1x8x128xf32, #tpu.memory_space<hbm>>
        %dma_wait3A_1550 = tpu.memref_squeeze %dma_wait3A_1549 : memref<1x1x1x8x128xf32, #tpu.memory_space<hbm>> -> memref<8x128xf32, #tpu.memory_space<hbm>>
        %dma_wait3A_1551 = arith.constant 16 : i32
        %dma_wait3A_1552 = arith.constant 0 : i32
        %dma_wait3A_1553 = tpu.memref_slice %arg23[%dma_wait3A_1551, %dma_wait3A_1552] : memref<32x129xf32, #tpu.memory_space<vmem>> -> memref<8x128xf32, #tpu.memory_space<vmem>>
        tpu.wait_dma2 semaphore(%arg39 : memref<!tpu.dma_semaphore, #tpu.memory_space<semaphore_mem>>) src(%dma_wait3A_1553 : memref<8x128xf32, #tpu.memory_space<vmem>>) dst(%dma_wait3A_1550 : memref<8x128xf32, #tpu.memory_space<hbm>>)
        %dma_wait3A_1554 = arith.constant 0 : i32
        %dma_wait3A_1555 = arith.constant 3 : i32
        %dma_wait3A_1556 = arith.constant 0 : i32
        %dma_wait3A_1557 = arith.constant 24 : i32
        %dma_wait3A_1558 = arith.constant 0 : i32
        %dma_wait3A_1559 = tpu.memref_slice %arg23[%dma_wait3A_1557, %dma_wait3A_1558] : memref<32x129xf32, #tpu.memory_space<vmem>> -> memref<8x128xf32, #tpu.memory_space<vmem>>
        %dma_wait3A_1560 = arith.constant 0 : i32
        %dma_wait3A_1561 = arith.constant 0 : i32
        %dma_wait3A_1562 = tpu.memref_slice %arg5[%dma_wait3A_1554, %dma_wait3A_1555, %dma_wait3A_1556, %dma_wait3A_1560, %dma_wait3A_1561] : memref<200x4x32x8x128xf32, #tpu.memory_space<hbm>> -> memref<1x1x1x8x128xf32, #tpu.memory_space<hbm>>
        %dma_wait3A_1563 = tpu.memref_squeeze %dma_wait3A_1562 : memref<1x1x1x8x128xf32, #tpu.memory_space<hbm>> -> memref<8x128xf32, #tpu.memory_space<hbm>>
        %dma_wait3A_1564 = arith.constant 0 : i32
        %dma_wait3A_1565 = arith.constant 0 : i32
        %dma_wait3A_1566 = tpu.memref_slice %arg5[%dma_wait3A_1554, %dma_wait3A_1555, %dma_wait3A_1556, %dma_wait3A_1564, %dma_wait3A_1565] : memref<200x4x32x8x128xf32, #tpu.memory_space<hbm>> -> memref<1x1x1x8x128xf32, #tpu.memory_space<hbm>>
        %dma_wait3A_1567 = tpu.memref_squeeze %dma_wait3A_1566 : memref<1x1x1x8x128xf32, #tpu.memory_space<hbm>> -> memref<8x128xf32, #tpu.memory_space<hbm>>
        %dma_wait3A_1568 = arith.constant 24 : i32
        %dma_wait3A_1569 = arith.constant 0 : i32
        %dma_wait3A_1570 = tpu.memref_slice %arg23[%dma_wait3A_1568, %dma_wait3A_1569] : memref<32x129xf32, #tpu.memory_space<vmem>> -> memref<8x128xf32, #tpu.memory_space<vmem>>
        tpu.wait_dma2 semaphore(%arg39 : memref<!tpu.dma_semaphore, #tpu.memory_space<semaphore_mem>>) src(%dma_wait3A_1570 : memref<8x128xf32, #tpu.memory_space<vmem>>) dst(%dma_wait3A_1567 : memref<8x128xf32, #tpu.memory_space<hbm>>)
      } else {
      }
      %mul3A_666 = arith.constant 128 : i32
      %mul3A_667 = arith.muli %add3A_660, %mul3A_666 : i32
      %dma_start3A_668 = tpu.memref_slice %arg6[%mul3A_667] : memref<25600xi32, #tpu.memory_space<vmem>> -> memref<128xi32, #tpu.memory_space<vmem>>
      %dma_start3A_669 = arith.constant 0 : i32
      %dma_start3A_670 = arith.constant 0 : i32
      %dma_start3A_671 = tpu.memref_slice %arg2[%dma_start3A_669, %dma_start3A_670] : memref<1000000x32xf32, #tpu.memory_space<hbm>> -> memref<1000000x32xf32, #tpu.memory_space<hbm>>
      tpu.enqueue_indirect_dma source(%dma_start3A_671 : memref<1000000x32xf32, #tpu.memory_space<hbm>>) target(%arg15 : memref<128x32xf32, #tpu.memory_space<vmem>>) offsets(%dma_start3A_668 : memref<128xi32, #tpu.memory_space<vmem>>) semaphore(%arg31 : memref<!tpu.dma_semaphore, #tpu.memory_space<semaphore_mem>>)
      %mul3A_672 = arith.constant 8 : i32
      %mul3A_673 = arith.muli %scan3A_554, %mul3A_672 : i32
      %add3A_674 = arith.addi %mul3A_2, %mul3A_673 : i32
      %add3A_675 = arith.constant 0 : i32
      %add3A_676 = arith.addi %add3A_674, %add3A_675 : i32
      %jit3A = arith.constant 32 : i32
      %div3A = arith.divsi %add3A_676, %jit3A : i32
      %sign3A = arith.constant 0 : i32
      %sign3A_677 = arith.cmpi sgt, %add3A_676, %sign3A : i32
      %sign3A_678 = arith.extui %sign3A_677 : i1 to i32
      %sign3A_679 = arith.constant 0 : i32
      %sign3A_680 = arith.cmpi slt, %add3A_676, %sign3A_679 : i32
      %sign3A_681 = arith.extui %sign3A_680 : i1 to i32
      %sign3A_682 = arith.subi %sign3A_678, %sign3A_681 : i32
      %sign3A_683 = arith.constant 0 : i32
      %sign3A_684 = arith.cmpi sgt, %jit3A, %sign3A_683 : i32
      %sign3A_685 = arith.extui %sign3A_684 : i1 to i32
      %sign3A_686 = arith.constant 0 : i32
      %sign3A_687 = arith.cmpi slt, %jit3A, %sign3A_686 : i32
      %sign3A_688 = arith.extui %sign3A_687 : i1 to i32
      %sign3A_689 = arith.subi %sign3A_685, %sign3A_688 : i32
      %ne3A = arith.cmpi ne, %sign3A_682, %sign3A_689 : i32
      %rem3A = arith.remsi %add3A_676, %jit3A : i32
      %ne3A_690 = arith.constant 0 : i32
      %ne3A_691 = arith.cmpi ne, %rem3A, %ne3A_690 : i32
      %and3A = arith.andi %ne3A, %ne3A_691 : i1
      %sub3A = arith.constant 1 : i32
      %sub3A_692 = arith.subi %div3A, %sub3A : i32
      %select_n3A = arith.select %and3A, %sub3A_692, %div3A : i32
      %rem3A_693 = arith.constant 32 : i32
      %rem3A_694 = arith.remsi %add3A_676, %rem3A_693 : i32
      %dma_wait3A_695 = tpu.memref_slice %arg6[%mul3A_563] : memref<25600xi32, #tpu.memory_space<vmem>> -> memref<128xi32, #tpu.memory_space<vmem>>
      %dma_wait3A_696 = arith.constant 0 : i32
      %dma_wait3A_697 = arith.constant 0 : i32
      %dma_wait3A_698 = tpu.memref_slice %arg2[%dma_wait3A_696, %dma_wait3A_697] : memref<1000000x32xf32, #tpu.memory_space<hbm>> -> memref<1000000x32xf32, #tpu.memory_space<hbm>>
      tpu.wait_indirect_dma semaphore(%arg24 : memref<!tpu.dma_semaphore, #tpu.memory_space<semaphore_mem>>) src(%dma_wait3A_698 : memref<1000000x32xf32, #tpu.memory_space<hbm>>) dst(%arg8 : memref<128x32xf32, #tpu.memory_space<vmem>>)
      %get3A = arith.index_cast %select_n3A : i32 to index
      %get3A_699 = arith.constant 0 : index
      %get3A_700 = tpu.vector_load %arg7[%get3A, %get3A_699] {strides = array<i32>} : memref<200x32xf32, #tpu.memory_space<vmem>>, vector<16xf32>,
      %get3A_701 = arith.index_cast %select_n3A : i32 to index
      %get3A_702 = arith.constant 16 : index
      %get3A_703 = tpu.vector_load %arg7[%get3A_701, %get3A_702] {strides = array<i32>} : memref<200x32xf32, #tpu.memory_space<vmem>>, vector<16xf32>,
      %parallel_loop3A = arith.constant 0 : i32
      %parallel_loop3A_704 = arith.constant 128 : i32
      %parallel_loop3A_705 = arith.constant 1 : i32
      %parallel_loop3A_706:2 = scf.for %parallel_loop3A_1503 = %parallel_loop3A to %parallel_loop3A_704 step %parallel_loop3A_705 iter_args(%parallel_loop3A_1504 = %get3A_700, %parallel_loop3A_1505 = %get3A_703) -> (vector<16xf32>, vector<16xf32>)  : i32 {
        %parallel_loop3A_1506 = vector.broadcast %parallel_loop3A_1503 : i32 to vector<16xi32>
        %parallel_loop3A_1507 = arith.index_cast %parallel_loop3A_1503 : i32 to index
        %parallel_loop3A_1508 = arith.constant 0 : index
        %parallel_loop3A_1509 = tpu.vector_load %arg8[%parallel_loop3A_1507, %parallel_loop3A_1508] {strides = array<i32>} : memref<128x32xf32, #tpu.memory_space<vmem>>, vector<16xf32>,
        %parallel_loop3A_1510 = arith.constant 5.65685415 : f32
        %parallel_loop3A_1511 = vector.broadcast %parallel_loop3A_1510 : f32 to vector<16xf32>
        %parallel_loop3A_1512 = arith.mulf %parallel_loop3A_1509, %parallel_loop3A_1511 : vector<16xf32>
        %parallel_loop3A_1513 = arith.addf %parallel_loop3A_1512, %parallel_loop3A_1504 : vector<16xf32>
        %parallel_loop3A_1514 = arith.index_cast %parallel_loop3A_1503 : i32 to index
        %parallel_loop3A_1515 = arith.constant 16 : index
        %parallel_loop3A_1516 = tpu.vector_load %arg8[%parallel_loop3A_1514, %parallel_loop3A_1515] {strides = array<i32>} : memref<128x32xf32, #tpu.memory_space<vmem>>, vector<16xf32>,
        %parallel_loop3A_1517 = arith.constant 5.65685415 : f32
        %parallel_loop3A_1518 = vector.broadcast %parallel_loop3A_1517 : f32 to vector<16xf32>
        %parallel_loop3A_1519 = arith.mulf %parallel_loop3A_1516, %parallel_loop3A_1518 : vector<16xf32>
        %parallel_loop3A_1520 = arith.addf %parallel_loop3A_1519, %parallel_loop3A_1505 : vector<16xf32>
        tpu.vector_store_idx %arg16[%iota3A, %parallel_loop3A_1506], %parallel_loop3A_1513 : memref<32x129xf32, #tpu.memory_space<vmem>>[vector<16xi32>, vector<16xi32>], vector<16xf32>,
        %parallel_loop3A_1521 = arith.constant 16 : i32
        %parallel_loop3A_1522 = vector.broadcast %parallel_loop3A_1521 : i32 to vector<16xi32>
        %parallel_loop3A_1523 = arith.addi %iota3A, %parallel_loop3A_1522 : vector<16xi32>
        tpu.vector_store_idx %arg16[%parallel_loop3A_1523, %parallel_loop3A_1506], %parallel_loop3A_1520 : memref<32x129xf32, #tpu.memory_space<vmem>>[vector<16xi32>, vector<16xi32>], vector<16xf32>,
        scf.yield %parallel_loop3A_1504, %parallel_loop3A_1505 : vector<16xf32>, vector<16xf32>
      } {sc.loop_unroll_factor = 4 : i64, sc.parallel_access}
      %dma_start3A_707 = arith.constant 0 : i32
      %dma_start3A_708 = arith.constant 0 : i32
      %dma_start3A_709 = arith.constant 0 : i32
      %dma_start3A_710 = tpu.memref_slice %arg16[%dma_start3A_708, %dma_start3A_709] : memref<32x129xf32, #tpu.memory_space<vmem>> -> memref<8x128xf32, #tpu.memory_space<vmem>>
      %dma_start3A_711 = arith.constant 0 : i32
      %dma_start3A_712 = arith.constant 0 : i32
      %dma_start3A_713 = tpu.memref_slice %arg5[%select_n3A, %dma_start3A_707, %rem3A_694, %dma_start3A_711, %dma_start3A_712] : memref<200x4x32x8x128xf32, #tpu.memory_space<hbm>> -> memref<1x1x1x8x128xf32, #tpu.memory_space<hbm>>
      %dma_start3A_714 = tpu.memref_squeeze %dma_start3A_713 : memref<1x1x1x8x128xf32, #tpu.memory_space<hbm>> -> memref<8x128xf32, #tpu.memory_space<hbm>>
      %dma_start3A_715 = arith.constant 0 : i32
      %dma_start3A_716 = arith.constant 0 : i32
      %dma_start3A_717 = tpu.memref_slice %arg5[%select_n3A, %dma_start3A_707, %rem3A_694, %dma_start3A_715, %dma_start3A_716] : memref<200x4x32x8x128xf32, #tpu.memory_space<hbm>> -> memref<1x1x1x8x128xf32, #tpu.memory_space<hbm>>
      %dma_start3A_718 = tpu.memref_squeeze %dma_start3A_717 : memref<1x1x1x8x128xf32, #tpu.memory_space<hbm>> -> memref<8x128xf32, #tpu.memory_space<hbm>>
      %dma_start3A_719 = arith.constant 0 : i32
      %dma_start3A_720 = arith.constant 0 : i32
      %dma_start3A_721 = tpu.memref_slice %arg16[%dma_start3A_719, %dma_start3A_720] : memref<32x129xf32, #tpu.memory_space<vmem>> -> memref<8x128xf32, #tpu.memory_space<vmem>>
      tpu.enqueue_dma source(%dma_start3A_721 : memref<8x128xf32, #tpu.memory_space<vmem>>) target(%dma_start3A_718 : memref<8x128xf32, #tpu.memory_space<hbm>>) target_semaphore(%arg32 : memref<!tpu.dma_semaphore, #tpu.memory_space<semaphore_mem>>)
      %dma_start3A_722 = arith.constant 1 : i32
      %dma_start3A_723 = arith.constant 8 : i32
      %dma_start3A_724 = arith.constant 0 : i32
      %dma_start3A_725 = tpu.memref_slice %arg16[%dma_start3A_723, %dma_start3A_724] : memref<32x129xf32, #tpu.memory_space<vmem>> -> memref<8x128xf32, #tpu.memory_space<vmem>>
      %dma_start3A_726 = arith.constant 0 : i32
      %dma_start3A_727 = arith.constant 0 : i32
      %dma_start3A_728 = tpu.memref_slice %arg5[%select_n3A, %dma_start3A_722, %rem3A_694, %dma_start3A_726, %dma_start3A_727] : memref<200x4x32x8x128xf32, #tpu.memory_space<hbm>> -> memref<1x1x1x8x128xf32, #tpu.memory_space<hbm>>
      %dma_start3A_729 = tpu.memref_squeeze %dma_start3A_728 : memref<1x1x1x8x128xf32, #tpu.memory_space<hbm>> -> memref<8x128xf32, #tpu.memory_space<hbm>>
      %dma_start3A_730 = arith.constant 0 : i32
      %dma_start3A_731 = arith.constant 0 : i32
      %dma_start3A_732 = tpu.memref_slice %arg5[%select_n3A, %dma_start3A_722, %rem3A_694, %dma_start3A_730, %dma_start3A_731] : memref<200x4x32x8x128xf32, #tpu.memory_space<hbm>> -> memref<1x1x1x8x128xf32, #tpu.memory_space<hbm>>
      %dma_start3A_733 = tpu.memref_squeeze %dma_start3A_732 : memref<1x1x1x8x128xf32, #tpu.memory_space<hbm>> -> memref<8x128xf32, #tpu.memory_space<hbm>>
      %dma_start3A_734 = arith.constant 8 : i32
      %dma_start3A_735 = arith.constant 0 : i32
      %dma_start3A_736 = tpu.memref_slice %arg16[%dma_start3A_734, %dma_start3A_735] : memref<32x129xf32, #tpu.memory_space<vmem>> -> memref<8x128xf32, #tpu.memory_space<vmem>>
      tpu.enqueue_dma source(%dma_start3A_736 : memref<8x128xf32, #tpu.memory_space<vmem>>) target(%dma_start3A_733 : memref<8x128xf32, #tpu.memory_space<hbm>>) target_semaphore(%arg32 : memref<!tpu.dma_semaphore, #tpu.memory_space<semaphore_mem>>)
      %dma_start3A_737 = arith.constant 2 : i32
      %dma_start3A_738 = arith.constant 16 : i32
      %dma_start3A_739 = arith.constant 0 : i32
      %dma_start3A_740 = tpu.memref_slice %arg16[%dma_start3A_738, %dma_start3A_739] : memref<32x129xf32, #tpu.memory_space<vmem>> -> memref<8x128xf32, #tpu.memory_space<vmem>>
      %dma_start3A_741 = arith.constant 0 : i32
      %dma_start3A_742 = arith.constant 0 : i32
      %dma_start3A_743 = tpu.memref_slice %arg5[%select_n3A, %dma_start3A_737, %rem3A_694, %dma_start3A_741, %dma_start3A_742] : memref<200x4x32x8x128xf32, #tpu.memory_space<hbm>> -> memref<1x1x1x8x128xf32, #tpu.memory_space<hbm>>
      %dma_start3A_744 = tpu.memref_squeeze %dma_start3A_743 : memref<1x1x1x8x128xf32, #tpu.memory_space<hbm>> -> memref<8x128xf32, #tpu.memory_space<hbm>>
      %dma_start3A_745 = arith.constant 0 : i32
      %dma_start3A_746 = arith.constant 0 : i32
      %dma_start3A_747 = tpu.memref_slice %arg5[%select_n3A, %dma_start3A_737, %rem3A_694, %dma_start3A_745, %dma_start3A_746] : memref<200x4x32x8x128xf32, #tpu.memory_space<hbm>> -> memref<1x1x1x8x128xf32, #tpu.memory_space<hbm>>
      %dma_start3A_748 = tpu.memref_squeeze %dma_start3A_747 : memref<1x1x1x8x128xf32, #tpu.memory_space<hbm>> -> memref<8x128xf32, #tpu.memory_space<hbm>>
      %dma_start3A_749 = arith.constant 16 : i32
      %dma_start3A_750 = arith.constant 0 : i32
      %dma_start3A_751 = tpu.memref_slice %arg16[%dma_start3A_749, %dma_start3A_750] : memref<32x129xf32, #tpu.memory_space<vmem>> -> memref<8x128xf32, #tpu.memory_space<vmem>>
      tpu.enqueue_dma source(%dma_start3A_751 : memref<8x128xf32, #tpu.memory_space<vmem>>) target(%dma_start3A_748 : memref<8x128xf32, #tpu.memory_space<hbm>>) target_semaphore(%arg32 : memref<!tpu.dma_semaphore, #tpu.memory_space<semaphore_mem>>)
      %dma_start3A_752 = arith.constant 3 : i32
      %dma_start3A_753 = arith.constant 24 : i32
      %dma_start3A_754 = arith.constant 0 : i32
      %dma_start3A_755 = tpu.memref_slice %arg16[%dma_start3A_753, %dma_start3A_754] : memref<32x129xf32, #tpu.memory_space<vmem>> -> memref<8x128xf32, #tpu.memory_space<vmem>>
      %dma_start3A_756 = arith.constant 0 : i32
      %dma_start3A_757 = arith.constant 0 : i32
      %dma_start3A_758 = tpu.memref_slice %arg5[%select_n3A, %dma_start3A_752, %rem3A_694, %dma_start3A_756, %dma_start3A_757] : memref<200x4x32x8x128xf32, #tpu.memory_space<hbm>> -> memref<1x1x1x8x128xf32, #tpu.memory_space<hbm>>
      %dma_start3A_759 = tpu.memref_squeeze %dma_start3A_758 : memref<1x1x1x8x128xf32, #tpu.memory_space<hbm>> -> memref<8x128xf32, #tpu.memory_space<hbm>>
      %dma_start3A_760 = arith.constant 0 : i32
      %dma_start3A_761 = arith.constant 0 : i32
      %dma_start3A_762 = tpu.memref_slice %arg5[%select_n3A, %dma_start3A_752, %rem3A_694, %dma_start3A_760, %dma_start3A_761] : memref<200x4x32x8x128xf32, #tpu.memory_space<hbm>> -> memref<1x1x1x8x128xf32, #tpu.memory_space<hbm>>
      %dma_start3A_763 = tpu.memref_squeeze %dma_start3A_762 : memref<1x1x1x8x128xf32, #tpu.memory_space<hbm>> -> memref<8x128xf32, #tpu.memory_space<hbm>>
      %dma_start3A_764 = arith.constant 24 : i32
      %dma_start3A_765 = arith.constant 0 : i32
      %dma_start3A_766 = tpu.memref_slice %arg16[%dma_start3A_764, %dma_start3A_765] : memref<32x129xf32, #tpu.memory_space<vmem>> -> memref<8x128xf32, #tpu.memory_space<vmem>>
      tpu.enqueue_dma source(%dma_start3A_766 : memref<8x128xf32, #tpu.memory_space<vmem>>) target(%dma_start3A_763 : memref<8x128xf32, #tpu.memory_space<hbm>>) target_semaphore(%arg32 : memref<!tpu.dma_semaphore, #tpu.memory_space<semaphore_mem>>)
      %mul3A_767 = arith.constant 8 : i32
      %mul3A_768 = arith.muli %scan3A_554, %mul3A_767 : i32
      %add3A_769 = arith.addi %mul3A_2, %mul3A_768 : i32
      %add3A_770 = arith.constant 1 : i32
      %add3A_771 = arith.addi %add3A_769, %add3A_770 : i32
      %jit3A_772 = arith.constant 32 : i32
      %div3A_773 = arith.divsi %add3A_771, %jit3A_772 : i32
      %sign3A_774 = arith.constant 0 : i32
      %sign3A_775 = arith.cmpi sgt, %add3A_771, %sign3A_774 : i32
      %sign3A_776 = arith.extui %sign3A_775 : i1 to i32
      %sign3A_777 = arith.constant 0 : i32
      %sign3A_778 = arith.cmpi slt, %add3A_771, %sign3A_777 : i32
      %sign3A_779 = arith.extui %sign3A_778 : i1 to i32
      %sign3A_780 = arith.subi %sign3A_776, %sign3A_779 : i32
      %sign3A_781 = arith.constant 0 : i32
      %sign3A_782 = arith.cmpi sgt, %jit3A_772, %sign3A_781 : i32
      %sign3A_783 = arith.extui %sign3A_782 : i1 to i32
      %sign3A_784 = arith.constant 0 : i32
      %sign3A_785 = arith.cmpi slt, %jit3A_772, %sign3A_784 : i32
      %sign3A_786 = arith.extui %sign3A_785 : i1 to i32
      %sign3A_787 = arith.subi %sign3A_783, %sign3A_786 : i32
      %ne3A_788 = arith.cmpi ne, %sign3A_780, %sign3A_787 : i32
      %rem3A_789 = arith.remsi %add3A_771, %jit3A_772 : i32
      %ne3A_790 = arith.constant 0 : i32
      %ne3A_791 = arith.cmpi ne, %rem3A_789, %ne3A_790 : i32
      %and3A_792 = arith.andi %ne3A_788, %ne3A_791 : i1
      %sub3A_793 = arith.constant 1 : i32
      %sub3A_794 = arith.subi %div3A_773, %sub3A_793 : i32
      %select_n3A_795 = arith.select %and3A_792, %sub3A_794, %div3A_773 : i32
      %rem3A_796 = arith.constant 32 : i32
      %rem3A_797 = arith.remsi %add3A_771, %rem3A_796 : i32
      %dma_wait3A_798 = tpu.memref_slice %arg6[%mul3A_577] : memref<25600xi32, #tpu.memory_space<vmem>> -> memref<128xi32, #tpu.memory_space<vmem>>
      %dma_wait3A_799 = arith.constant 0 : i32
      %dma_wait3A_800 = arith.constant 0 : i32
      %dma_wait3A_801 = tpu.memref_slice %arg2[%dma_wait3A_799, %dma_wait3A_800] : memref<1000000x32xf32, #tpu.memory_space<hbm>> -> memref<1000000x32xf32, #tpu.memory_space<hbm>>
      tpu.wait_indirect_dma semaphore(%arg25 : memref<!tpu.dma_semaphore, #tpu.memory_space<semaphore_mem>>) src(%dma_wait3A_801 : memref<1000000x32xf32, #tpu.memory_space<hbm>>) dst(%arg9 : memref<128x32xf32, #tpu.memory_space<vmem>>)
      %get3A_802 = arith.index_cast %select_n3A_795 : i32 to index
      %get3A_803 = arith.constant 0 : index
      %get3A_804 = tpu.vector_load %arg7[%get3A_802, %get3A_803] {strides = array<i32>} : memref<200x32xf32, #tpu.memory_space<vmem>>, vector<16xf32>,
      %get3A_805 = arith.index_cast %select_n3A_795 : i32 to index
      %get3A_806 = arith.constant 16 : index
      %get3A_807 = tpu.vector_load %arg7[%get3A_805, %get3A_806] {strides = array<i32>} : memref<200x32xf32, #tpu.memory_space<vmem>>, vector<16xf32>,
      %parallel_loop3A_808 = arith.constant 0 : i32
      %parallel_loop3A_809 = arith.constant 128 : i32
      %parallel_loop3A_810 = arith.constant 1 : i32
      %parallel_loop3A_811:2 = scf.for %parallel_loop3A_1503 = %parallel_loop3A_808 to %parallel_loop3A_809 step %parallel_loop3A_810 iter_args(%parallel_loop3A_1504 = %get3A_804, %parallel_loop3A_1505 = %get3A_807) -> (vector<16xf32>, vector<16xf32>)  : i32 {
        %parallel_loop3A_1506 = vector.broadcast %parallel_loop3A_1503 : i32 to vector<16xi32>
        %parallel_loop3A_1507 = arith.index_cast %parallel_loop3A_1503 : i32 to index
        %parallel_loop3A_1508 = arith.constant 0 : index
        %parallel_loop3A_1509 = tpu.vector_load %arg9[%parallel_loop3A_1507, %parallel_loop3A_1508] {strides = array<i32>} : memref<128x32xf32, #tpu.memory_space<vmem>>, vector<16xf32>,
        %parallel_loop3A_1510 = arith.constant 5.65685415 : f32
        %parallel_loop3A_1511 = vector.broadcast %parallel_loop3A_1510 : f32 to vector<16xf32>
        %parallel_loop3A_1512 = arith.mulf %parallel_loop3A_1509, %parallel_loop3A_1511 : vector<16xf32>
        %parallel_loop3A_1513 = arith.addf %parallel_loop3A_1512, %parallel_loop3A_1504 : vector<16xf32>
        %parallel_loop3A_1514 = arith.index_cast %parallel_loop3A_1503 : i32 to index
        %parallel_loop3A_1515 = arith.constant 16 : index
        %parallel_loop3A_1516 = tpu.vector_load %arg9[%parallel_loop3A_1514, %parallel_loop3A_1515] {strides = array<i32>} : memref<128x32xf32, #tpu.memory_space<vmem>>, vector<16xf32>,
        %parallel_loop3A_1517 = arith.constant 5.65685415 : f32
        %parallel_loop3A_1518 = vector.broadcast %parallel_loop3A_1517 : f32 to vector<16xf32>
        %parallel_loop3A_1519 = arith.mulf %parallel_loop3A_1516, %parallel_loop3A_1518 : vector<16xf32>
        %parallel_loop3A_1520 = arith.addf %parallel_loop3A_1519, %parallel_loop3A_1505 : vector<16xf32>
        tpu.vector_store_idx %arg17[%iota3A, %parallel_loop3A_1506], %parallel_loop3A_1513 : memref<32x129xf32, #tpu.memory_space<vmem>>[vector<16xi32>, vector<16xi32>], vector<16xf32>,
        %parallel_loop3A_1521 = arith.constant 16 : i32
        %parallel_loop3A_1522 = vector.broadcast %parallel_loop3A_1521 : i32 to vector<16xi32>
        %parallel_loop3A_1523 = arith.addi %iota3A, %parallel_loop3A_1522 : vector<16xi32>
        tpu.vector_store_idx %arg17[%parallel_loop3A_1523, %parallel_loop3A_1506], %parallel_loop3A_1520 : memref<32x129xf32, #tpu.memory_space<vmem>>[vector<16xi32>, vector<16xi32>], vector<16xf32>,
        scf.yield %parallel_loop3A_1504, %parallel_loop3A_1505 : vector<16xf32>, vector<16xf32>
      } {sc.loop_unroll_factor = 4 : i64, sc.parallel_access}
      %dma_start3A_812 = arith.constant 0 : i32
      %dma_start3A_813 = arith.constant 0 : i32
      %dma_start3A_814 = arith.constant 0 : i32
      %dma_start3A_815 = tpu.memref_slice %arg17[%dma_start3A_813, %dma_start3A_814] : memref<32x129xf32, #tpu.memory_space<vmem>> -> memref<8x128xf32, #tpu.memory_space<vmem>>
      %dma_start3A_816 = arith.constant 0 : i32
      %dma_start3A_817 = arith.constant 0 : i32
      %dma_start3A_818 = tpu.memref_slice %arg5[%select_n3A_795, %dma_start3A_812, %rem3A_797, %dma_start3A_816, %dma_start3A_817] : memref<200x4x32x8x128xf32, #tpu.memory_space<hbm>> -> memref<1x1x1x8x128xf32, #tpu.memory_space<hbm>>
      %dma_start3A_819 = tpu.memref_squeeze %dma_start3A_818 : memref<1x1x1x8x128xf32, #tpu.memory_space<hbm>> -> memref<8x128xf32, #tpu.memory_space<hbm>>
      %dma_start3A_820 = arith.constant 0 : i32
      %dma_start3A_821 = arith.constant 0 : i32
      %dma_start3A_822 = tpu.memref_slice %arg5[%select_n3A_795, %dma_start3A_812, %rem3A_797, %dma_start3A_820, %dma_start3A_821] : memref<200x4x32x8x128xf32, #tpu.memory_space<hbm>> -> memref<1x1x1x8x128xf32, #tpu.memory_space<hbm>>
      %dma_start3A_823 = tpu.memref_squeeze %dma_start3A_822 : memref<1x1x1x8x128xf32, #tpu.memory_space<hbm>> -> memref<8x128xf32, #tpu.memory_space<hbm>>
      %dma_start3A_824 = arith.constant 0 : i32
      %dma_start3A_825 = arith.constant 0 : i32
      %dma_start3A_826 = tpu.memref_slice %arg17[%dma_start3A_824, %dma_start3A_825] : memref<32x129xf32, #tpu.memory_space<vmem>> -> memref<8x128xf32, #tpu.memory_space<vmem>>
      tpu.enqueue_dma source(%dma_start3A_826 : memref<8x128xf32, #tpu.memory_space<vmem>>) target(%dma_start3A_823 : memref<8x128xf32, #tpu.memory_space<hbm>>) target_semaphore(%arg33 : memref<!tpu.dma_semaphore, #tpu.memory_space<semaphore_mem>>)
      %dma_start3A_827 = arith.constant 1 : i32
      %dma_start3A_828 = arith.constant 8 : i32
      %dma_start3A_829 = arith.constant 0 : i32
      %dma_start3A_830 = tpu.memref_slice %arg17[%dma_start3A_828, %dma_start3A_829] : memref<32x129xf32, #tpu.memory_space<vmem>> -> memref<8x128xf32, #tpu.memory_space<vmem>>
      %dma_start3A_831 = arith.constant 0 : i32
      %dma_start3A_832 = arith.constant 0 : i32
      %dma_start3A_833 = tpu.memref_slice %arg5[%select_n3A_795, %dma_start3A_827, %rem3A_797, %dma_start3A_831, %dma_start3A_832] : memref<200x4x32x8x128xf32, #tpu.memory_space<hbm>> -> memref<1x1x1x8x128xf32, #tpu.memory_space<hbm>>
      %dma_start3A_834 = tpu.memref_squeeze %dma_start3A_833 : memref<1x1x1x8x128xf32, #tpu.memory_space<hbm>> -> memref<8x128xf32, #tpu.memory_space<hbm>>
      %dma_start3A_835 = arith.constant 0 : i32
      %dma_start3A_836 = arith.constant 0 : i32
      %dma_start3A_837 = tpu.memref_slice %arg5[%select_n3A_795, %dma_start3A_827, %rem3A_797, %dma_start3A_835, %dma_start3A_836] : memref<200x4x32x8x128xf32, #tpu.memory_space<hbm>> -> memref<1x1x1x8x128xf32, #tpu.memory_space<hbm>>
      %dma_start3A_838 = tpu.memref_squeeze %dma_start3A_837 : memref<1x1x1x8x128xf32, #tpu.memory_space<hbm>> -> memref<8x128xf32, #tpu.memory_space<hbm>>
      %dma_start3A_839 = arith.constant 8 : i32
      %dma_start3A_840 = arith.constant 0 : i32
      %dma_start3A_841 = tpu.memref_slice %arg17[%dma_start3A_839, %dma_start3A_840] : memref<32x129xf32, #tpu.memory_space<vmem>> -> memref<8x128xf32, #tpu.memory_space<vmem>>
      tpu.enqueue_dma source(%dma_start3A_841 : memref<8x128xf32, #tpu.memory_space<vmem>>) target(%dma_start3A_838 : memref<8x128xf32, #tpu.memory_space<hbm>>) target_semaphore(%arg33 : memref<!tpu.dma_semaphore, #tpu.memory_space<semaphore_mem>>)
      %dma_start3A_842 = arith.constant 2 : i32
      %dma_start3A_843 = arith.constant 16 : i32
      %dma_start3A_844 = arith.constant 0 : i32
      %dma_start3A_845 = tpu.memref_slice %arg17[%dma_start3A_843, %dma_start3A_844] : memref<32x129xf32, #tpu.memory_space<vmem>> -> memref<8x128xf32, #tpu.memory_space<vmem>>
      %dma_start3A_846 = arith.constant 0 : i32
      %dma_start3A_847 = arith.constant 0 : i32
      %dma_start3A_848 = tpu.memref_slice %arg5[%select_n3A_795, %dma_start3A_842, %rem3A_797, %dma_start3A_846, %dma_start3A_847] : memref<200x4x32x8x128xf32, #tpu.memory_space<hbm>> -> memref<1x1x1x8x128xf32, #tpu.memory_space<hbm>>
      %dma_start3A_849 = tpu.memref_squeeze %dma_start3A_848 : memref<1x1x1x8x128xf32, #tpu.memory_space<hbm>> -> memref<8x128xf32, #tpu.memory_space<hbm>>
      %dma_start3A_850 = arith.constant 0 : i32
      %dma_start3A_851 = arith.constant 0 : i32
      %dma_start3A_852 = tpu.memref_slice %arg5[%select_n3A_795, %dma_start3A_842, %rem3A_797, %dma_start3A_850, %dma_start3A_851] : memref<200x4x32x8x128xf32, #tpu.memory_space<hbm>> -> memref<1x1x1x8x128xf32, #tpu.memory_space<hbm>>
      %dma_start3A_853 = tpu.memref_squeeze %dma_start3A_852 : memref<1x1x1x8x128xf32, #tpu.memory_space<hbm>> -> memref<8x128xf32, #tpu.memory_space<hbm>>
      %dma_start3A_854 = arith.constant 16 : i32
      %dma_start3A_855 = arith.constant 0 : i32
      %dma_start3A_856 = tpu.memref_slice %arg17[%dma_start3A_854, %dma_start3A_855] : memref<32x129xf32, #tpu.memory_space<vmem>> -> memref<8x128xf32, #tpu.memory_space<vmem>>
      tpu.enqueue_dma source(%dma_start3A_856 : memref<8x128xf32, #tpu.memory_space<vmem>>) target(%dma_start3A_853 : memref<8x128xf32, #tpu.memory_space<hbm>>) target_semaphore(%arg33 : memref<!tpu.dma_semaphore, #tpu.memory_space<semaphore_mem>>)
      %dma_start3A_857 = arith.constant 3 : i32
      %dma_start3A_858 = arith.constant 24 : i32
      %dma_start3A_859 = arith.constant 0 : i32
      %dma_start3A_860 = tpu.memref_slice %arg17[%dma_start3A_858, %dma_start3A_859] : memref<32x129xf32, #tpu.memory_space<vmem>> -> memref<8x128xf32, #tpu.memory_space<vmem>>
      %dma_start3A_861 = arith.constant 0 : i32
      %dma_start3A_862 = arith.constant 0 : i32
      %dma_start3A_863 = tpu.memref_slice %arg5[%select_n3A_795, %dma_start3A_857, %rem3A_797, %dma_start3A_861, %dma_start3A_862] : memref<200x4x32x8x128xf32, #tpu.memory_space<hbm>> -> memref<1x1x1x8x128xf32, #tpu.memory_space<hbm>>
      %dma_start3A_864 = tpu.memref_squeeze %dma_start3A_863 : memref<1x1x1x8x128xf32, #tpu.memory_space<hbm>> -> memref<8x128xf32, #tpu.memory_space<hbm>>
      %dma_start3A_865 = arith.constant 0 : i32
      %dma_start3A_866 = arith.constant 0 : i32
      %dma_start3A_867 = tpu.memref_slice %arg5[%select_n3A_795, %dma_start3A_857, %rem3A_797, %dma_start3A_865, %dma_start3A_866] : memref<200x4x32x8x128xf32, #tpu.memory_space<hbm>> -> memref<1x1x1x8x128xf32, #tpu.memory_space<hbm>>
      %dma_start3A_868 = tpu.memref_squeeze %dma_start3A_867 : memref<1x1x1x8x128xf32, #tpu.memory_space<hbm>> -> memref<8x128xf32, #tpu.memory_space<hbm>>
      %dma_start3A_869 = arith.constant 24 : i32
      %dma_start3A_870 = arith.constant 0 : i32
      %dma_start3A_871 = tpu.memref_slice %arg17[%dma_start3A_869, %dma_start3A_870] : memref<32x129xf32, #tpu.memory_space<vmem>> -> memref<8x128xf32, #tpu.memory_space<vmem>>
      tpu.enqueue_dma source(%dma_start3A_871 : memref<8x128xf32, #tpu.memory_space<vmem>>) target(%dma_start3A_868 : memref<8x128xf32, #tpu.memory_space<hbm>>) target_semaphore(%arg33 : memref<!tpu.dma_semaphore, #tpu.memory_space<semaphore_mem>>)
      %mul3A_872 = arith.constant 8 : i32
      %mul3A_873 = arith.muli %scan3A_554, %mul3A_872 : i32
      %add3A_874 = arith.addi %mul3A_2, %mul3A_873 : i32
      %add3A_875 = arith.constant 2 : i32
      %add3A_876 = arith.addi %add3A_874, %add3A_875 : i32
      %jit3A_877 = arith.constant 32 : i32
      %div3A_878 = arith.divsi %add3A_876, %jit3A_877 : i32
      %sign3A_879 = arith.constant 0 : i32
      %sign3A_880 = arith.cmpi sgt, %add3A_876, %sign3A_879 : i32
      %sign3A_881 = arith.extui %sign3A_880 : i1 to i32
      %sign3A_882 = arith.constant 0 : i32
      %sign3A_883 = arith.cmpi slt, %add3A_876, %sign3A_882 : i32
      %sign3A_884 = arith.extui %sign3A_883 : i1 to i32
      %sign3A_885 = arith.subi %sign3A_881, %sign3A_884 : i32
      %sign3A_886 = arith.constant 0 : i32
      %sign3A_887 = arith.cmpi sgt, %jit3A_877, %sign3A_886 : i32
      %sign3A_888 = arith.extui %sign3A_887 : i1 to i32
      %sign3A_889 = arith.constant 0 : i32
      %sign3A_890 = arith.cmpi slt, %jit3A_877, %sign3A_889 : i32
      %sign3A_891 = arith.extui %sign3A_890 : i1 to i32
      %sign3A_892 = arith.subi %sign3A_888, %sign3A_891 : i32
      %ne3A_893 = arith.cmpi ne, %sign3A_885, %sign3A_892 : i32
      %rem3A_894 = arith.remsi %add3A_876, %jit3A_877 : i32
      %ne3A_895 = arith.constant 0 : i32
      %ne3A_896 = arith.cmpi ne, %rem3A_894, %ne3A_895 : i32
      %and3A_897 = arith.andi %ne3A_893, %ne3A_896 : i1
      %sub3A_898 = arith.constant 1 : i32
      %sub3A_899 = arith.subi %div3A_878, %sub3A_898 : i32
      %select_n3A_900 = arith.select %and3A_897, %sub3A_899, %div3A_878 : i32
      %rem3A_901 = arith.constant 32 : i32
      %rem3A_902 = arith.remsi %add3A_876, %rem3A_901 : i32
      %dma_wait3A_903 = tpu.memref_slice %arg6[%mul3A_592] : memref<25600xi32, #tpu.memory_space<vmem>> -> memref<128xi32, #tpu.memory_space<vmem>>
      %dma_wait3A_904 = arith.constant 0 : i32
      %dma_wait3A_905 = arith.constant 0 : i32
      %dma_wait3A_906 = tpu.memref_slice %arg2[%dma_wait3A_904, %dma_wait3A_905] : memref<1000000x32xf32, #tpu.memory_space<hbm>> -> memref<1000000x32xf32, #tpu.memory_space<hbm>>
      tpu.wait_indirect_dma semaphore(%arg26 : memref<!tpu.dma_semaphore, #tpu.memory_space<semaphore_mem>>) src(%dma_wait3A_906 : memref<1000000x32xf32, #tpu.memory_space<hbm>>) dst(%arg10 : memref<128x32xf32, #tpu.memory_space<vmem>>)
      %get3A_907 = arith.index_cast %select_n3A_900 : i32 to index
      %get3A_908 = arith.constant 0 : index
      %get3A_909 = tpu.vector_load %arg7[%get3A_907, %get3A_908] {strides = array<i32>} : memref<200x32xf32, #tpu.memory_space<vmem>>, vector<16xf32>,
      %get3A_910 = arith.index_cast %select_n3A_900 : i32 to index
      %get3A_911 = arith.constant 16 : index
      %get3A_912 = tpu.vector_load %arg7[%get3A_910, %get3A_911] {strides = array<i32>} : memref<200x32xf32, #tpu.memory_space<vmem>>, vector<16xf32>,
      %parallel_loop3A_913 = arith.constant 0 : i32
      %parallel_loop3A_914 = arith.constant 128 : i32
      %parallel_loop3A_915 = arith.constant 1 : i32
      %parallel_loop3A_916:2 = scf.for %parallel_loop3A_1503 = %parallel_loop3A_913 to %parallel_loop3A_914 step %parallel_loop3A_915 iter_args(%parallel_loop3A_1504 = %get3A_909, %parallel_loop3A_1505 = %get3A_912) -> (vector<16xf32>, vector<16xf32>)  : i32 {
        %parallel_loop3A_1506 = vector.broadcast %parallel_loop3A_1503 : i32 to vector<16xi32>
        %parallel_loop3A_1507 = arith.index_cast %parallel_loop3A_1503 : i32 to index
        %parallel_loop3A_1508 = arith.constant 0 : index
        %parallel_loop3A_1509 = tpu.vector_load %arg10[%parallel_loop3A_1507, %parallel_loop3A_1508] {strides = array<i32>} : memref<128x32xf32, #tpu.memory_space<vmem>>, vector<16xf32>,
        %parallel_loop3A_1510 = arith.constant 5.65685415 : f32
        %parallel_loop3A_1511 = vector.broadcast %parallel_loop3A_1510 : f32 to vector<16xf32>
        %parallel_loop3A_1512 = arith.mulf %parallel_loop3A_1509, %parallel_loop3A_1511 : vector<16xf32>
        %parallel_loop3A_1513 = arith.addf %parallel_loop3A_1512, %parallel_loop3A_1504 : vector<16xf32>
        %parallel_loop3A_1514 = arith.index_cast %parallel_loop3A_1503 : i32 to index
        %parallel_loop3A_1515 = arith.constant 16 : index
        %parallel_loop3A_1516 = tpu.vector_load %arg10[%parallel_loop3A_1514, %parallel_loop3A_1515] {strides = array<i32>} : memref<128x32xf32, #tpu.memory_space<vmem>>, vector<16xf32>,
        %parallel_loop3A_1517 = arith.constant 5.65685415 : f32
        %parallel_loop3A_1518 = vector.broadcast %parallel_loop3A_1517 : f32 to vector<16xf32>
        %parallel_loop3A_1519 = arith.mulf %parallel_loop3A_1516, %parallel_loop3A_1518 : vector<16xf32>
        %parallel_loop3A_1520 = arith.addf %parallel_loop3A_1519, %parallel_loop3A_1505 : vector<16xf32>
        tpu.vector_store_idx %arg18[%iota3A, %parallel_loop3A_1506], %parallel_loop3A_1513 : memref<32x129xf32, #tpu.memory_space<vmem>>[vector<16xi32>, vector<16xi32>], vector<16xf32>,
        %parallel_loop3A_1521 = arith.constant 16 : i32
        %parallel_loop3A_1522 = vector.broadcast %parallel_loop3A_1521 : i32 to vector<16xi32>
        %parallel_loop3A_1523 = arith.addi %iota3A, %parallel_loop3A_1522 : vector<16xi32>
        tpu.vector_store_idx %arg18[%parallel_loop3A_1523, %parallel_loop3A_1506], %parallel_loop3A_1520 : memref<32x129xf32, #tpu.memory_space<vmem>>[vector<16xi32>, vector<16xi32>], vector<16xf32>,
        scf.yield %parallel_loop3A_1504, %parallel_loop3A_1505 : vector<16xf32>, vector<16xf32>
      } {sc.loop_unroll_factor = 4 : i64, sc.parallel_access}
      %dma_start3A_917 = arith.constant 0 : i32
      %dma_start3A_918 = arith.constant 0 : i32
      %dma_start3A_919 = arith.constant 0 : i32
      %dma_start3A_920 = tpu.memref_slice %arg18[%dma_start3A_918, %dma_start3A_919] : memref<32x129xf32, #tpu.memory_space<vmem>> -> memref<8x128xf32, #tpu.memory_space<vmem>>
      %dma_start3A_921 = arith.constant 0 : i32
      %dma_start3A_922 = arith.constant 0 : i32
      %dma_start3A_923 = tpu.memref_slice %arg5[%select_n3A_900, %dma_start3A_917, %rem3A_902, %dma_start3A_921, %dma_start3A_922] : memref<200x4x32x8x128xf32, #tpu.memory_space<hbm>> -> memref<1x1x1x8x128xf32, #tpu.memory_space<hbm>>
      %dma_start3A_924 = tpu.memref_squeeze %dma_start3A_923 : memref<1x1x1x8x128xf32, #tpu.memory_space<hbm>> -> memref<8x128xf32, #tpu.memory_space<hbm>>
      %dma_start3A_925 = arith.constant 0 : i32
      %dma_start3A_926 = arith.constant 0 : i32
      %dma_start3A_927 = tpu.memref_slice %arg5[%select_n3A_900, %dma_start3A_917, %rem3A_902, %dma_start3A_925, %dma_start3A_926] : memref<200x4x32x8x128xf32, #tpu.memory_space<hbm>> -> memref<1x1x1x8x128xf32, #tpu.memory_space<hbm>>
      %dma_start3A_928 = tpu.memref_squeeze %dma_start3A_927 : memref<1x1x1x8x128xf32, #tpu.memory_space<hbm>> -> memref<8x128xf32, #tpu.memory_space<hbm>>
      %dma_start3A_929 = arith.constant 0 : i32
      %dma_start3A_930 = arith.constant 0 : i32
      %dma_start3A_931 = tpu.memref_slice %arg18[%dma_start3A_929, %dma_start3A_930] : memref<32x129xf32, #tpu.memory_space<vmem>> -> memref<8x128xf32, #tpu.memory_space<vmem>>
      tpu.enqueue_dma source(%dma_start3A_931 : memref<8x128xf32, #tpu.memory_space<vmem>>) target(%dma_start3A_928 : memref<8x128xf32, #tpu.memory_space<hbm>>) target_semaphore(%arg34 : memref<!tpu.dma_semaphore, #tpu.memory_space<semaphore_mem>>)
      %dma_start3A_932 = arith.constant 1 : i32
      %dma_start3A_933 = arith.constant 8 : i32
      %dma_start3A_934 = arith.constant 0 : i32
      %dma_start3A_935 = tpu.memref_slice %arg18[%dma_start3A_933, %dma_start3A_934] : memref<32x129xf32, #tpu.memory_space<vmem>> -> memref<8x128xf32, #tpu.memory_space<vmem>>
      %dma_start3A_936 = arith.constant 0 : i32
      %dma_start3A_937 = arith.constant 0 : i32
      %dma_start3A_938 = tpu.memref_slice %arg5[%select_n3A_900, %dma_start3A_932, %rem3A_902, %dma_start3A_936, %dma_start3A_937] : memref<200x4x32x8x128xf32, #tpu.memory_space<hbm>> -> memref<1x1x1x8x128xf32, #tpu.memory_space<hbm>>
      %dma_start3A_939 = tpu.memref_squeeze %dma_start3A_938 : memref<1x1x1x8x128xf32, #tpu.memory_space<hbm>> -> memref<8x128xf32, #tpu.memory_space<hbm>>
      %dma_start3A_940 = arith.constant 0 : i32
      %dma_start3A_941 = arith.constant 0 : i32
      %dma_start3A_942 = tpu.memref_slice %arg5[%select_n3A_900, %dma_start3A_932, %rem3A_902, %dma_start3A_940, %dma_start3A_941] : memref<200x4x32x8x128xf32, #tpu.memory_space<hbm>> -> memref<1x1x1x8x128xf32, #tpu.memory_space<hbm>>
      %dma_start3A_943 = tpu.memref_squeeze %dma_start3A_942 : memref<1x1x1x8x128xf32, #tpu.memory_space<hbm>> -> memref<8x128xf32, #tpu.memory_space<hbm>>
      %dma_start3A_944 = arith.constant 8 : i32
      %dma_start3A_945 = arith.constant 0 : i32
      %dma_start3A_946 = tpu.memref_slice %arg18[%dma_start3A_944, %dma_start3A_945] : memref<32x129xf32, #tpu.memory_space<vmem>> -> memref<8x128xf32, #tpu.memory_space<vmem>>
      tpu.enqueue_dma source(%dma_start3A_946 : memref<8x128xf32, #tpu.memory_space<vmem>>) target(%dma_start3A_943 : memref<8x128xf32, #tpu.memory_space<hbm>>) target_semaphore(%arg34 : memref<!tpu.dma_semaphore, #tpu.memory_space<semaphore_mem>>)
      %dma_start3A_947 = arith.constant 2 : i32
      %dma_start3A_948 = arith.constant 16 : i32
      %dma_start3A_949 = arith.constant 0 : i32
      %dma_start3A_950 = tpu.memref_slice %arg18[%dma_start3A_948, %dma_start3A_949] : memref<32x129xf32, #tpu.memory_space<vmem>> -> memref<8x128xf32, #tpu.memory_space<vmem>>
      %dma_start3A_951 = arith.constant 0 : i32
      %dma_start3A_952 = arith.constant 0 : i32
      %dma_start3A_953 = tpu.memref_slice %arg5[%select_n3A_900, %dma_start3A_947, %rem3A_902, %dma_start3A_951, %dma_start3A_952] : memref<200x4x32x8x128xf32, #tpu.memory_space<hbm>> -> memref<1x1x1x8x128xf32, #tpu.memory_space<hbm>>
      %dma_start3A_954 = tpu.memref_squeeze %dma_start3A_953 : memref<1x1x1x8x128xf32, #tpu.memory_space<hbm>> -> memref<8x128xf32, #tpu.memory_space<hbm>>
      %dma_start3A_955 = arith.constant 0 : i32
      %dma_start3A_956 = arith.constant 0 : i32
      %dma_start3A_957 = tpu.memref_slice %arg5[%select_n3A_900, %dma_start3A_947, %rem3A_902, %dma_start3A_955, %dma_start3A_956] : memref<200x4x32x8x128xf32, #tpu.memory_space<hbm>> -> memref<1x1x1x8x128xf32, #tpu.memory_space<hbm>>
      %dma_start3A_958 = tpu.memref_squeeze %dma_start3A_957 : memref<1x1x1x8x128xf32, #tpu.memory_space<hbm>> -> memref<8x128xf32, #tpu.memory_space<hbm>>
      %dma_start3A_959 = arith.constant 16 : i32
      %dma_start3A_960 = arith.constant 0 : i32
      %dma_start3A_961 = tpu.memref_slice %arg18[%dma_start3A_959, %dma_start3A_960] : memref<32x129xf32, #tpu.memory_space<vmem>> -> memref<8x128xf32, #tpu.memory_space<vmem>>
      tpu.enqueue_dma source(%dma_start3A_961 : memref<8x128xf32, #tpu.memory_space<vmem>>) target(%dma_start3A_958 : memref<8x128xf32, #tpu.memory_space<hbm>>) target_semaphore(%arg34 : memref<!tpu.dma_semaphore, #tpu.memory_space<semaphore_mem>>)
      %dma_start3A_962 = arith.constant 3 : i32
      %dma_start3A_963 = arith.constant 24 : i32
      %dma_start3A_964 = arith.constant 0 : i32
      %dma_start3A_965 = tpu.memref_slice %arg18[%dma_start3A_963, %dma_start3A_964] : memref<32x129xf32, #tpu.memory_space<vmem>> -> memref<8x128xf32, #tpu.memory_space<vmem>>
      %dma_start3A_966 = arith.constant 0 : i32
      %dma_start3A_967 = arith.constant 0 : i32
      %dma_start3A_968 = tpu.memref_slice %arg5[%select_n3A_900, %dma_start3A_962, %rem3A_902, %dma_start3A_966, %dma_start3A_967] : memref<200x4x32x8x128xf32, #tpu.memory_space<hbm>> -> memref<1x1x1x8x128xf32, #tpu.memory_space<hbm>>
      %dma_start3A_969 = tpu.memref_squeeze %dma_start3A_968 : memref<1x1x1x8x128xf32, #tpu.memory_space<hbm>> -> memref<8x128xf32, #tpu.memory_space<hbm>>
      %dma_start3A_970 = arith.constant 0 : i32
      %dma_start3A_971 = arith.constant 0 : i32
      %dma_start3A_972 = tpu.memref_slice %arg5[%select_n3A_900, %dma_start3A_962, %rem3A_902, %dma_start3A_970, %dma_start3A_971] : memref<200x4x32x8x128xf32, #tpu.memory_space<hbm>> -> memref<1x1x1x8x128xf32, #tpu.memory_space<hbm>>
      %dma_start3A_973 = tpu.memref_squeeze %dma_start3A_972 : memref<1x1x1x8x128xf32, #tpu.memory_space<hbm>> -> memref<8x128xf32, #tpu.memory_space<hbm>>
      %dma_start3A_974 = arith.constant 24 : i32
      %dma_start3A_975 = arith.constant 0 : i32
      %dma_start3A_976 = tpu.memref_slice %arg18[%dma_start3A_974, %dma_start3A_975] : memref<32x129xf32, #tpu.memory_space<vmem>> -> memref<8x128xf32, #tpu.memory_space<vmem>>
      tpu.enqueue_dma source(%dma_start3A_976 : memref<8x128xf32, #tpu.memory_space<vmem>>) target(%dma_start3A_973 : memref<8x128xf32, #tpu.memory_space<hbm>>) target_semaphore(%arg34 : memref<!tpu.dma_semaphore, #tpu.memory_space<semaphore_mem>>)
      %mul3A_977 = arith.constant 8 : i32
      %mul3A_978 = arith.muli %scan3A_554, %mul3A_977 : i32
      %add3A_979 = arith.addi %mul3A_2, %mul3A_978 : i32
      %add3A_980 = arith.constant 3 : i32
      %add3A_981 = arith.addi %add3A_979, %add3A_980 : i32
      %jit3A_982 = arith.constant 32 : i32
      %div3A_983 = arith.divsi %add3A_981, %jit3A_982 : i32
      %sign3A_984 = arith.constant 0 : i32
      %sign3A_985 = arith.cmpi sgt, %add3A_981, %sign3A_984 : i32
      %sign3A_986 = arith.extui %sign3A_985 : i1 to i32
      %sign3A_987 = arith.constant 0 : i32
      %sign3A_988 = arith.cmpi slt, %add3A_981, %sign3A_987 : i32
      %sign3A_989 = arith.extui %sign3A_988 : i1 to i32
      %sign3A_990 = arith.subi %sign3A_986, %sign3A_989 : i32
      %sign3A_991 = arith.constant 0 : i32
      %sign3A_992 = arith.cmpi sgt, %jit3A_982, %sign3A_991 : i32
      %sign3A_993 = arith.extui %sign3A_992 : i1 to i32
      %sign3A_994 = arith.constant 0 : i32
      %sign3A_995 = arith.cmpi slt, %jit3A_982, %sign3A_994 : i32
      %sign3A_996 = arith.extui %sign3A_995 : i1 to i32
      %sign3A_997 = arith.subi %sign3A_993, %sign3A_996 : i32
      %ne3A_998 = arith.cmpi ne, %sign3A_990, %sign3A_997 : i32
      %rem3A_999 = arith.remsi %add3A_981, %jit3A_982 : i32
      %ne3A_1000 = arith.constant 0 : i32
      %ne3A_1001 = arith.cmpi ne, %rem3A_999, %ne3A_1000 : i32
      %and3A_1002 = arith.andi %ne3A_998, %ne3A_1001 : i1
      %sub3A_1003 = arith.constant 1 : i32
      %sub3A_1004 = arith.subi %div3A_983, %sub3A_1003 : i32
      %select_n3A_1005 = arith.select %and3A_1002, %sub3A_1004, %div3A_983 : i32
      %rem3A_1006 = arith.constant 32 : i32
      %rem3A_1007 = arith.remsi %add3A_981, %rem3A_1006 : i32
      %dma_wait3A_1008 = tpu.memref_slice %arg6[%mul3A_607] : memref<25600xi32, #tpu.memory_space<vmem>> -> memref<128xi32, #tpu.memory_space<vmem>>
      %dma_wait3A_1009 = arith.constant 0 : i32
      %dma_wait3A_1010 = arith.constant 0 : i32
      %dma_wait3A_1011 = tpu.memref_slice %arg2[%dma_wait3A_1009, %dma_wait3A_1010] : memref<1000000x32xf32, #tpu.memory_space<hbm>> -> memref<1000000x32xf32, #tpu.memory_space<hbm>>
      tpu.wait_indirect_dma semaphore(%arg27 : memref<!tpu.dma_semaphore, #tpu.memory_space<semaphore_mem>>) src(%dma_wait3A_1011 : memref<1000000x32xf32, #tpu.memory_space<hbm>>) dst(%arg11 : memref<128x32xf32, #tpu.memory_space<vmem>>)
      %get3A_1012 = arith.index_cast %select_n3A_1005 : i32 to index
      %get3A_1013 = arith.constant 0 : index
      %get3A_1014 = tpu.vector_load %arg7[%get3A_1012, %get3A_1013] {strides = array<i32>} : memref<200x32xf32, #tpu.memory_space<vmem>>, vector<16xf32>,
      %get3A_1015 = arith.index_cast %select_n3A_1005 : i32 to index
      %get3A_1016 = arith.constant 16 : index
      %get3A_1017 = tpu.vector_load %arg7[%get3A_1015, %get3A_1016] {strides = array<i32>} : memref<200x32xf32, #tpu.memory_space<vmem>>, vector<16xf32>,
      %parallel_loop3A_1018 = arith.constant 0 : i32
      %parallel_loop3A_1019 = arith.constant 128 : i32
      %parallel_loop3A_1020 = arith.constant 1 : i32
      %parallel_loop3A_1021:2 = scf.for %parallel_loop3A_1503 = %parallel_loop3A_1018 to %parallel_loop3A_1019 step %parallel_loop3A_1020 iter_args(%parallel_loop3A_1504 = %get3A_1014, %parallel_loop3A_1505 = %get3A_1017) -> (vector<16xf32>, vector<16xf32>)  : i32 {
        %parallel_loop3A_1506 = vector.broadcast %parallel_loop3A_1503 : i32 to vector<16xi32>
        %parallel_loop3A_1507 = arith.index_cast %parallel_loop3A_1503 : i32 to index
        %parallel_loop3A_1508 = arith.constant 0 : index
        %parallel_loop3A_1509 = tpu.vector_load %arg11[%parallel_loop3A_1507, %parallel_loop3A_1508] {strides = array<i32>} : memref<128x32xf32, #tpu.memory_space<vmem>>, vector<16xf32>,
        %parallel_loop3A_1510 = arith.constant 5.65685415 : f32
        %parallel_loop3A_1511 = vector.broadcast %parallel_loop3A_1510 : f32 to vector<16xf32>
        %parallel_loop3A_1512 = arith.mulf %parallel_loop3A_1509, %parallel_loop3A_1511 : vector<16xf32>
        %parallel_loop3A_1513 = arith.addf %parallel_loop3A_1512, %parallel_loop3A_1504 : vector<16xf32>
        %parallel_loop3A_1514 = arith.index_cast %parallel_loop3A_1503 : i32 to index
        %parallel_loop3A_1515 = arith.constant 16 : index
        %parallel_loop3A_1516 = tpu.vector_load %arg11[%parallel_loop3A_1514, %parallel_loop3A_1515] {strides = array<i32>} : memref<128x32xf32, #tpu.memory_space<vmem>>, vector<16xf32>,
        %parallel_loop3A_1517 = arith.constant 5.65685415 : f32
        %parallel_loop3A_1518 = vector.broadcast %parallel_loop3A_1517 : f32 to vector<16xf32>
        %parallel_loop3A_1519 = arith.mulf %parallel_loop3A_1516, %parallel_loop3A_1518 : vector<16xf32>
        %parallel_loop3A_1520 = arith.addf %parallel_loop3A_1519, %parallel_loop3A_1505 : vector<16xf32>
        tpu.vector_store_idx %arg19[%iota3A, %parallel_loop3A_1506], %parallel_loop3A_1513 : memref<32x129xf32, #tpu.memory_space<vmem>>[vector<16xi32>, vector<16xi32>], vector<16xf32>,
        %parallel_loop3A_1521 = arith.constant 16 : i32
        %parallel_loop3A_1522 = vector.broadcast %parallel_loop3A_1521 : i32 to vector<16xi32>
        %parallel_loop3A_1523 = arith.addi %iota3A, %parallel_loop3A_1522 : vector<16xi32>
        tpu.vector_store_idx %arg19[%parallel_loop3A_1523, %parallel_loop3A_1506], %parallel_loop3A_1520 : memref<32x129xf32, #tpu.memory_space<vmem>>[vector<16xi32>, vector<16xi32>], vector<16xf32>,
        scf.yield %parallel_loop3A_1504, %parallel_loop3A_1505 : vector<16xf32>, vector<16xf32>
      } {sc.loop_unroll_factor = 4 : i64, sc.parallel_access}
      %dma_start3A_1022 = arith.constant 0 : i32
      %dma_start3A_1023 = arith.constant 0 : i32
      %dma_start3A_1024 = arith.constant 0 : i32
      %dma_start3A_1025 = tpu.memref_slice %arg19[%dma_start3A_1023, %dma_start3A_1024] : memref<32x129xf32, #tpu.memory_space<vmem>> -> memref<8x128xf32, #tpu.memory_space<vmem>>
      %dma_start3A_1026 = arith.constant 0 : i32
      %dma_start3A_1027 = arith.constant 0 : i32
      %dma_start3A_1028 = tpu.memref_slice %arg5[%select_n3A_1005, %dma_start3A_1022, %rem3A_1007, %dma_start3A_1026, %dma_start3A_1027] : memref<200x4x32x8x128xf32, #tpu.memory_space<hbm>> -> memref<1x1x1x8x128xf32, #tpu.memory_space<hbm>>
      %dma_start3A_1029 = tpu.memref_squeeze %dma_start3A_1028 : memref<1x1x1x8x128xf32, #tpu.memory_space<hbm>> -> memref<8x128xf32, #tpu.memory_space<hbm>>
      %dma_start3A_1030 = arith.constant 0 : i32
      %dma_start3A_1031 = arith.constant 0 : i32
      %dma_start3A_1032 = tpu.memref_slice %arg5[%select_n3A_1005, %dma_start3A_1022, %rem3A_1007, %dma_start3A_1030, %dma_start3A_1031] : memref<200x4x32x8x128xf32, #tpu.memory_space<hbm>> -> memref<1x1x1x8x128xf32, #tpu.memory_space<hbm>>
      %dma_start3A_1033 = tpu.memref_squeeze %dma_start3A_1032 : memref<1x1x1x8x128xf32, #tpu.memory_space<hbm>> -> memref<8x128xf32, #tpu.memory_space<hbm>>
      %dma_start3A_1034 = arith.constant 0 : i32
      %dma_start3A_1035 = arith.constant 0 : i32
      %dma_start3A_1036 = tpu.memref_slice %arg19[%dma_start3A_1034, %dma_start3A_1035] : memref<32x129xf32, #tpu.memory_space<vmem>> -> memref<8x128xf32, #tpu.memory_space<vmem>>
      tpu.enqueue_dma source(%dma_start3A_1036 : memref<8x128xf32, #tpu.memory_space<vmem>>) target(%dma_start3A_1033 : memref<8x128xf32, #tpu.memory_space<hbm>>) target_semaphore(%arg35 : memref<!tpu.dma_semaphore, #tpu.memory_space<semaphore_mem>>)
      %dma_start3A_1037 = arith.constant 1 : i32
      %dma_start3A_1038 = arith.constant 8 : i32
      %dma_start3A_1039 = arith.constant 0 : i32
      %dma_start3A_1040 = tpu.memref_slice %arg19[%dma_start3A_1038, %dma_start3A_1039] : memref<32x129xf32, #tpu.memory_space<vmem>> -> memref<8x128xf32, #tpu.memory_space<vmem>>
      %dma_start3A_1041 = arith.constant 0 : i32
      %dma_start3A_1042 = arith.constant 0 : i32
      %dma_start3A_1043 = tpu.memref_slice %arg5[%select_n3A_1005, %dma_start3A_1037, %rem3A_1007, %dma_start3A_1041, %dma_start3A_1042] : memref<200x4x32x8x128xf32, #tpu.memory_space<hbm>> -> memref<1x1x1x8x128xf32, #tpu.memory_space<hbm>>
      %dma_start3A_1044 = tpu.memref_squeeze %dma_start3A_1043 : memref<1x1x1x8x128xf32, #tpu.memory_space<hbm>> -> memref<8x128xf32, #tpu.memory_space<hbm>>
      %dma_start3A_1045 = arith.constant 0 : i32
      %dma_start3A_1046 = arith.constant 0 : i32
      %dma_start3A_1047 = tpu.memref_slice %arg5[%select_n3A_1005, %dma_start3A_1037, %rem3A_1007, %dma_start3A_1045, %dma_start3A_1046] : memref<200x4x32x8x128xf32, #tpu.memory_space<hbm>> -> memref<1x1x1x8x128xf32, #tpu.memory_space<hbm>>
      %dma_start3A_1048 = tpu.memref_squeeze %dma_start3A_1047 : memref<1x1x1x8x128xf32, #tpu.memory_space<hbm>> -> memref<8x128xf32, #tpu.memory_space<hbm>>
      %dma_start3A_1049 = arith.constant 8 : i32
      %dma_start3A_1050 = arith.constant 0 : i32
      %dma_start3A_1051 = tpu.memref_slice %arg19[%dma_start3A_1049, %dma_start3A_1050] : memref<32x129xf32, #tpu.memory_space<vmem>> -> memref<8x128xf32, #tpu.memory_space<vmem>>
      tpu.enqueue_dma source(%dma_start3A_1051 : memref<8x128xf32, #tpu.memory_space<vmem>>) target(%dma_start3A_1048 : memref<8x128xf32, #tpu.memory_space<hbm>>) target_semaphore(%arg35 : memref<!tpu.dma_semaphore, #tpu.memory_space<semaphore_mem>>)
      %dma_start3A_1052 = arith.constant 2 : i32
      %dma_start3A_1053 = arith.constant 16 : i32
      %dma_start3A_1054 = arith.constant 0 : i32
      %dma_start3A_1055 = tpu.memref_slice %arg19[%dma_start3A_1053, %dma_start3A_1054] : memref<32x129xf32, #tpu.memory_space<vmem>> -> memref<8x128xf32, #tpu.memory_space<vmem>>
      %dma_start3A_1056 = arith.constant 0 : i32
      %dma_start3A_1057 = arith.constant 0 : i32
      %dma_start3A_1058 = tpu.memref_slice %arg5[%select_n3A_1005, %dma_start3A_1052, %rem3A_1007, %dma_start3A_1056, %dma_start3A_1057] : memref<200x4x32x8x128xf32, #tpu.memory_space<hbm>> -> memref<1x1x1x8x128xf32, #tpu.memory_space<hbm>>
      %dma_start3A_1059 = tpu.memref_squeeze %dma_start3A_1058 : memref<1x1x1x8x128xf32, #tpu.memory_space<hbm>> -> memref<8x128xf32, #tpu.memory_space<hbm>>
      %dma_start3A_1060 = arith.constant 0 : i32
      %dma_start3A_1061 = arith.constant 0 : i32
      %dma_start3A_1062 = tpu.memref_slice %arg5[%select_n3A_1005, %dma_start3A_1052, %rem3A_1007, %dma_start3A_1060, %dma_start3A_1061] : memref<200x4x32x8x128xf32, #tpu.memory_space<hbm>> -> memref<1x1x1x8x128xf32, #tpu.memory_space<hbm>>
      %dma_start3A_1063 = tpu.memref_squeeze %dma_start3A_1062 : memref<1x1x1x8x128xf32, #tpu.memory_space<hbm>> -> memref<8x128xf32, #tpu.memory_space<hbm>>
      %dma_start3A_1064 = arith.constant 16 : i32
      %dma_start3A_1065 = arith.constant 0 : i32
      %dma_start3A_1066 = tpu.memref_slice %arg19[%dma_start3A_1064, %dma_start3A_1065] : memref<32x129xf32, #tpu.memory_space<vmem>> -> memref<8x128xf32, #tpu.memory_space<vmem>>
      tpu.enqueue_dma source(%dma_start3A_1066 : memref<8x128xf32, #tpu.memory_space<vmem>>) target(%dma_start3A_1063 : memref<8x128xf32, #tpu.memory_space<hbm>>) target_semaphore(%arg35 : memref<!tpu.dma_semaphore, #tpu.memory_space<semaphore_mem>>)
      %dma_start3A_1067 = arith.constant 3 : i32
      %dma_start3A_1068 = arith.constant 24 : i32
      %dma_start3A_1069 = arith.constant 0 : i32
      %dma_start3A_1070 = tpu.memref_slice %arg19[%dma_start3A_1068, %dma_start3A_1069] : memref<32x129xf32, #tpu.memory_space<vmem>> -> memref<8x128xf32, #tpu.memory_space<vmem>>
      %dma_start3A_1071 = arith.constant 0 : i32
      %dma_start3A_1072 = arith.constant 0 : i32
      %dma_start3A_1073 = tpu.memref_slice %arg5[%select_n3A_1005, %dma_start3A_1067, %rem3A_1007, %dma_start3A_1071, %dma_start3A_1072] : memref<200x4x32x8x128xf32, #tpu.memory_space<hbm>> -> memref<1x1x1x8x128xf32, #tpu.memory_space<hbm>>
      %dma_start3A_1074 = tpu.memref_squeeze %dma_start3A_1073 : memref<1x1x1x8x128xf32, #tpu.memory_space<hbm>> -> memref<8x128xf32, #tpu.memory_space<hbm>>
      %dma_start3A_1075 = arith.constant 0 : i32
      %dma_start3A_1076 = arith.constant 0 : i32
      %dma_start3A_1077 = tpu.memref_slice %arg5[%select_n3A_1005, %dma_start3A_1067, %rem3A_1007, %dma_start3A_1075, %dma_start3A_1076] : memref<200x4x32x8x128xf32, #tpu.memory_space<hbm>> -> memref<1x1x1x8x128xf32, #tpu.memory_space<hbm>>
      %dma_start3A_1078 = tpu.memref_squeeze %dma_start3A_1077 : memref<1x1x1x8x128xf32, #tpu.memory_space<hbm>> -> memref<8x128xf32, #tpu.memory_space<hbm>>
      %dma_start3A_1079 = arith.constant 24 : i32
      %dma_start3A_1080 = arith.constant 0 : i32
      %dma_start3A_1081 = tpu.memref_slice %arg19[%dma_start3A_1079, %dma_start3A_1080] : memref<32x129xf32, #tpu.memory_space<vmem>> -> memref<8x128xf32, #tpu.memory_space<vmem>>
      tpu.enqueue_dma source(%dma_start3A_1081 : memref<8x128xf32, #tpu.memory_space<vmem>>) target(%dma_start3A_1078 : memref<8x128xf32, #tpu.memory_space<hbm>>) target_semaphore(%arg35 : memref<!tpu.dma_semaphore, #tpu.memory_space<semaphore_mem>>)
      %mul3A_1082 = arith.constant 8 : i32
      %mul3A_1083 = arith.muli %scan3A_554, %mul3A_1082 : i32
      %add3A_1084 = arith.addi %mul3A_2, %mul3A_1083 : i32
      %add3A_1085 = arith.constant 4 : i32
      %add3A_1086 = arith.addi %add3A_1084, %add3A_1085 : i32
      %jit3A_1087 = arith.constant 32 : i32
      %div3A_1088 = arith.divsi %add3A_1086, %jit3A_1087 : i32
      %sign3A_1089 = arith.constant 0 : i32
      %sign3A_1090 = arith.cmpi sgt, %add3A_1086, %sign3A_1089 : i32
      %sign3A_1091 = arith.extui %sign3A_1090 : i1 to i32
      %sign3A_1092 = arith.constant 0 : i32
      %sign3A_1093 = arith.cmpi slt, %add3A_1086, %sign3A_1092 : i32
      %sign3A_1094 = arith.extui %sign3A_1093 : i1 to i32
      %sign3A_1095 = arith.subi %sign3A_1091, %sign3A_1094 : i32
      %sign3A_1096 = arith.constant 0 : i32
      %sign3A_1097 = arith.cmpi sgt, %jit3A_1087, %sign3A_1096 : i32
      %sign3A_1098 = arith.extui %sign3A_1097 : i1 to i32
      %sign3A_1099 = arith.constant 0 : i32
      %sign3A_1100 = arith.cmpi slt, %jit3A_1087, %sign3A_1099 : i32
      %sign3A_1101 = arith.extui %sign3A_1100 : i1 to i32
      %sign3A_1102 = arith.subi %sign3A_1098, %sign3A_1101 : i32
      %ne3A_1103 = arith.cmpi ne, %sign3A_1095, %sign3A_1102 : i32
      %rem3A_1104 = arith.remsi %add3A_1086, %jit3A_1087 : i32
      %ne3A_1105 = arith.constant 0 : i32
      %ne3A_1106 = arith.cmpi ne, %rem3A_1104, %ne3A_1105 : i32
      %and3A_1107 = arith.andi %ne3A_1103, %ne3A_1106 : i1
      %sub3A_1108 = arith.constant 1 : i32
      %sub3A_1109 = arith.subi %div3A_1088, %sub3A_1108 : i32
      %select_n3A_1110 = arith.select %and3A_1107, %sub3A_1109, %div3A_1088 : i32
      %rem3A_1111 = arith.constant 32 : i32
      %rem3A_1112 = arith.remsi %add3A_1086, %rem3A_1111 : i32
      %dma_wait3A_1113 = tpu.memref_slice %arg6[%mul3A_622] : memref<25600xi32, #tpu.memory_space<vmem>> -> memref<128xi32, #tpu.memory_space<vmem>>
      %dma_wait3A_1114 = arith.constant 0 : i32
      %dma_wait3A_1115 = arith.constant 0 : i32
      %dma_wait3A_1116 = tpu.memref_slice %arg2[%dma_wait3A_1114, %dma_wait3A_1115] : memref<1000000x32xf32, #tpu.memory_space<hbm>> -> memref<1000000x32xf32, #tpu.memory_space<hbm>>
      tpu.wait_indirect_dma semaphore(%arg28 : memref<!tpu.dma_semaphore, #tpu.memory_space<semaphore_mem>>) src(%dma_wait3A_1116 : memref<1000000x32xf32, #tpu.memory_space<hbm>>) dst(%arg12 : memref<128x32xf32, #tpu.memory_space<vmem>>)
      %get3A_1117 = arith.index_cast %select_n3A_1110 : i32 to index
      %get3A_1118 = arith.constant 0 : index
      %get3A_1119 = tpu.vector_load %arg7[%get3A_1117, %get3A_1118] {strides = array<i32>} : memref<200x32xf32, #tpu.memory_space<vmem>>, vector<16xf32>,
      %get3A_1120 = arith.index_cast %select_n3A_1110 : i32 to index
      %get3A_1121 = arith.constant 16 : index
      %get3A_1122 = tpu.vector_load %arg7[%get3A_1120, %get3A_1121] {strides = array<i32>} : memref<200x32xf32, #tpu.memory_space<vmem>>, vector<16xf32>,
      %parallel_loop3A_1123 = arith.constant 0 : i32
      %parallel_loop3A_1124 = arith.constant 128 : i32
      %parallel_loop3A_1125 = arith.constant 1 : i32
      %parallel_loop3A_1126:2 = scf.for %parallel_loop3A_1503 = %parallel_loop3A_1123 to %parallel_loop3A_1124 step %parallel_loop3A_1125 iter_args(%parallel_loop3A_1504 = %get3A_1119, %parallel_loop3A_1505 = %get3A_1122) -> (vector<16xf32>, vector<16xf32>)  : i32 {
        %parallel_loop3A_1506 = vector.broadcast %parallel_loop3A_1503 : i32 to vector<16xi32>
        %parallel_loop3A_1507 = arith.index_cast %parallel_loop3A_1503 : i32 to index
        %parallel_loop3A_1508 = arith.constant 0 : index
        %parallel_loop3A_1509 = tpu.vector_load %arg12[%parallel_loop3A_1507, %parallel_loop3A_1508] {strides = array<i32>} : memref<128x32xf32, #tpu.memory_space<vmem>>, vector<16xf32>,
        %parallel_loop3A_1510 = arith.constant 5.65685415 : f32
        %parallel_loop3A_1511 = vector.broadcast %parallel_loop3A_1510 : f32 to vector<16xf32>
        %parallel_loop3A_1512 = arith.mulf %parallel_loop3A_1509, %parallel_loop3A_1511 : vector<16xf32>
        %parallel_loop3A_1513 = arith.addf %parallel_loop3A_1512, %parallel_loop3A_1504 : vector<16xf32>
        %parallel_loop3A_1514 = arith.index_cast %parallel_loop3A_1503 : i32 to index
        %parallel_loop3A_1515 = arith.constant 16 : index
        %parallel_loop3A_1516 = tpu.vector_load %arg12[%parallel_loop3A_1514, %parallel_loop3A_1515] {strides = array<i32>} : memref<128x32xf32, #tpu.memory_space<vmem>>, vector<16xf32>,
        %parallel_loop3A_1517 = arith.constant 5.65685415 : f32
        %parallel_loop3A_1518 = vector.broadcast %parallel_loop3A_1517 : f32 to vector<16xf32>
        %parallel_loop3A_1519 = arith.mulf %parallel_loop3A_1516, %parallel_loop3A_1518 : vector<16xf32>
        %parallel_loop3A_1520 = arith.addf %parallel_loop3A_1519, %parallel_loop3A_1505 : vector<16xf32>
        tpu.vector_store_idx %arg20[%iota3A, %parallel_loop3A_1506], %parallel_loop3A_1513 : memref<32x129xf32, #tpu.memory_space<vmem>>[vector<16xi32>, vector<16xi32>], vector<16xf32>,
        %parallel_loop3A_1521 = arith.constant 16 : i32
        %parallel_loop3A_1522 = vector.broadcast %parallel_loop3A_1521 : i32 to vector<16xi32>
        %parallel_loop3A_1523 = arith.addi %iota3A, %parallel_loop3A_1522 : vector<16xi32>
        tpu.vector_store_idx %arg20[%parallel_loop3A_1523, %parallel_loop3A_1506], %parallel_loop3A_1520 : memref<32x129xf32, #tpu.memory_space<vmem>>[vector<16xi32>, vector<16xi32>], vector<16xf32>,
        scf.yield %parallel_loop3A_1504, %parallel_loop3A_1505 : vector<16xf32>, vector<16xf32>
      } {sc.loop_unroll_factor = 4 : i64, sc.parallel_access}
      %dma_start3A_1127 = arith.constant 0 : i32
      %dma_start3A_1128 = arith.constant 0 : i32
      %dma_start3A_1129 = arith.constant 0 : i32
      %dma_start3A_1130 = tpu.memref_slice %arg20[%dma_start3A_1128, %dma_start3A_1129] : memref<32x129xf32, #tpu.memory_space<vmem>> -> memref<8x128xf32, #tpu.memory_space<vmem>>
      %dma_start3A_1131 = arith.constant 0 : i32
      %dma_start3A_1132 = arith.constant 0 : i32
      %dma_start3A_1133 = tpu.memref_slice %arg5[%select_n3A_1110, %dma_start3A_1127, %rem3A_1112, %dma_start3A_1131, %dma_start3A_1132] : memref<200x4x32x8x128xf32, #tpu.memory_space<hbm>> -> memref<1x1x1x8x128xf32, #tpu.memory_space<hbm>>
      %dma_start3A_1134 = tpu.memref_squeeze %dma_start3A_1133 : memref<1x1x1x8x128xf32, #tpu.memory_space<hbm>> -> memref<8x128xf32, #tpu.memory_space<hbm>>
      %dma_start3A_1135 = arith.constant 0 : i32
      %dma_start3A_1136 = arith.constant 0 : i32
      %dma_start3A_1137 = tpu.memref_slice %arg5[%select_n3A_1110, %dma_start3A_1127, %rem3A_1112, %dma_start3A_1135, %dma_start3A_1136] : memref<200x4x32x8x128xf32, #tpu.memory_space<hbm>> -> memref<1x1x1x8x128xf32, #tpu.memory_space<hbm>>
      %dma_start3A_1138 = tpu.memref_squeeze %dma_start3A_1137 : memref<1x1x1x8x128xf32, #tpu.memory_space<hbm>> -> memref<8x128xf32, #tpu.memory_space<hbm>>
      %dma_start3A_1139 = arith.constant 0 : i32
      %dma_start3A_1140 = arith.constant 0 : i32
      %dma_start3A_1141 = tpu.memref_slice %arg20[%dma_start3A_1139, %dma_start3A_1140] : memref<32x129xf32, #tpu.memory_space<vmem>> -> memref<8x128xf32, #tpu.memory_space<vmem>>
      tpu.enqueue_dma source(%dma_start3A_1141 : memref<8x128xf32, #tpu.memory_space<vmem>>) target(%dma_start3A_1138 : memref<8x128xf32, #tpu.memory_space<hbm>>) target_semaphore(%arg36 : memref<!tpu.dma_semaphore, #tpu.memory_space<semaphore_mem>>)
      %dma_start3A_1142 = arith.constant 1 : i32
      %dma_start3A_1143 = arith.constant 8 : i32
      %dma_start3A_1144 = arith.constant 0 : i32
      %dma_start3A_1145 = tpu.memref_slice %arg20[%dma_start3A_1143, %dma_start3A_1144] : memref<32x129xf32, #tpu.memory_space<vmem>> -> memref<8x128xf32, #tpu.memory_space<vmem>>
      %dma_start3A_1146 = arith.constant 0 : i32
      %dma_start3A_1147 = arith.constant 0 : i32
      %dma_start3A_1148 = tpu.memref_slice %arg5[%select_n3A_1110, %dma_start3A_1142, %rem3A_1112, %dma_start3A_1146, %dma_start3A_1147] : memref<200x4x32x8x128xf32, #tpu.memory_space<hbm>> -> memref<1x1x1x8x128xf32, #tpu.memory_space<hbm>>
      %dma_start3A_1149 = tpu.memref_squeeze %dma_start3A_1148 : memref<1x1x1x8x128xf32, #tpu.memory_space<hbm>> -> memref<8x128xf32, #tpu.memory_space<hbm>>
      %dma_start3A_1150 = arith.constant 0 : i32
      %dma_start3A_1151 = arith.constant 0 : i32
      %dma_start3A_1152 = tpu.memref_slice %arg5[%select_n3A_1110, %dma_start3A_1142, %rem3A_1112, %dma_start3A_1150, %dma_start3A_1151] : memref<200x4x32x8x128xf32, #tpu.memory_space<hbm>> -> memref<1x1x1x8x128xf32, #tpu.memory_space<hbm>>
      %dma_start3A_1153 = tpu.memref_squeeze %dma_start3A_1152 : memref<1x1x1x8x128xf32, #tpu.memory_space<hbm>> -> memref<8x128xf32, #tpu.memory_space<hbm>>
      %dma_start3A_1154 = arith.constant 8 : i32
      %dma_start3A_1155 = arith.constant 0 : i32
      %dma_start3A_1156 = tpu.memref_slice %arg20[%dma_start3A_1154, %dma_start3A_1155] : memref<32x129xf32, #tpu.memory_space<vmem>> -> memref<8x128xf32, #tpu.memory_space<vmem>>
      tpu.enqueue_dma source(%dma_start3A_1156 : memref<8x128xf32, #tpu.memory_space<vmem>>) target(%dma_start3A_1153 : memref<8x128xf32, #tpu.memory_space<hbm>>) target_semaphore(%arg36 : memref<!tpu.dma_semaphore, #tpu.memory_space<semaphore_mem>>)
      %dma_start3A_1157 = arith.constant 2 : i32
      %dma_start3A_1158 = arith.constant 16 : i32
      %dma_start3A_1159 = arith.constant 0 : i32
      %dma_start3A_1160 = tpu.memref_slice %arg20[%dma_start3A_1158, %dma_start3A_1159] : memref<32x129xf32, #tpu.memory_space<vmem>> -> memref<8x128xf32, #tpu.memory_space<vmem>>
      %dma_start3A_1161 = arith.constant 0 : i32
      %dma_start3A_1162 = arith.constant 0 : i32
      %dma_start3A_1163 = tpu.memref_slice %arg5[%select_n3A_1110, %dma_start3A_1157, %rem3A_1112, %dma_start3A_1161, %dma_start3A_1162] : memref<200x4x32x8x128xf32, #tpu.memory_space<hbm>> -> memref<1x1x1x8x128xf32, #tpu.memory_space<hbm>>
      %dma_start3A_1164 = tpu.memref_squeeze %dma_start3A_1163 : memref<1x1x1x8x128xf32, #tpu.memory_space<hbm>> -> memref<8x128xf32, #tpu.memory_space<hbm>>
      %dma_start3A_1165 = arith.constant 0 : i32
      %dma_start3A_1166 = arith.constant 0 : i32
      %dma_start3A_1167 = tpu.memref_slice %arg5[%select_n3A_1110, %dma_start3A_1157, %rem3A_1112, %dma_start3A_1165, %dma_start3A_1166] : memref<200x4x32x8x128xf32, #tpu.memory_space<hbm>> -> memref<1x1x1x8x128xf32, #tpu.memory_space<hbm>>
      %dma_start3A_1168 = tpu.memref_squeeze %dma_start3A_1167 : memref<1x1x1x8x128xf32, #tpu.memory_space<hbm>> -> memref<8x128xf32, #tpu.memory_space<hbm>>
      %dma_start3A_1169 = arith.constant 16 : i32
      %dma_start3A_1170 = arith.constant 0 : i32
      %dma_start3A_1171 = tpu.memref_slice %arg20[%dma_start3A_1169, %dma_start3A_1170] : memref<32x129xf32, #tpu.memory_space<vmem>> -> memref<8x128xf32, #tpu.memory_space<vmem>>
      tpu.enqueue_dma source(%dma_start3A_1171 : memref<8x128xf32, #tpu.memory_space<vmem>>) target(%dma_start3A_1168 : memref<8x128xf32, #tpu.memory_space<hbm>>) target_semaphore(%arg36 : memref<!tpu.dma_semaphore, #tpu.memory_space<semaphore_mem>>)
      %dma_start3A_1172 = arith.constant 3 : i32
      %dma_start3A_1173 = arith.constant 24 : i32
      %dma_start3A_1174 = arith.constant 0 : i32
      %dma_start3A_1175 = tpu.memref_slice %arg20[%dma_start3A_1173, %dma_start3A_1174] : memref<32x129xf32, #tpu.memory_space<vmem>> -> memref<8x128xf32, #tpu.memory_space<vmem>>
      %dma_start3A_1176 = arith.constant 0 : i32
      %dma_start3A_1177 = arith.constant 0 : i32
      %dma_start3A_1178 = tpu.memref_slice %arg5[%select_n3A_1110, %dma_start3A_1172, %rem3A_1112, %dma_start3A_1176, %dma_start3A_1177] : memref<200x4x32x8x128xf32, #tpu.memory_space<hbm>> -> memref<1x1x1x8x128xf32, #tpu.memory_space<hbm>>
      %dma_start3A_1179 = tpu.memref_squeeze %dma_start3A_1178 : memref<1x1x1x8x128xf32, #tpu.memory_space<hbm>> -> memref<8x128xf32, #tpu.memory_space<hbm>>
      %dma_start3A_1180 = arith.constant 0 : i32
      %dma_start3A_1181 = arith.constant 0 : i32
      %dma_start3A_1182 = tpu.memref_slice %arg5[%select_n3A_1110, %dma_start3A_1172, %rem3A_1112, %dma_start3A_1180, %dma_start3A_1181] : memref<200x4x32x8x128xf32, #tpu.memory_space<hbm>> -> memref<1x1x1x8x128xf32, #tpu.memory_space<hbm>>
      %dma_start3A_1183 = tpu.memref_squeeze %dma_start3A_1182 : memref<1x1x1x8x128xf32, #tpu.memory_space<hbm>> -> memref<8x128xf32, #tpu.memory_space<hbm>>
      %dma_start3A_1184 = arith.constant 24 : i32
      %dma_start3A_1185 = arith.constant 0 : i32
      %dma_start3A_1186 = tpu.memref_slice %arg20[%dma_start3A_1184, %dma_start3A_1185] : memref<32x129xf32, #tpu.memory_space<vmem>> -> memref<8x128xf32, #tpu.memory_space<vmem>>
      tpu.enqueue_dma source(%dma_start3A_1186 : memref<8x128xf32, #tpu.memory_space<vmem>>) target(%dma_start3A_1183 : memref<8x128xf32, #tpu.memory_space<hbm>>) target_semaphore(%arg36 : memref<!tpu.dma_semaphore, #tpu.memory_space<semaphore_mem>>)
      %mul3A_1187 = arith.constant 8 : i32
      %mul3A_1188 = arith.muli %scan3A_554, %mul3A_1187 : i32
      %add3A_1189 = arith.addi %mul3A_2, %mul3A_1188 : i32
      %add3A_1190 = arith.constant 5 : i32
      %add3A_1191 = arith.addi %add3A_1189, %add3A_1190 : i32
      %jit3A_1192 = arith.constant 32 : i32
      %div3A_1193 = arith.divsi %add3A_1191, %jit3A_1192 : i32
      %sign3A_1194 = arith.constant 0 : i32
      %sign3A_1195 = arith.cmpi sgt, %add3A_1191, %sign3A_1194 : i32
      %sign3A_1196 = arith.extui %sign3A_1195 : i1 to i32
      %sign3A_1197 = arith.constant 0 : i32
      %sign3A_1198 = arith.cmpi slt, %add3A_1191, %sign3A_1197 : i32
      %sign3A_1199 = arith.extui %sign3A_1198 : i1 to i32
      %sign3A_1200 = arith.subi %sign3A_1196, %sign3A_1199 : i32
      %sign3A_1201 = arith.constant 0 : i32
      %sign3A_1202 = arith.cmpi sgt, %jit3A_1192, %sign3A_1201 : i32
      %sign3A_1203 = arith.extui %sign3A_1202 : i1 to i32
      %sign3A_1204 = arith.constant 0 : i32
      %sign3A_1205 = arith.cmpi slt, %jit3A_1192, %sign3A_1204 : i32
      %sign3A_1206 = arith.extui %sign3A_1205 : i1 to i32
      %sign3A_1207 = arith.subi %sign3A_1203, %sign3A_1206 : i32
      %ne3A_1208 = arith.cmpi ne, %sign3A_1200, %sign3A_1207 : i32
      %rem3A_1209 = arith.remsi %add3A_1191, %jit3A_1192 : i32
      %ne3A_1210 = arith.constant 0 : i32
      %ne3A_1211 = arith.cmpi ne, %rem3A_1209, %ne3A_1210 : i32
      %and3A_1212 = arith.andi %ne3A_1208, %ne3A_1211 : i1
      %sub3A_1213 = arith.constant 1 : i32
      %sub3A_1214 = arith.subi %div3A_1193, %sub3A_1213 : i32
      %select_n3A_1215 = arith.select %and3A_1212, %sub3A_1214, %div3A_1193 : i32
      %rem3A_1216 = arith.constant 32 : i32
      %rem3A_1217 = arith.remsi %add3A_1191, %rem3A_1216 : i32
      %dma_wait3A_1218 = tpu.memref_slice %arg6[%mul3A_637] : memref<25600xi32, #tpu.memory_space<vmem>> -> memref<128xi32, #tpu.memory_space<vmem>>
      %dma_wait3A_1219 = arith.constant 0 : i32
      %dma_wait3A_1220 = arith.constant 0 : i32
      %dma_wait3A_1221 = tpu.memref_slice %arg2[%dma_wait3A_1219, %dma_wait3A_1220] : memref<1000000x32xf32, #tpu.memory_space<hbm>> -> memref<1000000x32xf32, #tpu.memory_space<hbm>>
      tpu.wait_indirect_dma semaphore(%arg29 : memref<!tpu.dma_semaphore, #tpu.memory_space<semaphore_mem>>) src(%dma_wait3A_1221 : memref<1000000x32xf32, #tpu.memory_space<hbm>>) dst(%arg13 : memref<128x32xf32, #tpu.memory_space<vmem>>)
      %get3A_1222 = arith.index_cast %select_n3A_1215 : i32 to index
      %get3A_1223 = arith.constant 0 : index
      %get3A_1224 = tpu.vector_load %arg7[%get3A_1222, %get3A_1223] {strides = array<i32>} : memref<200x32xf32, #tpu.memory_space<vmem>>, vector<16xf32>,
      %get3A_1225 = arith.index_cast %select_n3A_1215 : i32 to index
      %get3A_1226 = arith.constant 16 : index
      %get3A_1227 = tpu.vector_load %arg7[%get3A_1225, %get3A_1226] {strides = array<i32>} : memref<200x32xf32, #tpu.memory_space<vmem>>, vector<16xf32>,
      %parallel_loop3A_1228 = arith.constant 0 : i32
      %parallel_loop3A_1229 = arith.constant 128 : i32
      %parallel_loop3A_1230 = arith.constant 1 : i32
      %parallel_loop3A_1231:2 = scf.for %parallel_loop3A_1503 = %parallel_loop3A_1228 to %parallel_loop3A_1229 step %parallel_loop3A_1230 iter_args(%parallel_loop3A_1504 = %get3A_1224, %parallel_loop3A_1505 = %get3A_1227) -> (vector<16xf32>, vector<16xf32>)  : i32 {
        %parallel_loop3A_1506 = vector.broadcast %parallel_loop3A_1503 : i32 to vector<16xi32>
        %parallel_loop3A_1507 = arith.index_cast %parallel_loop3A_1503 : i32 to index
        %parallel_loop3A_1508 = arith.constant 0 : index
        %parallel_loop3A_1509 = tpu.vector_load %arg13[%parallel_loop3A_1507, %parallel_loop3A_1508] {strides = array<i32>} : memref<128x32xf32, #tpu.memory_space<vmem>>, vector<16xf32>,
        %parallel_loop3A_1510 = arith.constant 5.65685415 : f32
        %parallel_loop3A_1511 = vector.broadcast %parallel_loop3A_1510 : f32 to vector<16xf32>
        %parallel_loop3A_1512 = arith.mulf %parallel_loop3A_1509, %parallel_loop3A_1511 : vector<16xf32>
        %parallel_loop3A_1513 = arith.addf %parallel_loop3A_1512, %parallel_loop3A_1504 : vector<16xf32>
        %parallel_loop3A_1514 = arith.index_cast %parallel_loop3A_1503 : i32 to index
        %parallel_loop3A_1515 = arith.constant 16 : index
        %parallel_loop3A_1516 = tpu.vector_load %arg13[%parallel_loop3A_1514, %parallel_loop3A_1515] {strides = array<i32>} : memref<128x32xf32, #tpu.memory_space<vmem>>, vector<16xf32>,
        %parallel_loop3A_1517 = arith.constant 5.65685415 : f32
        %parallel_loop3A_1518 = vector.broadcast %parallel_loop3A_1517 : f32 to vector<16xf32>
        %parallel_loop3A_1519 = arith.mulf %parallel_loop3A_1516, %parallel_loop3A_1518 : vector<16xf32>
        %parallel_loop3A_1520 = arith.addf %parallel_loop3A_1519, %parallel_loop3A_1505 : vector<16xf32>
        tpu.vector_store_idx %arg21[%iota3A, %parallel_loop3A_1506], %parallel_loop3A_1513 : memref<32x129xf32, #tpu.memory_space<vmem>>[vector<16xi32>, vector<16xi32>], vector<16xf32>,
        %parallel_loop3A_1521 = arith.constant 16 : i32
        %parallel_loop3A_1522 = vector.broadcast %parallel_loop3A_1521 : i32 to vector<16xi32>
        %parallel_loop3A_1523 = arith.addi %iota3A, %parallel_loop3A_1522 : vector<16xi32>
        tpu.vector_store_idx %arg21[%parallel_loop3A_1523, %parallel_loop3A_1506], %parallel_loop3A_1520 : memref<32x129xf32, #tpu.memory_space<vmem>>[vector<16xi32>, vector<16xi32>], vector<16xf32>,
        scf.yield %parallel_loop3A_1504, %parallel_loop3A_1505 : vector<16xf32>, vector<16xf32>
      } {sc.loop_unroll_factor = 4 : i64, sc.parallel_access}
      %dma_start3A_1232 = arith.constant 0 : i32
      %dma_start3A_1233 = arith.constant 0 : i32
      %dma_start3A_1234 = arith.constant 0 : i32
      %dma_start3A_1235 = tpu.memref_slice %arg21[%dma_start3A_1233, %dma_start3A_1234] : memref<32x129xf32, #tpu.memory_space<vmem>> -> memref<8x128xf32, #tpu.memory_space<vmem>>
      %dma_start3A_1236 = arith.constant 0 : i32
      %dma_start3A_1237 = arith.constant 0 : i32
      %dma_start3A_1238 = tpu.memref_slice %arg5[%select_n3A_1215, %dma_start3A_1232, %rem3A_1217, %dma_start3A_1236, %dma_start3A_1237] : memref<200x4x32x8x128xf32, #tpu.memory_space<hbm>> -> memref<1x1x1x8x128xf32, #tpu.memory_space<hbm>>
      %dma_start3A_1239 = tpu.memref_squeeze %dma_start3A_1238 : memref<1x1x1x8x128xf32, #tpu.memory_space<hbm>> -> memref<8x128xf32, #tpu.memory_space<hbm>>
      %dma_start3A_1240 = arith.constant 0 : i32
      %dma_start3A_1241 = arith.constant 0 : i32
      %dma_start3A_1242 = tpu.memref_slice %arg5[%select_n3A_1215, %dma_start3A_1232, %rem3A_1217, %dma_start3A_1240, %dma_start3A_1241] : memref<200x4x32x8x128xf32, #tpu.memory_space<hbm>> -> memref<1x1x1x8x128xf32, #tpu.memory_space<hbm>>
      %dma_start3A_1243 = tpu.memref_squeeze %dma_start3A_1242 : memref<1x1x1x8x128xf32, #tpu.memory_space<hbm>> -> memref<8x128xf32, #tpu.memory_space<hbm>>
      %dma_start3A_1244 = arith.constant 0 : i32
      %dma_start3A_1245 = arith.constant 0 : i32
      %dma_start3A_1246 = tpu.memref_slice %arg21[%dma_start3A_1244, %dma_start3A_1245] : memref<32x129xf32, #tpu.memory_space<vmem>> -> memref<8x128xf32, #tpu.memory_space<vmem>>
      tpu.enqueue_dma source(%dma_start3A_1246 : memref<8x128xf32, #tpu.memory_space<vmem>>) target(%dma_start3A_1243 : memref<8x128xf32, #tpu.memory_space<hbm>>) target_semaphore(%arg37 : memref<!tpu.dma_semaphore, #tpu.memory_space<semaphore_mem>>)
      %dma_start3A_1247 = arith.constant 1 : i32
      %dma_start3A_1248 = arith.constant 8 : i32
      %dma_start3A_1249 = arith.constant 0 : i32
      %dma_start3A_1250 = tpu.memref_slice %arg21[%dma_start3A_1248, %dma_start3A_1249] : memref<32x129xf32, #tpu.memory_space<vmem>> -> memref<8x128xf32, #tpu.memory_space<vmem>>
      %dma_start3A_1251 = arith.constant 0 : i32
      %dma_start3A_1252 = arith.constant 0 : i32
      %dma_start3A_1253 = tpu.memref_slice %arg5[%select_n3A_1215, %dma_start3A_1247, %rem3A_1217, %dma_start3A_1251, %dma_start3A_1252] : memref<200x4x32x8x128xf32, #tpu.memory_space<hbm>> -> memref<1x1x1x8x128xf32, #tpu.memory_space<hbm>>
      %dma_start3A_1254 = tpu.memref_squeeze %dma_start3A_1253 : memref<1x1x1x8x128xf32, #tpu.memory_space<hbm>> -> memref<8x128xf32, #tpu.memory_space<hbm>>
      %dma_start3A_1255 = arith.constant 0 : i32
      %dma_start3A_1256 = arith.constant 0 : i32
      %dma_start3A_1257 = tpu.memref_slice %arg5[%select_n3A_1215, %dma_start3A_1247, %rem3A_1217, %dma_start3A_1255, %dma_start3A_1256] : memref<200x4x32x8x128xf32, #tpu.memory_space<hbm>> -> memref<1x1x1x8x128xf32, #tpu.memory_space<hbm>>
      %dma_start3A_1258 = tpu.memref_squeeze %dma_start3A_1257 : memref<1x1x1x8x128xf32, #tpu.memory_space<hbm>> -> memref<8x128xf32, #tpu.memory_space<hbm>>
      %dma_start3A_1259 = arith.constant 8 : i32
      %dma_start3A_1260 = arith.constant 0 : i32
      %dma_start3A_1261 = tpu.memref_slice %arg21[%dma_start3A_1259, %dma_start3A_1260] : memref<32x129xf32, #tpu.memory_space<vmem>> -> memref<8x128xf32, #tpu.memory_space<vmem>>
      tpu.enqueue_dma source(%dma_start3A_1261 : memref<8x128xf32, #tpu.memory_space<vmem>>) target(%dma_start3A_1258 : memref<8x128xf32, #tpu.memory_space<hbm>>) target_semaphore(%arg37 : memref<!tpu.dma_semaphore, #tpu.memory_space<semaphore_mem>>)
      %dma_start3A_1262 = arith.constant 2 : i32
      %dma_start3A_1263 = arith.constant 16 : i32
      %dma_start3A_1264 = arith.constant 0 : i32
      %dma_start3A_1265 = tpu.memref_slice %arg21[%dma_start3A_1263, %dma_start3A_1264] : memref<32x129xf32, #tpu.memory_space<vmem>> -> memref<8x128xf32, #tpu.memory_space<vmem>>
      %dma_start3A_1266 = arith.constant 0 : i32
      %dma_start3A_1267 = arith.constant 0 : i32
      %dma_start3A_1268 = tpu.memref_slice %arg5[%select_n3A_1215, %dma_start3A_1262, %rem3A_1217, %dma_start3A_1266, %dma_start3A_1267] : memref<200x4x32x8x128xf32, #tpu.memory_space<hbm>> -> memref<1x1x1x8x128xf32, #tpu.memory_space<hbm>>
      %dma_start3A_1269 = tpu.memref_squeeze %dma_start3A_1268 : memref<1x1x1x8x128xf32, #tpu.memory_space<hbm>> -> memref<8x128xf32, #tpu.memory_space<hbm>>
      %dma_start3A_1270 = arith.constant 0 : i32
      %dma_start3A_1271 = arith.constant 0 : i32
      %dma_start3A_1272 = tpu.memref_slice %arg5[%select_n3A_1215, %dma_start3A_1262, %rem3A_1217, %dma_start3A_1270, %dma_start3A_1271] : memref<200x4x32x8x128xf32, #tpu.memory_space<hbm>> -> memref<1x1x1x8x128xf32, #tpu.memory_space<hbm>>
      %dma_start3A_1273 = tpu.memref_squeeze %dma_start3A_1272 : memref<1x1x1x8x128xf32, #tpu.memory_space<hbm>> -> memref<8x128xf32, #tpu.memory_space<hbm>>
      %dma_start3A_1274 = arith.constant 16 : i32
      %dma_start3A_1275 = arith.constant 0 : i32
      %dma_start3A_1276 = tpu.memref_slice %arg21[%dma_start3A_1274, %dma_start3A_1275] : memref<32x129xf32, #tpu.memory_space<vmem>> -> memref<8x128xf32, #tpu.memory_space<vmem>>
      tpu.enqueue_dma source(%dma_start3A_1276 : memref<8x128xf32, #tpu.memory_space<vmem>>) target(%dma_start3A_1273 : memref<8x128xf32, #tpu.memory_space<hbm>>) target_semaphore(%arg37 : memref<!tpu.dma_semaphore, #tpu.memory_space<semaphore_mem>>)
      %dma_start3A_1277 = arith.constant 3 : i32
      %dma_start3A_1278 = arith.constant 24 : i32
      %dma_start3A_1279 = arith.constant 0 : i32
      %dma_start3A_1280 = tpu.memref_slice %arg21[%dma_start3A_1278, %dma_start3A_1279] : memref<32x129xf32, #tpu.memory_space<vmem>> -> memref<8x128xf32, #tpu.memory_space<vmem>>
      %dma_start3A_1281 = arith.constant 0 : i32
      %dma_start3A_1282 = arith.constant 0 : i32
      %dma_start3A_1283 = tpu.memref_slice %arg5[%select_n3A_1215, %dma_start3A_1277, %rem3A_1217, %dma_start3A_1281, %dma_start3A_1282] : memref<200x4x32x8x128xf32, #tpu.memory_space<hbm>> -> memref<1x1x1x8x128xf32, #tpu.memory_space<hbm>>
      %dma_start3A_1284 = tpu.memref_squeeze %dma_start3A_1283 : memref<1x1x1x8x128xf32, #tpu.memory_space<hbm>> -> memref<8x128xf32, #tpu.memory_space<hbm>>
      %dma_start3A_1285 = arith.constant 0 : i32
      %dma_start3A_1286 = arith.constant 0 : i32
      %dma_start3A_1287 = tpu.memref_slice %arg5[%select_n3A_1215, %dma_start3A_1277, %rem3A_1217, %dma_start3A_1285, %dma_start3A_1286] : memref<200x4x32x8x128xf32, #tpu.memory_space<hbm>> -> memref<1x1x1x8x128xf32, #tpu.memory_space<hbm>>
      %dma_start3A_1288 = tpu.memref_squeeze %dma_start3A_1287 : memref<1x1x1x8x128xf32, #tpu.memory_space<hbm>> -> memref<8x128xf32, #tpu.memory_space<hbm>>
      %dma_start3A_1289 = arith.constant 24 : i32
      %dma_start3A_1290 = arith.constant 0 : i32
      %dma_start3A_1291 = tpu.memref_slice %arg21[%dma_start3A_1289, %dma_start3A_1290] : memref<32x129xf32, #tpu.memory_space<vmem>> -> memref<8x128xf32, #tpu.memory_space<vmem>>
      tpu.enqueue_dma source(%dma_start3A_1291 : memref<8x128xf32, #tpu.memory_space<vmem>>) target(%dma_start3A_1288 : memref<8x128xf32, #tpu.memory_space<hbm>>) target_semaphore(%arg37 : memref<!tpu.dma_semaphore, #tpu.memory_space<semaphore_mem>>)
      %mul3A_1292 = arith.constant 8 : i32
      %mul3A_1293 = arith.muli %scan3A_554, %mul3A_1292 : i32
      %add3A_1294 = arith.addi %mul3A_2, %mul3A_1293 : i32
      %add3A_1295 = arith.constant 6 : i32
      %add3A_1296 = arith.addi %add3A_1294, %add3A_1295 : i32
      %jit3A_1297 = arith.constant 32 : i32
      %div3A_1298 = arith.divsi %add3A_1296, %jit3A_1297 : i32
      %sign3A_1299 = arith.constant 0 : i32
      %sign3A_1300 = arith.cmpi sgt, %add3A_1296, %sign3A_1299 : i32
      %sign3A_1301 = arith.extui %sign3A_1300 : i1 to i32
      %sign3A_1302 = arith.constant 0 : i32
      %sign3A_1303 = arith.cmpi slt, %add3A_1296, %sign3A_1302 : i32
      %sign3A_1304 = arith.extui %sign3A_1303 : i1 to i32
      %sign3A_1305 = arith.subi %sign3A_1301, %sign3A_1304 : i32
      %sign3A_1306 = arith.constant 0 : i32
      %sign3A_1307 = arith.cmpi sgt, %jit3A_1297, %sign3A_1306 : i32
      %sign3A_1308 = arith.extui %sign3A_1307 : i1 to i32
      %sign3A_1309 = arith.constant 0 : i32
      %sign3A_1310 = arith.cmpi slt, %jit3A_1297, %sign3A_1309 : i32
      %sign3A_1311 = arith.extui %sign3A_1310 : i1 to i32
      %sign3A_1312 = arith.subi %sign3A_1308, %sign3A_1311 : i32
      %ne3A_1313 = arith.cmpi ne, %sign3A_1305, %sign3A_1312 : i32
      %rem3A_1314 = arith.remsi %add3A_1296, %jit3A_1297 : i32
      %ne3A_1315 = arith.constant 0 : i32
      %ne3A_1316 = arith.cmpi ne, %rem3A_1314, %ne3A_1315 : i32
      %and3A_1317 = arith.andi %ne3A_1313, %ne3A_1316 : i1
      %sub3A_1318 = arith.constant 1 : i32
      %sub3A_1319 = arith.subi %div3A_1298, %sub3A_1318 : i32
      %select_n3A_1320 = arith.select %and3A_1317, %sub3A_1319, %div3A_1298 : i32
      %rem3A_1321 = arith.constant 32 : i32
      %rem3A_1322 = arith.remsi %add3A_1296, %rem3A_1321 : i32
      %dma_wait3A_1323 = tpu.memref_slice %arg6[%mul3A_652] : memref<25600xi32, #tpu.memory_space<vmem>> -> memref<128xi32, #tpu.memory_space<vmem>>
      %dma_wait3A_1324 = arith.constant 0 : i32
      %dma_wait3A_1325 = arith.constant 0 : i32
      %dma_wait3A_1326 = tpu.memref_slice %arg2[%dma_wait3A_1324, %dma_wait3A_1325] : memref<1000000x32xf32, #tpu.memory_space<hbm>> -> memref<1000000x32xf32, #tpu.memory_space<hbm>>
      tpu.wait_indirect_dma semaphore(%arg30 : memref<!tpu.dma_semaphore, #tpu.memory_space<semaphore_mem>>) src(%dma_wait3A_1326 : memref<1000000x32xf32, #tpu.memory_space<hbm>>) dst(%arg14 : memref<128x32xf32, #tpu.memory_space<vmem>>)
      %get3A_1327 = arith.index_cast %select_n3A_1320 : i32 to index
      %get3A_1328 = arith.constant 0 : index
      %get3A_1329 = tpu.vector_load %arg7[%get3A_1327, %get3A_1328] {strides = array<i32>} : memref<200x32xf32, #tpu.memory_space<vmem>>, vector<16xf32>,
      %get3A_1330 = arith.index_cast %select_n3A_1320 : i32 to index
      %get3A_1331 = arith.constant 16 : index
      %get3A_1332 = tpu.vector_load %arg7[%get3A_1330, %get3A_1331] {strides = array<i32>} : memref<200x32xf32, #tpu.memory_space<vmem>>, vector<16xf32>,
      %parallel_loop3A_1333 = arith.constant 0 : i32
      %parallel_loop3A_1334 = arith.constant 128 : i32
      %parallel_loop3A_1335 = arith.constant 1 : i32
      %parallel_loop3A_1336:2 = scf.for %parallel_loop3A_1503 = %parallel_loop3A_1333 to %parallel_loop3A_1334 step %parallel_loop3A_1335 iter_args(%parallel_loop3A_1504 = %get3A_1329, %parallel_loop3A_1505 = %get3A_1332) -> (vector<16xf32>, vector<16xf32>)  : i32 {
        %parallel_loop3A_1506 = vector.broadcast %parallel_loop3A_1503 : i32 to vector<16xi32>
        %parallel_loop3A_1507 = arith.index_cast %parallel_loop3A_1503 : i32 to index
        %parallel_loop3A_1508 = arith.constant 0 : index
        %parallel_loop3A_1509 = tpu.vector_load %arg14[%parallel_loop3A_1507, %parallel_loop3A_1508] {strides = array<i32>} : memref<128x32xf32, #tpu.memory_space<vmem>>, vector<16xf32>,
        %parallel_loop3A_1510 = arith.constant 5.65685415 : f32
        %parallel_loop3A_1511 = vector.broadcast %parallel_loop3A_1510 : f32 to vector<16xf32>
        %parallel_loop3A_1512 = arith.mulf %parallel_loop3A_1509, %parallel_loop3A_1511 : vector<16xf32>
        %parallel_loop3A_1513 = arith.addf %parallel_loop3A_1512, %parallel_loop3A_1504 : vector<16xf32>
        %parallel_loop3A_1514 = arith.index_cast %parallel_loop3A_1503 : i32 to index
        %parallel_loop3A_1515 = arith.constant 16 : index
        %parallel_loop3A_1516 = tpu.vector_load %arg14[%parallel_loop3A_1514, %parallel_loop3A_1515] {strides = array<i32>} : memref<128x32xf32, #tpu.memory_space<vmem>>, vector<16xf32>,
        %parallel_loop3A_1517 = arith.constant 5.65685415 : f32
        %parallel_loop3A_1518 = vector.broadcast %parallel_loop3A_1517 : f32 to vector<16xf32>
        %parallel_loop3A_1519 = arith.mulf %parallel_loop3A_1516, %parallel_loop3A_1518 : vector<16xf32>
        %parallel_loop3A_1520 = arith.addf %parallel_loop3A_1519, %parallel_loop3A_1505 : vector<16xf32>
        tpu.vector_store_idx %arg22[%iota3A, %parallel_loop3A_1506], %parallel_loop3A_1513 : memref<32x129xf32, #tpu.memory_space<vmem>>[vector<16xi32>, vector<16xi32>], vector<16xf32>,
        %parallel_loop3A_1521 = arith.constant 16 : i32
        %parallel_loop3A_1522 = vector.broadcast %parallel_loop3A_1521 : i32 to vector<16xi32>
        %parallel_loop3A_1523 = arith.addi %iota3A, %parallel_loop3A_1522 : vector<16xi32>
        tpu.vector_store_idx %arg22[%parallel_loop3A_1523, %parallel_loop3A_1506], %parallel_loop3A_1520 : memref<32x129xf32, #tpu.memory_space<vmem>>[vector<16xi32>, vector<16xi32>], vector<16xf32>,
        scf.yield %parallel_loop3A_1504, %parallel_loop3A_1505 : vector<16xf32>, vector<16xf32>
      } {sc.loop_unroll_factor = 4 : i64, sc.parallel_access}
      %dma_start3A_1337 = arith.constant 0 : i32
      %dma_start3A_1338 = arith.constant 0 : i32
      %dma_start3A_1339 = arith.constant 0 : i32
      %dma_start3A_1340 = tpu.memref_slice %arg22[%dma_start3A_1338, %dma_start3A_1339] : memref<32x129xf32, #tpu.memory_space<vmem>> -> memref<8x128xf32, #tpu.memory_space<vmem>>
      %dma_start3A_1341 = arith.constant 0 : i32
      %dma_start3A_1342 = arith.constant 0 : i32
      %dma_start3A_1343 = tpu.memref_slice %arg5[%select_n3A_1320, %dma_start3A_1337, %rem3A_1322, %dma_start3A_1341, %dma_start3A_1342] : memref<200x4x32x8x128xf32, #tpu.memory_space<hbm>> -> memref<1x1x1x8x128xf32, #tpu.memory_space<hbm>>
      %dma_start3A_1344 = tpu.memref_squeeze %dma_start3A_1343 : memref<1x1x1x8x128xf32, #tpu.memory_space<hbm>> -> memref<8x128xf32, #tpu.memory_space<hbm>>
      %dma_start3A_1345 = arith.constant 0 : i32
      %dma_start3A_1346 = arith.constant 0 : i32
      %dma_start3A_1347 = tpu.memref_slice %arg5[%select_n3A_1320, %dma_start3A_1337, %rem3A_1322, %dma_start3A_1345, %dma_start3A_1346] : memref<200x4x32x8x128xf32, #tpu.memory_space<hbm>> -> memref<1x1x1x8x128xf32, #tpu.memory_space<hbm>>
      %dma_start3A_1348 = tpu.memref_squeeze %dma_start3A_1347 : memref<1x1x1x8x128xf32, #tpu.memory_space<hbm>> -> memref<8x128xf32, #tpu.memory_space<hbm>>
      %dma_start3A_1349 = arith.constant 0 : i32
      %dma_start3A_1350 = arith.constant 0 : i32
      %dma_start3A_1351 = tpu.memref_slice %arg22[%dma_start3A_1349, %dma_start3A_1350] : memref<32x129xf32, #tpu.memory_space<vmem>> -> memref<8x128xf32, #tpu.memory_space<vmem>>
      tpu.enqueue_dma source(%dma_start3A_1351 : memref<8x128xf32, #tpu.memory_space<vmem>>) target(%dma_start3A_1348 : memref<8x128xf32, #tpu.memory_space<hbm>>) target_semaphore(%arg38 : memref<!tpu.dma_semaphore, #tpu.memory_space<semaphore_mem>>)
      %dma_start3A_1352 = arith.constant 1 : i32
      %dma_start3A_1353 = arith.constant 8 : i32
      %dma_start3A_1354 = arith.constant 0 : i32
      %dma_start3A_1355 = tpu.memref_slice %arg22[%dma_start3A_1353, %dma_start3A_1354] : memref<32x129xf32, #tpu.memory_space<vmem>> -> memref<8x128xf32, #tpu.memory_space<vmem>>
      %dma_start3A_1356 = arith.constant 0 : i32
      %dma_start3A_1357 = arith.constant 0 : i32
      %dma_start3A_1358 = tpu.memref_slice %arg5[%select_n3A_1320, %dma_start3A_1352, %rem3A_1322, %dma_start3A_1356, %dma_start3A_1357] : memref<200x4x32x8x128xf32, #tpu.memory_space<hbm>> -> memref<1x1x1x8x128xf32, #tpu.memory_space<hbm>>
      %dma_start3A_1359 = tpu.memref_squeeze %dma_start3A_1358 : memref<1x1x1x8x128xf32, #tpu.memory_space<hbm>> -> memref<8x128xf32, #tpu.memory_space<hbm>>
      %dma_start3A_1360 = arith.constant 0 : i32
      %dma_start3A_1361 = arith.constant 0 : i32
      %dma_start3A_1362 = tpu.memref_slice %arg5[%select_n3A_1320, %dma_start3A_1352, %rem3A_1322, %dma_start3A_1360, %dma_start3A_1361] : memref<200x4x32x8x128xf32, #tpu.memory_space<hbm>> -> memref<1x1x1x8x128xf32, #tpu.memory_space<hbm>>
      %dma_start3A_1363 = tpu.memref_squeeze %dma_start3A_1362 : memref<1x1x1x8x128xf32, #tpu.memory_space<hbm>> -> memref<8x128xf32, #tpu.memory_space<hbm>>
      %dma_start3A_1364 = arith.constant 8 : i32
      %dma_start3A_1365 = arith.constant 0 : i32
      %dma_start3A_1366 = tpu.memref_slice %arg22[%dma_start3A_1364, %dma_start3A_1365] : memref<32x129xf32, #tpu.memory_space<vmem>> -> memref<8x128xf32, #tpu.memory_space<vmem>>
      tpu.enqueue_dma source(%dma_start3A_1366 : memref<8x128xf32, #tpu.memory_space<vmem>>) target(%dma_start3A_1363 : memref<8x128xf32, #tpu.memory_space<hbm>>) target_semaphore(%arg38 : memref<!tpu.dma_semaphore, #tpu.memory_space<semaphore_mem>>)
      %dma_start3A_1367 = arith.constant 2 : i32
      %dma_start3A_1368 = arith.constant 16 : i32
      %dma_start3A_1369 = arith.constant 0 : i32
      %dma_start3A_1370 = tpu.memref_slice %arg22[%dma_start3A_1368, %dma_start3A_1369] : memref<32x129xf32, #tpu.memory_space<vmem>> -> memref<8x128xf32, #tpu.memory_space<vmem>>
      %dma_start3A_1371 = arith.constant 0 : i32
      %dma_start3A_1372 = arith.constant 0 : i32
      %dma_start3A_1373 = tpu.memref_slice %arg5[%select_n3A_1320, %dma_start3A_1367, %rem3A_1322, %dma_start3A_1371, %dma_start3A_1372] : memref<200x4x32x8x128xf32, #tpu.memory_space<hbm>> -> memref<1x1x1x8x128xf32, #tpu.memory_space<hbm>>
      %dma_start3A_1374 = tpu.memref_squeeze %dma_start3A_1373 : memref<1x1x1x8x128xf32, #tpu.memory_space<hbm>> -> memref<8x128xf32, #tpu.memory_space<hbm>>
      %dma_start3A_1375 = arith.constant 0 : i32
      %dma_start3A_1376 = arith.constant 0 : i32
      %dma_start3A_1377 = tpu.memref_slice %arg5[%select_n3A_1320, %dma_start3A_1367, %rem3A_1322, %dma_start3A_1375, %dma_start3A_1376] : memref<200x4x32x8x128xf32, #tpu.memory_space<hbm>> -> memref<1x1x1x8x128xf32, #tpu.memory_space<hbm>>
      %dma_start3A_1378 = tpu.memref_squeeze %dma_start3A_1377 : memref<1x1x1x8x128xf32, #tpu.memory_space<hbm>> -> memref<8x128xf32, #tpu.memory_space<hbm>>
      %dma_start3A_1379 = arith.constant 16 : i32
      %dma_start3A_1380 = arith.constant 0 : i32
      %dma_start3A_1381 = tpu.memref_slice %arg22[%dma_start3A_1379, %dma_start3A_1380] : memref<32x129xf32, #tpu.memory_space<vmem>> -> memref<8x128xf32, #tpu.memory_space<vmem>>
      tpu.enqueue_dma source(%dma_start3A_1381 : memref<8x128xf32, #tpu.memory_space<vmem>>) target(%dma_start3A_1378 : memref<8x128xf32, #tpu.memory_space<hbm>>) target_semaphore(%arg38 : memref<!tpu.dma_semaphore, #tpu.memory_space<semaphore_mem>>)
      %dma_start3A_1382 = arith.constant 3 : i32
      %dma_start3A_1383 = arith.constant 24 : i32
      %dma_start3A_1384 = arith.constant 0 : i32
      %dma_start3A_1385 = tpu.memref_slice %arg22[%dma_start3A_1383, %dma_start3A_1384] : memref<32x129xf32, #tpu.memory_space<vmem>> -> memref<8x128xf32, #tpu.memory_space<vmem>>
      %dma_start3A_1386 = arith.constant 0 : i32
      %dma_start3A_1387 = arith.constant 0 : i32
      %dma_start3A_1388 = tpu.memref_slice %arg5[%select_n3A_1320, %dma_start3A_1382, %rem3A_1322, %dma_start3A_1386, %dma_start3A_1387] : memref<200x4x32x8x128xf32, #tpu.memory_space<hbm>> -> memref<1x1x1x8x128xf32, #tpu.memory_space<hbm>>
      %dma_start3A_1389 = tpu.memref_squeeze %dma_start3A_1388 : memref<1x1x1x8x128xf32, #tpu.memory_space<hbm>> -> memref<8x128xf32, #tpu.memory_space<hbm>>
      %dma_start3A_1390 = arith.constant 0 : i32
      %dma_start3A_1391 = arith.constant 0 : i32
      %dma_start3A_1392 = tpu.memref_slice %arg5[%select_n3A_1320, %dma_start3A_1382, %rem3A_1322, %dma_start3A_1390, %dma_start3A_1391] : memref<200x4x32x8x128xf32, #tpu.memory_space<hbm>> -> memref<1x1x1x8x128xf32, #tpu.memory_space<hbm>>
      %dma_start3A_1393 = tpu.memref_squeeze %dma_start3A_1392 : memref<1x1x1x8x128xf32, #tpu.memory_space<hbm>> -> memref<8x128xf32, #tpu.memory_space<hbm>>
      %dma_start3A_1394 = arith.constant 24 : i32
      %dma_start3A_1395 = arith.constant 0 : i32
      %dma_start3A_1396 = tpu.memref_slice %arg22[%dma_start3A_1394, %dma_start3A_1395] : memref<32x129xf32, #tpu.memory_space<vmem>> -> memref<8x128xf32, #tpu.memory_space<vmem>>
      tpu.enqueue_dma source(%dma_start3A_1396 : memref<8x128xf32, #tpu.memory_space<vmem>>) target(%dma_start3A_1393 : memref<8x128xf32, #tpu.memory_space<hbm>>) target_semaphore(%arg38 : memref<!tpu.dma_semaphore, #tpu.memory_space<semaphore_mem>>)
      %mul3A_1397 = arith.constant 8 : i32
      %mul3A_1398 = arith.muli %scan3A_554, %mul3A_1397 : i32
      %add3A_1399 = arith.addi %mul3A_2, %mul3A_1398 : i32
      %add3A_1400 = arith.constant 7 : i32
      %add3A_1401 = arith.addi %add3A_1399, %add3A_1400 : i32
      %jit3A_1402 = arith.constant 32 : i32
      %div3A_1403 = arith.divsi %add3A_1401, %jit3A_1402 : i32
      %sign3A_1404 = arith.constant 0 : i32
      %sign3A_1405 = arith.cmpi sgt, %add3A_1401, %sign3A_1404 : i32
      %sign3A_1406 = arith.extui %sign3A_1405 : i1 to i32
      %sign3A_1407 = arith.constant 0 : i32
      %sign3A_1408 = arith.cmpi slt, %add3A_1401, %sign3A_1407 : i32
      %sign3A_1409 = arith.extui %sign3A_1408 : i1 to i32
      %sign3A_1410 = arith.subi %sign3A_1406, %sign3A_1409 : i32
      %sign3A_1411 = arith.constant 0 : i32
      %sign3A_1412 = arith.cmpi sgt, %jit3A_1402, %sign3A_1411 : i32
      %sign3A_1413 = arith.extui %sign3A_1412 : i1 to i32
      %sign3A_1414 = arith.constant 0 : i32
      %sign3A_1415 = arith.cmpi slt, %jit3A_1402, %sign3A_1414 : i32
      %sign3A_1416 = arith.extui %sign3A_1415 : i1 to i32
      %sign3A_1417 = arith.subi %sign3A_1413, %sign3A_1416 : i32
      %ne3A_1418 = arith.cmpi ne, %sign3A_1410, %sign3A_1417 : i32
      %rem3A_1419 = arith.remsi %add3A_1401, %jit3A_1402 : i32
      %ne3A_1420 = arith.constant 0 : i32
      %ne3A_1421 = arith.cmpi ne, %rem3A_1419, %ne3A_1420 : i32
      %and3A_1422 = arith.andi %ne3A_1418, %ne3A_1421 : i1
      %sub3A_1423 = arith.constant 1 : i32
      %sub3A_1424 = arith.subi %div3A_1403, %sub3A_1423 : i32
      %select_n3A_1425 = arith.select %and3A_1422, %sub3A_1424, %div3A_1403 : i32
      %rem3A_1426 = arith.constant 32 : i32
      %rem3A_1427 = arith.remsi %add3A_1401, %rem3A_1426 : i32
      %dma_wait3A_1428 = tpu.memref_slice %arg6[%mul3A_667] : memref<25600xi32, #tpu.memory_space<vmem>> -> memref<128xi32, #tpu.memory_space<vmem>>
      %dma_wait3A_1429 = arith.constant 0 : i32
      %dma_wait3A_1430 = arith.constant 0 : i32
      %dma_wait3A_1431 = tpu.memref_slice %arg2[%dma_wait3A_1429, %dma_wait3A_1430] : memref<1000000x32xf32, #tpu.memory_space<hbm>> -> memref<1000000x32xf32, #tpu.memory_space<hbm>>
      tpu.wait_indirect_dma semaphore(%arg31 : memref<!tpu.dma_semaphore, #tpu.memory_space<semaphore_mem>>) src(%dma_wait3A_1431 : memref<1000000x32xf32, #tpu.memory_space<hbm>>) dst(%arg15 : memref<128x32xf32, #tpu.memory_space<vmem>>)
      %get3A_1432 = arith.index_cast %select_n3A_1425 : i32 to index
      %get3A_1433 = arith.constant 0 : index
      %get3A_1434 = tpu.vector_load %arg7[%get3A_1432, %get3A_1433] {strides = array<i32>} : memref<200x32xf32, #tpu.memory_space<vmem>>, vector<16xf32>,
      %get3A_1435 = arith.index_cast %select_n3A_1425 : i32 to index
      %get3A_1436 = arith.constant 16 : index
      %get3A_1437 = tpu.vector_load %arg7[%get3A_1435, %get3A_1436] {strides = array<i32>} : memref<200x32xf32, #tpu.memory_space<vmem>>, vector<16xf32>,
      %parallel_loop3A_1438 = arith.constant 0 : i32
      %parallel_loop3A_1439 = arith.constant 128 : i32
      %parallel_loop3A_1440 = arith.constant 1 : i32
      %parallel_loop3A_1441:2 = scf.for %parallel_loop3A_1503 = %parallel_loop3A_1438 to %parallel_loop3A_1439 step %parallel_loop3A_1440 iter_args(%parallel_loop3A_1504 = %get3A_1434, %parallel_loop3A_1505 = %get3A_1437) -> (vector<16xf32>, vector<16xf32>)  : i32 {
        %parallel_loop3A_1506 = vector.broadcast %parallel_loop3A_1503 : i32 to vector<16xi32>
        %parallel_loop3A_1507 = arith.index_cast %parallel_loop3A_1503 : i32 to index
        %parallel_loop3A_1508 = arith.constant 0 : index
        %parallel_loop3A_1509 = tpu.vector_load %arg15[%parallel_loop3A_1507, %parallel_loop3A_1508] {strides = array<i32>} : memref<128x32xf32, #tpu.memory_space<vmem>>, vector<16xf32>,
        %parallel_loop3A_1510 = arith.constant 5.65685415 : f32
        %parallel_loop3A_1511 = vector.broadcast %parallel_loop3A_1510 : f32 to vector<16xf32>
        %parallel_loop3A_1512 = arith.mulf %parallel_loop3A_1509, %parallel_loop3A_1511 : vector<16xf32>
        %parallel_loop3A_1513 = arith.addf %parallel_loop3A_1512, %parallel_loop3A_1504 : vector<16xf32>
        %parallel_loop3A_1514 = arith.index_cast %parallel_loop3A_1503 : i32 to index
        %parallel_loop3A_1515 = arith.constant 16 : index
        %parallel_loop3A_1516 = tpu.vector_load %arg15[%parallel_loop3A_1514, %parallel_loop3A_1515] {strides = array<i32>} : memref<128x32xf32, #tpu.memory_space<vmem>>, vector<16xf32>,
        %parallel_loop3A_1517 = arith.constant 5.65685415 : f32
        %parallel_loop3A_1518 = vector.broadcast %parallel_loop3A_1517 : f32 to vector<16xf32>
        %parallel_loop3A_1519 = arith.mulf %parallel_loop3A_1516, %parallel_loop3A_1518 : vector<16xf32>
        %parallel_loop3A_1520 = arith.addf %parallel_loop3A_1519, %parallel_loop3A_1505 : vector<16xf32>
        tpu.vector_store_idx %arg23[%iota3A, %parallel_loop3A_1506], %parallel_loop3A_1513 : memref<32x129xf32, #tpu.memory_space<vmem>>[vector<16xi32>, vector<16xi32>], vector<16xf32>,
        %parallel_loop3A_1521 = arith.constant 16 : i32
        %parallel_loop3A_1522 = vector.broadcast %parallel_loop3A_1521 : i32 to vector<16xi32>
        %parallel_loop3A_1523 = arith.addi %iota3A, %parallel_loop3A_1522 : vector<16xi32>
        tpu.vector_store_idx %arg23[%parallel_loop3A_1523, %parallel_loop3A_1506], %parallel_loop3A_1520 : memref<32x129xf32, #tpu.memory_space<vmem>>[vector<16xi32>, vector<16xi32>], vector<16xf32>,
        scf.yield %parallel_loop3A_1504, %parallel_loop3A_1505 : vector<16xf32>, vector<16xf32>
      } {sc.loop_unroll_factor = 4 : i64, sc.parallel_access}
      %dma_start3A_1442 = arith.constant 0 : i32
      %dma_start3A_1443 = arith.constant 0 : i32
      %dma_start3A_1444 = arith.constant 0 : i32
      %dma_start3A_1445 = tpu.memref_slice %arg23[%dma_start3A_1443, %dma_start3A_1444] : memref<32x129xf32, #tpu.memory_space<vmem>> -> memref<8x128xf32, #tpu.memory_space<vmem>>
      %dma_start3A_1446 = arith.constant 0 : i32
      %dma_start3A_1447 = arith.constant 0 : i32
      %dma_start3A_1448 = tpu.memref_slice %arg5[%select_n3A_1425, %dma_start3A_1442, %rem3A_1427, %dma_start3A_1446, %dma_start3A_1447] : memref<200x4x32x8x128xf32, #tpu.memory_space<hbm>> -> memref<1x1x1x8x128xf32, #tpu.memory_space<hbm>>
      %dma_start3A_1449 = tpu.memref_squeeze %dma_start3A_1448 : memref<1x1x1x8x128xf32, #tpu.memory_space<hbm>> -> memref<8x128xf32, #tpu.memory_space<hbm>>
      %dma_start3A_1450 = arith.constant 0 : i32
      %dma_start3A_1451 = arith.constant 0 : i32
      %dma_start3A_1452 = tpu.memref_slice %arg5[%select_n3A_1425, %dma_start3A_1442, %rem3A_1427, %dma_start3A_1450, %dma_start3A_1451] : memref<200x4x32x8x128xf32, #tpu.memory_space<hbm>> -> memref<1x1x1x8x128xf32, #tpu.memory_space<hbm>>
      %dma_start3A_1453 = tpu.memref_squeeze %dma_start3A_1452 : memref<1x1x1x8x128xf32, #tpu.memory_space<hbm>> -> memref<8x128xf32, #tpu.memory_space<hbm>>
      %dma_start3A_1454 = arith.constant 0 : i32
      %dma_start3A_1455 = arith.constant 0 : i32
      %dma_start3A_1456 = tpu.memref_slice %arg23[%dma_start3A_1454, %dma_start3A_1455] : memref<32x129xf32, #tpu.memory_space<vmem>> -> memref<8x128xf32, #tpu.memory_space<vmem>>
      tpu.enqueue_dma source(%dma_start3A_1456 : memref<8x128xf32, #tpu.memory_space<vmem>>) target(%dma_start3A_1453 : memref<8x128xf32, #tpu.memory_space<hbm>>) target_semaphore(%arg39 : memref<!tpu.dma_semaphore, #tpu.memory_space<semaphore_mem>>)
      %dma_start3A_1457 = arith.constant 1 : i32
      %dma_start3A_1458 = arith.constant 8 : i32
      %dma_start3A_1459 = arith.constant 0 : i32
      %dma_start3A_1460 = tpu.memref_slice %arg23[%dma_start3A_1458, %dma_start3A_1459] : memref<32x129xf32, #tpu.memory_space<vmem>> -> memref<8x128xf32, #tpu.memory_space<vmem>>
      %dma_start3A_1461 = arith.constant 0 : i32
      %dma_start3A_1462 = arith.constant 0 : i32
      %dma_start3A_1463 = tpu.memref_slice %arg5[%select_n3A_1425, %dma_start3A_1457, %rem3A_1427, %dma_start3A_1461, %dma_start3A_1462] : memref<200x4x32x8x128xf32, #tpu.memory_space<hbm>> -> memref<1x1x1x8x128xf32, #tpu.memory_space<hbm>>
      %dma_start3A_1464 = tpu.memref_squeeze %dma_start3A_1463 : memref<1x1x1x8x128xf32, #tpu.memory_space<hbm>> -> memref<8x128xf32, #tpu.memory_space<hbm>>
      %dma_start3A_1465 = arith.constant 0 : i32
      %dma_start3A_1466 = arith.constant 0 : i32
      %dma_start3A_1467 = tpu.memref_slice %arg5[%select_n3A_1425, %dma_start3A_1457, %rem3A_1427, %dma_start3A_1465, %dma_start3A_1466] : memref<200x4x32x8x128xf32, #tpu.memory_space<hbm>> -> memref<1x1x1x8x128xf32, #tpu.memory_space<hbm>>
      %dma_start3A_1468 = tpu.memref_squeeze %dma_start3A_1467 : memref<1x1x1x8x128xf32, #tpu.memory_space<hbm>> -> memref<8x128xf32, #tpu.memory_space<hbm>>
      %dma_start3A_1469 = arith.constant 8 : i32
      %dma_start3A_1470 = arith.constant 0 : i32
      %dma_start3A_1471 = tpu.memref_slice %arg23[%dma_start3A_1469, %dma_start3A_1470] : memref<32x129xf32, #tpu.memory_space<vmem>> -> memref<8x128xf32, #tpu.memory_space<vmem>>
      tpu.enqueue_dma source(%dma_start3A_1471 : memref<8x128xf32, #tpu.memory_space<vmem>>) target(%dma_start3A_1468 : memref<8x128xf32, #tpu.memory_space<hbm>>) target_semaphore(%arg39 : memref<!tpu.dma_semaphore, #tpu.memory_space<semaphore_mem>>)
      %dma_start3A_1472 = arith.constant 2 : i32
      %dma_start3A_1473 = arith.constant 16 : i32
      %dma_start3A_1474 = arith.constant 0 : i32
      %dma_start3A_1475 = tpu.memref_slice %arg23[%dma_start3A_1473, %dma_start3A_1474] : memref<32x129xf32, #tpu.memory_space<vmem>> -> memref<8x128xf32, #tpu.memory_space<vmem>>
      %dma_start3A_1476 = arith.constant 0 : i32
      %dma_start3A_1477 = arith.constant 0 : i32
      %dma_start3A_1478 = tpu.memref_slice %arg5[%select_n3A_1425, %dma_start3A_1472, %rem3A_1427, %dma_start3A_1476, %dma_start3A_1477] : memref<200x4x32x8x128xf32, #tpu.memory_space<hbm>> -> memref<1x1x1x8x128xf32, #tpu.memory_space<hbm>>
      %dma_start3A_1479 = tpu.memref_squeeze %dma_start3A_1478 : memref<1x1x1x8x128xf32, #tpu.memory_space<hbm>> -> memref<8x128xf32, #tpu.memory_space<hbm>>
      %dma_start3A_1480 = arith.constant 0 : i32
      %dma_start3A_1481 = arith.constant 0 : i32
      %dma_start3A_1482 = tpu.memref_slice %arg5[%select_n3A_1425, %dma_start3A_1472, %rem3A_1427, %dma_start3A_1480, %dma_start3A_1481] : memref<200x4x32x8x128xf32, #tpu.memory_space<hbm>> -> memref<1x1x1x8x128xf32, #tpu.memory_space<hbm>>
      %dma_start3A_1483 = tpu.memref_squeeze %dma_start3A_1482 : memref<1x1x1x8x128xf32, #tpu.memory_space<hbm>> -> memref<8x128xf32, #tpu.memory_space<hbm>>
      %dma_start3A_1484 = arith.constant 16 : i32
      %dma_start3A_1485 = arith.constant 0 : i32
      %dma_start3A_1486 = tpu.memref_slice %arg23[%dma_start3A_1484, %dma_start3A_1485] : memref<32x129xf32, #tpu.memory_space<vmem>> -> memref<8x128xf32, #tpu.memory_space<vmem>>
      tpu.enqueue_dma source(%dma_start3A_1486 : memref<8x128xf32, #tpu.memory_space<vmem>>) target(%dma_start3A_1483 : memref<8x128xf32, #tpu.memory_space<hbm>>) target_semaphore(%arg39 : memref<!tpu.dma_semaphore, #tpu.memory_space<semaphore_mem>>)
      %dma_start3A_1487 = arith.constant 3 : i32
      %dma_start3A_1488 = arith.constant 24 : i32
      %dma_start3A_1489 = arith.constant 0 : i32
      %dma_start3A_1490 = tpu.memref_slice %arg23[%dma_start3A_1488, %dma_start3A_1489] : memref<32x129xf32, #tpu.memory_space<vmem>> -> memref<8x128xf32, #tpu.memory_space<vmem>>
      %dma_start3A_1491 = arith.constant 0 : i32
      %dma_start3A_1492 = arith.constant 0 : i32
      %dma_start3A_1493 = tpu.memref_slice %arg5[%select_n3A_1425, %dma_start3A_1487, %rem3A_1427, %dma_start3A_1491, %dma_start3A_1492] : memref<200x4x32x8x128xf32, #tpu.memory_space<hbm>> -> memref<1x1x1x8x128xf32, #tpu.memory_space<hbm>>
      %dma_start3A_1494 = tpu.memref_squeeze %dma_start3A_1493 : memref<1x1x1x8x128xf32, #tpu.memory_space<hbm>> -> memref<8x128xf32, #tpu.memory_space<hbm>>
      %dma_start3A_1495 = arith.constant 0 : i32
      %dma_start3A_1496 = arith.constant 0 : i32
      %dma_start3A_1497 = tpu.memref_slice %arg5[%select_n3A_1425, %dma_start3A_1487, %rem3A_1427, %dma_start3A_1495, %dma_start3A_1496] : memref<200x4x32x8x128xf32, #tpu.memory_space<hbm>> -> memref<1x1x1x8x128xf32, #tpu.memory_space<hbm>>
      %dma_start3A_1498 = tpu.memref_squeeze %dma_start3A_1497 : memref<1x1x1x8x128xf32, #tpu.memory_space<hbm>> -> memref<8x128xf32, #tpu.memory_space<hbm>>
      %dma_start3A_1499 = arith.constant 24 : i32
      %dma_start3A_1500 = arith.constant 0 : i32
      %dma_start3A_1501 = tpu.memref_slice %arg23[%dma_start3A_1499, %dma_start3A_1500] : memref<32x129xf32, #tpu.memory_space<vmem>> -> memref<8x128xf32, #tpu.memory_space<vmem>>
      tpu.enqueue_dma source(%dma_start3A_1501 : memref<8x128xf32, #tpu.memory_space<vmem>>) target(%dma_start3A_1498 : memref<8x128xf32, #tpu.memory_space<hbm>>) target_semaphore(%arg39 : memref<!tpu.dma_semaphore, #tpu.memory_space<semaphore_mem>>)
      %scan3A_1502 = arith.constant 0 : i32
      scf.yield %scan3A_1502 : i32
    }
    %scan3A_10 = arith.constant 25 : i32
    %dma_wait3A = arith.constant 0 : i32
    %dma_wait3A_11 = arith.constant 0 : i32
    %dma_wait3A_12 = arith.constant 0 : i32
    %dma_wait3A_13 = arith.constant 0 : i32
    %dma_wait3A_14 = arith.constant 0 : i32
    %dma_wait3A_15 = tpu.memref_slice %arg16[%dma_wait3A_13, %dma_wait3A_14] : memref<32x129xf32, #tpu.memory_space<vmem>> -> memref<8x128xf32, #tpu.memory_space<vmem>>
    %dma_wait3A_16 = arith.constant 0 : i32
    %dma_wait3A_17 = arith.constant 0 : i32
    %dma_wait3A_18 = tpu.memref_slice %arg5[%dma_wait3A, %dma_wait3A_11, %dma_wait3A_12, %dma_wait3A_16, %dma_wait3A_17] : memref<200x4x32x8x128xf32, #tpu.memory_space<hbm>> -> memref<1x1x1x8x128xf32, #tpu.memory_space<hbm>>
    %dma_wait3A_19 = tpu.memref_squeeze %dma_wait3A_18 : memref<1x1x1x8x128xf32, #tpu.memory_space<hbm>> -> memref<8x128xf32, #tpu.memory_space<hbm>>
    %dma_wait3A_20 = arith.constant 0 : i32
    %dma_wait3A_21 = arith.constant 0 : i32
    %dma_wait3A_22 = tpu.memref_slice %arg5[%dma_wait3A, %dma_wait3A_11, %dma_wait3A_12, %dma_wait3A_20, %dma_wait3A_21] : memref<200x4x32x8x128xf32, #tpu.memory_space<hbm>> -> memref<1x1x1x8x128xf32, #tpu.memory_space<hbm>>
    %dma_wait3A_23 = tpu.memref_squeeze %dma_wait3A_22 : memref<1x1x1x8x128xf32, #tpu.memory_space<hbm>> -> memref<8x128xf32, #tpu.memory_space<hbm>>
    %dma_wait3A_24 = arith.constant 0 : i32
    %dma_wait3A_25 = arith.constant 0 : i32
    %dma_wait3A_26 = tpu.memref_slice %arg16[%dma_wait3A_24, %dma_wait3A_25] : memref<32x129xf32, #tpu.memory_space<vmem>> -> memref<8x128xf32, #tpu.memory_space<vmem>>
    tpu.wait_dma2 semaphore(%arg32 : memref<!tpu.dma_semaphore, #tpu.memory_space<semaphore_mem>>) src(%dma_wait3A_26 : memref<8x128xf32, #tpu.memory_space<vmem>>) dst(%dma_wait3A_23 : memref<8x128xf32, #tpu.memory_space<hbm>>)
    %dma_wait3A_27 = arith.constant 0 : i32
    %dma_wait3A_28 = arith.constant 1 : i32
    %dma_wait3A_29 = arith.constant 0 : i32
    %dma_wait3A_30 = arith.constant 8 : i32
    %dma_wait3A_31 = arith.constant 0 : i32
    %dma_wait3A_32 = tpu.memref_slice %arg16[%dma_wait3A_30, %dma_wait3A_31] : memref<32x129xf32, #tpu.memory_space<vmem>> -> memref<8x128xf32, #tpu.memory_space<vmem>>
    %dma_wait3A_33 = arith.constant 0 : i32
    %dma_wait3A_34 = arith.constant 0 : i32
    %dma_wait3A_35 = tpu.memref_slice %arg5[%dma_wait3A_27, %dma_wait3A_28, %dma_wait3A_29, %dma_wait3A_33, %dma_wait3A_34] : memref<200x4x32x8x128xf32, #tpu.memory_space<hbm>> -> memref<1x1x1x8x128xf32, #tpu.memory_space<hbm>>
    %dma_wait3A_36 = tpu.memref_squeeze %dma_wait3A_35 : memref<1x1x1x8x128xf32, #tpu.memory_space<hbm>> -> memref<8x128xf32, #tpu.memory_space<hbm>>
    %dma_wait3A_37 = arith.constant 0 : i32
    %dma_wait3A_38 = arith.constant 0 : i32
    %dma_wait3A_39 = tpu.memref_slice %arg5[%dma_wait3A_27, %dma_wait3A_28, %dma_wait3A_29, %dma_wait3A_37, %dma_wait3A_38] : memref<200x4x32x8x128xf32, #tpu.memory_space<hbm>> -> memref<1x1x1x8x128xf32, #tpu.memory_space<hbm>>
    %dma_wait3A_40 = tpu.memref_squeeze %dma_wait3A_39 : memref<1x1x1x8x128xf32, #tpu.memory_space<hbm>> -> memref<8x128xf32, #tpu.memory_space<hbm>>
    %dma_wait3A_41 = arith.constant 8 : i32
    %dma_wait3A_42 = arith.constant 0 : i32
    %dma_wait3A_43 = tpu.memref_slice %arg16[%dma_wait3A_41, %dma_wait3A_42] : memref<32x129xf32, #tpu.memory_space<vmem>> -> memref<8x128xf32, #tpu.memory_space<vmem>>
    tpu.wait_dma2 semaphore(%arg32 : memref<!tpu.dma_semaphore, #tpu.memory_space<semaphore_mem>>) src(%dma_wait3A_43 : memref<8x128xf32, #tpu.memory_space<vmem>>) dst(%dma_wait3A_40 : memref<8x128xf32, #tpu.memory_space<hbm>>)
    %dma_wait3A_44 = arith.constant 0 : i32
    %dma_wait3A_45 = arith.constant 2 : i32
    %dma_wait3A_46 = arith.constant 0 : i32
    %dma_wait3A_47 = arith.constant 16 : i32
    %dma_wait3A_48 = arith.constant 0 : i32
    %dma_wait3A_49 = tpu.memref_slice %arg16[%dma_wait3A_47, %dma_wait3A_48] : memref<32x129xf32, #tpu.memory_space<vmem>> -> memref<8x128xf32, #tpu.memory_space<vmem>>
    %dma_wait3A_50 = arith.constant 0 : i32
    %dma_wait3A_51 = arith.constant 0 : i32
    %dma_wait3A_52 = tpu.memref_slice %arg5[%dma_wait3A_44, %dma_wait3A_45, %dma_wait3A_46, %dma_wait3A_50, %dma_wait3A_51] : memref<200x4x32x8x128xf32, #tpu.memory_space<hbm>> -> memref<1x1x1x8x128xf32, #tpu.memory_space<hbm>>
    %dma_wait3A_53 = tpu.memref_squeeze %dma_wait3A_52 : memref<1x1x1x8x128xf32, #tpu.memory_space<hbm>> -> memref<8x128xf32, #tpu.memory_space<hbm>>
    %dma_wait3A_54 = arith.constant 0 : i32
    %dma_wait3A_55 = arith.constant 0 : i32
    %dma_wait3A_56 = tpu.memref_slice %arg5[%dma_wait3A_44, %dma_wait3A_45, %dma_wait3A_46, %dma_wait3A_54, %dma_wait3A_55] : memref<200x4x32x8x128xf32, #tpu.memory_space<hbm>> -> memref<1x1x1x8x128xf32, #tpu.memory_space<hbm>>
    %dma_wait3A_57 = tpu.memref_squeeze %dma_wait3A_56 : memref<1x1x1x8x128xf32, #tpu.memory_space<hbm>> -> memref<8x128xf32, #tpu.memory_space<hbm>>
    %dma_wait3A_58 = arith.constant 16 : i32
    %dma_wait3A_59 = arith.constant 0 : i32
    %dma_wait3A_60 = tpu.memref_slice %arg16[%dma_wait3A_58, %dma_wait3A_59] : memref<32x129xf32, #tpu.memory_space<vmem>> -> memref<8x128xf32, #tpu.memory_space<vmem>>
    tpu.wait_dma2 semaphore(%arg32 : memref<!tpu.dma_semaphore, #tpu.memory_space<semaphore_mem>>) src(%dma_wait3A_60 : memref<8x128xf32, #tpu.memory_space<vmem>>) dst(%dma_wait3A_57 : memref<8x128xf32, #tpu.memory_space<hbm>>)
    %dma_wait3A_61 = arith.constant 0 : i32
    %dma_wait3A_62 = arith.constant 3 : i32
    %dma_wait3A_63 = arith.constant 0 : i32
    %dma_wait3A_64 = arith.constant 24 : i32
    %dma_wait3A_65 = arith.constant 0 : i32
    %dma_wait3A_66 = tpu.memref_slice %arg16[%dma_wait3A_64, %dma_wait3A_65] : memref<32x129xf32, #tpu.memory_space<vmem>> -> memref<8x128xf32, #tpu.memory_space<vmem>>
    %dma_wait3A_67 = arith.constant 0 : i32
    %dma_wait3A_68 = arith.constant 0 : i32
    %dma_wait3A_69 = tpu.memref_slice %arg5[%dma_wait3A_61, %dma_wait3A_62, %dma_wait3A_63, %dma_wait3A_67, %dma_wait3A_68] : memref<200x4x32x8x128xf32, #tpu.memory_space<hbm>> -> memref<1x1x1x8x128xf32, #tpu.memory_space<hbm>>
    %dma_wait3A_70 = tpu.memref_squeeze %dma_wait3A_69 : memref<1x1x1x8x128xf32, #tpu.memory_space<hbm>> -> memref<8x128xf32, #tpu.memory_space<hbm>>
    %dma_wait3A_71 = arith.constant 0 : i32
    %dma_wait3A_72 = arith.constant 0 : i32
    %dma_wait3A_73 = tpu.memref_slice %arg5[%dma_wait3A_61, %dma_wait3A_62, %dma_wait3A_63, %dma_wait3A_71, %dma_wait3A_72] : memref<200x4x32x8x128xf32, #tpu.memory_space<hbm>> -> memref<1x1x1x8x128xf32, #tpu.memory_space<hbm>>
    %dma_wait3A_74 = tpu.memref_squeeze %dma_wait3A_73 : memref<1x1x1x8x128xf32, #tpu.memory_space<hbm>> -> memref<8x128xf32, #tpu.memory_space<hbm>>
    %dma_wait3A_75 = arith.constant 24 : i32
    %dma_wait3A_76 = arith.constant 0 : i32
    %dma_wait3A_77 = tpu.memref_slice %arg16[%dma_wait3A_75, %dma_wait3A_76] : memref<32x129xf32, #tpu.memory_space<vmem>> -> memref<8x128xf32, #tpu.memory_space<vmem>>
    tpu.wait_dma2 semaphore(%arg32 : memref<!tpu.dma_semaphore, #tpu.memory_space<semaphore_mem>>) src(%dma_wait3A_77 : memref<8x128xf32, #tpu.memory_space<vmem>>) dst(%dma_wait3A_74 : memref<8x128xf32, #tpu.memory_space<hbm>>)
    %dma_wait3A_78 = arith.constant 0 : i32
    %dma_wait3A_79 = arith.constant 0 : i32
    %dma_wait3A_80 = arith.constant 0 : i32
    %dma_wait3A_81 = arith.constant 0 : i32
    %dma_wait3A_82 = arith.constant 0 : i32
    %dma_wait3A_83 = tpu.memref_slice %arg17[%dma_wait3A_81, %dma_wait3A_82] : memref<32x129xf32, #tpu.memory_space<vmem>> -> memref<8x128xf32, #tpu.memory_space<vmem>>
    %dma_wait3A_84 = arith.constant 0 : i32
    %dma_wait3A_85 = arith.constant 0 : i32
    %dma_wait3A_86 = tpu.memref_slice %arg5[%dma_wait3A_78, %dma_wait3A_79, %dma_wait3A_80, %dma_wait3A_84, %dma_wait3A_85] : memref<200x4x32x8x128xf32, #tpu.memory_space<hbm>> -> memref<1x1x1x8x128xf32, #tpu.memory_space<hbm>>
    %dma_wait3A_87 = tpu.memref_squeeze %dma_wait3A_86 : memref<1x1x1x8x128xf32, #tpu.memory_space<hbm>> -> memref<8x128xf32, #tpu.memory_space<hbm>>
    %dma_wait3A_88 = arith.constant 0 : i32
    %dma_wait3A_89 = arith.constant 0 : i32
    %dma_wait3A_90 = tpu.memref_slice %arg5[%dma_wait3A_78, %dma_wait3A_79, %dma_wait3A_80, %dma_wait3A_88, %dma_wait3A_89] : memref<200x4x32x8x128xf32, #tpu.memory_space<hbm>> -> memref<1x1x1x8x128xf32, #tpu.memory_space<hbm>>
    %dma_wait3A_91 = tpu.memref_squeeze %dma_wait3A_90 : memref<1x1x1x8x128xf32, #tpu.memory_space<hbm>> -> memref<8x128xf32, #tpu.memory_space<hbm>>
    %dma_wait3A_92 = arith.constant 0 : i32
    %dma_wait3A_93 = arith.constant 0 : i32
    %dma_wait3A_94 = tpu.memref_slice %arg17[%dma_wait3A_92, %dma_wait3A_93] : memref<32x129xf32, #tpu.memory_space<vmem>> -> memref<8x128xf32, #tpu.memory_space<vmem>>
    tpu.wait_dma2 semaphore(%arg33 : memref<!tpu.dma_semaphore, #tpu.memory_space<semaphore_mem>>) src(%dma_wait3A_94 : memref<8x128xf32, #tpu.memory_space<vmem>>) dst(%dma_wait3A_91 : memref<8x128xf32, #tpu.memory_space<hbm>>)
    %dma_wait3A_95 = arith.constant 0 : i32
    %dma_wait3A_96 = arith.constant 1 : i32
    %dma_wait3A_97 = arith.constant 0 : i32
    %dma_wait3A_98 = arith.constant 8 : i32
    %dma_wait3A_99 = arith.constant 0 : i32
    %dma_wait3A_100 = tpu.memref_slice %arg17[%dma_wait3A_98, %dma_wait3A_99] : memref<32x129xf32, #tpu.memory_space<vmem>> -> memref<8x128xf32, #tpu.memory_space<vmem>>
    %dma_wait3A_101 = arith.constant 0 : i32
    %dma_wait3A_102 = arith.constant 0 : i32
    %dma_wait3A_103 = tpu.memref_slice %arg5[%dma_wait3A_95, %dma_wait3A_96, %dma_wait3A_97, %dma_wait3A_101, %dma_wait3A_102] : memref<200x4x32x8x128xf32, #tpu.memory_space<hbm>> -> memref<1x1x1x8x128xf32, #tpu.memory_space<hbm>>
    %dma_wait3A_104 = tpu.memref_squeeze %dma_wait3A_103 : memref<1x1x1x8x128xf32, #tpu.memory_space<hbm>> -> memref<8x128xf32, #tpu.memory_space<hbm>>
    %dma_wait3A_105 = arith.constant 0 : i32
    %dma_wait3A_106 = arith.constant 0 : i32
    %dma_wait3A_107 = tpu.memref_slice %arg5[%dma_wait3A_95, %dma_wait3A_96, %dma_wait3A_97, %dma_wait3A_105, %dma_wait3A_106] : memref<200x4x32x8x128xf32, #tpu.memory_space<hbm>> -> memref<1x1x1x8x128xf32, #tpu.memory_space<hbm>>
    %dma_wait3A_108 = tpu.memref_squeeze %dma_wait3A_107 : memref<1x1x1x8x128xf32, #tpu.memory_space<hbm>> -> memref<8x128xf32, #tpu.memory_space<hbm>>
    %dma_wait3A_109 = arith.constant 8 : i32
    %dma_wait3A_110 = arith.constant 0 : i32
    %dma_wait3A_111 = tpu.memref_slice %arg17[%dma_wait3A_109, %dma_wait3A_110] : memref<32x129xf32, #tpu.memory_space<vmem>> -> memref<8x128xf32, #tpu.memory_space<vmem>>
    tpu.wait_dma2 semaphore(%arg33 : memref<!tpu.dma_semaphore, #tpu.memory_space<semaphore_mem>>) src(%dma_wait3A_111 : memref<8x128xf32, #tpu.memory_space<vmem>>) dst(%dma_wait3A_108 : memref<8x128xf32, #tpu.memory_space<hbm>>)
    %dma_wait3A_112 = arith.constant 0 : i32
    %dma_wait3A_113 = arith.constant 2 : i32
    %dma_wait3A_114 = arith.constant 0 : i32
    %dma_wait3A_115 = arith.constant 16 : i32
    %dma_wait3A_116 = arith.constant 0 : i32
    %dma_wait3A_117 = tpu.memref_slice %arg17[%dma_wait3A_115, %dma_wait3A_116] : memref<32x129xf32, #tpu.memory_space<vmem>> -> memref<8x128xf32, #tpu.memory_space<vmem>>
    %dma_wait3A_118 = arith.constant 0 : i32
    %dma_wait3A_119 = arith.constant 0 : i32
    %dma_wait3A_120 = tpu.memref_slice %arg5[%dma_wait3A_112, %dma_wait3A_113, %dma_wait3A_114, %dma_wait3A_118, %dma_wait3A_119] : memref<200x4x32x8x128xf32, #tpu.memory_space<hbm>> -> memref<1x1x1x8x128xf32, #tpu.memory_space<hbm>>
    %dma_wait3A_121 = tpu.memref_squeeze %dma_wait3A_120 : memref<1x1x1x8x128xf32, #tpu.memory_space<hbm>> -> memref<8x128xf32, #tpu.memory_space<hbm>>
    %dma_wait3A_122 = arith.constant 0 : i32
    %dma_wait3A_123 = arith.constant 0 : i32
    %dma_wait3A_124 = tpu.memref_slice %arg5[%dma_wait3A_112, %dma_wait3A_113, %dma_wait3A_114, %dma_wait3A_122, %dma_wait3A_123] : memref<200x4x32x8x128xf32, #tpu.memory_space<hbm>> -> memref<1x1x1x8x128xf32, #tpu.memory_space<hbm>>
    %dma_wait3A_125 = tpu.memref_squeeze %dma_wait3A_124 : memref<1x1x1x8x128xf32, #tpu.memory_space<hbm>> -> memref<8x128xf32, #tpu.memory_space<hbm>>
    %dma_wait3A_126 = arith.constant 16 : i32
    %dma_wait3A_127 = arith.constant 0 : i32
    %dma_wait3A_128 = tpu.memref_slice %arg17[%dma_wait3A_126, %dma_wait3A_127] : memref<32x129xf32, #tpu.memory_space<vmem>> -> memref<8x128xf32, #tpu.memory_space<vmem>>
    tpu.wait_dma2 semaphore(%arg33 : memref<!tpu.dma_semaphore, #tpu.memory_space<semaphore_mem>>) src(%dma_wait3A_128 : memref<8x128xf32, #tpu.memory_space<vmem>>) dst(%dma_wait3A_125 : memref<8x128xf32, #tpu.memory_space<hbm>>)
    %dma_wait3A_129 = arith.constant 0 : i32
    %dma_wait3A_130 = arith.constant 3 : i32
    %dma_wait3A_131 = arith.constant 0 : i32
    %dma_wait3A_132 = arith.constant 24 : i32
    %dma_wait3A_133 = arith.constant 0 : i32
    %dma_wait3A_134 = tpu.memref_slice %arg17[%dma_wait3A_132, %dma_wait3A_133] : memref<32x129xf32, #tpu.memory_space<vmem>> -> memref<8x128xf32, #tpu.memory_space<vmem>>
    %dma_wait3A_135 = arith.constant 0 : i32
    %dma_wait3A_136 = arith.constant 0 : i32
    %dma_wait3A_137 = tpu.memref_slice %arg5[%dma_wait3A_129, %dma_wait3A_130, %dma_wait3A_131, %dma_wait3A_135, %dma_wait3A_136] : memref<200x4x32x8x128xf32, #tpu.memory_space<hbm>> -> memref<1x1x1x8x128xf32, #tpu.memory_space<hbm>>
    %dma_wait3A_138 = tpu.memref_squeeze %dma_wait3A_137 : memref<1x1x1x8x128xf32, #tpu.memory_space<hbm>> -> memref<8x128xf32, #tpu.memory_space<hbm>>
    %dma_wait3A_139 = arith.constant 0 : i32
    %dma_wait3A_140 = arith.constant 0 : i32
    %dma_wait3A_141 = tpu.memref_slice %arg5[%dma_wait3A_129, %dma_wait3A_130, %dma_wait3A_131, %dma_wait3A_139, %dma_wait3A_140] : memref<200x4x32x8x128xf32, #tpu.memory_space<hbm>> -> memref<1x1x1x8x128xf32, #tpu.memory_space<hbm>>
    %dma_wait3A_142 = tpu.memref_squeeze %dma_wait3A_141 : memref<1x1x1x8x128xf32, #tpu.memory_space<hbm>> -> memref<8x128xf32, #tpu.memory_space<hbm>>
    %dma_wait3A_143 = arith.constant 24 : i32
    %dma_wait3A_144 = arith.constant 0 : i32
    %dma_wait3A_145 = tpu.memref_slice %arg17[%dma_wait3A_143, %dma_wait3A_144] : memref<32x129xf32, #tpu.memory_space<vmem>> -> memref<8x128xf32, #tpu.memory_space<vmem>>
    tpu.wait_dma2 semaphore(%arg33 : memref<!tpu.dma_semaphore, #tpu.memory_space<semaphore_mem>>) src(%dma_wait3A_145 : memref<8x128xf32, #tpu.memory_space<vmem>>) dst(%dma_wait3A_142 : memref<8x128xf32, #tpu.memory_space<hbm>>)
    %dma_wait3A_146 = arith.constant 0 : i32
    %dma_wait3A_147 = arith.constant 0 : i32
    %dma_wait3A_148 = arith.constant 0 : i32
    %dma_wait3A_149 = arith.constant 0 : i32
    %dma_wait3A_150 = arith.constant 0 : i32
    %dma_wait3A_151 = tpu.memref_slice %arg18[%dma_wait3A_149, %dma_wait3A_150] : memref<32x129xf32, #tpu.memory_space<vmem>> -> memref<8x128xf32, #tpu.memory_space<vmem>>
    %dma_wait3A_152 = arith.constant 0 : i32
    %dma_wait3A_153 = arith.constant 0 : i32
    %dma_wait3A_154 = tpu.memref_slice %arg5[%dma_wait3A_146, %dma_wait3A_147, %dma_wait3A_148, %dma_wait3A_152, %dma_wait3A_153] : memref<200x4x32x8x128xf32, #tpu.memory_space<hbm>> -> memref<1x1x1x8x128xf32, #tpu.memory_space<hbm>>
    %dma_wait3A_155 = tpu.memref_squeeze %dma_wait3A_154 : memref<1x1x1x8x128xf32, #tpu.memory_space<hbm>> -> memref<8x128xf32, #tpu.memory_space<hbm>>
    %dma_wait3A_156 = arith.constant 0 : i32
    %dma_wait3A_157 = arith.constant 0 : i32
    %dma_wait3A_158 = tpu.memref_slice %arg5[%dma_wait3A_146, %dma_wait3A_147, %dma_wait3A_148, %dma_wait3A_156, %dma_wait3A_157] : memref<200x4x32x8x128xf32, #tpu.memory_space<hbm>> -> memref<1x1x1x8x128xf32, #tpu.memory_space<hbm>>
    %dma_wait3A_159 = tpu.memref_squeeze %dma_wait3A_158 : memref<1x1x1x8x128xf32, #tpu.memory_space<hbm>> -> memref<8x128xf32, #tpu.memory_space<hbm>>
    %dma_wait3A_160 = arith.constant 0 : i32
    %dma_wait3A_161 = arith.constant 0 : i32
    %dma_wait3A_162 = tpu.memref_slice %arg18[%dma_wait3A_160, %dma_wait3A_161] : memref<32x129xf32, #tpu.memory_space<vmem>> -> memref<8x128xf32, #tpu.memory_space<vmem>>
    tpu.wait_dma2 semaphore(%arg34 : memref<!tpu.dma_semaphore, #tpu.memory_space<semaphore_mem>>) src(%dma_wait3A_162 : memref<8x128xf32, #tpu.memory_space<vmem>>) dst(%dma_wait3A_159 : memref<8x128xf32, #tpu.memory_space<hbm>>)
    %dma_wait3A_163 = arith.constant 0 : i32
    %dma_wait3A_164 = arith.constant 1 : i32
    %dma_wait3A_165 = arith.constant 0 : i32
    %dma_wait3A_166 = arith.constant 8 : i32
    %dma_wait3A_167 = arith.constant 0 : i32
    %dma_wait3A_168 = tpu.memref_slice %arg18[%dma_wait3A_166, %dma_wait3A_167] : memref<32x129xf32, #tpu.memory_space<vmem>> -> memref<8x128xf32, #tpu.memory_space<vmem>>
    %dma_wait3A_169 = arith.constant 0 : i32
    %dma_wait3A_170 = arith.constant 0 : i32
    %dma_wait3A_171 = tpu.memref_slice %arg5[%dma_wait3A_163, %dma_wait3A_164, %dma_wait3A_165, %dma_wait3A_169, %dma_wait3A_170] : memref<200x4x32x8x128xf32, #tpu.memory_space<hbm>> -> memref<1x1x1x8x128xf32, #tpu.memory_space<hbm>>
    %dma_wait3A_172 = tpu.memref_squeeze %dma_wait3A_171 : memref<1x1x1x8x128xf32, #tpu.memory_space<hbm>> -> memref<8x128xf32, #tpu.memory_space<hbm>>
    %dma_wait3A_173 = arith.constant 0 : i32
    %dma_wait3A_174 = arith.constant 0 : i32
    %dma_wait3A_175 = tpu.memref_slice %arg5[%dma_wait3A_163, %dma_wait3A_164, %dma_wait3A_165, %dma_wait3A_173, %dma_wait3A_174] : memref<200x4x32x8x128xf32, #tpu.memory_space<hbm>> -> memref<1x1x1x8x128xf32, #tpu.memory_space<hbm>>
    %dma_wait3A_176 = tpu.memref_squeeze %dma_wait3A_175 : memref<1x1x1x8x128xf32, #tpu.memory_space<hbm>> -> memref<8x128xf32, #tpu.memory_space<hbm>>
    %dma_wait3A_177 = arith.constant 8 : i32
    %dma_wait3A_178 = arith.constant 0 : i32
    %dma_wait3A_179 = tpu.memref_slice %arg18[%dma_wait3A_177, %dma_wait3A_178] : memref<32x129xf32, #tpu.memory_space<vmem>> -> memref<8x128xf32, #tpu.memory_space<vmem>>
    tpu.wait_dma2 semaphore(%arg34 : memref<!tpu.dma_semaphore, #tpu.memory_space<semaphore_mem>>) src(%dma_wait3A_179 : memref<8x128xf32, #tpu.memory_space<vmem>>) dst(%dma_wait3A_176 : memref<8x128xf32, #tpu.memory_space<hbm>>)
    %dma_wait3A_180 = arith.constant 0 : i32
    %dma_wait3A_181 = arith.constant 2 : i32
    %dma_wait3A_182 = arith.constant 0 : i32
    %dma_wait3A_183 = arith.constant 16 : i32
    %dma_wait3A_184 = arith.constant 0 : i32
    %dma_wait3A_185 = tpu.memref_slice %arg18[%dma_wait3A_183, %dma_wait3A_184] : memref<32x129xf32, #tpu.memory_space<vmem>> -> memref<8x128xf32, #tpu.memory_space<vmem>>
    %dma_wait3A_186 = arith.constant 0 : i32
    %dma_wait3A_187 = arith.constant 0 : i32
    %dma_wait3A_188 = tpu.memref_slice %arg5[%dma_wait3A_180, %dma_wait3A_181, %dma_wait3A_182, %dma_wait3A_186, %dma_wait3A_187] : memref<200x4x32x8x128xf32, #tpu.memory_space<hbm>> -> memref<1x1x1x8x128xf32, #tpu.memory_space<hbm>>
    %dma_wait3A_189 = tpu.memref_squeeze %dma_wait3A_188 : memref<1x1x1x8x128xf32, #tpu.memory_space<hbm>> -> memref<8x128xf32, #tpu.memory_space<hbm>>
    %dma_wait3A_190 = arith.constant 0 : i32
    %dma_wait3A_191 = arith.constant 0 : i32
    %dma_wait3A_192 = tpu.memref_slice %arg5[%dma_wait3A_180, %dma_wait3A_181, %dma_wait3A_182, %dma_wait3A_190, %dma_wait3A_191] : memref<200x4x32x8x128xf32, #tpu.memory_space<hbm>> -> memref<1x1x1x8x128xf32, #tpu.memory_space<hbm>>
    %dma_wait3A_193 = tpu.memref_squeeze %dma_wait3A_192 : memref<1x1x1x8x128xf32, #tpu.memory_space<hbm>> -> memref<8x128xf32, #tpu.memory_space<hbm>>
    %dma_wait3A_194 = arith.constant 16 : i32
    %dma_wait3A_195 = arith.constant 0 : i32
    %dma_wait3A_196 = tpu.memref_slice %arg18[%dma_wait3A_194, %dma_wait3A_195] : memref<32x129xf32, #tpu.memory_space<vmem>> -> memref<8x128xf32, #tpu.memory_space<vmem>>
    tpu.wait_dma2 semaphore(%arg34 : memref<!tpu.dma_semaphore, #tpu.memory_space<semaphore_mem>>) src(%dma_wait3A_196 : memref<8x128xf32, #tpu.memory_space<vmem>>) dst(%dma_wait3A_193 : memref<8x128xf32, #tpu.memory_space<hbm>>)
    %dma_wait3A_197 = arith.constant 0 : i32
    %dma_wait3A_198 = arith.constant 3 : i32
    %dma_wait3A_199 = arith.constant 0 : i32
    %dma_wait3A_200 = arith.constant 24 : i32
    %dma_wait3A_201 = arith.constant 0 : i32
    %dma_wait3A_202 = tpu.memref_slice %arg18[%dma_wait3A_200, %dma_wait3A_201] : memref<32x129xf32, #tpu.memory_space<vmem>> -> memref<8x128xf32, #tpu.memory_space<vmem>>
    %dma_wait3A_203 = arith.constant 0 : i32
    %dma_wait3A_204 = arith.constant 0 : i32
    %dma_wait3A_205 = tpu.memref_slice %arg5[%dma_wait3A_197, %dma_wait3A_198, %dma_wait3A_199, %dma_wait3A_203, %dma_wait3A_204] : memref<200x4x32x8x128xf32, #tpu.memory_space<hbm>> -> memref<1x1x1x8x128xf32, #tpu.memory_space<hbm>>
    %dma_wait3A_206 = tpu.memref_squeeze %dma_wait3A_205 : memref<1x1x1x8x128xf32, #tpu.memory_space<hbm>> -> memref<8x128xf32, #tpu.memory_space<hbm>>
    %dma_wait3A_207 = arith.constant 0 : i32
    %dma_wait3A_208 = arith.constant 0 : i32
    %dma_wait3A_209 = tpu.memref_slice %arg5[%dma_wait3A_197, %dma_wait3A_198, %dma_wait3A_199, %dma_wait3A_207, %dma_wait3A_208] : memref<200x4x32x8x128xf32, #tpu.memory_space<hbm>> -> memref<1x1x1x8x128xf32, #tpu.memory_space<hbm>>
    %dma_wait3A_210 = tpu.memref_squeeze %dma_wait3A_209 : memref<1x1x1x8x128xf32, #tpu.memory_space<hbm>> -> memref<8x128xf32, #tpu.memory_space<hbm>>
    %dma_wait3A_211 = arith.constant 24 : i32
    %dma_wait3A_212 = arith.constant 0 : i32
    %dma_wait3A_213 = tpu.memref_slice %arg18[%dma_wait3A_211, %dma_wait3A_212] : memref<32x129xf32, #tpu.memory_space<vmem>> -> memref<8x128xf32, #tpu.memory_space<vmem>>
    tpu.wait_dma2 semaphore(%arg34 : memref<!tpu.dma_semaphore, #tpu.memory_space<semaphore_mem>>) src(%dma_wait3A_213 : memref<8x128xf32, #tpu.memory_space<vmem>>) dst(%dma_wait3A_210 : memref<8x128xf32, #tpu.memory_space<hbm>>)
    %dma_wait3A_214 = arith.constant 0 : i32
    %dma_wait3A_215 = arith.constant 0 : i32
    %dma_wait3A_216 = arith.constant 0 : i32
    %dma_wait3A_217 = arith.constant 0 : i32
    %dma_wait3A_218 = arith.constant 0 : i32
    %dma_wait3A_219 = tpu.memref_slice %arg19[%dma_wait3A_217, %dma_wait3A_218] : memref<32x129xf32, #tpu.memory_space<vmem>> -> memref<8x128xf32, #tpu.memory_space<vmem>>
    %dma_wait3A_220 = arith.constant 0 : i32
    %dma_wait3A_221 = arith.constant 0 : i32
    %dma_wait3A_222 = tpu.memref_slice %arg5[%dma_wait3A_214, %dma_wait3A_215, %dma_wait3A_216, %dma_wait3A_220, %dma_wait3A_221] : memref<200x4x32x8x128xf32, #tpu.memory_space<hbm>> -> memref<1x1x1x8x128xf32, #tpu.memory_space<hbm>>
    %dma_wait3A_223 = tpu.memref_squeeze %dma_wait3A_222 : memref<1x1x1x8x128xf32, #tpu.memory_space<hbm>> -> memref<8x128xf32, #tpu.memory_space<hbm>>
    %dma_wait3A_224 = arith.constant 0 : i32
    %dma_wait3A_225 = arith.constant 0 : i32
    %dma_wait3A_226 = tpu.memref_slice %arg5[%dma_wait3A_214, %dma_wait3A_215, %dma_wait3A_216, %dma_wait3A_224, %dma_wait3A_225] : memref<200x4x32x8x128xf32, #tpu.memory_space<hbm>> -> memref<1x1x1x8x128xf32, #tpu.memory_space<hbm>>
    %dma_wait3A_227 = tpu.memref_squeeze %dma_wait3A_226 : memref<1x1x1x8x128xf32, #tpu.memory_space<hbm>> -> memref<8x128xf32, #tpu.memory_space<hbm>>
    %dma_wait3A_228 = arith.constant 0 : i32
    %dma_wait3A_229 = arith.constant 0 : i32
    %dma_wait3A_230 = tpu.memref_slice %arg19[%dma_wait3A_228, %dma_wait3A_229] : memref<32x129xf32, #tpu.memory_space<vmem>> -> memref<8x128xf32, #tpu.memory_space<vmem>>
    tpu.wait_dma2 semaphore(%arg35 : memref<!tpu.dma_semaphore, #tpu.memory_space<semaphore_mem>>) src(%dma_wait3A_230 : memref<8x128xf32, #tpu.memory_space<vmem>>) dst(%dma_wait3A_227 : memref<8x128xf32, #tpu.memory_space<hbm>>)
    %dma_wait3A_231 = arith.constant 0 : i32
    %dma_wait3A_232 = arith.constant 1 : i32
    %dma_wait3A_233 = arith.constant 0 : i32
    %dma_wait3A_234 = arith.constant 8 : i32
    %dma_wait3A_235 = arith.constant 0 : i32
    %dma_wait3A_236 = tpu.memref_slice %arg19[%dma_wait3A_234, %dma_wait3A_235] : memref<32x129xf32, #tpu.memory_space<vmem>> -> memref<8x128xf32, #tpu.memory_space<vmem>>
    %dma_wait3A_237 = arith.constant 0 : i32
    %dma_wait3A_238 = arith.constant 0 : i32
    %dma_wait3A_239 = tpu.memref_slice %arg5[%dma_wait3A_231, %dma_wait3A_232, %dma_wait3A_233, %dma_wait3A_237, %dma_wait3A_238] : memref<200x4x32x8x128xf32, #tpu.memory_space<hbm>> -> memref<1x1x1x8x128xf32, #tpu.memory_space<hbm>>
    %dma_wait3A_240 = tpu.memref_squeeze %dma_wait3A_239 : memref<1x1x1x8x128xf32, #tpu.memory_space<hbm>> -> memref<8x128xf32, #tpu.memory_space<hbm>>
    %dma_wait3A_241 = arith.constant 0 : i32
    %dma_wait3A_242 = arith.constant 0 : i32
    %dma_wait3A_243 = tpu.memref_slice %arg5[%dma_wait3A_231, %dma_wait3A_232, %dma_wait3A_233, %dma_wait3A_241, %dma_wait3A_242] : memref<200x4x32x8x128xf32, #tpu.memory_space<hbm>> -> memref<1x1x1x8x128xf32, #tpu.memory_space<hbm>>
    %dma_wait3A_244 = tpu.memref_squeeze %dma_wait3A_243 : memref<1x1x1x8x128xf32, #tpu.memory_space<hbm>> -> memref<8x128xf32, #tpu.memory_space<hbm>>
    %dma_wait3A_245 = arith.constant 8 : i32
    %dma_wait3A_246 = arith.constant 0 : i32
    %dma_wait3A_247 = tpu.memref_slice %arg19[%dma_wait3A_245, %dma_wait3A_246] : memref<32x129xf32, #tpu.memory_space<vmem>> -> memref<8x128xf32, #tpu.memory_space<vmem>>
    tpu.wait_dma2 semaphore(%arg35 : memref<!tpu.dma_semaphore, #tpu.memory_space<semaphore_mem>>) src(%dma_wait3A_247 : memref<8x128xf32, #tpu.memory_space<vmem>>) dst(%dma_wait3A_244 : memref<8x128xf32, #tpu.memory_space<hbm>>)
    %dma_wait3A_248 = arith.constant 0 : i32
    %dma_wait3A_249 = arith.constant 2 : i32
    %dma_wait3A_250 = arith.constant 0 : i32
    %dma_wait3A_251 = arith.constant 16 : i32
    %dma_wait3A_252 = arith.constant 0 : i32
    %dma_wait3A_253 = tpu.memref_slice %arg19[%dma_wait3A_251, %dma_wait3A_252] : memref<32x129xf32, #tpu.memory_space<vmem>> -> memref<8x128xf32, #tpu.memory_space<vmem>>
    %dma_wait3A_254 = arith.constant 0 : i32
    %dma_wait3A_255 = arith.constant 0 : i32
    %dma_wait3A_256 = tpu.memref_slice %arg5[%dma_wait3A_248, %dma_wait3A_249, %dma_wait3A_250, %dma_wait3A_254, %dma_wait3A_255] : memref<200x4x32x8x128xf32, #tpu.memory_space<hbm>> -> memref<1x1x1x8x128xf32, #tpu.memory_space<hbm>>
    %dma_wait3A_257 = tpu.memref_squeeze %dma_wait3A_256 : memref<1x1x1x8x128xf32, #tpu.memory_space<hbm>> -> memref<8x128xf32, #tpu.memory_space<hbm>>
    %dma_wait3A_258 = arith.constant 0 : i32
    %dma_wait3A_259 = arith.constant 0 : i32
    %dma_wait3A_260 = tpu.memref_slice %arg5[%dma_wait3A_248, %dma_wait3A_249, %dma_wait3A_250, %dma_wait3A_258, %dma_wait3A_259] : memref<200x4x32x8x128xf32, #tpu.memory_space<hbm>> -> memref<1x1x1x8x128xf32, #tpu.memory_space<hbm>>
    %dma_wait3A_261 = tpu.memref_squeeze %dma_wait3A_260 : memref<1x1x1x8x128xf32, #tpu.memory_space<hbm>> -> memref<8x128xf32, #tpu.memory_space<hbm>>
    %dma_wait3A_262 = arith.constant 16 : i32
    %dma_wait3A_263 = arith.constant 0 : i32
    %dma_wait3A_264 = tpu.memref_slice %arg19[%dma_wait3A_262, %dma_wait3A_263] : memref<32x129xf32, #tpu.memory_space<vmem>> -> memref<8x128xf32, #tpu.memory_space<vmem>>
    tpu.wait_dma2 semaphore(%arg35 : memref<!tpu.dma_semaphore, #tpu.memory_space<semaphore_mem>>) src(%dma_wait3A_264 : memref<8x128xf32, #tpu.memory_space<vmem>>) dst(%dma_wait3A_261 : memref<8x128xf32, #tpu.memory_space<hbm>>)
    %dma_wait3A_265 = arith.constant 0 : i32
    %dma_wait3A_266 = arith.constant 3 : i32
    %dma_wait3A_267 = arith.constant 0 : i32
    %dma_wait3A_268 = arith.constant 24 : i32
    %dma_wait3A_269 = arith.constant 0 : i32
    %dma_wait3A_270 = tpu.memref_slice %arg19[%dma_wait3A_268, %dma_wait3A_269] : memref<32x129xf32, #tpu.memory_space<vmem>> -> memref<8x128xf32, #tpu.memory_space<vmem>>
    %dma_wait3A_271 = arith.constant 0 : i32
    %dma_wait3A_272 = arith.constant 0 : i32
    %dma_wait3A_273 = tpu.memref_slice %arg5[%dma_wait3A_265, %dma_wait3A_266, %dma_wait3A_267, %dma_wait3A_271, %dma_wait3A_272] : memref<200x4x32x8x128xf32, #tpu.memory_space<hbm>> -> memref<1x1x1x8x128xf32, #tpu.memory_space<hbm>>
    %dma_wait3A_274 = tpu.memref_squeeze %dma_wait3A_273 : memref<1x1x1x8x128xf32, #tpu.memory_space<hbm>> -> memref<8x128xf32, #tpu.memory_space<hbm>>
    %dma_wait3A_275 = arith.constant 0 : i32
    %dma_wait3A_276 = arith.constant 0 : i32
    %dma_wait3A_277 = tpu.memref_slice %arg5[%dma_wait3A_265, %dma_wait3A_266, %dma_wait3A_267, %dma_wait3A_275, %dma_wait3A_276] : memref<200x4x32x8x128xf32, #tpu.memory_space<hbm>> -> memref<1x1x1x8x128xf32, #tpu.memory_space<hbm>>
    %dma_wait3A_278 = tpu.memref_squeeze %dma_wait3A_277 : memref<1x1x1x8x128xf32, #tpu.memory_space<hbm>> -> memref<8x128xf32, #tpu.memory_space<hbm>>
    %dma_wait3A_279 = arith.constant 24 : i32
    %dma_wait3A_280 = arith.constant 0 : i32
    %dma_wait3A_281 = tpu.memref_slice %arg19[%dma_wait3A_279, %dma_wait3A_280] : memref<32x129xf32, #tpu.memory_space<vmem>> -> memref<8x128xf32, #tpu.memory_space<vmem>>
    tpu.wait_dma2 semaphore(%arg35 : memref<!tpu.dma_semaphore, #tpu.memory_space<semaphore_mem>>) src(%dma_wait3A_281 : memref<8x128xf32, #tpu.memory_space<vmem>>) dst(%dma_wait3A_278 : memref<8x128xf32, #tpu.memory_space<hbm>>)
    %dma_wait3A_282 = arith.constant 0 : i32
    %dma_wait3A_283 = arith.constant 0 : i32
    %dma_wait3A_284 = arith.constant 0 : i32
    %dma_wait3A_285 = arith.constant 0 : i32
    %dma_wait3A_286 = arith.constant 0 : i32
    %dma_wait3A_287 = tpu.memref_slice %arg20[%dma_wait3A_285, %dma_wait3A_286] : memref<32x129xf32, #tpu.memory_space<vmem>> -> memref<8x128xf32, #tpu.memory_space<vmem>>
    %dma_wait3A_288 = arith.constant 0 : i32
    %dma_wait3A_289 = arith.constant 0 : i32
    %dma_wait3A_290 = tpu.memref_slice %arg5[%dma_wait3A_282, %dma_wait3A_283, %dma_wait3A_284, %dma_wait3A_288, %dma_wait3A_289] : memref<200x4x32x8x128xf32, #tpu.memory_space<hbm>> -> memref<1x1x1x8x128xf32, #tpu.memory_space<hbm>>
    %dma_wait3A_291 = tpu.memref_squeeze %dma_wait3A_290 : memref<1x1x1x8x128xf32, #tpu.memory_space<hbm>> -> memref<8x128xf32, #tpu.memory_space<hbm>>
    %dma_wait3A_292 = arith.constant 0 : i32
    %dma_wait3A_293 = arith.constant 0 : i32
    %dma_wait3A_294 = tpu.memref_slice %arg5[%dma_wait3A_282, %dma_wait3A_283, %dma_wait3A_284, %dma_wait3A_292, %dma_wait3A_293] : memref<200x4x32x8x128xf32, #tpu.memory_space<hbm>> -> memref<1x1x1x8x128xf32, #tpu.memory_space<hbm>>
    %dma_wait3A_295 = tpu.memref_squeeze %dma_wait3A_294 : memref<1x1x1x8x128xf32, #tpu.memory_space<hbm>> -> memref<8x128xf32, #tpu.memory_space<hbm>>
    %dma_wait3A_296 = arith.constant 0 : i32
    %dma_wait3A_297 = arith.constant 0 : i32
    %dma_wait3A_298 = tpu.memref_slice %arg20[%dma_wait3A_296, %dma_wait3A_297] : memref<32x129xf32, #tpu.memory_space<vmem>> -> memref<8x128xf32, #tpu.memory_space<vmem>>
    tpu.wait_dma2 semaphore(%arg36 : memref<!tpu.dma_semaphore, #tpu.memory_space<semaphore_mem>>) src(%dma_wait3A_298 : memref<8x128xf32, #tpu.memory_space<vmem>>) dst(%dma_wait3A_295 : memref<8x128xf32, #tpu.memory_space<hbm>>)
    %dma_wait3A_299 = arith.constant 0 : i32
    %dma_wait3A_300 = arith.constant 1 : i32
    %dma_wait3A_301 = arith.constant 0 : i32
    %dma_wait3A_302 = arith.constant 8 : i32
    %dma_wait3A_303 = arith.constant 0 : i32
    %dma_wait3A_304 = tpu.memref_slice %arg20[%dma_wait3A_302, %dma_wait3A_303] : memref<32x129xf32, #tpu.memory_space<vmem>> -> memref<8x128xf32, #tpu.memory_space<vmem>>
    %dma_wait3A_305 = arith.constant 0 : i32
    %dma_wait3A_306 = arith.constant 0 : i32
    %dma_wait3A_307 = tpu.memref_slice %arg5[%dma_wait3A_299, %dma_wait3A_300, %dma_wait3A_301, %dma_wait3A_305, %dma_wait3A_306] : memref<200x4x32x8x128xf32, #tpu.memory_space<hbm>> -> memref<1x1x1x8x128xf32, #tpu.memory_space<hbm>>
    %dma_wait3A_308 = tpu.memref_squeeze %dma_wait3A_307 : memref<1x1x1x8x128xf32, #tpu.memory_space<hbm>> -> memref<8x128xf32, #tpu.memory_space<hbm>>
    %dma_wait3A_309 = arith.constant 0 : i32
    %dma_wait3A_310 = arith.constant 0 : i32
    %dma_wait3A_311 = tpu.memref_slice %arg5[%dma_wait3A_299, %dma_wait3A_300, %dma_wait3A_301, %dma_wait3A_309, %dma_wait3A_310] : memref<200x4x32x8x128xf32, #tpu.memory_space<hbm>> -> memref<1x1x1x8x128xf32, #tpu.memory_space<hbm>>
    %dma_wait3A_312 = tpu.memref_squeeze %dma_wait3A_311 : memref<1x1x1x8x128xf32, #tpu.memory_space<hbm>> -> memref<8x128xf32, #tpu.memory_space<hbm>>
    %dma_wait3A_313 = arith.constant 8 : i32
    %dma_wait3A_314 = arith.constant 0 : i32
    %dma_wait3A_315 = tpu.memref_slice %arg20[%dma_wait3A_313, %dma_wait3A_314] : memref<32x129xf32, #tpu.memory_space<vmem>> -> memref<8x128xf32, #tpu.memory_space<vmem>>
    tpu.wait_dma2 semaphore(%arg36 : memref<!tpu.dma_semaphore, #tpu.memory_space<semaphore_mem>>) src(%dma_wait3A_315 : memref<8x128xf32, #tpu.memory_space<vmem>>) dst(%dma_wait3A_312 : memref<8x128xf32, #tpu.memory_space<hbm>>)
    %dma_wait3A_316 = arith.constant 0 : i32
    %dma_wait3A_317 = arith.constant 2 : i32
    %dma_wait3A_318 = arith.constant 0 : i32
    %dma_wait3A_319 = arith.constant 16 : i32
    %dma_wait3A_320 = arith.constant 0 : i32
    %dma_wait3A_321 = tpu.memref_slice %arg20[%dma_wait3A_319, %dma_wait3A_320] : memref<32x129xf32, #tpu.memory_space<vmem>> -> memref<8x128xf32, #tpu.memory_space<vmem>>
    %dma_wait3A_322 = arith.constant 0 : i32
    %dma_wait3A_323 = arith.constant 0 : i32
    %dma_wait3A_324 = tpu.memref_slice %arg5[%dma_wait3A_316, %dma_wait3A_317, %dma_wait3A_318, %dma_wait3A_322, %dma_wait3A_323] : memref<200x4x32x8x128xf32, #tpu.memory_space<hbm>> -> memref<1x1x1x8x128xf32, #tpu.memory_space<hbm>>
    %dma_wait3A_325 = tpu.memref_squeeze %dma_wait3A_324 : memref<1x1x1x8x128xf32, #tpu.memory_space<hbm>> -> memref<8x128xf32, #tpu.memory_space<hbm>>
    %dma_wait3A_326 = arith.constant 0 : i32
    %dma_wait3A_327 = arith.constant 0 : i32
    %dma_wait3A_328 = tpu.memref_slice %arg5[%dma_wait3A_316, %dma_wait3A_317, %dma_wait3A_318, %dma_wait3A_326, %dma_wait3A_327] : memref<200x4x32x8x128xf32, #tpu.memory_space<hbm>> -> memref<1x1x1x8x128xf32, #tpu.memory_space<hbm>>
    %dma_wait3A_329 = tpu.memref_squeeze %dma_wait3A_328 : memref<1x1x1x8x128xf32, #tpu.memory_space<hbm>> -> memref<8x128xf32, #tpu.memory_space<hbm>>
    %dma_wait3A_330 = arith.constant 16 : i32
    %dma_wait3A_331 = arith.constant 0 : i32
    %dma_wait3A_332 = tpu.memref_slice %arg20[%dma_wait3A_330, %dma_wait3A_331] : memref<32x129xf32, #tpu.memory_space<vmem>> -> memref<8x128xf32, #tpu.memory_space<vmem>>
    tpu.wait_dma2 semaphore(%arg36 : memref<!tpu.dma_semaphore, #tpu.memory_space<semaphore_mem>>) src(%dma_wait3A_332 : memref<8x128xf32, #tpu.memory_space<vmem>>) dst(%dma_wait3A_329 : memref<8x128xf32, #tpu.memory_space<hbm>>)
    %dma_wait3A_333 = arith.constant 0 : i32
    %dma_wait3A_334 = arith.constant 3 : i32
    %dma_wait3A_335 = arith.constant 0 : i32
    %dma_wait3A_336 = arith.constant 24 : i32
    %dma_wait3A_337 = arith.constant 0 : i32
    %dma_wait3A_338 = tpu.memref_slice %arg20[%dma_wait3A_336, %dma_wait3A_337] : memref<32x129xf32, #tpu.memory_space<vmem>> -> memref<8x128xf32, #tpu.memory_space<vmem>>
    %dma_wait3A_339 = arith.constant 0 : i32
    %dma_wait3A_340 = arith.constant 0 : i32
    %dma_wait3A_341 = tpu.memref_slice %arg5[%dma_wait3A_333, %dma_wait3A_334, %dma_wait3A_335, %dma_wait3A_339, %dma_wait3A_340] : memref<200x4x32x8x128xf32, #tpu.memory_space<hbm>> -> memref<1x1x1x8x128xf32, #tpu.memory_space<hbm>>
    %dma_wait3A_342 = tpu.memref_squeeze %dma_wait3A_341 : memref<1x1x1x8x128xf32, #tpu.memory_space<hbm>> -> memref<8x128xf32, #tpu.memory_space<hbm>>
    %dma_wait3A_343 = arith.constant 0 : i32
    %dma_wait3A_344 = arith.constant 0 : i32
    %dma_wait3A_345 = tpu.memref_slice %arg5[%dma_wait3A_333, %dma_wait3A_334, %dma_wait3A_335, %dma_wait3A_343, %dma_wait3A_344] : memref<200x4x32x8x128xf32, #tpu.memory_space<hbm>> -> memref<1x1x1x8x128xf32, #tpu.memory_space<hbm>>
    %dma_wait3A_346 = tpu.memref_squeeze %dma_wait3A_345 : memref<1x1x1x8x128xf32, #tpu.memory_space<hbm>> -> memref<8x128xf32, #tpu.memory_space<hbm>>
    %dma_wait3A_347 = arith.constant 24 : i32
    %dma_wait3A_348 = arith.constant 0 : i32
    %dma_wait3A_349 = tpu.memref_slice %arg20[%dma_wait3A_347, %dma_wait3A_348] : memref<32x129xf32, #tpu.memory_space<vmem>> -> memref<8x128xf32, #tpu.memory_space<vmem>>
    tpu.wait_dma2 semaphore(%arg36 : memref<!tpu.dma_semaphore, #tpu.memory_space<semaphore_mem>>) src(%dma_wait3A_349 : memref<8x128xf32, #tpu.memory_space<vmem>>) dst(%dma_wait3A_346 : memref<8x128xf32, #tpu.memory_space<hbm>>)
    %dma_wait3A_350 = arith.constant 0 : i32
    %dma_wait3A_351 = arith.constant 0 : i32
    %dma_wait3A_352 = arith.constant 0 : i32
    %dma_wait3A_353 = arith.constant 0 : i32
    %dma_wait3A_354 = arith.constant 0 : i32
    %dma_wait3A_355 = tpu.memref_slice %arg21[%dma_wait3A_353, %dma_wait3A_354] : memref<32x129xf32, #tpu.memory_space<vmem>> -> memref<8x128xf32, #tpu.memory_space<vmem>>
    %dma_wait3A_356 = arith.constant 0 : i32
    %dma_wait3A_357 = arith.constant 0 : i32
    %dma_wait3A_358 = tpu.memref_slice %arg5[%dma_wait3A_350, %dma_wait3A_351, %dma_wait3A_352, %dma_wait3A_356, %dma_wait3A_357] : memref<200x4x32x8x128xf32, #tpu.memory_space<hbm>> -> memref<1x1x1x8x128xf32, #tpu.memory_space<hbm>>
    %dma_wait3A_359 = tpu.memref_squeeze %dma_wait3A_358 : memref<1x1x1x8x128xf32, #tpu.memory_space<hbm>> -> memref<8x128xf32, #tpu.memory_space<hbm>>
    %dma_wait3A_360 = arith.constant 0 : i32
    %dma_wait3A_361 = arith.constant 0 : i32
    %dma_wait3A_362 = tpu.memref_slice %arg5[%dma_wait3A_350, %dma_wait3A_351, %dma_wait3A_352, %dma_wait3A_360, %dma_wait3A_361] : memref<200x4x32x8x128xf32, #tpu.memory_space<hbm>> -> memref<1x1x1x8x128xf32, #tpu.memory_space<hbm>>
    %dma_wait3A_363 = tpu.memref_squeeze %dma_wait3A_362 : memref<1x1x1x8x128xf32, #tpu.memory_space<hbm>> -> memref<8x128xf32, #tpu.memory_space<hbm>>
    %dma_wait3A_364 = arith.constant 0 : i32
    %dma_wait3A_365 = arith.constant 0 : i32
    %dma_wait3A_366 = tpu.memref_slice %arg21[%dma_wait3A_364, %dma_wait3A_365] : memref<32x129xf32, #tpu.memory_space<vmem>> -> memref<8x128xf32, #tpu.memory_space<vmem>>
    tpu.wait_dma2 semaphore(%arg37 : memref<!tpu.dma_semaphore, #tpu.memory_space<semaphore_mem>>) src(%dma_wait3A_366 : memref<8x128xf32, #tpu.memory_space<vmem>>) dst(%dma_wait3A_363 : memref<8x128xf32, #tpu.memory_space<hbm>>)
    %dma_wait3A_367 = arith.constant 0 : i32
    %dma_wait3A_368 = arith.constant 1 : i32
    %dma_wait3A_369 = arith.constant 0 : i32
    %dma_wait3A_370 = arith.constant 8 : i32
    %dma_wait3A_371 = arith.constant 0 : i32
    %dma_wait3A_372 = tpu.memref_slice %arg21[%dma_wait3A_370, %dma_wait3A_371] : memref<32x129xf32, #tpu.memory_space<vmem>> -> memref<8x128xf32, #tpu.memory_space<vmem>>
    %dma_wait3A_373 = arith.constant 0 : i32
    %dma_wait3A_374 = arith.constant 0 : i32
    %dma_wait3A_375 = tpu.memref_slice %arg5[%dma_wait3A_367, %dma_wait3A_368, %dma_wait3A_369, %dma_wait3A_373, %dma_wait3A_374] : memref<200x4x32x8x128xf32, #tpu.memory_space<hbm>> -> memref<1x1x1x8x128xf32, #tpu.memory_space<hbm>>
    %dma_wait3A_376 = tpu.memref_squeeze %dma_wait3A_375 : memref<1x1x1x8x128xf32, #tpu.memory_space<hbm>> -> memref<8x128xf32, #tpu.memory_space<hbm>>
    %dma_wait3A_377 = arith.constant 0 : i32
    %dma_wait3A_378 = arith.constant 0 : i32
    %dma_wait3A_379 = tpu.memref_slice %arg5[%dma_wait3A_367, %dma_wait3A_368, %dma_wait3A_369, %dma_wait3A_377, %dma_wait3A_378] : memref<200x4x32x8x128xf32, #tpu.memory_space<hbm>> -> memref<1x1x1x8x128xf32, #tpu.memory_space<hbm>>
    %dma_wait3A_380 = tpu.memref_squeeze %dma_wait3A_379 : memref<1x1x1x8x128xf32, #tpu.memory_space<hbm>> -> memref<8x128xf32, #tpu.memory_space<hbm>>
    %dma_wait3A_381 = arith.constant 8 : i32
    %dma_wait3A_382 = arith.constant 0 : i32
    %dma_wait3A_383 = tpu.memref_slice %arg21[%dma_wait3A_381, %dma_wait3A_382] : memref<32x129xf32, #tpu.memory_space<vmem>> -> memref<8x128xf32, #tpu.memory_space<vmem>>
    tpu.wait_dma2 semaphore(%arg37 : memref<!tpu.dma_semaphore, #tpu.memory_space<semaphore_mem>>) src(%dma_wait3A_383 : memref<8x128xf32, #tpu.memory_space<vmem>>) dst(%dma_wait3A_380 : memref<8x128xf32, #tpu.memory_space<hbm>>)
    %dma_wait3A_384 = arith.constant 0 : i32
    %dma_wait3A_385 = arith.constant 2 : i32
    %dma_wait3A_386 = arith.constant 0 : i32
    %dma_wait3A_387 = arith.constant 16 : i32
    %dma_wait3A_388 = arith.constant 0 : i32
    %dma_wait3A_389 = tpu.memref_slice %arg21[%dma_wait3A_387, %dma_wait3A_388] : memref<32x129xf32, #tpu.memory_space<vmem>> -> memref<8x128xf32, #tpu.memory_space<vmem>>
    %dma_wait3A_390 = arith.constant 0 : i32
    %dma_wait3A_391 = arith.constant 0 : i32
    %dma_wait3A_392 = tpu.memref_slice %arg5[%dma_wait3A_384, %dma_wait3A_385, %dma_wait3A_386, %dma_wait3A_390, %dma_wait3A_391] : memref<200x4x32x8x128xf32, #tpu.memory_space<hbm>> -> memref<1x1x1x8x128xf32, #tpu.memory_space<hbm>>
    %dma_wait3A_393 = tpu.memref_squeeze %dma_wait3A_392 : memref<1x1x1x8x128xf32, #tpu.memory_space<hbm>> -> memref<8x128xf32, #tpu.memory_space<hbm>>
    %dma_wait3A_394 = arith.constant 0 : i32
    %dma_wait3A_395 = arith.constant 0 : i32
    %dma_wait3A_396 = tpu.memref_slice %arg5[%dma_wait3A_384, %dma_wait3A_385, %dma_wait3A_386, %dma_wait3A_394, %dma_wait3A_395] : memref<200x4x32x8x128xf32, #tpu.memory_space<hbm>> -> memref<1x1x1x8x128xf32, #tpu.memory_space<hbm>>
    %dma_wait3A_397 = tpu.memref_squeeze %dma_wait3A_396 : memref<1x1x1x8x128xf32, #tpu.memory_space<hbm>> -> memref<8x128xf32, #tpu.memory_space<hbm>>
    %dma_wait3A_398 = arith.constant 16 : i32
    %dma_wait3A_399 = arith.constant 0 : i32
    %dma_wait3A_400 = tpu.memref_slice %arg21[%dma_wait3A_398, %dma_wait3A_399] : memref<32x129xf32, #tpu.memory_space<vmem>> -> memref<8x128xf32, #tpu.memory_space<vmem>>
    tpu.wait_dma2 semaphore(%arg37 : memref<!tpu.dma_semaphore, #tpu.memory_space<semaphore_mem>>) src(%dma_wait3A_400 : memref<8x128xf32, #tpu.memory_space<vmem>>) dst(%dma_wait3A_397 : memref<8x128xf32, #tpu.memory_space<hbm>>)
    %dma_wait3A_401 = arith.constant 0 : i32
    %dma_wait3A_402 = arith.constant 3 : i32
    %dma_wait3A_403 = arith.constant 0 : i32
    %dma_wait3A_404 = arith.constant 24 : i32
    %dma_wait3A_405 = arith.constant 0 : i32
    %dma_wait3A_406 = tpu.memref_slice %arg21[%dma_wait3A_404, %dma_wait3A_405] : memref<32x129xf32, #tpu.memory_space<vmem>> -> memref<8x128xf32, #tpu.memory_space<vmem>>
    %dma_wait3A_407 = arith.constant 0 : i32
    %dma_wait3A_408 = arith.constant 0 : i32
    %dma_wait3A_409 = tpu.memref_slice %arg5[%dma_wait3A_401, %dma_wait3A_402, %dma_wait3A_403, %dma_wait3A_407, %dma_wait3A_408] : memref<200x4x32x8x128xf32, #tpu.memory_space<hbm>> -> memref<1x1x1x8x128xf32, #tpu.memory_space<hbm>>
    %dma_wait3A_410 = tpu.memref_squeeze %dma_wait3A_409 : memref<1x1x1x8x128xf32, #tpu.memory_space<hbm>> -> memref<8x128xf32, #tpu.memory_space<hbm>>
    %dma_wait3A_411 = arith.constant 0 : i32
    %dma_wait3A_412 = arith.constant 0 : i32
    %dma_wait3A_413 = tpu.memref_slice %arg5[%dma_wait3A_401, %dma_wait3A_402, %dma_wait3A_403, %dma_wait3A_411, %dma_wait3A_412] : memref<200x4x32x8x128xf32, #tpu.memory_space<hbm>> -> memref<1x1x1x8x128xf32, #tpu.memory_space<hbm>>
    %dma_wait3A_414 = tpu.memref_squeeze %dma_wait3A_413 : memref<1x1x1x8x128xf32, #tpu.memory_space<hbm>> -> memref<8x128xf32, #tpu.memory_space<hbm>>
    %dma_wait3A_415 = arith.constant 24 : i32
    %dma_wait3A_416 = arith.constant 0 : i32
    %dma_wait3A_417 = tpu.memref_slice %arg21[%dma_wait3A_415, %dma_wait3A_416] : memref<32x129xf32, #tpu.memory_space<vmem>> -> memref<8x128xf32, #tpu.memory_space<vmem>>
    tpu.wait_dma2 semaphore(%arg37 : memref<!tpu.dma_semaphore, #tpu.memory_space<semaphore_mem>>) src(%dma_wait3A_417 : memref<8x128xf32, #tpu.memory_space<vmem>>) dst(%dma_wait3A_414 : memref<8x128xf32, #tpu.memory_space<hbm>>)
    %dma_wait3A_418 = arith.constant 0 : i32
    %dma_wait3A_419 = arith.constant 0 : i32
    %dma_wait3A_420 = arith.constant 0 : i32
    %dma_wait3A_421 = arith.constant 0 : i32
    %dma_wait3A_422 = arith.constant 0 : i32
    %dma_wait3A_423 = tpu.memref_slice %arg22[%dma_wait3A_421, %dma_wait3A_422] : memref<32x129xf32, #tpu.memory_space<vmem>> -> memref<8x128xf32, #tpu.memory_space<vmem>>
    %dma_wait3A_424 = arith.constant 0 : i32
    %dma_wait3A_425 = arith.constant 0 : i32
    %dma_wait3A_426 = tpu.memref_slice %arg5[%dma_wait3A_418, %dma_wait3A_419, %dma_wait3A_420, %dma_wait3A_424, %dma_wait3A_425] : memref<200x4x32x8x128xf32, #tpu.memory_space<hbm>> -> memref<1x1x1x8x128xf32, #tpu.memory_space<hbm>>
    %dma_wait3A_427 = tpu.memref_squeeze %dma_wait3A_426 : memref<1x1x1x8x128xf32, #tpu.memory_space<hbm>> -> memref<8x128xf32, #tpu.memory_space<hbm>>
    %dma_wait3A_428 = arith.constant 0 : i32
    %dma_wait3A_429 = arith.constant 0 : i32
    %dma_wait3A_430 = tpu.memref_slice %arg5[%dma_wait3A_418, %dma_wait3A_419, %dma_wait3A_420, %dma_wait3A_428, %dma_wait3A_429] : memref<200x4x32x8x128xf32, #tpu.memory_space<hbm>> -> memref<1x1x1x8x128xf32, #tpu.memory_space<hbm>>
    %dma_wait3A_431 = tpu.memref_squeeze %dma_wait3A_430 : memref<1x1x1x8x128xf32, #tpu.memory_space<hbm>> -> memref<8x128xf32, #tpu.memory_space<hbm>>
    %dma_wait3A_432 = arith.constant 0 : i32
    %dma_wait3A_433 = arith.constant 0 : i32
    %dma_wait3A_434 = tpu.memref_slice %arg22[%dma_wait3A_432, %dma_wait3A_433] : memref<32x129xf32, #tpu.memory_space<vmem>> -> memref<8x128xf32, #tpu.memory_space<vmem>>
    tpu.wait_dma2 semaphore(%arg38 : memref<!tpu.dma_semaphore, #tpu.memory_space<semaphore_mem>>) src(%dma_wait3A_434 : memref<8x128xf32, #tpu.memory_space<vmem>>) dst(%dma_wait3A_431 : memref<8x128xf32, #tpu.memory_space<hbm>>)
    %dma_wait3A_435 = arith.constant 0 : i32
    %dma_wait3A_436 = arith.constant 1 : i32
    %dma_wait3A_437 = arith.constant 0 : i32
    %dma_wait3A_438 = arith.constant 8 : i32
    %dma_wait3A_439 = arith.constant 0 : i32
    %dma_wait3A_440 = tpu.memref_slice %arg22[%dma_wait3A_438, %dma_wait3A_439] : memref<32x129xf32, #tpu.memory_space<vmem>> -> memref<8x128xf32, #tpu.memory_space<vmem>>
    %dma_wait3A_441 = arith.constant 0 : i32
    %dma_wait3A_442 = arith.constant 0 : i32
    %dma_wait3A_443 = tpu.memref_slice %arg5[%dma_wait3A_435, %dma_wait3A_436, %dma_wait3A_437, %dma_wait3A_441, %dma_wait3A_442] : memref<200x4x32x8x128xf32, #tpu.memory_space<hbm>> -> memref<1x1x1x8x128xf32, #tpu.memory_space<hbm>>
    %dma_wait3A_444 = tpu.memref_squeeze %dma_wait3A_443 : memref<1x1x1x8x128xf32, #tpu.memory_space<hbm>> -> memref<8x128xf32, #tpu.memory_space<hbm>>
    %dma_wait3A_445 = arith.constant 0 : i32
    %dma_wait3A_446 = arith.constant 0 : i32
    %dma_wait3A_447 = tpu.memref_slice %arg5[%dma_wait3A_435, %dma_wait3A_436, %dma_wait3A_437, %dma_wait3A_445, %dma_wait3A_446] : memref<200x4x32x8x128xf32, #tpu.memory_space<hbm>> -> memref<1x1x1x8x128xf32, #tpu.memory_space<hbm>>
    %dma_wait3A_448 = tpu.memref_squeeze %dma_wait3A_447 : memref<1x1x1x8x128xf32, #tpu.memory_space<hbm>> -> memref<8x128xf32, #tpu.memory_space<hbm>>
    %dma_wait3A_449 = arith.constant 8 : i32
    %dma_wait3A_450 = arith.constant 0 : i32
    %dma_wait3A_451 = tpu.memref_slice %arg22[%dma_wait3A_449, %dma_wait3A_450] : memref<32x129xf32, #tpu.memory_space<vmem>> -> memref<8x128xf32, #tpu.memory_space<vmem>>
    tpu.wait_dma2 semaphore(%arg38 : memref<!tpu.dma_semaphore, #tpu.memory_space<semaphore_mem>>) src(%dma_wait3A_451 : memref<8x128xf32, #tpu.memory_space<vmem>>) dst(%dma_wait3A_448 : memref<8x128xf32, #tpu.memory_space<hbm>>)
    %dma_wait3A_452 = arith.constant 0 : i32
    %dma_wait3A_453 = arith.constant 2 : i32
    %dma_wait3A_454 = arith.constant 0 : i32
    %dma_wait3A_455 = arith.constant 16 : i32
    %dma_wait3A_456 = arith.constant 0 : i32
    %dma_wait3A_457 = tpu.memref_slice %arg22[%dma_wait3A_455, %dma_wait3A_456] : memref<32x129xf32, #tpu.memory_space<vmem>> -> memref<8x128xf32, #tpu.memory_space<vmem>>
    %dma_wait3A_458 = arith.constant 0 : i32
    %dma_wait3A_459 = arith.constant 0 : i32
    %dma_wait3A_460 = tpu.memref_slice %arg5[%dma_wait3A_452, %dma_wait3A_453, %dma_wait3A_454, %dma_wait3A_458, %dma_wait3A_459] : memref<200x4x32x8x128xf32, #tpu.memory_space<hbm>> -> memref<1x1x1x8x128xf32, #tpu.memory_space<hbm>>
    %dma_wait3A_461 = tpu.memref_squeeze %dma_wait3A_460 : memref<1x1x1x8x128xf32, #tpu.memory_space<hbm>> -> memref<8x128xf32, #tpu.memory_space<hbm>>
    %dma_wait3A_462 = arith.constant 0 : i32
    %dma_wait3A_463 = arith.constant 0 : i32
    %dma_wait3A_464 = tpu.memref_slice %arg5[%dma_wait3A_452, %dma_wait3A_453, %dma_wait3A_454, %dma_wait3A_462, %dma_wait3A_463] : memref<200x4x32x8x128xf32, #tpu.memory_space<hbm>> -> memref<1x1x1x8x128xf32, #tpu.memory_space<hbm>>
    %dma_wait3A_465 = tpu.memref_squeeze %dma_wait3A_464 : memref<1x1x1x8x128xf32, #tpu.memory_space<hbm>> -> memref<8x128xf32, #tpu.memory_space<hbm>>
    %dma_wait3A_466 = arith.constant 16 : i32
    %dma_wait3A_467 = arith.constant 0 : i32
    %dma_wait3A_468 = tpu.memref_slice %arg22[%dma_wait3A_466, %dma_wait3A_467] : memref<32x129xf32, #tpu.memory_space<vmem>> -> memref<8x128xf32, #tpu.memory_space<vmem>>
    tpu.wait_dma2 semaphore(%arg38 : memref<!tpu.dma_semaphore, #tpu.memory_space<semaphore_mem>>) src(%dma_wait3A_468 : memref<8x128xf32, #tpu.memory_space<vmem>>) dst(%dma_wait3A_465 : memref<8x128xf32, #tpu.memory_space<hbm>>)
    %dma_wait3A_469 = arith.constant 0 : i32
    %dma_wait3A_470 = arith.constant 3 : i32
    %dma_wait3A_471 = arith.constant 0 : i32
    %dma_wait3A_472 = arith.constant 24 : i32
    %dma_wait3A_473 = arith.constant 0 : i32
    %dma_wait3A_474 = tpu.memref_slice %arg22[%dma_wait3A_472, %dma_wait3A_473] : memref<32x129xf32, #tpu.memory_space<vmem>> -> memref<8x128xf32, #tpu.memory_space<vmem>>
    %dma_wait3A_475 = arith.constant 0 : i32
    %dma_wait3A_476 = arith.constant 0 : i32
    %dma_wait3A_477 = tpu.memref_slice %arg5[%dma_wait3A_469, %dma_wait3A_470, %dma_wait3A_471, %dma_wait3A_475, %dma_wait3A_476] : memref<200x4x32x8x128xf32, #tpu.memory_space<hbm>> -> memref<1x1x1x8x128xf32, #tpu.memory_space<hbm>>
    %dma_wait3A_478 = tpu.memref_squeeze %dma_wait3A_477 : memref<1x1x1x8x128xf32, #tpu.memory_space<hbm>> -> memref<8x128xf32, #tpu.memory_space<hbm>>
    %dma_wait3A_479 = arith.constant 0 : i32
    %dma_wait3A_480 = arith.constant 0 : i32
    %dma_wait3A_481 = tpu.memref_slice %arg5[%dma_wait3A_469, %dma_wait3A_470, %dma_wait3A_471, %dma_wait3A_479, %dma_wait3A_480] : memref<200x4x32x8x128xf32, #tpu.memory_space<hbm>> -> memref<1x1x1x8x128xf32, #tpu.memory_space<hbm>>
    %dma_wait3A_482 = tpu.memref_squeeze %dma_wait3A_481 : memref<1x1x1x8x128xf32, #tpu.memory_space<hbm>> -> memref<8x128xf32, #tpu.memory_space<hbm>>
    %dma_wait3A_483 = arith.constant 24 : i32
    %dma_wait3A_484 = arith.constant 0 : i32
    %dma_wait3A_485 = tpu.memref_slice %arg22[%dma_wait3A_483, %dma_wait3A_484] : memref<32x129xf32, #tpu.memory_space<vmem>> -> memref<8x128xf32, #tpu.memory_space<vmem>>
    tpu.wait_dma2 semaphore(%arg38 : memref<!tpu.dma_semaphore, #tpu.memory_space<semaphore_mem>>) src(%dma_wait3A_485 : memref<8x128xf32, #tpu.memory_space<vmem>>) dst(%dma_wait3A_482 : memref<8x128xf32, #tpu.memory_space<hbm>>)
    %dma_wait3A_486 = arith.constant 0 : i32
    %dma_wait3A_487 = arith.constant 0 : i32
    %dma_wait3A_488 = arith.constant 0 : i32
    %dma_wait3A_489 = arith.constant 0 : i32
    %dma_wait3A_490 = arith.constant 0 : i32
    %dma_wait3A_491 = tpu.memref_slice %arg23[%dma_wait3A_489, %dma_wait3A_490] : memref<32x129xf32, #tpu.memory_space<vmem>> -> memref<8x128xf32, #tpu.memory_space<vmem>>
    %dma_wait3A_492 = arith.constant 0 : i32
    %dma_wait3A_493 = arith.constant 0 : i32
    %dma_wait3A_494 = tpu.memref_slice %arg5[%dma_wait3A_486, %dma_wait3A_487, %dma_wait3A_488, %dma_wait3A_492, %dma_wait3A_493] : memref<200x4x32x8x128xf32, #tpu.memory_space<hbm>> -> memref<1x1x1x8x128xf32, #tpu.memory_space<hbm>>
    %dma_wait3A_495 = tpu.memref_squeeze %dma_wait3A_494 : memref<1x1x1x8x128xf32, #tpu.memory_space<hbm>> -> memref<8x128xf32, #tpu.memory_space<hbm>>
    %dma_wait3A_496 = arith.constant 0 : i32
    %dma_wait3A_497 = arith.constant 0 : i32
    %dma_wait3A_498 = tpu.memref_slice %arg5[%dma_wait3A_486, %dma_wait3A_487, %dma_wait3A_488, %dma_wait3A_496, %dma_wait3A_497] : memref<200x4x32x8x128xf32, #tpu.memory_space<hbm>> -> memref<1x1x1x8x128xf32, #tpu.memory_space<hbm>>
    %dma_wait3A_499 = tpu.memref_squeeze %dma_wait3A_498 : memref<1x1x1x8x128xf32, #tpu.memory_space<hbm>> -> memref<8x128xf32, #tpu.memory_space<hbm>>
    %dma_wait3A_500 = arith.constant 0 : i32
    %dma_wait3A_501 = arith.constant 0 : i32
    %dma_wait3A_502 = tpu.memref_slice %arg23[%dma_wait3A_500, %dma_wait3A_501] : memref<32x129xf32, #tpu.memory_space<vmem>> -> memref<8x128xf32, #tpu.memory_space<vmem>>
    tpu.wait_dma2 semaphore(%arg39 : memref<!tpu.dma_semaphore, #tpu.memory_space<semaphore_mem>>) src(%dma_wait3A_502 : memref<8x128xf32, #tpu.memory_space<vmem>>) dst(%dma_wait3A_499 : memref<8x128xf32, #tpu.memory_space<hbm>>)
    %dma_wait3A_503 = arith.constant 0 : i32
    %dma_wait3A_504 = arith.constant 1 : i32
    %dma_wait3A_505 = arith.constant 0 : i32
    %dma_wait3A_506 = arith.constant 8 : i32
    %dma_wait3A_507 = arith.constant 0 : i32
    %dma_wait3A_508 = tpu.memref_slice %arg23[%dma_wait3A_506, %dma_wait3A_507] : memref<32x129xf32, #tpu.memory_space<vmem>> -> memref<8x128xf32, #tpu.memory_space<vmem>>
    %dma_wait3A_509 = arith.constant 0 : i32
    %dma_wait3A_510 = arith.constant 0 : i32
    %dma_wait3A_511 = tpu.memref_slice %arg5[%dma_wait3A_503, %dma_wait3A_504, %dma_wait3A_505, %dma_wait3A_509, %dma_wait3A_510] : memref<200x4x32x8x128xf32, #tpu.memory_space<hbm>> -> memref<1x1x1x8x128xf32, #tpu.memory_space<hbm>>
    %dma_wait3A_512 = tpu.memref_squeeze %dma_wait3A_511 : memref<1x1x1x8x128xf32, #tpu.memory_space<hbm>> -> memref<8x128xf32, #tpu.memory_space<hbm>>
    %dma_wait3A_513 = arith.constant 0 : i32
    %dma_wait3A_514 = arith.constant 0 : i32
    %dma_wait3A_515 = tpu.memref_slice %arg5[%dma_wait3A_503, %dma_wait3A_504, %dma_wait3A_505, %dma_wait3A_513, %dma_wait3A_514] : memref<200x4x32x8x128xf32, #tpu.memory_space<hbm>> -> memref<1x1x1x8x128xf32, #tpu.memory_space<hbm>>
    %dma_wait3A_516 = tpu.memref_squeeze %dma_wait3A_515 : memref<1x1x1x8x128xf32, #tpu.memory_space<hbm>> -> memref<8x128xf32, #tpu.memory_space<hbm>>
    %dma_wait3A_517 = arith.constant 8 : i32
    %dma_wait3A_518 = arith.constant 0 : i32
    %dma_wait3A_519 = tpu.memref_slice %arg23[%dma_wait3A_517, %dma_wait3A_518] : memref<32x129xf32, #tpu.memory_space<vmem>> -> memref<8x128xf32, #tpu.memory_space<vmem>>
    tpu.wait_dma2 semaphore(%arg39 : memref<!tpu.dma_semaphore, #tpu.memory_space<semaphore_mem>>) src(%dma_wait3A_519 : memref<8x128xf32, #tpu.memory_space<vmem>>) dst(%dma_wait3A_516 : memref<8x128xf32, #tpu.memory_space<hbm>>)
    %dma_wait3A_520 = arith.constant 0 : i32
    %dma_wait3A_521 = arith.constant 2 : i32
    %dma_wait3A_522 = arith.constant 0 : i32
    %dma_wait3A_523 = arith.constant 16 : i32
    %dma_wait3A_524 = arith.constant 0 : i32
    %dma_wait3A_525 = tpu.memref_slice %arg23[%dma_wait3A_523, %dma_wait3A_524] : memref<32x129xf32, #tpu.memory_space<vmem>> -> memref<8x128xf32, #tpu.memory_space<vmem>>
    %dma_wait3A_526 = arith.constant 0 : i32
    %dma_wait3A_527 = arith.constant 0 : i32
    %dma_wait3A_528 = tpu.memref_slice %arg5[%dma_wait3A_520, %dma_wait3A_521, %dma_wait3A_522, %dma_wait3A_526, %dma_wait3A_527] : memref<200x4x32x8x128xf32, #tpu.memory_space<hbm>> -> memref<1x1x1x8x128xf32, #tpu.memory_space<hbm>>
    %dma_wait3A_529 = tpu.memref_squeeze %dma_wait3A_528 : memref<1x1x1x8x128xf32, #tpu.memory_space<hbm>> -> memref<8x128xf32, #tpu.memory_space<hbm>>
    %dma_wait3A_530 = arith.constant 0 : i32
    %dma_wait3A_531 = arith.constant 0 : i32
    %dma_wait3A_532 = tpu.memref_slice %arg5[%dma_wait3A_520, %dma_wait3A_521, %dma_wait3A_522, %dma_wait3A_530, %dma_wait3A_531] : memref<200x4x32x8x128xf32, #tpu.memory_space<hbm>> -> memref<1x1x1x8x128xf32, #tpu.memory_space<hbm>>
    %dma_wait3A_533 = tpu.memref_squeeze %dma_wait3A_532 : memref<1x1x1x8x128xf32, #tpu.memory_space<hbm>> -> memref<8x128xf32, #tpu.memory_space<hbm>>
    %dma_wait3A_534 = arith.constant 16 : i32
    %dma_wait3A_535 = arith.constant 0 : i32
    %dma_wait3A_536 = tpu.memref_slice %arg23[%dma_wait3A_534, %dma_wait3A_535] : memref<32x129xf32, #tpu.memory_space<vmem>> -> memref<8x128xf32, #tpu.memory_space<vmem>>
    tpu.wait_dma2 semaphore(%arg39 : memref<!tpu.dma_semaphore, #tpu.memory_space<semaphore_mem>>) src(%dma_wait3A_536 : memref<8x128xf32, #tpu.memory_space<vmem>>) dst(%dma_wait3A_533 : memref<8x128xf32, #tpu.memory_space<hbm>>)
    %dma_wait3A_537 = arith.constant 0 : i32
    %dma_wait3A_538 = arith.constant 3 : i32
    %dma_wait3A_539 = arith.constant 0 : i32
    %dma_wait3A_540 = arith.constant 24 : i32
    %dma_wait3A_541 = arith.constant 0 : i32
    %dma_wait3A_542 = tpu.memref_slice %arg23[%dma_wait3A_540, %dma_wait3A_541] : memref<32x129xf32, #tpu.memory_space<vmem>> -> memref<8x128xf32, #tpu.memory_space<vmem>>
    %dma_wait3A_543 = arith.constant 0 : i32
    %dma_wait3A_544 = arith.constant 0 : i32
    %dma_wait3A_545 = tpu.memref_slice %arg5[%dma_wait3A_537, %dma_wait3A_538, %dma_wait3A_539, %dma_wait3A_543, %dma_wait3A_544] : memref<200x4x32x8x128xf32, #tpu.memory_space<hbm>> -> memref<1x1x1x8x128xf32, #tpu.memory_space<hbm>>
    %dma_wait3A_546 = tpu.memref_squeeze %dma_wait3A_545 : memref<1x1x1x8x128xf32, #tpu.memory_space<hbm>> -> memref<8x128xf32, #tpu.memory_space<hbm>>
    %dma_wait3A_547 = arith.constant 0 : i32
    %dma_wait3A_548 = arith.constant 0 : i32
    %dma_wait3A_549 = tpu.memref_slice %arg5[%dma_wait3A_537, %dma_wait3A_538, %dma_wait3A_539, %dma_wait3A_547, %dma_wait3A_548] : memref<200x4x32x8x128xf32, #tpu.memory_space<hbm>> -> memref<1x1x1x8x128xf32, #tpu.memory_space<hbm>>
    %dma_wait3A_550 = tpu.memref_squeeze %dma_wait3A_549 : memref<1x1x1x8x128xf32, #tpu.memory_space<hbm>> -> memref<8x128xf32, #tpu.memory_space<hbm>>
    %dma_wait3A_551 = arith.constant 24 : i32
    %dma_wait3A_552 = arith.constant 0 : i32
    %dma_wait3A_553 = tpu.memref_slice %arg23[%dma_wait3A_551, %dma_wait3A_552] : memref<32x129xf32, #tpu.memory_space<vmem>> -> memref<8x128xf32, #tpu.memory_space<vmem>>
    tpu.wait_dma2 semaphore(%arg39 : memref<!tpu.dma_semaphore, #tpu.memory_space<semaphore_mem>>) src(%dma_wait3A_553 : memref<8x128xf32, #tpu.memory_space<vmem>>) dst(%dma_wait3A_550 : memref<8x128xf32, #tpu.memory_space<hbm>>)
    return
  }
}

</mosaic_0001>

<sc_bundles>
// kernel: kernel.3.cloned.1.call-start
scs
__scs_entry_jumppad:
0x0: {  	(pc) =	sbr.rel $0x88, $3  }
0x1: {  	(tag) =	ssettag $0x0;
	lr =	simm.s32 $0x1  }
0x2: {  	[smem:$0x3F9F] =	sst lr;
	_ =	strace $0xD0000000  }
0x3: {  	_ = 	snop  }
0x4: {  	_ = 	snop  }
0x5: {  	_ = 	snop  }
0x6: {  	_ = 	snop  }
0x7: {  	_ = 	snop  }
__scs_overlays_trampoline_lowered:
0x8: {  	[smem:$0x3FAE] =	sst s0  }
0x9: {  	[smem:$0x3FAF] =	sst s1  }
0xa: {  	[smem:$0x3FB0] =	sst s2  }
0xb: {  	[smem:$0x3FB1] =	sst s3  }
0xc: {  	[smem:$0x3FB2] =	sst s4  }
0xd: {  	[smem:$0x3FB3] =	sst s5  }
0xe: {  	[smem:$0x3FB4] =	sst s6  }
0xf: {  	[smem:$0x3FB5] =	sst s7  }
0x10: {  	[smem:$0x3FB6] =	sst s8  }
0x11: {  	[smem:$0x3FB7] =	sst s9;
	s0 =	simm.s32 @!p0 $0x0  }
0x12: {  	s1 =	sld [smem:$0x3F9D];
	s0 =	simm.s32 @p0 $0x1  }
0x13: {  	[smem:$0x3FB8] =	sst s0;
	s0 =	simm.s32 @!p1 $0x0  }
0x14: {  	s2 =	sld [smem:$0x3F9C];
	s0 =	simm.s32 @p1 $0x1  }
0x15: {  	[smem:$0x3FB9] =	sst s0;
	s0 =	simm.s32 @!p2 $0x0  }
0x16: {  	s3 =	sld [smem:$0x3FDB];
	s0 =	simm.s32 @p2 $0x1  }
0x17: {  	s4 =	simm.s32 $0x1BF5;
	[smem:$0x3FBB] =	sst s0  }
0x18: {  	s0 =	sld [smem:$0x3F9E];
	_ =	swait.ge [sflag:s4], $0x0  }
0x19: {  	s7 =	sld [smem:$0x3F9F]  }
0x1a: {  	s8 =	sadd.s32 $0xFFFFE003, lr  }
0x1b: {  	s9 =	sadd.s32 $0xFFFFFEF7, lr;
	s5 =	simm.s32 $0xFFFFFFFF;
	p2 =	slt.u32 s8, $0xFFFFF086  }
0x1c: {  	p1 =	slt.u32 s9, $0xF7A;
	s5 =	simm.s32 @!p2 $0x0  }
0x1d: {  	s5 =	simm.s32 @p1 $0x1;
	p0 =	seq.s32 s7, s2  }
0x1e: {  	s7 =	smul.u32 @!p0 $0xF7A, s2;
	p2 =	seq.s32 @!p0 s5, $0x0  }
0x1f: {  	s9 =	smul.u32 $0xF7A, s1;
	s8 =	simm.s32 @!p0 $0x1BF5;
	p2 =	por !p2, p0  }
0x20: {  	[sflag:s8] =	ssyncset.s32 @!p0 $0xFFFFF086;
	s6 =	sadd.s32 @!p0 s3, s7;
	s7 =	simm.s32 @!p0 $0x108  }
0x21: {  	s3 =	sadd.s32 s3, s9;
	s6 =	sadd.s32 @!p0 $0x88, s6;
	s7 =	simm.s32 @p2 $0x1082  }
0x22: {  	[simem:s7], [sflag:s8] =	dma.local @!p0 [hbm:s6], $0xF7A  }
0x23: {  	s9 =	sor.u32 $0xD0000000, s2;
	s6 =	simm.s32 $0x108;
	_ =	swait.ge @!p0 [sflag:s8], $0x0  }
0x24: {  	s3 =	sadd.s32 $0x88, s3;
	s6 =	simm.s32 @!p1 $0x1082;
	[sflag:s4] =	ssyncset.s32 $0xFFFFF086  }
0x25: {  	[simem:s6], [sflag:s4] =	dma.local [hbm:s3], $0xF7A  }
0x26: {  	[smem:$0x3F9F] =	sst s1;
	(tag) =	ssettag s2;
	_ =	strace s9  }
0x27: {  	s1 =	sld [smem:$0x3FAF]  }
0x28: {  	s2 =	sld [smem:$0x3FB0]  }
0x29: {  	s4 =	sld [smem:$0x3FB2]  }
0x2a: {  	p0 =	seq.s32 s5, $0x0;
	s5 =	sld [smem:$0x3FB3]  }
0x2b: {  	s6 =	sld [smem:$0x3FB4]  }
0x2c: {  	s7 =	sld [smem:$0x3FB5]  }
0x2d: {  	s3 =	simm.s32 $0x108;
	s8 =	sld [smem:$0x3FB6]  }
0x2e: {  	s3 =	simm.s32 @!p0 $0x1082;
	s9 =	sld [smem:$0x3FB7]  }
0x2f: {  	lr =	sadd.s32 s0, s3;
	s0 =	sld [smem:$0x3FAE]  }
0x30: {  	s3 =	sld [smem:$0x3FB1]  }
0x31: {  	[smem:$0x3FBA] =	sst s10  }
0x32: {  	s10 =	sld [smem:$0x3FB8];
	_ =	sdelay $0x3  }
0x33: {  	p0 =	seq.s32 s10, $0x1;
	s10 =	sld [smem:$0x3FBA];
	_ =	sdelay $0x3  }
0x34: {  	[smem:$0x3FBA] =	sst s10  }
0x35: {  	s10 =	sld [smem:$0x3FB9];
	_ =	sdelay $0x3  }
0x36: {  	p1 =	seq.s32 s10, $0x1;
	s10 =	sld [smem:$0x3FBA];
	_ =	sdelay $0x3  }
0x37: {  	[smem:$0x3FBA] =	sst s10  }
0x38: {  	s10 =	sld [smem:$0x3FBB]  }
0x39: {  	_ = 	snop;
	(pc) =	sbr.ind lr, $3  }
0x3a: {  	_ = 	snop  }
0x3b: {  	_ = 	snop  }
0x3c: {  	p2 =	seq.s32 s10, $0x1;
	s10 =	sld [smem:$0x3FBA]  }
0x3d: {  	_ =	shalt  }
0x3e: {  	_ =	shalt  }
0x3f: {  	_ =	shalt  }
0x40: {  	_ =	shalt  }
0x41: {  	_ =	shalt  }
0x42: {  	_ =	shalt  }
0x43: {  	_ =	shalt  }
0x44: {  	_ =	shalt  }
0x45: {  	_ =	shalt  }
0x46: {  	_ =	shalt  }
0x47: {  	_ =	shalt  }
0x48: {  	_ =	shalt  }
0x49: {  	_ =	shalt  }
0x4a: {  	_ =	shalt  }
0x4b: {  	_ =	shalt  }
0x4c: {  	_ =	shalt  }
0x4d: {  	_ =	shalt  }
0x4e: {  	_ =	shalt  }
0x4f: {  	_ =	shalt  }
0x50: {  	_ =	shalt  }
0x51: {  	_ =	shalt  }
0x52: {  	_ =	shalt  }
0x53: {  	_ =	shalt  }
0x54: {  	_ =	shalt  }
0x55: {  	_ =	shalt  }
0x56: {  	_ =	shalt  }
0x57: {  	_ =	shalt  }
0x58: {  	_ =	shalt  }
0x59: {  	_ =	shalt  }
0x5a: {  	_ =	shalt  }
0x5b: {  	_ =	shalt  }
0x5c: {  	_ =	shalt  }
0x5d: {  	_ =	shalt  }
0x5e: {  	_ =	shalt  }
0x5f: {  	_ =	shalt  }
0x60: {  	_ =	shalt  }
0x61: {  	_ =	shalt  }
0x62: {  	_ =	shalt  }
0x63: {  	_ =	shalt  }
0x64: {  	_ =	shalt  }
0x65: {  	_ =	shalt  }
0x66: {  	_ =	shalt  }
0x67: {  	_ =	shalt  }
0x68: {  	_ =	shalt  }
0x69: {  	_ =	shalt  }
0x6a: {  	_ =	shalt  }
0x6b: {  	_ =	shalt  }
0x6c: {  	_ =	shalt  }
0x6d: {  	_ =	shalt  }
0x6e: {  	_ =	shalt  }
0x6f: {  	_ =	shalt  }
0x70: {  	_ =	shalt  }
0x71: {  	_ =	shalt  }
0x72: {  	_ =	shalt  }
0x73: {  	_ =	shalt  }
0x74: {  	_ =	shalt  }
0x75: {  	_ =	shalt  }
0x76: {  	_ =	shalt  }
0x77: {  	_ =	shalt  }
0x78: {  	_ =	shalt  }
0x79: {  	_ =	shalt  }
0x7a: {  	_ =	shalt  }
0x7b: {  	_ =	shalt  }
0x7c: {  	_ =	shalt  }
0x7d: {  	_ =	shalt  }
0x7e: {  	_ =	shalt  }
0x7f: {  	_ =	shalt  }
0x80: {  	_ =	shalt  }
0x81: {  	_ =	shalt  }
0x82: {  	_ =	shalt  }
0x83: {  	_ =	shalt  }
0x84: {  	_ =	shalt  }
0x85: {  	_ =	shalt  }
0x86: {  	_ =	shalt  }
0x87: {  	_ =	shalt  }
.Lfunc_end0:
.L_simem_size_0:
called_computation_lowered:
.L_overlay_start_0:
0x88: {  	s2 =	sld [smem:$0x3FD9]  }
0x89: {  	s3 =	sld [smem:$0x3FFE];
	_ =	sdelay $0x1  }
0x8a: {  	s1 =	srdreg.scid  }
0x8b: {  	s0 =	sand.u32 $0x1, s1  }
0x8c: {  	s17 =	sshll.u32 s0, $0xA;
	s2 =	sadd.s32 s3, s2  }
0x8d: {  	s2 =	sadd.s32 s2, s17  }
0x8e: {  	[smem:$0x3FC6] =	sst s2  }
0x8f: {  	_ = 	snop  }
0x90: {  	s2 =	sld [smem:$0x3FD0];
	(tm) =	ssettm $0x1  }
0x91: {  	s18 =	sld [smem:$0x3FFB];
	_ =	sdelay $0x3  }
0x92: {  	_ =	strace s18  }
0x93: {  	s3 =	sld [smem:$0x3FFC];
	_ =	sdelay $0x3  }
0x94: {  	_ =	strace s3  }
0x95: {  	s3 =	sld [smem:$0x3FFD];
	_ =	sdelay $0x3  }
0x96: {  	_ =	strace s3  }
0x97: {  	_ =	strace $0x8FFFFFFF  }
0x98: {  	s19 =	sld [smem:$0x3FDB];
	_ =	sdelay $0x1  }
0x99: {  	s4 =	simm.s32 $_scs_section_size  }
0x9a: {  	s5 =	simm.s32 $_size__tile_overlayer_lowered;
	s6 =	simm.s32 $_tile_overlayer_lowered  }
0x9b: {  	s22 =	simm.s32 $0x1BFF;
	s21 =	sshll.u32 s6, $0x1;
	s3 =	sadd.s32 s4, s19  }
0x9c: {  	s7 =	simm.s32 $0x0;
	s20 =	sshll.u32 s5, $0x1;
	s5 =	sadd.s32 s21, s3  }
0x9d: {  	[timem:s7], [sflag:s22] =	dma.local [hbm:s5], s20  }
0x9e: {  	_ =	swait.ge [sflag:s22], s20  }
0x9f: {  	s4 =	ssub.s32 $0x0, s20;
	[sflag:s22] =	ssyncset.done $0x0  }
0xa0: {  	[sflag:s22] =	ssyncadd.s32 s4;
	_ =	sdelay $0x1  }
0xa1: {  	s23 =	simm.s32 $0x1B8B  }
0xa2: {  	_ =	swait.ge [sflag:s23], $0x1  }
0xa3: {  	[sflag:s23] =	ssyncset.done $0x0  }
0xa4: {  	s25 =	simm.s32 $0x1B8E;
	s24 =	sld [smem:$0x3FFE];
	[sflag:s23] =	ssyncadd.s32 $0xFFFFFFFF  }
0xa5: {  	s26 =	simm.s32 $execute0_lowered;
	[smem:$0x3FD2] =	sst s25  }
0xa6: {  	s5 =	sshll.u32 s26, $0x1;
	_ =	strace $0x80000046;
	[dreg:$0x1] =	wrdreg $0xFFFFFFFF  }
0xa7: {  	s28 =	simm.s32 $_size_execute0_lowered;
	s3 =	sadd.s32 s3, s5;
	[dreg:$0x0] =	wrdreg $0x0  }
0xa8: {  	s5 =	sshll.u32 s28, $0x1;
	[dreg:$0x2] =	wrdreg s3  }
0xa9: {  	[dreg:$0x3] =	wrdreg s5  }
0xaa: {  	[dreg:$0x4] =	wrdreg $0xC0  }
0xab: {  	_ =	task [dreg:s7], $0x5FFFF  }
0xac: {  	[dreg:$0x1] =	wrdreg $0xFFFFFFFF  }
0xad: {  	[dreg:$0x0] =	wrdreg $0x60  }
0xae: {  	[dreg:$0x2] =	wrdreg s24  }
0xaf: {  	[dreg:$0x3] =	wrdreg s2  }
0xb0: {  	[dreg:$0x4] =	wrdreg $0x9  }
0xb1: {  	_ =	task.clear_ibuf [dreg:s7], $0x5FFFF;
	_ =	strace $0x90000046  }
0xb2: {  	s29 =	simm.s32 $0x9;
	_ =	strace $0x80000048  }
0xb3: {  	_ =	swait.ge [sflag:s29], $0x1  }
0xb4: {  	[sflag:s29] =	ssyncadd.s32 $0xFFFFFFFF  }
0xb5: {  	_ =	strace $0x90000048  }
0xb6: {  	_ =	sfence  }
0xb7: {  	s30 =	sld [smem:$0x0];
	_ =	sdelay $0x2  }
0xb8: {  	s31 =	sshll.u32 s1, $0xD;
	s1 =	sshrl.u32 s1, $0x2  }
0xb9: {  	s3 =	sand.u32 $0x4000, s31;
	s1 =	sadd.s32 s1, s30  }
0xba: {  	s0 =	sor.u32 s3, s0;
	s1 =	sshll.u32 s1, $0x11  }
0xbb: {  	s0 =	sor.u32 s1, s0  }
0xbc: {  	s0 =	sadd.s32 $0x8F2B, s0  }
0xbd: {  	[sflag:s0] =	ssyncadd.remote.s32 $0x1  }
0xbe: {  	_ =	sfence.sel $0xFFFF  }
0xbf: {  	[dreg:$0x0] =	wrdreg $0xFFFFFFFF;
	(pc) =	sbr.abs _section_cstart, $3  }
0xc0: {  	[dreg:$0x1] =	wrdreg $0xFFFFFFFF  }
0xc1: {  	_ =	task.clear_ibuf [dreg:s7], $0x2FFFF;
	_ =	strace $0x9FFFFFFF  }
0xc2: {  	(tm) =	ssettm $0x7FFFFFFF  }
0xc3: {  	_ =	shalt  }
tec
execute0_lowered:
.L_overlay_start_1:
0x0: {  	(tag) =	ssettag $0x1  }
0x1: {  	s0 =	rddreg [dreg:$0x0]  }
0x2: {  	s1 =	srdreg.scid;
	s3 =	stileid.u32  }
0x3: {  	s2 =	rddreg [dreg:$0x1];
	s14 =	simm.s32 $0x80;
	s30 =	simm.s32 $0xFD00  }
0x4: {  	s23 =	simm.s32 $0x10E00;
	s11 =	simm.s32 $0x14100;
	s18 =	simm.s32 $0x15200  }
0x5: {  	s15 =	simm.s32 $0x16300;
	s20 =	simm.s32 $0x9;
	s22 =	simm.s32 $0xA  }
0x6: {  	s24 =	simm.s32 $0xB;
	s26 =	simm.s32 $0xC;
	s13 =	simm.s32 $0xD  }
0x7: {  	s17 =	simm.s32 $0xE;
	s19 =	simm.s32 $0xF;
	s12 =	simm.s32 $0x0  }
0x8: {  	s1 =	sand.u32 $0x1, s1;
	s4 =	sshll.u32 s3, $0x1;
	s3 =	simm.s32 $0x0  }
0x9: {  	s8 =	sadd.s32 $0x1000, s2;
	s9 =	sadd.s32 $0x2000, s2;
	s5 =	sor.u32 s1, s4  }
0xa: {  	s10 =	sadd.s32 $0x3000, s2;
	[smem:$0x7FF] =	sst s3;
	s6 =	smul.u32 $0xC80, s5  }
0xb: {  	s1 =	ssub.s32 $0x2, s1;
	s4 =	sadd.s32 $0xF42C00, s0;
	s29 =	smul.u32 $0xC8, s5  }
0xc: {  	_ =	strace $0x80000047;
	s7 =	sshrl.u32 s1, $0x1;
	s5 =	simm.s32 $0x11F00  }
0xd: {  	v0 =	vlaneseq.u32;
	s6 =	sadd.s32 s6, s0;
	s0 =	sadd.s32 $0x19800, s0;
	[dreg:$0x4] =	wrdreg s29  }
0xe: {  	v0 =	vmul.u32 $0x88, v0;
	s28 =	ssub.s32 s1, s7;
	[dreg:$0x3] =	wrdreg s0;
	s31 =	sadd.s32 $0x800, s6  }
0xf: {  	s1 =	simm.s32 $0x13000;
	s0 =	smax.u32 s28, $0x1;
	[dreg:$0x5] =	wrdreg s31  }
0x10: {  	v1 =	vadd.s32 $0x880, v0;
	s6 =	simm.s32 $0x10;
	[dreg:$0x6] =	wrdreg s0;
	s0 =	simm.s32 $0x17400  }
.LBB2_1:
0x11: {  	[dreg:$0x7] =	wrdreg s12  }
0x12: {  	s7 =	rddreg [dreg:$0x3];
	s25 =	simm.s32 $0x6400;
	s28 =	simm.s32 $0x11  }
0x13: {  	[tilespmem:s25], [sflag:$0x11] =	stream.linear.gather [hbm4b:s7+s3], $0x1900, $0x38;
	[tilespmem:$0x18500] =	vst v63  }
0x14: {  	_ =	swait.ge [sflag:s28], $0x1900  }
0x15: {  	[sflag:s28] =	ssyncset.done $0x0  }
0x16: {  	s31 =	rddreg [dreg:$0x5];
	[sflag:s28] =	ssyncadd.s32 $0xFFFFE700  }
0x17: {  	[tilespmem:s3], [sflag:$0x11] =	stream.linear.gather [hbm4b:s31+s3], $0x6400, $0x38;
	[tilespmem:$0x18500] =	vst v63  }
0x18: {  	_ =	swait.ge [sflag:s28], $0x6400  }
0x19: {  	[sflag:s28] =	ssyncset.done $0x0  }
0x1a: {  	s29 =	simm.s32 $0x0;
	[sflag:s28] =	ssyncadd.s32 $0xFFFF9C00  }
.LBB2_2:
0x1b: {  	p0 =	sne.s32 s29, $0x0  }
.Ltmp0:
0x1c: {  	_ = 	snop;
	(pc) =	sbr.rel @!p0 .LBB2_3-.Ltmp0, $1  }
0x1d: {  	_ =	sdelay $0x3  }
0x1e: {  	_ =	swait.ge [sflag:s20], $0x400  }
0x1f: {  	[sflag:s20] =	ssyncset.done $0x0  }
0x20: {  	[sflag:s20] =	ssyncadd.s32 $0xFFFFFC00  }
0x21: {  	_ =	swait.ge [sflag:s20], $0x400  }
0x22: {  	[sflag:s20] =	ssyncset.done $0x0  }
0x23: {  	[sflag:s20] =	ssyncadd.s32 $0xFFFFFC00  }
0x24: {  	_ =	swait.ge [sflag:s20], $0x400  }
0x25: {  	[sflag:s20] =	ssyncset.done $0x0  }
0x26: {  	[sflag:s20] =	ssyncadd.s32 $0xFFFFFC00  }
0x27: {  	_ =	swait.ge [sflag:s20], $0x400  }
0x28: {  	s7 =	sshll.u32 s29, $0xA;
	[sflag:s20] =	ssyncset.done $0x0  }
0x29: {  	s21 =	simm.s32 $0x7D00;
	s12 =	sand.u32 $0x3FFFFC00, s7;
	[sflag:s20] =	ssyncadd.s32 $0xFFFFFC00  }
0x2a: {  	[tilespmem:s21], [sflag:$0x1] =	stream.indirect.gather [hbm4b:s4+s14], $0x20, s12, s14, $0xb8;
	[tilespmem:$0x18500] =	vst v63  }
0x2b: {  	_ =	swait.ge [sflag:s22], $0x400  }
0x2c: {  	[sflag:s22] =	ssyncset.done $0x0  }
0x2d: {  	[sflag:s22] =	ssyncadd.s32 $0xFFFFFC00  }
0x2e: {  	_ =	swait.ge [sflag:s22], $0x400  }
0x2f: {  	[sflag:s22] =	ssyncset.done $0x0  }
0x30: {  	[sflag:s22] =	ssyncadd.s32 $0xFFFFFC00  }
0x31: {  	_ =	swait.ge [sflag:s22], $0x400  }
0x32: {  	[sflag:s22] =	ssyncset.done $0x0  }
0x33: {  	[sflag:s22] =	ssyncadd.s32 $0xFFFFFC00  }
0x34: {  	_ =	swait.ge [sflag:s22], $0x400  }
0x35: {  	[sflag:s22] =	ssyncset.done $0x0  }
0x36: {  	s16 =	simm.s32 $0x8D00;
	s25 =	sor.u32 $0x80, s12;
	[sflag:s22] =	ssyncadd.s32 $0xFFFFFC00  }
0x37: {  	[tilespmem:s16], [sflag:$0x2] =	stream.indirect.gather [hbm4b:s4+s14], $0x20, s25, s14, $0xb8;
	[tilespmem:$0x18500] =	vst v63  }
0x38: {  	_ =	swait.ge [sflag:s24], $0x400  }
0x39: {  	[sflag:s24] =	ssyncset.done $0x0  }
0x3a: {  	[sflag:s24] =	ssyncadd.s32 $0xFFFFFC00  }
0x3b: {  	_ =	swait.ge [sflag:s24], $0x400  }
0x3c: {  	[sflag:s24] =	ssyncset.done $0x0  }
0x3d: {  	[sflag:s24] =	ssyncadd.s32 $0xFFFFFC00  }
0x3e: {  	_ =	swait.ge [sflag:s24], $0x400  }
0x3f: {  	[sflag:s24] =	ssyncset.done $0x0  }
0x40: {  	[sflag:s24] =	ssyncadd.s32 $0xFFFFFC00  }
0x41: {  	_ =	swait.ge [sflag:s24], $0x400  }
0x42: {  	[sflag:s24] =	ssyncset.done $0x0  }
0x43: {  	s31 =	simm.s32 $0x9D00;
	s28 =	sor.u32 $0x100, s12;
	[sflag:s24] =	ssyncadd.s32 $0xFFFFFC00  }
0x44: {  	[tilespmem:s31], [sflag:$0x3] =	stream.indirect.gather [hbm4b:s4+s14], $0x20, s28, s14, $0xb8;
	[tilespmem:$0x18500] =	vst v63  }
0x45: {  	_ =	swait.ge [sflag:s26], $0x400  }
0x46: {  	[sflag:s26] =	ssyncset.done $0x0  }
0x47: {  	[sflag:s26] =	ssyncadd.s32 $0xFFFFFC00  }
0x48: {  	_ =	swait.ge [sflag:s26], $0x400  }
0x49: {  	[sflag:s26] =	ssyncset.done $0x0  }
0x4a: {  	[sflag:s26] =	ssyncadd.s32 $0xFFFFFC00  }
0x4b: {  	_ =	swait.ge [sflag:s26], $0x400  }
0x4c: {  	[sflag:s26] =	ssyncset.done $0x0  }
0x4d: {  	[sflag:s26] =	ssyncadd.s32 $0xFFFFFC00  }
0x4e: {  	_ =	swait.ge [sflag:s26], $0x400  }
0x4f: {  	[sflag:s26] =	ssyncset.done $0x0  }
0x50: {  	s21 =	sor.u32 $0x180, s12;
	s25 =	simm.s32 $0xAD00;
	[sflag:s26] =	ssyncadd.s32 $0xFFFFFC00  }
0x51: {  	[tilespmem:s25], [sflag:$0x4] =	stream.indirect.gather [hbm4b:s4+s14], $0x20, s21, s14, $0xb8;
	[tilespmem:$0x18500] =	vst v63  }
0x52: {  	_ =	swait.ge [sflag:s13], $0x400  }
0x53: {  	[sflag:s13] =	ssyncset.done $0x0  }
0x54: {  	[sflag:s13] =	ssyncadd.s32 $0xFFFFFC00  }
0x55: {  	_ =	swait.ge [sflag:s13], $0x400  }
0x56: {  	[sflag:s13] =	ssyncset.done $0x0  }
0x57: {  	[sflag:s13] =	ssyncadd.s32 $0xFFFFFC00  }
0x58: {  	_ =	swait.ge [sflag:s13], $0x400  }
0x59: {  	[sflag:s13] =	ssyncset.done $0x0  }
0x5a: {  	[sflag:s13] =	ssyncadd.s32 $0xFFFFFC00  }
0x5b: {  	_ =	swait.ge [sflag:s13], $0x400  }
0x5c: {  	[sflag:s13] =	ssyncset.done $0x0  }
0x5d: {  	s28 =	sor.u32 $0x200, s12;
	s31 =	simm.s32 $0xBD00;
	[sflag:s13] =	ssyncadd.s32 $0xFFFFFC00  }
0x5e: {  	[tilespmem:s31], [sflag:$0x5] =	stream.indirect.gather [hbm4b:s4+s14], $0x20, s28, s14, $0xb8;
	[tilespmem:$0x18500] =	vst v63  }
0x5f: {  	_ =	swait.ge [sflag:s17], $0x400  }
0x60: {  	[sflag:s17] =	ssyncset.done $0x0  }
0x61: {  	[sflag:s17] =	ssyncadd.s32 $0xFFFFFC00  }
0x62: {  	_ =	swait.ge [sflag:s17], $0x400  }
0x63: {  	[sflag:s17] =	ssyncset.done $0x0  }
0x64: {  	[sflag:s17] =	ssyncadd.s32 $0xFFFFFC00  }
0x65: {  	_ =	swait.ge [sflag:s17], $0x400  }
0x66: {  	[sflag:s17] =	ssyncset.done $0x0  }
0x67: {  	[sflag:s17] =	ssyncadd.s32 $0xFFFFFC00  }
0x68: {  	_ =	swait.ge [sflag:s17], $0x400  }
0x69: {  	[sflag:s17] =	ssyncset.done $0x0  }
0x6a: {  	s21 =	sor.u32 $0x280, s12;
	s25 =	simm.s32 $0xCD00;
	[sflag:s17] =	ssyncadd.s32 $0xFFFFFC00  }
0x6b: {  	[tilespmem:s25], [sflag:$0x6] =	stream.indirect.gather [hbm4b:s4+s14], $0x20, s21, s14, $0xb8;
	[tilespmem:$0x18500] =	vst v63  }
0x6c: {  	_ =	swait.ge [sflag:s19], $0x400  }
0x6d: {  	[sflag:s19] =	ssyncset.done $0x0  }
0x6e: {  	[sflag:s19] =	ssyncadd.s32 $0xFFFFFC00  }
0x6f: {  	_ =	swait.ge [sflag:s19], $0x400  }
0x70: {  	[sflag:s19] =	ssyncset.done $0x0  }
0x71: {  	[sflag:s19] =	ssyncadd.s32 $0xFFFFFC00  }
0x72: {  	_ =	swait.ge [sflag:s19], $0x400  }
0x73: {  	[sflag:s19] =	ssyncset.done $0x0  }
0x74: {  	[sflag:s19] =	ssyncadd.s32 $0xFFFFFC00  }
0x75: {  	_ =	swait.ge [sflag:s19], $0x400  }
0x76: {  	[sflag:s19] =	ssyncset.done $0x0  }
0x77: {  	s28 =	sor.u32 $0x300, s12;
	s31 =	simm.s32 $0xDD00;
	[sflag:s19] =	ssyncadd.s32 $0xFFFFFC00  }
0x78: {  	[tilespmem:s31], [sflag:$0x7] =	stream.indirect.gather [hbm4b:s4+s14], $0x20, s28, s14, $0xb8;
	[tilespmem:$0x18500] =	vst v63  }
0x79: {  	_ =	swait.ge [sflag:s6], $0x400  }
0x7a: {  	[sflag:s6] =	ssyncset.done $0x0  }
0x7b: {  	[sflag:s6] =	ssyncadd.s32 $0xFFFFFC00  }
0x7c: {  	_ =	swait.ge [sflag:s6], $0x400  }
0x7d: {  	[sflag:s6] =	ssyncset.done $0x0  }
0x7e: {  	[sflag:s6] =	ssyncadd.s32 $0xFFFFFC00  }
0x7f: {  	_ =	swait.ge [sflag:s6], $0x400  }
.Ltmp1:
0x80: {  	[sflag:s6] =	ssyncset.done $0x0;
	(pc) =	sbr.rel .LBB2_5-.Ltmp1, $4  }
0x81: {  	[sflag:s6] =	ssyncadd.s32 $0xFFFFFC00  }
0x82: {  	_ =	swait.ge [sflag:s6], $0x400  }
0x83: {  	[sflag:s6] =	ssyncset.done $0x0  }
0x84: {  	s7 =	sshll.u32 s29, $0x3;
	[sflag:s6] =	ssyncadd.s32 $0xFFFFFC00  }
.LBB2_3:
0x85: {  	s12 =	simm.s32 $0x0;
	s7 =	simm.s32 $0x7D00  }
0x86: {  	[tilespmem:s7], [sflag:$0x1] =	stream.indirect.gather [hbm4b:s4+s14], $0x20, s12, s14, $0xb8;
	[tilespmem:$0x18500] =	vst v63  }
0x87: {  	s28 =	simm.s32 $0x8D00  }
0x88: {  	[tilespmem:s28], [sflag:$0x2] =	stream.indirect.gather [hbm4b:s4+s14], $0x20, s14, s14, $0xb8;
	[tilespmem:$0x18500] =	vst v63  }
0x89: {  	s31 =	simm.s32 $0x100;
	s16 =	simm.s32 $0x9D00  }
0x8a: {  	[tilespmem:s16], [sflag:$0x3] =	stream.indirect.gather [hbm4b:s4+s14], $0x20, s31, s14, $0xb8;
	[tilespmem:$0x18500] =	vst v63  }
0x8b: {  	s21 =	simm.s32 $0x180;
	s25 =	simm.s32 $0xAD00  }
0x8c: {  	[tilespmem:s25], [sflag:$0x4] =	stream.indirect.gather [hbm4b:s4+s14], $0x20, s21, s14, $0xb8;
	[tilespmem:$0x18500] =	vst v63  }
0x8d: {  	s28 =	simm.s32 $0x200;
	s31 =	simm.s32 $0xBD00  }
0x8e: {  	[tilespmem:s31], [sflag:$0x5] =	stream.indirect.gather [hbm4b:s4+s14], $0x20, s28, s14, $0xb8;
	[tilespmem:$0x18500] =	vst v63  }
0x8f: {  	s21 =	simm.s32 $0x280;
	s25 =	simm.s32 $0xCD00  }
0x90: {  	[tilespmem:s25], [sflag:$0x6] =	stream.indirect.gather [hbm4b:s4+s14], $0x20, s21, s14, $0xb8;
	[tilespmem:$0x18500] =	vst v63  }
0x91: {  	s7 =	simm.s32 $0x0;
	s28 =	simm.s32 $0x300;
	s31 =	simm.s32 $0xDD00  }
0x92: {  	[tilespmem:s31], [sflag:$0x7] =	stream.indirect.gather [hbm4b:s4+s14], $0x20, s28, s14, $0xb8;
	[tilespmem:$0x18500] =	vst v63  }
.LBB2_5:
0x93: {  	s12 =	sadd.s32 $0x380, s12;
	s16 =	simm.s32 $0xED00;
	s21 =	simm.s32 $0x1  }
0x94: {  	[tilespmem:s16], [sflag:$0x8] =	stream.indirect.gather [hbm4b:s4+s14], $0x20, s12, s14, $0xb8;
	[tilespmem:$0x18500] =	vst v63  }
0x95: {  	_ =	swait.ge [sflag:s21], $0x1000  }
0x96: {  	s25 =	rddreg [dreg:$0x4];
	[sflag:s21] =	ssyncset.done $0x0  }
0x97: {  	s12 =	sadd.s32 s25, s7;
	[sflag:s21] =	ssyncadd.s32 $0xFFFFF000;
	s7 =	simm.s32 $0x7D40  }
0x98: {  	v4 =	vld [tilespmem:s7+$0x20]  }
0x99: {  	v5 =	vld [tilespmem:s7+$0x30]  }
0x9a: {  	v6 =	vld [tilespmem:s7+$0xFFFFFFC0]  }
0x9b: {  	s28 =	simm.s32 $0x3;
	s21 =	sand.u32 $0x3FE0, s12;
	v9 =	vld [tilespmem:s7+$0xFFFFFFD0]  }
0x9c: {  	v7 =	vmov s28;
	s28 =	simm.s32 $0x2;
	s25 =	simm.s32 $0x0;
	v3 =	vld [tilespmem:s21+$0x6400]  }
0x9d: {  	v7 =	vand.u32 $0x7F, v7;
	v13 =	vmov s28;
	v8 =	vmov s25;
	v11 =	vld [tilespmem:s7+$0xFFFFFFE0]  }
0x9e: {  	v12 =	vadd.s32 v0, v7;
	v15 =	vadd.s32 v1, v7;
	v2 =	vld [tilespmem:s21+$0x6410];
	v8 =	vand.u32 $0x7C, v8  }
0x9f: {  	v13 =	vand.u32 $0x7E, v13;
	s25 =	simm.s32 $0x1;
	v14 =	vld [tilespmem:s7+$0xFFFFFFF0];
	v16 =	vadd.s32 v0, v8;
	v4 =	vmul.f32 $5.656854150e+00, v4  }
0xa0: {  	v18 =	vld [tilespmem:s7+$0x0];
	v10 =	vmov s25;
	v17 =	vadd.s32 v1, v8;
	v6 =	vmul.f32 $5.656854150e+00, v6  }
0xa1: {  	v19 =	vld [tilespmem:s7+$0x10];
	v8 =	vand.u32 $0x7D, v10;
	v5 =	vmul.f32 $5.656854150e+00, v5;
	v4 =	vadd.f32 v4, v3  }
0xa2: {  	v7 =	vadd.s32 v0, v8;
	v9 =	vmul.f32 $5.656854150e+00, v9;
	v6 =	vadd.f32 v6, v3  }
0xa3: {  	v11 =	vmul.f32 $5.656854150e+00, v11;
	v10 =	vadd.f32 v5, v2;
	v5 =	vadd.s32 v1, v8;
	[tilespmem:v12+s30+$0x0] =	vst.idx.msk $0xffff, v4  }
0xa4: {  	s31 =	simm.s32 $0x7DC0;
	v14 =	vmul.f32 $5.656854150e+00, v14;
	v20 =	vadd.f32 v9, v2;
	v4 =	vadd.s32 v0, v13;
	[tilespmem:v16+s30+$0x0] =	vst.idx.msk $0xffff, v6  }
0xa5: {  	v8 =	vld [tilespmem:s31+$0x20];
	v12 =	vmul.f32 $5.656854150e+00, v18;
	v6 =	vadd.s32 v1, v13;
	[tilespmem:v15+s30+$0x0] =	vst.idx.msk $0xffff, v10;
	v10 =	vadd.f32 v11, v3  }
0xa6: {  	s16 =	simm.s32 $0x8;
	s7 =	simm.s32 $0x4;
	s25 =	simm.s32 $0x7;
	v9 =	vld [tilespmem:s31+$0x30];
	v13 =	vmul.f32 $5.656854150e+00, v19;
	[tilespmem:v17+s30+$0x0] =	vst.idx.msk $0xffff, v20;
	v11 =	vadd.f32 v14, v2  }
.LBB2_6:
0xa7: {  	p0 =	slt.u32 s16, $0x7C;
	v14 =	vmov s7;
	v15 =	vld [tilespmem:s31+$0xFFFFFFC0];
	v16 =	vmov s25;
	[tilespmem:v7+s30+$0x0] =	vst.idx.msk $0xffff, v10;
	v7 =	vadd.f32 v12, v3  }
0xa8: {  	s25 =	sadd.s32 $0x1, s7;
	s28 =	sadd.s32 $0x2, s7;
	s7 =	smov.u32 s16;
	v10 =	vld [tilespmem:s31+$0xFFFFFFD0];
	v12 =	vand.u32 $0x7C, v14;
	v14 =	vand.u32 $0x7F, v16;
	[tilespmem:v5+s30+$0x0] =	vst.idx.msk $0xffff, v11;
	v5 =	vadd.f32 v13, v2  }
0xa9: {  	v11 =	vmov s25;
	v16 =	vmov s28;
	v13 =	vld [tilespmem:s31+$0xFFFFFFE0];
	v17 =	vadd.s32 v0, v14;
	[tilespmem:v4+s30+$0x0] =	vst.idx.msk $0xffff, v7  }
0xaa: {  	v18 =	vadd.s32 v0, v12;
	v4 =	vld [tilespmem:s31+$0xFFFFFFF0];
	v7 =	vmul.f32 $5.656854150e+00, v8;
	v8 =	vadd.s32 v1, v14;
	[tilespmem:v6+s30+$0x0] =	vst.idx.msk $0xffff, v5  }
0xab: {  	v14 =	vadd.s32 v1, v12;
	v5 =	vand.u32 $0x7D, v11;
	v6 =	vld [tilespmem:s31+$0x0];
	v9 =	vmul.f32 $5.656854150e+00, v9  }
0xac: {  	v16 =	vand.u32 $0x7E, v16;
	v11 =	vmul.f32 $5.656854150e+00, v15;
	v15 =	vld [tilespmem:s31+$0x10];
	v12 =	vadd.f32 v7, v3  }
.Ltmp2:
0xad: {  	v7 =	vadd.s32 v0, v5;
	v10 =	vmul.f32 $5.656854150e+00, v10;
	v9 =	vadd.f32 v9, v2;
	(pc) =	sbr.rel @p0 .LBB2_6-.Ltmp2, $4  }
0xae: {  	v5 =	vadd.s32 v1, v5;
	v11 =	vadd.f32 v11, v3;
	v13 =	vmul.f32 $5.656854150e+00, v13;
	[tilespmem:v17+s30+$0x0] =	vst.idx.msk $0xffff, v12  }
0xaf: {  	s31 =	sadd.s32 $0x80, s31;
	v17 =	vadd.f32 v10, v2;
	v19 =	vmul.f32 $5.656854150e+00, v4;
	v4 =	vadd.s32 v0, v16;
	[tilespmem:v8+s30+$0x0] =	vst.idx.msk $0xffff, v9  }
0xb0: {  	v8 =	vld [tilespmem:s31+$0x20];
	[tilespmem:v18+s30+$0x0] =	vst.idx.msk $0xffff, v11;
	v10 =	vadd.f32 v13, v3;
	v12 =	vmul.f32 $5.656854150e+00, v6;
	v6 =	vadd.s32 v1, v16  }
0xb1: {  	s16 =	sadd.s32 $0x4, s16;
	s25 =	sadd.s32 $0x3, s7;
	v9 =	vld [tilespmem:s31+$0x30];
	[tilespmem:v14+s30+$0x0] =	vst.idx.msk $0xffff, v17;
	v11 =	vadd.f32 v19, v2;
	v13 =	vmul.f32 $5.656854150e+00, v15  }
0xb2: {  	_ =	sdelay $0x1  }
0xb3: {  	v14 =	vmov s7;
	v15 =	vld [tilespmem:s31+$0xFFFFFFC0];
	v16 =	vmov s25;
	v12 =	vadd.f32 v12, v3  }
0xb4: {  	v17 =	vld [tilespmem:s31+$0xFFFFFFD0];
	s16 =	sadd.s32 $0x1, s7;
	s28 =	sadd.s32 $0x2, s7;
	v14 =	vand.u32 $0x7C, v14;
	v16 =	vand.u32 $0x7F, v16;
	v13 =	vadd.f32 v13, v2  }
0xb5: {  	v19 =	vld [tilespmem:s31+$0xFFFFFFE0];
	[tilespmem:v7+s30+$0x0] =	vst.idx.msk $0xffff, v10;
	v18 =	vmov s16;
	v20 =	vmov s28;
	v21 =	vadd.s32 v0, v16  }
0xb6: {  	v10 =	vld [tilespmem:s31+$0xFFFFFFF0];
	[tilespmem:v5+s30+$0x0] =	vst.idx.msk $0xffff, v11;
	v7 =	vadd.s32 v0, v14;
	v16 =	vadd.s32 v1, v16;
	v8 =	vmul.f32 $5.656854150e+00, v8  }
0xb7: {  	v5 =	vadd.s32 v1, v14;
	v11 =	vand.u32 $0x7D, v18;
	v14 =	vld [tilespmem:s31+$0x0];
	[tilespmem:v4+s30+$0x0] =	vst.idx.msk $0xffff, v12;
	v9 =	vmul.f32 $5.656854150e+00, v9  }
0xb8: {  	v12 =	vld [tilespmem:s31+$0x10];
	[tilespmem:v6+s30+$0x0] =	vst.idx.msk $0xffff, v13;
	v13 =	vadd.s32 v0, v11;
	v4 =	vmul.f32 $5.656854150e+00, v15;
	v8 =	vadd.f32 v8, v3  }
0xb9: {  	v11 =	vadd.s32 v1, v11;
	v6 =	vmul.f32 $5.656854150e+00, v17;
	v9 =	vadd.f32 v9, v2  }
0xba: {  	v15 =	vand.u32 $0x7E, v20;
	v58 =	vmul.f32 $5.656854150e+00, v19;
	v4 =	vadd.f32 v4, v3;
	[tilespmem:v21+s30+$0x0] =	vst.idx.msk $0xffff, v8  }
0xbb: {  	v6 =	vadd.f32 v6, v2;
	v8 =	vmul.f32 $5.656854150e+00, v10;
	v10 =	vadd.s32 v0, v15;
	[tilespmem:v16+s30+$0x0] =	vst.idx.msk $0xffff, v9  }
0xbc: {  	v9 =	vadd.s32 v1, v15;
	[tilespmem:v7+s30+$0x0] =	vst.idx.msk $0xffff, v4;
	v4 =	vadd.f32 v58, v3;
	v7 =	vmul.f32 $5.656854150e+00, v14  }
0xbd: {  	s25 =	sshll.u32 s12, $0xA;
	s16 =	sshll.u32 s12, $0xC;
	[tilespmem:v5+s30+$0x0] =	vst.idx.msk $0xffff, v6;
	v5 =	vadd.f32 v8, v2;
	v6 =	vmul.f32 $5.656854150e+00, v12  }
0xbe: {  	s12 =	sand.u32 $0x6000, s25;
	s7 =	sand.u32 $0x7FFE0000, s16;
	[tilespmem:v13+s30+$0x0] =	vst.idx.msk $0xffff, v4;
	v3 =	vadd.f32 v7, v3  }
0xbf: {  	s7 =	sor.u32 s12, s7;
	[tilespmem:v11+s30+$0x0] =	vst.idx.msk $0xffff, v5;
	v2 =	vadd.f32 v6, v2  }
0xc0: {  	s12 =	sshrl.u32 s7, $0x3;
	[tilespmem:v10+s30+$0x0] =	vst.idx.msk $0xffff, v3  }
0xc1: {  	s7 =	simm.s32 $0x0;
	s16 =	sadd.s32 s2, s12;
	[tilespmem:v9+s30+$0x0] =	vst.idx.msk $0xffff, v2  }
0xc2: {  	[hbm4b:s16+s7] =	stream.linear.scatter [tilespmem:s30], [sflag:$0x9], $0x80, $0x38;
	[tilespmem:$0x18500] =	vst v63  }
0xc3: {  	s28 =	simm.s32 $0xFD88;
	s25 =	sadd.s32 $0x10, s16  }
0xc4: {  	[hbm4b:s25+s7] =	stream.linear.scatter [tilespmem:s28], [sflag:$0x9], $0x80, $0x38;
	[tilespmem:$0x18500] =	vst v63  }
0xc5: {  	s25 =	sadd.s32 $0x20, s16;
	s28 =	simm.s32 $0xFE10  }
0xc6: {  	[hbm4b:s25+s7] =	stream.linear.scatter [tilespmem:s28], [sflag:$0x9], $0x80, $0x38;
	[tilespmem:$0x18500] =	vst v63  }
0xc7: {  	s25 =	sadd.s32 $0x30, s16;
	s28 =	simm.s32 $0xFE98  }
0xc8: {  	[hbm4b:s25+s7] =	stream.linear.scatter [tilespmem:s28], [sflag:$0x9], $0x80, $0x38;
	[tilespmem:$0x18500] =	vst v63  }
0xc9: {  	s25 =	sadd.s32 $0x40, s16;
	s28 =	simm.s32 $0xFF20  }
0xca: {  	[hbm4b:s25+s7] =	stream.linear.scatter [tilespmem:s28], [sflag:$0x9], $0x80, $0x38;
	[tilespmem:$0x18500] =	vst v63  }
0xcb: {  	s25 =	sadd.s32 $0x50, s16;
	s28 =	simm.s32 $0xFFA8  }
0xcc: {  	[hbm4b:s25+s7] =	stream.linear.scatter [tilespmem:s28], [sflag:$0x9], $0x80, $0x38;
	[tilespmem:$0x18500] =	vst v63  }
0xcd: {  	s25 =	sadd.s32 $0x60, s16;
	s28 =	simm.s32 $0x10030  }
0xce: {  	[hbm4b:s25+s7] =	stream.linear.scatter [tilespmem:s28], [sflag:$0x9], $0x80, $0x38;
	[tilespmem:$0x18500] =	vst v63  }
0xcf: {  	s16 =	sadd.s32 $0x70, s16;
	s28 =	simm.s32 $0x100B8  }
0xd0: {  	[hbm4b:s16+s7] =	stream.linear.scatter [tilespmem:s28], [sflag:$0x9], $0x80, $0x38;
	[tilespmem:$0x18500] =	vst v63  }
0xd1: {  	s16 =	sadd.s32 s12, s8;
	s28 =	simm.s32 $0x10140  }
0xd2: {  	[hbm4b:s16+s7] =	stream.linear.scatter [tilespmem:s28], [sflag:$0x9], $0x80, $0x38;
	[tilespmem:$0x18500] =	vst v63  }
0xd3: {  	s25 =	sadd.s32 $0x10, s16;
	s28 =	simm.s32 $0x101C8  }
0xd4: {  	[hbm4b:s25+s7] =	stream.linear.scatter [tilespmem:s28], [sflag:$0x9], $0x80, $0x38;
	[tilespmem:$0x18500] =	vst v63  }
0xd5: {  	s25 =	sadd.s32 $0x20, s16;
	s28 =	simm.s32 $0x10250  }
0xd6: {  	[hbm4b:s25+s7] =	stream.linear.scatter [tilespmem:s28], [sflag:$0x9], $0x80, $0x38;
	[tilespmem:$0x18500] =	vst v63  }
0xd7: {  	s25 =	sadd.s32 $0x30, s16;
	s28 =	simm.s32 $0x102D8  }
0xd8: {  	[hbm4b:s25+s7] =	stream.linear.scatter [tilespmem:s28], [sflag:$0x9], $0x80, $0x38;
	[tilespmem:$0x18500] =	vst v63  }
0xd9: {  	s25 =	sadd.s32 $0x40, s16;
	s28 =	simm.s32 $0x10360  }
0xda: {  	[hbm4b:s25+s7] =	stream.linear.scatter [tilespmem:s28], [sflag:$0x9], $0x80, $0x38;
	[tilespmem:$0x18500] =	vst v63  }
0xdb: {  	s25 =	sadd.s32 $0x50, s16;
	s28 =	simm.s32 $0x103E8  }
0xdc: {  	[hbm4b:s25+s7] =	stream.linear.scatter [tilespmem:s28], [sflag:$0x9], $0x80, $0x38;
	[tilespmem:$0x18500] =	vst v63  }
0xdd: {  	s25 =	sadd.s32 $0x60, s16;
	s28 =	simm.s32 $0x10470  }
0xde: {  	[hbm4b:s25+s7] =	stream.linear.scatter [tilespmem:s28], [sflag:$0x9], $0x80, $0x38;
	[tilespmem:$0x18500] =	vst v63  }
0xdf: {  	s16 =	sadd.s32 $0x70, s16;
	s28 =	simm.s32 $0x104F8  }
0xe0: {  	[hbm4b:s16+s7] =	stream.linear.scatter [tilespmem:s28], [sflag:$0x9], $0x80, $0x38;
	[tilespmem:$0x18500] =	vst v63  }
0xe1: {  	s16 =	sadd.s32 s12, s9;
	s28 =	simm.s32 $0x10580  }
0xe2: {  	[hbm4b:s16+s7] =	stream.linear.scatter [tilespmem:s28], [sflag:$0x9], $0x80, $0x38;
	[tilespmem:$0x18500] =	vst v63  }
0xe3: {  	s25 =	sadd.s32 $0x10, s16;
	s28 =	simm.s32 $0x10608  }
0xe4: {  	[hbm4b:s25+s7] =	stream.linear.scatter [tilespmem:s28], [sflag:$0x9], $0x80, $0x38;
	[tilespmem:$0x18500] =	vst v63  }
0xe5: {  	s25 =	sadd.s32 $0x20, s16;
	s28 =	simm.s32 $0x10690  }
0xe6: {  	[hbm4b:s25+s7] =	stream.linear.scatter [tilespmem:s28], [sflag:$0x9], $0x80, $0x38;
	[tilespmem:$0x18500] =	vst v63  }
0xe7: {  	s25 =	sadd.s32 $0x30, s16;
	s28 =	simm.s32 $0x10718  }
0xe8: {  	[hbm4b:s25+s7] =	stream.linear.scatter [tilespmem:s28], [sflag:$0x9], $0x80, $0x38;
	[tilespmem:$0x18500] =	vst v63  }
0xe9: {  	s25 =	sadd.s32 $0x40, s16;
	s28 =	simm.s32 $0x107A0  }
0xea: {  	[hbm4b:s25+s7] =	stream.linear.scatter [tilespmem:s28], [sflag:$0x9], $0x80, $0x38;
	[tilespmem:$0x18500] =	vst v63  }
0xeb: {  	s25 =	sadd.s32 $0x50, s16;
	s28 =	simm.s32 $0x10828  }
0xec: {  	[hbm4b:s25+s7] =	stream.linear.scatter [tilespmem:s28], [sflag:$0x9], $0x80, $0x38;
	[tilespmem:$0x18500] =	vst v63  }
0xed: {  	s25 =	sadd.s32 $0x60, s16;
	s28 =	simm.s32 $0x108B0  }
0xee: {  	[hbm4b:s25+s7] =	stream.linear.scatter [tilespmem:s28], [sflag:$0x9], $0x80, $0x38;
	[tilespmem:$0x18500] =	vst v63  }
0xef: {  	s16 =	sadd.s32 $0x70, s16;
	s28 =	simm.s32 $0x10938  }
0xf0: {  	[hbm4b:s16+s7] =	stream.linear.scatter [tilespmem:s28], [sflag:$0x9], $0x80, $0x38;
	[tilespmem:$0x18500] =	vst v63  }
0xf1: {  	s16 =	sadd.s32 s12, s10;
	s28 =	simm.s32 $0x109C0  }
0xf2: {  	[hbm4b:s16+s7] =	stream.linear.scatter [tilespmem:s28], [sflag:$0x9], $0x80, $0x38;
	[tilespmem:$0x18500] =	vst v63  }
0xf3: {  	s25 =	sadd.s32 $0x10, s16;
	s28 =	simm.s32 $0x10A48  }
0xf4: {  	[hbm4b:s25+s7] =	stream.linear.scatter [tilespmem:s28], [sflag:$0x9], $0x80, $0x38;
	[tilespmem:$0x18500] =	vst v63  }
0xf5: {  	s25 =	sadd.s32 $0x20, s16;
	s28 =	simm.s32 $0x10AD0  }
0xf6: {  	[hbm4b:s25+s7] =	stream.linear.scatter [tilespmem:s28], [sflag:$0x9], $0x80, $0x38;
	[tilespmem:$0x18500] =	vst v63  }
0xf7: {  	s25 =	sadd.s32 $0x30, s16;
	s28 =	simm.s32 $0x10B58  }
0xf8: {  	[hbm4b:s25+s7] =	stream.linear.scatter [tilespmem:s28], [sflag:$0x9], $0x80, $0x38;
	[tilespmem:$0x18500] =	vst v63  }
0xf9: {  	s25 =	sadd.s32 $0x40, s16;
	s28 =	simm.s32 $0x10BE0  }
0xfa: {  	[hbm4b:s25+s7] =	stream.linear.scatter [tilespmem:s28], [sflag:$0x9], $0x80, $0x38;
	[tilespmem:$0x18500] =	vst v63  }
0xfb: {  	s25 =	sadd.s32 $0x50, s16;
	s28 =	simm.s32 $0x10C68  }
0xfc: {  	[hbm4b:s25+s7] =	stream.linear.scatter [tilespmem:s28], [sflag:$0x9], $0x80, $0x38;
	[tilespmem:$0x18500] =	vst v63  }
0xfd: {  	s25 =	sadd.s32 $0x60, s16;
	s28 =	simm.s32 $0x10CF0  }
0xfe: {  	[hbm4b:s25+s7] =	stream.linear.scatter [tilespmem:s28], [sflag:$0x9], $0x80, $0x38;
	[tilespmem:$0x18500] =	vst v63  }
0xff: {  	s16 =	sadd.s32 $0x70, s16;
	s28 =	simm.s32 $0x10D78;
	s25 =	simm.s32 $0x2  }
0x100: {  	[hbm4b:s16+s7] =	stream.linear.scatter [tilespmem:s28], [sflag:$0x9], $0x80, $0x38;
	[tilespmem:$0x18500] =	vst v63  }
0x101: {  	_ =	swait.ge [sflag:s25], $0x1000  }
0x102: {  	[sflag:s25] =	ssyncset.done $0x0  }
0x103: {  	[sflag:s25] =	ssyncadd.s32 $0xFFFFF000  }
0x104: {  	v3 =	vld [tilespmem:s21+$0x6400]  }
0x105: {  	s16 =	simm.s32 $0x8D40;
	v2 =	vld [tilespmem:s21+$0x6410]  }
0x106: {  	v4 =	vld [tilespmem:s16+$0x20]  }
0x107: {  	s28 =	simm.s32 $0x3;
	v6 =	vld [tilespmem:s16+$0xFFFFFFC0]  }
0x108: {  	v8 =	vmov s7;
	v7 =	vmov s28;
	v5 =	vld [tilespmem:s16+$0x30]  }
0x109: {  	v8 =	vand.u32 $0x7C, v8;
	v7 =	vand.u32 $0x7F, v7;
	v9 =	vld [tilespmem:s16+$0xFFFFFFD0]  }
0x10a: {  	v59 =	vadd.s32 v0, v8;
	v60 =	vadd.s32 v1, v8;
	s28 =	simm.s32 $0x2;
	v12 =	vadd.s32 v0, v7;
	v11 =	vld [tilespmem:s16+$0xFFFFFFE0]  }
0x10b: {  	v13 =	vmov s28;
	s25 =	simm.s32 $0x1;
	v15 =	vadd.s32 v1, v7;
	v14 =	vld [tilespmem:s16+$0xFFFFFFF0];
	v4 =	vmul.f32 $5.656854150e+00, v4  }
0x10c: {  	v13 =	vand.u32 $0x7E, v13;
	v10 =	vmov s25;
	v61 =	vld [tilespmem:s16+$0x0];
	v6 =	vmul.f32 $5.656854150e+00, v6  }
0x10d: {  	v62 =	vld [tilespmem:s16+$0x10];
	v8 =	vand.u32 $0x7D, v10;
	v5 =	vmul.f32 $5.656854150e+00, v5;
	v4 =	vadd.f32 v4, v3  }
0x10e: {  	v7 =	vadd.s32 v0, v8;
	v9 =	vmul.f32 $5.656854150e+00, v9;
	v6 =	vadd.f32 v6, v3  }
0x10f: {  	v11 =	vmul.f32 $5.656854150e+00, v11;
	v10 =	vadd.f32 v5, v2;
	v5 =	vadd.s32 v1, v8;
	[tilespmem:v12+s23+$0x0] =	vst.idx.msk $0xffff, v4  }
0x110: {  	s31 =	simm.s32 $0x8DC0;
	v14 =	vmul.f32 $5.656854150e+00, v14;
	v63 =	vadd.f32 v9, v2;
	v4 =	vadd.s32 v0, v13;
	[tilespmem:v59+s23+$0x0] =	vst.idx.msk $0xffff, v6  }
0x111: {  	v8 =	vld [tilespmem:s31+$0x20];
	v12 =	vmul.f32 $5.656854150e+00, v61;
	v6 =	vadd.s32 v1, v13;
	[tilespmem:v15+s23+$0x0] =	vst.idx.msk $0xffff, v10;
	v10 =	vadd.f32 v11, v3  }
0x112: {  	s7 =	simm.s32 $0x4;
	s25 =	simm.s32 $0x7;
	s16 =	simm.s32 $0x8;
	v9 =	vld [tilespmem:s31+$0x30];
	v13 =	vmul.f32 $5.656854150e+00, v62;
	[tilespmem:v60+s23+$0x0] =	vst.idx.msk $0xffff, v63;
	v11 =	vadd.f32 v14, v2  }
.LBB2_8:
0x113: {  	p0 =	slt.u32 s16, $0x7C;
	v14 =	vmov s7;
	v15 =	vld [tilespmem:s31+$0xFFFFFFC0];
	v16 =	vmov s25;
	[tilespmem:v7+s23+$0x0] =	vst.idx.msk $0xffff, v10;
	v7 =	vadd.f32 v12, v3  }
0x114: {  	s25 =	sadd.s32 $0x1, s7;
	s28 =	sadd.s32 $0x2, s7;
	s7 =	smov.u32 s16;
	v10 =	vld [tilespmem:s31+$0xFFFFFFD0];
	v12 =	vand.u32 $0x7C, v14;
	v14 =	vand.u32 $0x7F, v16;
	[tilespmem:v5+s23+$0x0] =	vst.idx.msk $0xffff, v11;
	v5 =	vadd.f32 v13, v2  }
0x115: {  	v11 =	vmov s25;
	v16 =	vmov s28;
	v13 =	vld [tilespmem:s31+$0xFFFFFFE0];
	v17 =	vadd.s32 v0, v14;
	[tilespmem:v4+s23+$0x0] =	vst.idx.msk $0xffff, v7  }
0x116: {  	v18 =	vadd.s32 v0, v12;
	v4 =	vld [tilespmem:s31+$0xFFFFFFF0];
	v7 =	vmul.f32 $5.656854150e+00, v8;
	v8 =	vadd.s32 v1, v14;
	[tilespmem:v6+s23+$0x0] =	vst.idx.msk $0xffff, v5  }
0x117: {  	v14 =	vadd.s32 v1, v12;
	v5 =	vand.u32 $0x7D, v11;
	v6 =	vld [tilespmem:s31+$0x0];
	v9 =	vmul.f32 $5.656854150e+00, v9  }
0x118: {  	v16 =	vand.u32 $0x7E, v16;
	v11 =	vmul.f32 $5.656854150e+00, v15;
	v15 =	vld [tilespmem:s31+$0x10];
	v12 =	vadd.f32 v7, v3  }
.Ltmp3:
0x119: {  	v7 =	vadd.s32 v0, v5;
	v10 =	vmul.f32 $5.656854150e+00, v10;
	v9 =	vadd.f32 v9, v2;
	(pc) =	sbr.rel @p0 .LBB2_8-.Ltmp3, $4  }
0x11a: {  	v5 =	vadd.s32 v1, v5;
	v11 =	vadd.f32 v11, v3;
	v13 =	vmul.f32 $5.656854150e+00, v13;
	[tilespmem:v17+s23+$0x0] =	vst.idx.msk $0xffff, v12  }
0x11b: {  	s31 =	sadd.s32 $0x80, s31;
	v17 =	vadd.f32 v10, v2;
	v19 =	vmul.f32 $5.656854150e+00, v4;
	v4 =	vadd.s32 v0, v16;
	[tilespmem:v8+s23+$0x0] =	vst.idx.msk $0xffff, v9  }
0x11c: {  	v8 =	vld [tilespmem:s31+$0x20];
	[tilespmem:v18+s23+$0x0] =	vst.idx.msk $0xffff, v11;
	v10 =	vadd.f32 v13, v3;
	v12 =	vmul.f32 $5.656854150e+00, v6;
	v6 =	vadd.s32 v1, v16  }
0x11d: {  	s16 =	sadd.s32 $0x4, s16;
	s25 =	sadd.s32 $0x3, s7;
	v9 =	vld [tilespmem:s31+$0x30];
	[tilespmem:v14+s23+$0x0] =	vst.idx.msk $0xffff, v17;
	v11 =	vadd.f32 v19, v2;
	v13 =	vmul.f32 $5.656854150e+00, v15  }
0x11e: {  	_ =	sdelay $0x1  }
0x11f: {  	v14 =	vmov s7;
	v15 =	vld [tilespmem:s31+$0xFFFFFFC0];
	v16 =	vmov s25;
	v12 =	vadd.f32 v12, v3  }
0x120: {  	v17 =	vld [tilespmem:s31+$0xFFFFFFD0];
	s16 =	sadd.s32 $0x1, s7;
	s25 =	sadd.s32 $0x2, s7;
	v14 =	vand.u32 $0x7C, v14;
	v16 =	vand.u32 $0x7F, v16;
	v13 =	vadd.f32 v13, v2  }
0x121: {  	v19 =	vld [tilespmem:s31+$0xFFFFFFE0];
	[tilespmem:v7+s23+$0x0] =	vst.idx.msk $0xffff, v10;
	v18 =	vmov s16;
	v20 =	vmov s25;
	v21 =	vadd.s32 v0, v16  }
0x122: {  	v10 =	vld [tilespmem:s31+$0xFFFFFFF0];
	[tilespmem:v5+s23+$0x0] =	vst.idx.msk $0xffff, v11;
	v7 =	vadd.s32 v0, v14;
	v16 =	vadd.s32 v1, v16;
	v8 =	vmul.f32 $5.656854150e+00, v8  }
0x123: {  	v5 =	vadd.s32 v1, v14;
	v11 =	vand.u32 $0x7D, v18;
	v14 =	vld [tilespmem:s31+$0x0];
	[tilespmem:v4+s23+$0x0] =	vst.idx.msk $0xffff, v12;
	v9 =	vmul.f32 $5.656854150e+00, v9  }
0x124: {  	v12 =	vld [tilespmem:s31+$0x10];
	[tilespmem:v6+s23+$0x0] =	vst.idx.msk $0xffff, v13;
	v13 =	vadd.s32 v0, v11;
	v4 =	vmul.f32 $5.656854150e+00, v15;
	v8 =	vadd.f32 v8, v3  }
0x125: {  	v11 =	vadd.s32 v1, v11;
	v6 =	vmul.f32 $5.656854150e+00, v17;
	v9 =	vadd.f32 v9, v2  }
0x126: {  	v15 =	vand.u32 $0x7E, v20;
	v58 =	vmul.f32 $5.656854150e+00, v19;
	v4 =	vadd.f32 v4, v3;
	[tilespmem:v21+s23+$0x0] =	vst.idx.msk $0xffff, v8  }
0x127: {  	v6 =	vadd.f32 v6, v2;
	v8 =	vmul.f32 $5.656854150e+00, v10;
	v10 =	vadd.s32 v0, v15;
	[tilespmem:v16+s23+$0x0] =	vst.idx.msk $0xffff, v9  }
0x128: {  	v9 =	vadd.s32 v1, v15;
	[tilespmem:v7+s23+$0x0] =	vst.idx.msk $0xffff, v4;
	v4 =	vadd.f32 v58, v3;
	v7 =	vmul.f32 $5.656854150e+00, v14  }
0x129: {  	[tilespmem:v5+s23+$0x0] =	vst.idx.msk $0xffff, v6;
	v5 =	vadd.f32 v8, v2;
	v6 =	vmul.f32 $5.656854150e+00, v12  }
0x12a: {  	[tilespmem:v13+s23+$0x0] =	vst.idx.msk $0xffff, v4;
	v3 =	vadd.f32 v7, v3  }
0x12b: {  	[tilespmem:v11+s23+$0x0] =	vst.idx.msk $0xffff, v5;
	v2 =	vadd.f32 v6, v2  }
0x12c: {  	s16 =	sor.u32 $0x80, s12;
	[tilespmem:v10+s23+$0x0] =	vst.idx.msk $0xffff, v3  }
0x12d: {  	s7 =	simm.s32 $0x0;
	s25 =	sadd.s32 s2, s16;
	[tilespmem:v9+s23+$0x0] =	vst.idx.msk $0xffff, v2  }
0x12e: {  	[hbm4b:s25+s7] =	stream.linear.scatter [tilespmem:s23], [sflag:$0xA], $0x80, $0x38;
	[tilespmem:$0x18500] =	vst v63  }
0x12f: {  	s31 =	simm.s32 $0x10E88;
	s28 =	sadd.s32 $0x10, s25  }
0x130: {  	[hbm4b:s28+s7] =	stream.linear.scatter [tilespmem:s31], [sflag:$0xA], $0x80, $0x38;
	[tilespmem:$0x18500] =	vst v63  }
0x131: {  	s28 =	sadd.s32 $0x20, s25;
	s31 =	simm.s32 $0x10F10  }
0x132: {  	[hbm4b:s28+s7] =	stream.linear.scatter [tilespmem:s31], [sflag:$0xA], $0x80, $0x38;
	[tilespmem:$0x18500] =	vst v63  }
0x133: {  	s28 =	sadd.s32 $0x30, s25;
	s31 =	simm.s32 $0x10F98  }
0x134: {  	[hbm4b:s28+s7] =	stream.linear.scatter [tilespmem:s31], [sflag:$0xA], $0x80, $0x38;
	[tilespmem:$0x18500] =	vst v63  }
0x135: {  	s28 =	sadd.s32 $0x40, s25;
	s31 =	simm.s32 $0x11020  }
0x136: {  	[hbm4b:s28+s7] =	stream.linear.scatter [tilespmem:s31], [sflag:$0xA], $0x80, $0x38;
	[tilespmem:$0x18500] =	vst v63  }
0x137: {  	s28 =	sadd.s32 $0x50, s25;
	s31 =	simm.s32 $0x110A8  }
0x138: {  	[hbm4b:s28+s7] =	stream.linear.scatter [tilespmem:s31], [sflag:$0xA], $0x80, $0x38;
	[tilespmem:$0x18500] =	vst v63  }
0x139: {  	s28 =	sadd.s32 $0x60, s25;
	s31 =	simm.s32 $0x11130  }
0x13a: {  	[hbm4b:s28+s7] =	stream.linear.scatter [tilespmem:s31], [sflag:$0xA], $0x80, $0x38;
	[tilespmem:$0x18500] =	vst v63  }
0x13b: {  	s25 =	sadd.s32 $0x70, s25;
	s28 =	simm.s32 $0x111B8  }
0x13c: {  	[hbm4b:s25+s7] =	stream.linear.scatter [tilespmem:s28], [sflag:$0xA], $0x80, $0x38;
	[tilespmem:$0x18500] =	vst v63  }
0x13d: {  	s25 =	sadd.s32 s16, s8;
	s28 =	simm.s32 $0x11240  }
0x13e: {  	[hbm4b:s25+s7] =	stream.linear.scatter [tilespmem:s28], [sflag:$0xA], $0x80, $0x38;
	[tilespmem:$0x18500] =	vst v63  }
0x13f: {  	s31 =	simm.s32 $0x112C8;
	s28 =	sadd.s32 $0x10, s25  }
0x140: {  	[hbm4b:s28+s7] =	stream.linear.scatter [tilespmem:s31], [sflag:$0xA], $0x80, $0x38;
	[tilespmem:$0x18500] =	vst v63  }
0x141: {  	s28 =	sadd.s32 $0x20, s25;
	s31 =	simm.s32 $0x11350  }
0x142: {  	[hbm4b:s28+s7] =	stream.linear.scatter [tilespmem:s31], [sflag:$0xA], $0x80, $0x38;
	[tilespmem:$0x18500] =	vst v63  }
0x143: {  	s28 =	sadd.s32 $0x30, s25;
	s31 =	simm.s32 $0x113D8  }
0x144: {  	[hbm4b:s28+s7] =	stream.linear.scatter [tilespmem:s31], [sflag:$0xA], $0x80, $0x38;
	[tilespmem:$0x18500] =	vst v63  }
0x145: {  	s28 =	sadd.s32 $0x40, s25;
	s31 =	simm.s32 $0x11460  }
0x146: {  	[hbm4b:s28+s7] =	stream.linear.scatter [tilespmem:s31], [sflag:$0xA], $0x80, $0x38;
	[tilespmem:$0x18500] =	vst v63  }
0x147: {  	s28 =	sadd.s32 $0x50, s25;
	s31 =	simm.s32 $0x114E8  }
0x148: {  	[hbm4b:s28+s7] =	stream.linear.scatter [tilespmem:s31], [sflag:$0xA], $0x80, $0x38;
	[tilespmem:$0x18500] =	vst v63  }
0x149: {  	s28 =	sadd.s32 $0x60, s25;
	s31 =	simm.s32 $0x11570  }
0x14a: {  	[hbm4b:s28+s7] =	stream.linear.scatter [tilespmem:s31], [sflag:$0xA], $0x80, $0x38;
	[tilespmem:$0x18500] =	vst v63  }
0x14b: {  	s25 =	sadd.s32 $0x70, s25;
	s28 =	simm.s32 $0x115F8  }
0x14c: {  	[hbm4b:s25+s7] =	stream.linear.scatter [tilespmem:s28], [sflag:$0xA], $0x80, $0x38;
	[tilespmem:$0x18500] =	vst v63  }
0x14d: {  	s25 =	sadd.s32 s16, s9;
	s28 =	simm.s32 $0x11680  }
0x14e: {  	[hbm4b:s25+s7] =	stream.linear.scatter [tilespmem:s28], [sflag:$0xA], $0x80, $0x38;
	[tilespmem:$0x18500] =	vst v63  }
0x14f: {  	s31 =	simm.s32 $0x11708;
	s28 =	sadd.s32 $0x10, s25  }
0x150: {  	[hbm4b:s28+s7] =	stream.linear.scatter [tilespmem:s31], [sflag:$0xA], $0x80, $0x38;
	[tilespmem:$0x18500] =	vst v63  }
0x151: {  	s28 =	sadd.s32 $0x20, s25;
	s31 =	simm.s32 $0x11790  }
0x152: {  	[hbm4b:s28+s7] =	stream.linear.scatter [tilespmem:s31], [sflag:$0xA], $0x80, $0x38;
	[tilespmem:$0x18500] =	vst v63  }
0x153: {  	s28 =	sadd.s32 $0x30, s25;
	s31 =	simm.s32 $0x11818  }
0x154: {  	[hbm4b:s28+s7] =	stream.linear.scatter [tilespmem:s31], [sflag:$0xA], $0x80, $0x38;
	[tilespmem:$0x18500] =	vst v63  }
0x155: {  	s28 =	sadd.s32 $0x40, s25;
	s31 =	simm.s32 $0x118A0  }
0x156: {  	[hbm4b:s28+s7] =	stream.linear.scatter [tilespmem:s31], [sflag:$0xA], $0x80, $0x38;
	[tilespmem:$0x18500] =	vst v63  }
0x157: {  	s28 =	sadd.s32 $0x50, s25;
	s31 =	simm.s32 $0x11928  }
0x158: {  	[hbm4b:s28+s7] =	stream.linear.scatter [tilespmem:s31], [sflag:$0xA], $0x80, $0x38;
	[tilespmem:$0x18500] =	vst v63  }
0x159: {  	s28 =	sadd.s32 $0x60, s25;
	s31 =	simm.s32 $0x119B0  }
0x15a: {  	[hbm4b:s28+s7] =	stream.linear.scatter [tilespmem:s31], [sflag:$0xA], $0x80, $0x38;
	[tilespmem:$0x18500] =	vst v63  }
0x15b: {  	s25 =	sadd.s32 $0x70, s25;
	s28 =	simm.s32 $0x11A38  }
0x15c: {  	[hbm4b:s25+s7] =	stream.linear.scatter [tilespmem:s28], [sflag:$0xA], $0x80, $0x38;
	[tilespmem:$0x18500] =	vst v63  }
0x15d: {  	s16 =	sadd.s32 s16, s10;
	s28 =	simm.s32 $0x11AC0  }
0x15e: {  	[hbm4b:s16+s7] =	stream.linear.scatter [tilespmem:s28], [sflag:$0xA], $0x80, $0x38;
	[tilespmem:$0x18500] =	vst v63  }
0x15f: {  	s25 =	sadd.s32 $0x10, s16;
	s28 =	simm.s32 $0x11B48  }
0x160: {  	[hbm4b:s25+s7] =	stream.linear.scatter [tilespmem:s28], [sflag:$0xA], $0x80, $0x38;
	[tilespmem:$0x18500] =	vst v63  }
0x161: {  	s25 =	sadd.s32 $0x20, s16;
	s28 =	simm.s32 $0x11BD0  }
0x162: {  	[hbm4b:s25+s7] =	stream.linear.scatter [tilespmem:s28], [sflag:$0xA], $0x80, $0x38;
	[tilespmem:$0x18500] =	vst v63  }
0x163: {  	s25 =	sadd.s32 $0x30, s16;
	s28 =	simm.s32 $0x11C58  }
0x164: {  	[hbm4b:s25+s7] =	stream.linear.scatter [tilespmem:s28], [sflag:$0xA], $0x80, $0x38;
	[tilespmem:$0x18500] =	vst v63  }
0x165: {  	s25 =	sadd.s32 $0x40, s16;
	s28 =	simm.s32 $0x11CE0  }
0x166: {  	[hbm4b:s25+s7] =	stream.linear.scatter [tilespmem:s28], [sflag:$0xA], $0x80, $0x38;
	[tilespmem:$0x18500] =	vst v63  }
0x167: {  	s25 =	sadd.s32 $0x50, s16;
	s28 =	simm.s32 $0x11D68  }
0x168: {  	[hbm4b:s25+s7] =	stream.linear.scatter [tilespmem:s28], [sflag:$0xA], $0x80, $0x38;
	[tilespmem:$0x18500] =	vst v63  }
0x169: {  	s25 =	sadd.s32 $0x60, s16;
	s28 =	simm.s32 $0x11DF0  }
0x16a: {  	[hbm4b:s25+s7] =	stream.linear.scatter [tilespmem:s28], [sflag:$0xA], $0x80, $0x38;
	[tilespmem:$0x18500] =	vst v63  }
0x16b: {  	s16 =	sadd.s32 $0x70, s16;
	s28 =	simm.s32 $0x11E78;
	s25 =	simm.s32 $0x3  }
0x16c: {  	[hbm4b:s16+s7] =	stream.linear.scatter [tilespmem:s28], [sflag:$0xA], $0x80, $0x38;
	[tilespmem:$0x18500] =	vst v63  }
0x16d: {  	_ =	swait.ge [sflag:s25], $0x1000  }
0x16e: {  	[sflag:s25] =	ssyncset.done $0x0  }
0x16f: {  	[sflag:s25] =	ssyncadd.s32 $0xFFFFF000  }
0x170: {  	v3 =	vld [tilespmem:s21+$0x6400]  }
0x171: {  	s16 =	simm.s32 $0x9D40;
	v2 =	vld [tilespmem:s21+$0x6410]  }
0x172: {  	v4 =	vld [tilespmem:s16+$0x20]  }
0x173: {  	s28 =	simm.s32 $0x3;
	v6 =	vld [tilespmem:s16+$0xFFFFFFC0]  }
0x174: {  	v8 =	vmov s7;
	v7 =	vmov s28;
	v5 =	vld [tilespmem:s16+$0x30]  }
0x175: {  	v8 =	vand.u32 $0x7C, v8;
	v7 =	vand.u32 $0x7F, v7;
	v9 =	vld [tilespmem:s16+$0xFFFFFFD0]  }
0x176: {  	v59 =	vadd.s32 v0, v8;
	v60 =	vadd.s32 v1, v8;
	s28 =	simm.s32 $0x2;
	v12 =	vadd.s32 v0, v7;
	v11 =	vld [tilespmem:s16+$0xFFFFFFE0]  }
0x177: {  	v13 =	vmov s28;
	s25 =	simm.s32 $0x1;
	v15 =	vadd.s32 v1, v7;
	v14 =	vld [tilespmem:s16+$0xFFFFFFF0];
	v4 =	vmul.f32 $5.656854150e+00, v4  }
0x178: {  	v13 =	vand.u32 $0x7E, v13;
	v10 =	vmov s25;
	v61 =	vld [tilespmem:s16+$0x0];
	v6 =	vmul.f32 $5.656854150e+00, v6  }
0x179: {  	v62 =	vld [tilespmem:s16+$0x10];
	v8 =	vand.u32 $0x7D, v10;
	v5 =	vmul.f32 $5.656854150e+00, v5;
	v4 =	vadd.f32 v4, v3  }
0x17a: {  	v7 =	vadd.s32 v0, v8;
	v9 =	vmul.f32 $5.656854150e+00, v9;
	v6 =	vadd.f32 v6, v3  }
0x17b: {  	v11 =	vmul.f32 $5.656854150e+00, v11;
	v10 =	vadd.f32 v5, v2;
	v5 =	vadd.s32 v1, v8;
	[tilespmem:v12+s5+$0x0] =	vst.idx.msk $0xffff, v4  }
0x17c: {  	s31 =	simm.s32 $0x9DC0;
	v14 =	vmul.f32 $5.656854150e+00, v14;
	v63 =	vadd.f32 v9, v2;
	v4 =	vadd.s32 v0, v13;
	[tilespmem:v59+s5+$0x0] =	vst.idx.msk $0xffff, v6  }
0x17d: {  	v8 =	vld [tilespmem:s31+$0x20];
	v12 =	vmul.f32 $5.656854150e+00, v61;
	v6 =	vadd.s32 v1, v13;
	[tilespmem:v15+s5+$0x0] =	vst.idx.msk $0xffff, v10;
	v10 =	vadd.f32 v11, v3  }
0x17e: {  	s7 =	simm.s32 $0x4;
	s25 =	simm.s32 $0x7;
	s16 =	simm.s32 $0x8;
	v9 =	vld [tilespmem:s31+$0x30];
	v13 =	vmul.f32 $5.656854150e+00, v62;
	[tilespmem:v60+s5+$0x0] =	vst.idx.msk $0xffff, v63;
	v11 =	vadd.f32 v14, v2  }
.LBB2_10:
0x17f: {  	p0 =	slt.u32 s16, $0x7C;
	v14 =	vmov s7;
	v15 =	vld [tilespmem:s31+$0xFFFFFFC0];
	v16 =	vmov s25;
	[tilespmem:v7+s5+$0x0] =	vst.idx.msk $0xffff, v10;
	v7 =	vadd.f32 v12, v3  }
0x180: {  	s25 =	sadd.s32 $0x1, s7;
	s28 =	sadd.s32 $0x2, s7;
	s7 =	smov.u32 s16;
	v10 =	vld [tilespmem:s31+$0xFFFFFFD0];
	v12 =	vand.u32 $0x7C, v14;
	v14 =	vand.u32 $0x7F, v16;
	[tilespmem:v5+s5+$0x0] =	vst.idx.msk $0xffff, v11;
	v5 =	vadd.f32 v13, v2  }
0x181: {  	v11 =	vmov s25;
	v16 =	vmov s28;
	v13 =	vld [tilespmem:s31+$0xFFFFFFE0];
	v17 =	vadd.s32 v0, v14;
	[tilespmem:v4+s5+$0x0] =	vst.idx.msk $0xffff, v7  }
0x182: {  	v18 =	vadd.s32 v0, v12;
	v4 =	vld [tilespmem:s31+$0xFFFFFFF0];
	v7 =	vmul.f32 $5.656854150e+00, v8;
	v8 =	vadd.s32 v1, v14;
	[tilespmem:v6+s5+$0x0] =	vst.idx.msk $0xffff, v5  }
0x183: {  	v14 =	vadd.s32 v1, v12;
	v5 =	vand.u32 $0x7D, v11;
	v6 =	vld [tilespmem:s31+$0x0];
	v9 =	vmul.f32 $5.656854150e+00, v9  }
0x184: {  	v16 =	vand.u32 $0x7E, v16;
	v11 =	vmul.f32 $5.656854150e+00, v15;
	v15 =	vld [tilespmem:s31+$0x10];
	v12 =	vadd.f32 v7, v3  }
.Ltmp4:
0x185: {  	v7 =	vadd.s32 v0, v5;
	v10 =	vmul.f32 $5.656854150e+00, v10;
	v9 =	vadd.f32 v9, v2;
	(pc) =	sbr.rel @p0 .LBB2_10-.Ltmp4, $4  }
0x186: {  	v5 =	vadd.s32 v1, v5;
	v11 =	vadd.f32 v11, v3;
	v13 =	vmul.f32 $5.656854150e+00, v13;
	[tilespmem:v17+s5+$0x0] =	vst.idx.msk $0xffff, v12  }
0x187: {  	s31 =	sadd.s32 $0x80, s31;
	v17 =	vadd.f32 v10, v2;
	v19 =	vmul.f32 $5.656854150e+00, v4;
	v4 =	vadd.s32 v0, v16;
	[tilespmem:v8+s5+$0x0] =	vst.idx.msk $0xffff, v9  }
0x188: {  	v8 =	vld [tilespmem:s31+$0x20];
	[tilespmem:v18+s5+$0x0] =	vst.idx.msk $0xffff, v11;
	v10 =	vadd.f32 v13, v3;
	v12 =	vmul.f32 $5.656854150e+00, v6;
	v6 =	vadd.s32 v1, v16  }
0x189: {  	s16 =	sadd.s32 $0x4, s16;
	s25 =	sadd.s32 $0x3, s7;
	v9 =	vld [tilespmem:s31+$0x30];
	[tilespmem:v14+s5+$0x0] =	vst.idx.msk $0xffff, v17;
	v11 =	vadd.f32 v19, v2;
	v13 =	vmul.f32 $5.656854150e+00, v15  }
0x18a: {  	_ =	sdelay $0x1  }
0x18b: {  	v14 =	vmov s7;
	v15 =	vld [tilespmem:s31+$0xFFFFFFC0];
	v16 =	vmov s25;
	v12 =	vadd.f32 v12, v3  }
0x18c: {  	v17 =	vld [tilespmem:s31+$0xFFFFFFD0];
	s16 =	sadd.s32 $0x1, s7;
	s25 =	sadd.s32 $0x2, s7;
	v14 =	vand.u32 $0x7C, v14;
	v16 =	vand.u32 $0x7F, v16;
	v13 =	vadd.f32 v13, v2  }
0x18d: {  	v19 =	vld [tilespmem:s31+$0xFFFFFFE0];
	[tilespmem:v7+s5+$0x0] =	vst.idx.msk $0xffff, v10;
	v18 =	vmov s16;
	v20 =	vmov s25;
	v21 =	vadd.s32 v0, v16  }
0x18e: {  	v10 =	vld [tilespmem:s31+$0xFFFFFFF0];
	[tilespmem:v5+s5+$0x0] =	vst.idx.msk $0xffff, v11;
	v7 =	vadd.s32 v0, v14;
	v16 =	vadd.s32 v1, v16;
	v8 =	vmul.f32 $5.656854150e+00, v8  }
0x18f: {  	v5 =	vadd.s32 v1, v14;
	v11 =	vand.u32 $0x7D, v18;
	v14 =	vld [tilespmem:s31+$0x0];
	[tilespmem:v4+s5+$0x0] =	vst.idx.msk $0xffff, v12;
	v9 =	vmul.f32 $5.656854150e+00, v9  }
0x190: {  	v12 =	vld [tilespmem:s31+$0x10];
	[tilespmem:v6+s5+$0x0] =	vst.idx.msk $0xffff, v13;
	v13 =	vadd.s32 v0, v11;
	v4 =	vmul.f32 $5.656854150e+00, v15;
	v8 =	vadd.f32 v8, v3  }
0x191: {  	v11 =	vadd.s32 v1, v11;
	v6 =	vmul.f32 $5.656854150e+00, v17;
	v9 =	vadd.f32 v9, v2  }
0x192: {  	v15 =	vand.u32 $0x7E, v20;
	v58 =	vmul.f32 $5.656854150e+00, v19;
	v4 =	vadd.f32 v4, v3;
	[tilespmem:v21+s5+$0x0] =	vst.idx.msk $0xffff, v8  }
0x193: {  	v6 =	vadd.f32 v6, v2;
	v8 =	vmul.f32 $5.656854150e+00, v10;
	v10 =	vadd.s32 v0, v15;
	[tilespmem:v16+s5+$0x0] =	vst.idx.msk $0xffff, v9  }
0x194: {  	v9 =	vadd.s32 v1, v15;
	[tilespmem:v7+s5+$0x0] =	vst.idx.msk $0xffff, v4;
	v4 =	vadd.f32 v58, v3;
	v7 =	vmul.f32 $5.656854150e+00, v14  }
0x195: {  	[tilespmem:v5+s5+$0x0] =	vst.idx.msk $0xffff, v6;
	v5 =	vadd.f32 v8, v2;
	v6 =	vmul.f32 $5.656854150e+00, v12  }
0x196: {  	[tilespmem:v13+s5+$0x0] =	vst.idx.msk $0xffff, v4;
	v3 =	vadd.f32 v7, v3  }
0x197: {  	[tilespmem:v11+s5+$0x0] =	vst.idx.msk $0xffff, v5;
	v2 =	vadd.f32 v6, v2  }
0x198: {  	s16 =	sor.u32 $0x100, s12;
	[tilespmem:v10+s5+$0x0] =	vst.idx.msk $0xffff, v3  }
0x199: {  	s7 =	simm.s32 $0x0;
	s25 =	sadd.s32 s2, s16;
	[tilespmem:v9+s5+$0x0] =	vst.idx.msk $0xffff, v2  }
0x19a: {  	[hbm4b:s25+s7] =	stream.linear.scatter [tilespmem:s5], [sflag:$0xB], $0x80, $0x38;
	[tilespmem:$0x18500] =	vst v63  }
0x19b: {  	s31 =	simm.s32 $0x11F88;
	s28 =	sadd.s32 $0x10, s25  }
0x19c: {  	[hbm4b:s28+s7] =	stream.linear.scatter [tilespmem:s31], [sflag:$0xB], $0x80, $0x38;
	[tilespmem:$0x18500] =	vst v63  }
0x19d: {  	s28 =	sadd.s32 $0x20, s25;
	s31 =	simm.s32 $0x12010  }
0x19e: {  	[hbm4b:s28+s7] =	stream.linear.scatter [tilespmem:s31], [sflag:$0xB], $0x80, $0x38;
	[tilespmem:$0x18500] =	vst v63  }
0x19f: {  	s28 =	sadd.s32 $0x30, s25;
	s31 =	simm.s32 $0x12098  }
0x1a0: {  	[hbm4b:s28+s7] =	stream.linear.scatter [tilespmem:s31], [sflag:$0xB], $0x80, $0x38;
	[tilespmem:$0x18500] =	vst v63  }
0x1a1: {  	s28 =	sadd.s32 $0x40, s25;
	s31 =	simm.s32 $0x12120  }
0x1a2: {  	[hbm4b:s28+s7] =	stream.linear.scatter [tilespmem:s31], [sflag:$0xB], $0x80, $0x38;
	[tilespmem:$0x18500] =	vst v63  }
0x1a3: {  	s28 =	sadd.s32 $0x50, s25;
	s31 =	simm.s32 $0x121A8  }
0x1a4: {  	[hbm4b:s28+s7] =	stream.linear.scatter [tilespmem:s31], [sflag:$0xB], $0x80, $0x38;
	[tilespmem:$0x18500] =	vst v63  }
0x1a5: {  	s28 =	sadd.s32 $0x60, s25;
	s31 =	simm.s32 $0x12230  }
0x1a6: {  	[hbm4b:s28+s7] =	stream.linear.scatter [tilespmem:s31], [sflag:$0xB], $0x80, $0x38;
	[tilespmem:$0x18500] =	vst v63  }
0x1a7: {  	s25 =	sadd.s32 $0x70, s25;
	s28 =	simm.s32 $0x122B8  }
0x1a8: {  	[hbm4b:s25+s7] =	stream.linear.scatter [tilespmem:s28], [sflag:$0xB], $0x80, $0x38;
	[tilespmem:$0x18500] =	vst v63  }
0x1a9: {  	s25 =	sadd.s32 s16, s8;
	s28 =	simm.s32 $0x12340  }
0x1aa: {  	[hbm4b:s25+s7] =	stream.linear.scatter [tilespmem:s28], [sflag:$0xB], $0x80, $0x38;
	[tilespmem:$0x18500] =	vst v63  }
0x1ab: {  	s31 =	simm.s32 $0x123C8;
	s28 =	sadd.s32 $0x10, s25  }
0x1ac: {  	[hbm4b:s28+s7] =	stream.linear.scatter [tilespmem:s31], [sflag:$0xB], $0x80, $0x38;
	[tilespmem:$0x18500] =	vst v63  }
0x1ad: {  	s28 =	sadd.s32 $0x20, s25;
	s31 =	simm.s32 $0x12450  }
0x1ae: {  	[hbm4b:s28+s7] =	stream.linear.scatter [tilespmem:s31], [sflag:$0xB], $0x80, $0x38;
	[tilespmem:$0x18500] =	vst v63  }
0x1af: {  	s28 =	sadd.s32 $0x30, s25;
	s31 =	simm.s32 $0x124D8  }
0x1b0: {  	[hbm4b:s28+s7] =	stream.linear.scatter [tilespmem:s31], [sflag:$0xB], $0x80, $0x38;
	[tilespmem:$0x18500] =	vst v63  }
0x1b1: {  	s28 =	sadd.s32 $0x40, s25;
	s31 =	simm.s32 $0x12560  }
0x1b2: {  	[hbm4b:s28+s7] =	stream.linear.scatter [tilespmem:s31], [sflag:$0xB], $0x80, $0x38;
	[tilespmem:$0x18500] =	vst v63  }
0x1b3: {  	s28 =	sadd.s32 $0x50, s25;
	s31 =	simm.s32 $0x125E8  }
0x1b4: {  	[hbm4b:s28+s7] =	stream.linear.scatter [tilespmem:s31], [sflag:$0xB], $0x80, $0x38;
	[tilespmem:$0x18500] =	vst v63  }
0x1b5: {  	s28 =	sadd.s32 $0x60, s25;
	s31 =	simm.s32 $0x12670  }
0x1b6: {  	[hbm4b:s28+s7] =	stream.linear.scatter [tilespmem:s31], [sflag:$0xB], $0x80, $0x38;
	[tilespmem:$0x18500] =	vst v63  }
0x1b7: {  	s25 =	sadd.s32 $0x70, s25;
	s28 =	simm.s32 $0x126F8  }
0x1b8: {  	[hbm4b:s25+s7] =	stream.linear.scatter [tilespmem:s28], [sflag:$0xB], $0x80, $0x38;
	[tilespmem:$0x18500] =	vst v63  }
0x1b9: {  	s25 =	sadd.s32 s16, s9;
	s28 =	simm.s32 $0x12780  }
0x1ba: {  	[hbm4b:s25+s7] =	stream.linear.scatter [tilespmem:s28], [sflag:$0xB], $0x80, $0x38;
	[tilespmem:$0x18500] =	vst v63  }
0x1bb: {  	s31 =	simm.s32 $0x12808;
	s28 =	sadd.s32 $0x10, s25  }
0x1bc: {  	[hbm4b:s28+s7] =	stream.linear.scatter [tilespmem:s31], [sflag:$0xB], $0x80, $0x38;
	[tilespmem:$0x18500] =	vst v63  }
0x1bd: {  	s28 =	sadd.s32 $0x20, s25;
	s31 =	simm.s32 $0x12890  }
0x1be: {  	[hbm4b:s28+s7] =	stream.linear.scatter [tilespmem:s31], [sflag:$0xB], $0x80, $0x38;
	[tilespmem:$0x18500] =	vst v63  }
0x1bf: {  	s28 =	sadd.s32 $0x30, s25;
	s31 =	simm.s32 $0x12918  }
0x1c0: {  	[hbm4b:s28+s7] =	stream.linear.scatter [tilespmem:s31], [sflag:$0xB], $0x80, $0x38;
	[tilespmem:$0x18500] =	vst v63  }
0x1c1: {  	s28 =	sadd.s32 $0x40, s25;
	s31 =	simm.s32 $0x129A0  }
0x1c2: {  	[hbm4b:s28+s7] =	stream.linear.scatter [tilespmem:s31], [sflag:$0xB], $0x80, $0x38;
	[tilespmem:$0x18500] =	vst v63  }
0x1c3: {  	s28 =	sadd.s32 $0x50, s25;
	s31 =	simm.s32 $0x12A28  }
0x1c4: {  	[hbm4b:s28+s7] =	stream.linear.scatter [tilespmem:s31], [sflag:$0xB], $0x80, $0x38;
	[tilespmem:$0x18500] =	vst v63  }
0x1c5: {  	s28 =	sadd.s32 $0x60, s25;
	s31 =	simm.s32 $0x12AB0  }
0x1c6: {  	[hbm4b:s28+s7] =	stream.linear.scatter [tilespmem:s31], [sflag:$0xB], $0x80, $0x38;
	[tilespmem:$0x18500] =	vst v63  }
0x1c7: {  	s25 =	sadd.s32 $0x70, s25;
	s28 =	simm.s32 $0x12B38  }
0x1c8: {  	[hbm4b:s25+s7] =	stream.linear.scatter [tilespmem:s28], [sflag:$0xB], $0x80, $0x38;
	[tilespmem:$0x18500] =	vst v63  }
0x1c9: {  	s16 =	sadd.s32 s16, s10;
	s28 =	simm.s32 $0x12BC0  }
0x1ca: {  	[hbm4b:s16+s7] =	stream.linear.scatter [tilespmem:s28], [sflag:$0xB], $0x80, $0x38;
	[tilespmem:$0x18500] =	vst v63  }
0x1cb: {  	s25 =	sadd.s32 $0x10, s16;
	s28 =	simm.s32 $0x12C48  }
0x1cc: {  	[hbm4b:s25+s7] =	stream.linear.scatter [tilespmem:s28], [sflag:$0xB], $0x80, $0x38;
	[tilespmem:$0x18500] =	vst v63  }
0x1cd: {  	s25 =	sadd.s32 $0x20, s16;
	s28 =	simm.s32 $0x12CD0  }
0x1ce: {  	[hbm4b:s25+s7] =	stream.linear.scatter [tilespmem:s28], [sflag:$0xB], $0x80, $0x38;
	[tilespmem:$0x18500] =	vst v63  }
0x1cf: {  	s25 =	sadd.s32 $0x30, s16;
	s28 =	simm.s32 $0x12D58  }
0x1d0: {  	[hbm4b:s25+s7] =	stream.linear.scatter [tilespmem:s28], [sflag:$0xB], $0x80, $0x38;
	[tilespmem:$0x18500] =	vst v63  }
0x1d1: {  	s25 =	sadd.s32 $0x40, s16;
	s28 =	simm.s32 $0x12DE0  }
0x1d2: {  	[hbm4b:s25+s7] =	stream.linear.scatter [tilespmem:s28], [sflag:$0xB], $0x80, $0x38;
	[tilespmem:$0x18500] =	vst v63  }
0x1d3: {  	s25 =	sadd.s32 $0x50, s16;
	s28 =	simm.s32 $0x12E68  }
0x1d4: {  	[hbm4b:s25+s7] =	stream.linear.scatter [tilespmem:s28], [sflag:$0xB], $0x80, $0x38;
	[tilespmem:$0x18500] =	vst v63  }
0x1d5: {  	s25 =	sadd.s32 $0x60, s16;
	s28 =	simm.s32 $0x12EF0  }
0x1d6: {  	[hbm4b:s25+s7] =	stream.linear.scatter [tilespmem:s28], [sflag:$0xB], $0x80, $0x38;
	[tilespmem:$0x18500] =	vst v63  }
0x1d7: {  	s16 =	sadd.s32 $0x70, s16;
	s28 =	simm.s32 $0x12F78;
	s25 =	simm.s32 $0x4  }
0x1d8: {  	[hbm4b:s16+s7] =	stream.linear.scatter [tilespmem:s28], [sflag:$0xB], $0x80, $0x38;
	[tilespmem:$0x18500] =	vst v63  }
0x1d9: {  	_ =	swait.ge [sflag:s25], $0x1000  }
0x1da: {  	[sflag:s25] =	ssyncset.done $0x0  }
0x1db: {  	[sflag:s25] =	ssyncadd.s32 $0xFFFFF000  }
0x1dc: {  	v3 =	vld [tilespmem:s21+$0x6400]  }
0x1dd: {  	s16 =	simm.s32 $0xAD40;
	v2 =	vld [tilespmem:s21+$0x6410]  }
0x1de: {  	v4 =	vld [tilespmem:s16+$0x20]  }
0x1df: {  	s28 =	simm.s32 $0x3;
	v6 =	vld [tilespmem:s16+$0xFFFFFFC0]  }
0x1e0: {  	v8 =	vmov s7;
	v7 =	vmov s28;
	v5 =	vld [tilespmem:s16+$0x30]  }
0x1e1: {  	v8 =	vand.u32 $0x7C, v8;
	v7 =	vand.u32 $0x7F, v7;
	v9 =	vld [tilespmem:s16+$0xFFFFFFD0]  }
0x1e2: {  	v59 =	vadd.s32 v0, v8;
	v60 =	vadd.s32 v1, v8;
	s28 =	simm.s32 $0x2;
	v12 =	vadd.s32 v0, v7;
	v11 =	vld [tilespmem:s16+$0xFFFFFFE0]  }
0x1e3: {  	v13 =	vmov s28;
	s25 =	simm.s32 $0x1;
	v15 =	vadd.s32 v1, v7;
	v14 =	vld [tilespmem:s16+$0xFFFFFFF0];
	v4 =	vmul.f32 $5.656854150e+00, v4  }
0x1e4: {  	v13 =	vand.u32 $0x7E, v13;
	v10 =	vmov s25;
	v61 =	vld [tilespmem:s16+$0x0];
	v6 =	vmul.f32 $5.656854150e+00, v6  }
0x1e5: {  	v62 =	vld [tilespmem:s16+$0x10];
	v8 =	vand.u32 $0x7D, v10;
	v5 =	vmul.f32 $5.656854150e+00, v5;
	v4 =	vadd.f32 v4, v3  }
0x1e6: {  	v7 =	vadd.s32 v0, v8;
	v9 =	vmul.f32 $5.656854150e+00, v9;
	v6 =	vadd.f32 v6, v3  }
0x1e7: {  	v11 =	vmul.f32 $5.656854150e+00, v11;
	v10 =	vadd.f32 v5, v2;
	v5 =	vadd.s32 v1, v8;
	[tilespmem:v12+s1+$0x0] =	vst.idx.msk $0xffff, v4  }
0x1e8: {  	s31 =	simm.s32 $0xADC0;
	v14 =	vmul.f32 $5.656854150e+00, v14;
	v63 =	vadd.f32 v9, v2;
	v4 =	vadd.s32 v0, v13;
	[tilespmem:v59+s1+$0x0] =	vst.idx.msk $0xffff, v6  }
0x1e9: {  	v8 =	vld [tilespmem:s31+$0x20];
	v12 =	vmul.f32 $5.656854150e+00, v61;
	v6 =	vadd.s32 v1, v13;
	[tilespmem:v15+s1+$0x0] =	vst.idx.msk $0xffff, v10;
	v10 =	vadd.f32 v11, v3  }
0x1ea: {  	s7 =	simm.s32 $0x4;
	s25 =	simm.s32 $0x7;
	s16 =	simm.s32 $0x8;
	v9 =	vld [tilespmem:s31+$0x30];
	v13 =	vmul.f32 $5.656854150e+00, v62;
	[tilespmem:v60+s1+$0x0] =	vst.idx.msk $0xffff, v63;
	v11 =	vadd.f32 v14, v2  }
.LBB2_12:
0x1eb: {  	p0 =	slt.u32 s16, $0x7C;
	v14 =	vmov s7;
	v15 =	vld [tilespmem:s31+$0xFFFFFFC0];
	v16 =	vmov s25;
	[tilespmem:v7+s1+$0x0] =	vst.idx.msk $0xffff, v10;
	v7 =	vadd.f32 v12, v3  }
0x1ec: {  	s25 =	sadd.s32 $0x1, s7;
	s28 =	sadd.s32 $0x2, s7;
	s7 =	smov.u32 s16;
	v10 =	vld [tilespmem:s31+$0xFFFFFFD0];
	v12 =	vand.u32 $0x7C, v14;
	v14 =	vand.u32 $0x7F, v16;
	[tilespmem:v5+s1+$0x0] =	vst.idx.msk $0xffff, v11;
	v5 =	vadd.f32 v13, v2  }
0x1ed: {  	v11 =	vmov s25;
	v16 =	vmov s28;
	v13 =	vld [tilespmem:s31+$0xFFFFFFE0];
	v17 =	vadd.s32 v0, v14;
	[tilespmem:v4+s1+$0x0] =	vst.idx.msk $0xffff, v7  }
0x1ee: {  	v18 =	vadd.s32 v0, v12;
	v4 =	vld [tilespmem:s31+$0xFFFFFFF0];
	v7 =	vmul.f32 $5.656854150e+00, v8;
	v8 =	vadd.s32 v1, v14;
	[tilespmem:v6+s1+$0x0] =	vst.idx.msk $0xffff, v5  }
0x1ef: {  	v14 =	vadd.s32 v1, v12;
	v5 =	vand.u32 $0x7D, v11;
	v6 =	vld [tilespmem:s31+$0x0];
	v9 =	vmul.f32 $5.656854150e+00, v9  }
0x1f0: {  	v16 =	vand.u32 $0x7E, v16;
	v11 =	vmul.f32 $5.656854150e+00, v15;
	v15 =	vld [tilespmem:s31+$0x10];
	v12 =	vadd.f32 v7, v3  }
.Ltmp5:
0x1f1: {  	v7 =	vadd.s32 v0, v5;
	v10 =	vmul.f32 $5.656854150e+00, v10;
	v9 =	vadd.f32 v9, v2;
	(pc) =	sbr.rel @p0 .LBB2_12-.Ltmp5, $4  }
0x1f2: {  	v5 =	vadd.s32 v1, v5;
	v11 =	vadd.f32 v11, v3;
	v13 =	vmul.f32 $5.656854150e+00, v13;
	[tilespmem:v17+s1+$0x0] =	vst.idx.msk $0xffff, v12  }
0x1f3: {  	s31 =	sadd.s32 $0x80, s31;
	v17 =	vadd.f32 v10, v2;
	v19 =	vmul.f32 $5.656854150e+00, v4;
	v4 =	vadd.s32 v0, v16;
	[tilespmem:v8+s1+$0x0] =	vst.idx.msk $0xffff, v9  }
0x1f4: {  	v8 =	vld [tilespmem:s31+$0x20];
	[tilespmem:v18+s1+$0x0] =	vst.idx.msk $0xffff, v11;
	v10 =	vadd.f32 v13, v3;
	v12 =	vmul.f32 $5.656854150e+00, v6;
	v6 =	vadd.s32 v1, v16  }
0x1f5: {  	s16 =	sadd.s32 $0x4, s16;
	s25 =	sadd.s32 $0x3, s7;
	v9 =	vld [tilespmem:s31+$0x30];
	[tilespmem:v14+s1+$0x0] =	vst.idx.msk $0xffff, v17;
	v11 =	vadd.f32 v19, v2;
	v13 =	vmul.f32 $5.656854150e+00, v15  }
0x1f6: {  	_ =	sdelay $0x1  }
0x1f7: {  	v14 =	vmov s7;
	v15 =	vld [tilespmem:s31+$0xFFFFFFC0];
	v16 =	vmov s25;
	v12 =	vadd.f32 v12, v3  }
0x1f8: {  	v17 =	vld [tilespmem:s31+$0xFFFFFFD0];
	s16 =	sadd.s32 $0x1, s7;
	s25 =	sadd.s32 $0x2, s7;
	v14 =	vand.u32 $0x7C, v14;
	v16 =	vand.u32 $0x7F, v16;
	v13 =	vadd.f32 v13, v2  }
0x1f9: {  	v19 =	vld [tilespmem:s31+$0xFFFFFFE0];
	[tilespmem:v7+s1+$0x0] =	vst.idx.msk $0xffff, v10;
	v18 =	vmov s16;
	v20 =	vmov s25;
	v21 =	vadd.s32 v0, v16  }
0x1fa: {  	v10 =	vld [tilespmem:s31+$0xFFFFFFF0];
	[tilespmem:v5+s1+$0x0] =	vst.idx.msk $0xffff, v11;
	v7 =	vadd.s32 v0, v14;
	v16 =	vadd.s32 v1, v16;
	v8 =	vmul.f32 $5.656854150e+00, v8  }
0x1fb: {  	v5 =	vadd.s32 v1, v14;
	v11 =	vand.u32 $0x7D, v18;
	v14 =	vld [tilespmem:s31+$0x0];
	[tilespmem:v4+s1+$0x0] =	vst.idx.msk $0xffff, v12;
	v9 =	vmul.f32 $5.656854150e+00, v9  }
0x1fc: {  	v12 =	vld [tilespmem:s31+$0x10];
	[tilespmem:v6+s1+$0x0] =	vst.idx.msk $0xffff, v13;
	v13 =	vadd.s32 v0, v11;
	v4 =	vmul.f32 $5.656854150e+00, v15;
	v8 =	vadd.f32 v8, v3  }
0x1fd: {  	v11 =	vadd.s32 v1, v11;
	v6 =	vmul.f32 $5.656854150e+00, v17;
	v9 =	vadd.f32 v9, v2  }
0x1fe: {  	v15 =	vand.u32 $0x7E, v20;
	v58 =	vmul.f32 $5.656854150e+00, v19;
	v4 =	vadd.f32 v4, v3;
	[tilespmem:v21+s1+$0x0] =	vst.idx.msk $0xffff, v8  }
0x1ff: {  	v6 =	vadd.f32 v6, v2;
	v8 =	vmul.f32 $5.656854150e+00, v10;
	v10 =	vadd.s32 v0, v15;
	[tilespmem:v16+s1+$0x0] =	vst.idx.msk $0xffff, v9  }
0x200: {  	v9 =	vadd.s32 v1, v15;
	[tilespmem:v7+s1+$0x0] =	vst.idx.msk $0xffff, v4;
	v4 =	vadd.f32 v58, v3;
	v7 =	vmul.f32 $5.656854150e+00, v14  }
0x201: {  	[tilespmem:v5+s1+$0x0] =	vst.idx.msk $0xffff, v6;
	v5 =	vadd.f32 v8, v2;
	v6 =	vmul.f32 $5.656854150e+00, v12  }
0x202: {  	[tilespmem:v13+s1+$0x0] =	vst.idx.msk $0xffff, v4;
	v3 =	vadd.f32 v7, v3  }
0x203: {  	[tilespmem:v11+s1+$0x0] =	vst.idx.msk $0xffff, v5;
	v2 =	vadd.f32 v6, v2  }
0x204: {  	s16 =	sor.u32 $0x180, s12;
	[tilespmem:v10+s1+$0x0] =	vst.idx.msk $0xffff, v3  }
0x205: {  	s7 =	simm.s32 $0x0;
	s25 =	sadd.s32 s2, s16;
	[tilespmem:v9+s1+$0x0] =	vst.idx.msk $0xffff, v2  }
0x206: {  	[hbm4b:s25+s7] =	stream.linear.scatter [tilespmem:s1], [sflag:$0xC], $0x80, $0x38;
	[tilespmem:$0x18500] =	vst v63  }
0x207: {  	s31 =	simm.s32 $0x13088;
	s28 =	sadd.s32 $0x10, s25  }
0x208: {  	[hbm4b:s28+s7] =	stream.linear.scatter [tilespmem:s31], [sflag:$0xC], $0x80, $0x38;
	[tilespmem:$0x18500] =	vst v63  }
0x209: {  	s28 =	sadd.s32 $0x20, s25;
	s31 =	simm.s32 $0x13110  }
0x20a: {  	[hbm4b:s28+s7] =	stream.linear.scatter [tilespmem:s31], [sflag:$0xC], $0x80, $0x38;
	[tilespmem:$0x18500] =	vst v63  }
0x20b: {  	s28 =	sadd.s32 $0x30, s25;
	s31 =	simm.s32 $0x13198  }
0x20c: {  	[hbm4b:s28+s7] =	stream.linear.scatter [tilespmem:s31], [sflag:$0xC], $0x80, $0x38;
	[tilespmem:$0x18500] =	vst v63  }
0x20d: {  	s28 =	sadd.s32 $0x40, s25;
	s31 =	simm.s32 $0x13220  }
0x20e: {  	[hbm4b:s28+s7] =	stream.linear.scatter [tilespmem:s31], [sflag:$0xC], $0x80, $0x38;
	[tilespmem:$0x18500] =	vst v63  }
0x20f: {  	s28 =	sadd.s32 $0x50, s25;
	s31 =	simm.s32 $0x132A8  }
0x210: {  	[hbm4b:s28+s7] =	stream.linear.scatter [tilespmem:s31], [sflag:$0xC], $0x80, $0x38;
	[tilespmem:$0x18500] =	vst v63  }
0x211: {  	s28 =	sadd.s32 $0x60, s25;
	s31 =	simm.s32 $0x13330  }
0x212: {  	[hbm4b:s28+s7] =	stream.linear.scatter [tilespmem:s31], [sflag:$0xC], $0x80, $0x38;
	[tilespmem:$0x18500] =	vst v63  }
0x213: {  	s25 =	sadd.s32 $0x70, s25;
	s28 =	simm.s32 $0x133B8  }
0x214: {  	[hbm4b:s25+s7] =	stream.linear.scatter [tilespmem:s28], [sflag:$0xC], $0x80, $0x38;
	[tilespmem:$0x18500] =	vst v63  }
0x215: {  	s25 =	sadd.s32 s16, s8;
	s28 =	simm.s32 $0x13440  }
0x216: {  	[hbm4b:s25+s7] =	stream.linear.scatter [tilespmem:s28], [sflag:$0xC], $0x80, $0x38;
	[tilespmem:$0x18500] =	vst v63  }
0x217: {  	s31 =	simm.s32 $0x134C8;
	s28 =	sadd.s32 $0x10, s25  }
0x218: {  	[hbm4b:s28+s7] =	stream.linear.scatter [tilespmem:s31], [sflag:$0xC], $0x80, $0x38;
	[tilespmem:$0x18500] =	vst v63  }
0x219: {  	s28 =	sadd.s32 $0x20, s25;
	s31 =	simm.s32 $0x13550  }
0x21a: {  	[hbm4b:s28+s7] =	stream.linear.scatter [tilespmem:s31], [sflag:$0xC], $0x80, $0x38;
	[tilespmem:$0x18500] =	vst v63  }
0x21b: {  	s28 =	sadd.s32 $0x30, s25;
	s31 =	simm.s32 $0x135D8  }
0x21c: {  	[hbm4b:s28+s7] =	stream.linear.scatter [tilespmem:s31], [sflag:$0xC], $0x80, $0x38;
	[tilespmem:$0x18500] =	vst v63  }
0x21d: {  	s28 =	sadd.s32 $0x40, s25;
	s31 =	simm.s32 $0x13660  }
0x21e: {  	[hbm4b:s28+s7] =	stream.linear.scatter [tilespmem:s31], [sflag:$0xC], $0x80, $0x38;
	[tilespmem:$0x18500] =	vst v63  }
0x21f: {  	s28 =	sadd.s32 $0x50, s25;
	s31 =	simm.s32 $0x136E8  }
0x220: {  	[hbm4b:s28+s7] =	stream.linear.scatter [tilespmem:s31], [sflag:$0xC], $0x80, $0x38;
	[tilespmem:$0x18500] =	vst v63  }
0x221: {  	s28 =	sadd.s32 $0x60, s25;
	s31 =	simm.s32 $0x13770  }
0x222: {  	[hbm4b:s28+s7] =	stream.linear.scatter [tilespmem:s31], [sflag:$0xC], $0x80, $0x38;
	[tilespmem:$0x18500] =	vst v63  }
0x223: {  	s25 =	sadd.s32 $0x70, s25;
	s28 =	simm.s32 $0x137F8  }
0x224: {  	[hbm4b:s25+s7] =	stream.linear.scatter [tilespmem:s28], [sflag:$0xC], $0x80, $0x38;
	[tilespmem:$0x18500] =	vst v63  }
0x225: {  	s25 =	sadd.s32 s16, s9;
	s28 =	simm.s32 $0x13880  }
0x226: {  	[hbm4b:s25+s7] =	stream.linear.scatter [tilespmem:s28], [sflag:$0xC], $0x80, $0x38;
	[tilespmem:$0x18500] =	vst v63  }
0x227: {  	s31 =	simm.s32 $0x13908;
	s28 =	sadd.s32 $0x10, s25  }
0x228: {  	[hbm4b:s28+s7] =	stream.linear.scatter [tilespmem:s31], [sflag:$0xC], $0x80, $0x38;
	[tilespmem:$0x18500] =	vst v63  }
0x229: {  	s28 =	sadd.s32 $0x20, s25;
	s31 =	simm.s32 $0x13990  }
0x22a: {  	[hbm4b:s28+s7] =	stream.linear.scatter [tilespmem:s31], [sflag:$0xC], $0x80, $0x38;
	[tilespmem:$0x18500] =	vst v63  }
0x22b: {  	s28 =	sadd.s32 $0x30, s25;
	s31 =	simm.s32 $0x13A18  }
0x22c: {  	[hbm4b:s28+s7] =	stream.linear.scatter [tilespmem:s31], [sflag:$0xC], $0x80, $0x38;
	[tilespmem:$0x18500] =	vst v63  }
0x22d: {  	s28 =	sadd.s32 $0x40, s25;
	s31 =	simm.s32 $0x13AA0  }
0x22e: {  	[hbm4b:s28+s7] =	stream.linear.scatter [tilespmem:s31], [sflag:$0xC], $0x80, $0x38;
	[tilespmem:$0x18500] =	vst v63  }
0x22f: {  	s28 =	sadd.s32 $0x50, s25;
	s31 =	simm.s32 $0x13B28  }
0x230: {  	[hbm4b:s28+s7] =	stream.linear.scatter [tilespmem:s31], [sflag:$0xC], $0x80, $0x38;
	[tilespmem:$0x18500] =	vst v63  }
0x231: {  	s28 =	sadd.s32 $0x60, s25;
	s31 =	simm.s32 $0x13BB0  }
0x232: {  	[hbm4b:s28+s7] =	stream.linear.scatter [tilespmem:s31], [sflag:$0xC], $0x80, $0x38;
	[tilespmem:$0x18500] =	vst v63  }
0x233: {  	s25 =	sadd.s32 $0x70, s25;
	s28 =	simm.s32 $0x13C38  }
0x234: {  	[hbm4b:s25+s7] =	stream.linear.scatter [tilespmem:s28], [sflag:$0xC], $0x80, $0x38;
	[tilespmem:$0x18500] =	vst v63  }
0x235: {  	s16 =	sadd.s32 s16, s10;
	s28 =	simm.s32 $0x13CC0  }
0x236: {  	[hbm4b:s16+s7] =	stream.linear.scatter [tilespmem:s28], [sflag:$0xC], $0x80, $0x38;
	[tilespmem:$0x18500] =	vst v63  }
0x237: {  	s25 =	sadd.s32 $0x10, s16;
	s28 =	simm.s32 $0x13D48  }
0x238: {  	[hbm4b:s25+s7] =	stream.linear.scatter [tilespmem:s28], [sflag:$0xC], $0x80, $0x38;
	[tilespmem:$0x18500] =	vst v63  }
0x239: {  	s25 =	sadd.s32 $0x20, s16;
	s28 =	simm.s32 $0x13DD0  }
0x23a: {  	[hbm4b:s25+s7] =	stream.linear.scatter [tilespmem:s28], [sflag:$0xC], $0x80, $0x38;
	[tilespmem:$0x18500] =	vst v63  }
0x23b: {  	s25 =	sadd.s32 $0x30, s16;
	s28 =	simm.s32 $0x13E58  }
0x23c: {  	[hbm4b:s25+s7] =	stream.linear.scatter [tilespmem:s28], [sflag:$0xC], $0x80, $0x38;
	[tilespmem:$0x18500] =	vst v63  }
0x23d: {  	s25 =	sadd.s32 $0x40, s16;
	s28 =	simm.s32 $0x13EE0  }
0x23e: {  	[hbm4b:s25+s7] =	stream.linear.scatter [tilespmem:s28], [sflag:$0xC], $0x80, $0x38;
	[tilespmem:$0x18500] =	vst v63  }
0x23f: {  	s25 =	sadd.s32 $0x50, s16;
	s28 =	simm.s32 $0x13F68  }
0x240: {  	[hbm4b:s25+s7] =	stream.linear.scatter [tilespmem:s28], [sflag:$0xC], $0x80, $0x38;
	[tilespmem:$0x18500] =	vst v63  }
0x241: {  	s25 =	sadd.s32 $0x60, s16;
	s28 =	simm.s32 $0x13FF0  }
0x242: {  	[hbm4b:s25+s7] =	stream.linear.scatter [tilespmem:s28], [sflag:$0xC], $0x80, $0x38;
	[tilespmem:$0x18500] =	vst v63  }
0x243: {  	s16 =	sadd.s32 $0x70, s16;
	s28 =	simm.s32 $0x14078;
	s25 =	simm.s32 $0x5  }
0x244: {  	[hbm4b:s16+s7] =	stream.linear.scatter [tilespmem:s28], [sflag:$0xC], $0x80, $0x38;
	[tilespmem:$0x18500] =	vst v63  }
0x245: {  	_ =	swait.ge [sflag:s25], $0x1000  }
0x246: {  	[sflag:s25] =	ssyncset.done $0x0  }
0x247: {  	[sflag:s25] =	ssyncadd.s32 $0xFFFFF000  }
0x248: {  	v3 =	vld [tilespmem:s21+$0x6400]  }
0x249: {  	s16 =	simm.s32 $0xBD40;
	v2 =	vld [tilespmem:s21+$0x6410]  }
0x24a: {  	v4 =	vld [tilespmem:s16+$0x20]  }
0x24b: {  	s28 =	simm.s32 $0x3;
	v6 =	vld [tilespmem:s16+$0xFFFFFFC0]  }
0x24c: {  	v8 =	vmov s7;
	v7 =	vmov s28;
	v5 =	vld [tilespmem:s16+$0x30]  }
0x24d: {  	v8 =	vand.u32 $0x7C, v8;
	v7 =	vand.u32 $0x7F, v7;
	v9 =	vld [tilespmem:s16+$0xFFFFFFD0]  }
0x24e: {  	v59 =	vadd.s32 v0, v8;
	v60 =	vadd.s32 v1, v8;
	s28 =	simm.s32 $0x2;
	v12 =	vadd.s32 v0, v7;
	v11 =	vld [tilespmem:s16+$0xFFFFFFE0]  }
0x24f: {  	v13 =	vmov s28;
	s25 =	simm.s32 $0x1;
	v15 =	vadd.s32 v1, v7;
	v14 =	vld [tilespmem:s16+$0xFFFFFFF0];
	v4 =	vmul.f32 $5.656854150e+00, v4  }
0x250: {  	v13 =	vand.u32 $0x7E, v13;
	v10 =	vmov s25;
	v61 =	vld [tilespmem:s16+$0x0];
	v6 =	vmul.f32 $5.656854150e+00, v6  }
0x251: {  	v62 =	vld [tilespmem:s16+$0x10];
	v8 =	vand.u32 $0x7D, v10;
	v5 =	vmul.f32 $5.656854150e+00, v5;
	v4 =	vadd.f32 v4, v3  }
0x252: {  	v7 =	vadd.s32 v0, v8;
	v9 =	vmul.f32 $5.656854150e+00, v9;
	v6 =	vadd.f32 v6, v3  }
0x253: {  	v11 =	vmul.f32 $5.656854150e+00, v11;
	v10 =	vadd.f32 v5, v2;
	v5 =	vadd.s32 v1, v8;
	[tilespmem:v12+s11+$0x0] =	vst.idx.msk $0xffff, v4  }
0x254: {  	s31 =	simm.s32 $0xBDC0;
	v14 =	vmul.f32 $5.656854150e+00, v14;
	v63 =	vadd.f32 v9, v2;
	v4 =	vadd.s32 v0, v13;
	[tilespmem:v59+s11+$0x0] =	vst.idx.msk $0xffff, v6  }
0x255: {  	v8 =	vld [tilespmem:s31+$0x20];
	v12 =	vmul.f32 $5.656854150e+00, v61;
	v6 =	vadd.s32 v1, v13;
	[tilespmem:v15+s11+$0x0] =	vst.idx.msk $0xffff, v10;
	v10 =	vadd.f32 v11, v3  }
0x256: {  	s7 =	simm.s32 $0x4;
	s25 =	simm.s32 $0x7;
	s16 =	simm.s32 $0x8;
	v9 =	vld [tilespmem:s31+$0x30];
	v13 =	vmul.f32 $5.656854150e+00, v62;
	[tilespmem:v60+s11+$0x0] =	vst.idx.msk $0xffff, v63;
	v11 =	vadd.f32 v14, v2  }
.LBB2_14:
0x257: {  	p0 =	slt.u32 s16, $0x7C;
	v14 =	vmov s7;
	v15 =	vld [tilespmem:s31+$0xFFFFFFC0];
	v16 =	vmov s25;
	[tilespmem:v7+s11+$0x0] =	vst.idx.msk $0xffff, v10;
	v7 =	vadd.f32 v12, v3  }
0x258: {  	s25 =	sadd.s32 $0x1, s7;
	s28 =	sadd.s32 $0x2, s7;
	s7 =	smov.u32 s16;
	v10 =	vld [tilespmem:s31+$0xFFFFFFD0];
	v12 =	vand.u32 $0x7C, v14;
	v14 =	vand.u32 $0x7F, v16;
	[tilespmem:v5+s11+$0x0] =	vst.idx.msk $0xffff, v11;
	v5 =	vadd.f32 v13, v2  }
0x259: {  	v11 =	vmov s25;
	v16 =	vmov s28;
	v13 =	vld [tilespmem:s31+$0xFFFFFFE0];
	v17 =	vadd.s32 v0, v14;
	[tilespmem:v4+s11+$0x0] =	vst.idx.msk $0xffff, v7  }
0x25a: {  	v18 =	vadd.s32 v0, v12;
	v4 =	vld [tilespmem:s31+$0xFFFFFFF0];
	v7 =	vmul.f32 $5.656854150e+00, v8;
	v8 =	vadd.s32 v1, v14;
	[tilespmem:v6+s11+$0x0] =	vst.idx.msk $0xffff, v5  }
0x25b: {  	v14 =	vadd.s32 v1, v12;
	v5 =	vand.u32 $0x7D, v11;
	v6 =	vld [tilespmem:s31+$0x0];
	v9 =	vmul.f32 $5.656854150e+00, v9  }
0x25c: {  	v16 =	vand.u32 $0x7E, v16;
	v11 =	vmul.f32 $5.656854150e+00, v15;
	v15 =	vld [tilespmem:s31+$0x10];
	v12 =	vadd.f32 v7, v3  }
.Ltmp6:
0x25d: {  	v7 =	vadd.s32 v0, v5;
	v10 =	vmul.f32 $5.656854150e+00, v10;
	v9 =	vadd.f32 v9, v2;
	(pc) =	sbr.rel @p0 .LBB2_14-.Ltmp6, $4  }
0x25e: {  	v5 =	vadd.s32 v1, v5;
	v11 =	vadd.f32 v11, v3;
	v13 =	vmul.f32 $5.656854150e+00, v13;
	[tilespmem:v17+s11+$0x0] =	vst.idx.msk $0xffff, v12  }
0x25f: {  	s31 =	sadd.s32 $0x80, s31;
	v17 =	vadd.f32 v10, v2;
	v19 =	vmul.f32 $5.656854150e+00, v4;
	v4 =	vadd.s32 v0, v16;
	[tilespmem:v8+s11+$0x0] =	vst.idx.msk $0xffff, v9  }
0x260: {  	v8 =	vld [tilespmem:s31+$0x20];
	[tilespmem:v18+s11+$0x0] =	vst.idx.msk $0xffff, v11;
	v10 =	vadd.f32 v13, v3;
	v12 =	vmul.f32 $5.656854150e+00, v6;
	v6 =	vadd.s32 v1, v16  }
0x261: {  	s16 =	sadd.s32 $0x4, s16;
	s25 =	sadd.s32 $0x3, s7;
	v9 =	vld [tilespmem:s31+$0x30];
	[tilespmem:v14+s11+$0x0] =	vst.idx.msk $0xffff, v17;
	v11 =	vadd.f32 v19, v2;
	v13 =	vmul.f32 $5.656854150e+00, v15  }
0x262: {  	_ =	sdelay $0x1  }
0x263: {  	v14 =	vmov s7;
	v15 =	vld [tilespmem:s31+$0xFFFFFFC0];
	v16 =	vmov s25;
	v12 =	vadd.f32 v12, v3  }
0x264: {  	v17 =	vld [tilespmem:s31+$0xFFFFFFD0];
	s16 =	sadd.s32 $0x1, s7;
	s25 =	sadd.s32 $0x2, s7;
	v14 =	vand.u32 $0x7C, v14;
	v16 =	vand.u32 $0x7F, v16;
	v13 =	vadd.f32 v13, v2  }
0x265: {  	v19 =	vld [tilespmem:s31+$0xFFFFFFE0];
	[tilespmem:v7+s11+$0x0] =	vst.idx.msk $0xffff, v10;
	v18 =	vmov s16;
	v20 =	vmov s25;
	v21 =	vadd.s32 v0, v16  }
0x266: {  	v10 =	vld [tilespmem:s31+$0xFFFFFFF0];
	[tilespmem:v5+s11+$0x0] =	vst.idx.msk $0xffff, v11;
	v7 =	vadd.s32 v0, v14;
	v16 =	vadd.s32 v1, v16;
	v8 =	vmul.f32 $5.656854150e+00, v8  }
0x267: {  	v5 =	vadd.s32 v1, v14;
	v11 =	vand.u32 $0x7D, v18;
	v14 =	vld [tilespmem:s31+$0x0];
	[tilespmem:v4+s11+$0x0] =	vst.idx.msk $0xffff, v12;
	v9 =	vmul.f32 $5.656854150e+00, v9  }
0x268: {  	v12 =	vld [tilespmem:s31+$0x10];
	[tilespmem:v6+s11+$0x0] =	vst.idx.msk $0xffff, v13;
	v13 =	vadd.s32 v0, v11;
	v4 =	vmul.f32 $5.656854150e+00, v15;
	v8 =	vadd.f32 v8, v3  }
0x269: {  	v11 =	vadd.s32 v1, v11;
	v6 =	vmul.f32 $5.656854150e+00, v17;
	v9 =	vadd.f32 v9, v2  }
0x26a: {  	v15 =	vand.u32 $0x7E, v20;
	v58 =	vmul.f32 $5.656854150e+00, v19;
	v4 =	vadd.f32 v4, v3;
	[tilespmem:v21+s11+$0x0] =	vst.idx.msk $0xffff, v8  }
0x26b: {  	v6 =	vadd.f32 v6, v2;
	v8 =	vmul.f32 $5.656854150e+00, v10;
	v10 =	vadd.s32 v0, v15;
	[tilespmem:v16+s11+$0x0] =	vst.idx.msk $0xffff, v9  }
0x26c: {  	v9 =	vadd.s32 v1, v15;
	[tilespmem:v7+s11+$0x0] =	vst.idx.msk $0xffff, v4;
	v4 =	vadd.f32 v58, v3;
	v7 =	vmul.f32 $5.656854150e+00, v14  }
0x26d: {  	[tilespmem:v5+s11+$0x0] =	vst.idx.msk $0xffff, v6;
	v5 =	vadd.f32 v8, v2;
	v6 =	vmul.f32 $5.656854150e+00, v12  }
0x26e: {  	[tilespmem:v13+s11+$0x0] =	vst.idx.msk $0xffff, v4;
	v3 =	vadd.f32 v7, v3  }
0x26f: {  	[tilespmem:v11+s11+$0x0] =	vst.idx.msk $0xffff, v5;
	v2 =	vadd.f32 v6, v2  }
0x270: {  	s16 =	sor.u32 $0x200, s12;
	[tilespmem:v10+s11+$0x0] =	vst.idx.msk $0xffff, v3  }
0x271: {  	s7 =	simm.s32 $0x0;
	s25 =	sadd.s32 s2, s16;
	[tilespmem:v9+s11+$0x0] =	vst.idx.msk $0xffff, v2  }
0x272: {  	[hbm4b:s25+s7] =	stream.linear.scatter [tilespmem:s11], [sflag:$0xD], $0x80, $0x38;
	[tilespmem:$0x18500] =	vst v63  }
0x273: {  	s31 =	simm.s32 $0x14188;
	s28 =	sadd.s32 $0x10, s25  }
0x274: {  	[hbm4b:s28+s7] =	stream.linear.scatter [tilespmem:s31], [sflag:$0xD], $0x80, $0x38;
	[tilespmem:$0x18500] =	vst v63  }
0x275: {  	s28 =	sadd.s32 $0x20, s25;
	s31 =	simm.s32 $0x14210  }
0x276: {  	[hbm4b:s28+s7] =	stream.linear.scatter [tilespmem:s31], [sflag:$0xD], $0x80, $0x38;
	[tilespmem:$0x18500] =	vst v63  }
0x277: {  	s28 =	sadd.s32 $0x30, s25;
	s31 =	simm.s32 $0x14298  }
0x278: {  	[hbm4b:s28+s7] =	stream.linear.scatter [tilespmem:s31], [sflag:$0xD], $0x80, $0x38;
	[tilespmem:$0x18500] =	vst v63  }
0x279: {  	s28 =	sadd.s32 $0x40, s25;
	s31 =	simm.s32 $0x14320  }
0x27a: {  	[hbm4b:s28+s7] =	stream.linear.scatter [tilespmem:s31], [sflag:$0xD], $0x80, $0x38;
	[tilespmem:$0x18500] =	vst v63  }
0x27b: {  	s28 =	sadd.s32 $0x50, s25;
	s31 =	simm.s32 $0x143A8  }
0x27c: {  	[hbm4b:s28+s7] =	stream.linear.scatter [tilespmem:s31], [sflag:$0xD], $0x80, $0x38;
	[tilespmem:$0x18500] =	vst v63  }
0x27d: {  	s28 =	sadd.s32 $0x60, s25;
	s31 =	simm.s32 $0x14430  }
0x27e: {  	[hbm4b:s28+s7] =	stream.linear.scatter [tilespmem:s31], [sflag:$0xD], $0x80, $0x38;
	[tilespmem:$0x18500] =	vst v63  }
0x27f: {  	s25 =	sadd.s32 $0x70, s25;
	s28 =	simm.s32 $0x144B8  }
0x280: {  	[hbm4b:s25+s7] =	stream.linear.scatter [tilespmem:s28], [sflag:$0xD], $0x80, $0x38;
	[tilespmem:$0x18500] =	vst v63  }
0x281: {  	s25 =	sadd.s32 s16, s8;
	s28 =	simm.s32 $0x14540  }
0x282: {  	[hbm4b:s25+s7] =	stream.linear.scatter [tilespmem:s28], [sflag:$0xD], $0x80, $0x38;
	[tilespmem:$0x18500] =	vst v63  }
0x283: {  	s31 =	simm.s32 $0x145C8;
	s28 =	sadd.s32 $0x10, s25  }
0x284: {  	[hbm4b:s28+s7] =	stream.linear.scatter [tilespmem:s31], [sflag:$0xD], $0x80, $0x38;
	[tilespmem:$0x18500] =	vst v63  }
0x285: {  	s28 =	sadd.s32 $0x20, s25;
	s31 =	simm.s32 $0x14650  }
0x286: {  	[hbm4b:s28+s7] =	stream.linear.scatter [tilespmem:s31], [sflag:$0xD], $0x80, $0x38;
	[tilespmem:$0x18500] =	vst v63  }
0x287: {  	s28 =	sadd.s32 $0x30, s25;
	s31 =	simm.s32 $0x146D8  }
0x288: {  	[hbm4b:s28+s7] =	stream.linear.scatter [tilespmem:s31], [sflag:$0xD], $0x80, $0x38;
	[tilespmem:$0x18500] =	vst v63  }
0x289: {  	s28 =	sadd.s32 $0x40, s25;
	s31 =	simm.s32 $0x14760  }
0x28a: {  	[hbm4b:s28+s7] =	stream.linear.scatter [tilespmem:s31], [sflag:$0xD], $0x80, $0x38;
	[tilespmem:$0x18500] =	vst v63  }
0x28b: {  	s28 =	sadd.s32 $0x50, s25;
	s31 =	simm.s32 $0x147E8  }
0x28c: {  	[hbm4b:s28+s7] =	stream.linear.scatter [tilespmem:s31], [sflag:$0xD], $0x80, $0x38;
	[tilespmem:$0x18500] =	vst v63  }
0x28d: {  	s28 =	sadd.s32 $0x60, s25;
	s31 =	simm.s32 $0x14870  }
0x28e: {  	[hbm4b:s28+s7] =	stream.linear.scatter [tilespmem:s31], [sflag:$0xD], $0x80, $0x38;
	[tilespmem:$0x18500] =	vst v63  }
0x28f: {  	s25 =	sadd.s32 $0x70, s25;
	s28 =	simm.s32 $0x148F8  }
0x290: {  	[hbm4b:s25+s7] =	stream.linear.scatter [tilespmem:s28], [sflag:$0xD], $0x80, $0x38;
	[tilespmem:$0x18500] =	vst v63  }
0x291: {  	s25 =	sadd.s32 s16, s9;
	s28 =	simm.s32 $0x14980  }
0x292: {  	[hbm4b:s25+s7] =	stream.linear.scatter [tilespmem:s28], [sflag:$0xD], $0x80, $0x38;
	[tilespmem:$0x18500] =	vst v63  }
0x293: {  	s31 =	simm.s32 $0x14A08;
	s28 =	sadd.s32 $0x10, s25  }
0x294: {  	[hbm4b:s28+s7] =	stream.linear.scatter [tilespmem:s31], [sflag:$0xD], $0x80, $0x38;
	[tilespmem:$0x18500] =	vst v63  }
0x295: {  	s28 =	sadd.s32 $0x20, s25;
	s31 =	simm.s32 $0x14A90  }
0x296: {  	[hbm4b:s28+s7] =	stream.linear.scatter [tilespmem:s31], [sflag:$0xD], $0x80, $0x38;
	[tilespmem:$0x18500] =	vst v63  }
0x297: {  	s28 =	sadd.s32 $0x30, s25;
	s31 =	simm.s32 $0x14B18  }
0x298: {  	[hbm4b:s28+s7] =	stream.linear.scatter [tilespmem:s31], [sflag:$0xD], $0x80, $0x38;
	[tilespmem:$0x18500] =	vst v63  }
0x299: {  	s28 =	sadd.s32 $0x40, s25;
	s31 =	simm.s32 $0x14BA0  }
0x29a: {  	[hbm4b:s28+s7] =	stream.linear.scatter [tilespmem:s31], [sflag:$0xD], $0x80, $0x38;
	[tilespmem:$0x18500] =	vst v63  }
0x29b: {  	s28 =	sadd.s32 $0x50, s25;
	s31 =	simm.s32 $0x14C28  }
0x29c: {  	[hbm4b:s28+s7] =	stream.linear.scatter [tilespmem:s31], [sflag:$0xD], $0x80, $0x38;
	[tilespmem:$0x18500] =	vst v63  }
0x29d: {  	s28 =	sadd.s32 $0x60, s25;
	s31 =	simm.s32 $0x14CB0  }
0x29e: {  	[hbm4b:s28+s7] =	stream.linear.scatter [tilespmem:s31], [sflag:$0xD], $0x80, $0x38;
	[tilespmem:$0x18500] =	vst v63  }
0x29f: {  	s25 =	sadd.s32 $0x70, s25;
	s28 =	simm.s32 $0x14D38  }
0x2a0: {  	[hbm4b:s25+s7] =	stream.linear.scatter [tilespmem:s28], [sflag:$0xD], $0x80, $0x38;
	[tilespmem:$0x18500] =	vst v63  }
0x2a1: {  	s16 =	sadd.s32 s16, s10;
	s28 =	simm.s32 $0x14DC0  }
0x2a2: {  	[hbm4b:s16+s7] =	stream.linear.scatter [tilespmem:s28], [sflag:$0xD], $0x80, $0x38;
	[tilespmem:$0x18500] =	vst v63  }
0x2a3: {  	s25 =	sadd.s32 $0x10, s16;
	s28 =	simm.s32 $0x14E48  }
0x2a4: {  	[hbm4b:s25+s7] =	stream.linear.scatter [tilespmem:s28], [sflag:$0xD], $0x80, $0x38;
	[tilespmem:$0x18500] =	vst v63  }
0x2a5: {  	s25 =	sadd.s32 $0x20, s16;
	s28 =	simm.s32 $0x14ED0  }
0x2a6: {  	[hbm4b:s25+s7] =	stream.linear.scatter [tilespmem:s28], [sflag:$0xD], $0x80, $0x38;
	[tilespmem:$0x18500] =	vst v63  }
0x2a7: {  	s25 =	sadd.s32 $0x30, s16;
	s28 =	simm.s32 $0x14F58  }
0x2a8: {  	[hbm4b:s25+s7] =	stream.linear.scatter [tilespmem:s28], [sflag:$0xD], $0x80, $0x38;
	[tilespmem:$0x18500] =	vst v63  }
0x2a9: {  	s25 =	sadd.s32 $0x40, s16;
	s28 =	simm.s32 $0x14FE0  }
0x2aa: {  	[hbm4b:s25+s7] =	stream.linear.scatter [tilespmem:s28], [sflag:$0xD], $0x80, $0x38;
	[tilespmem:$0x18500] =	vst v63  }
0x2ab: {  	s25 =	sadd.s32 $0x50, s16;
	s28 =	simm.s32 $0x15068  }
0x2ac: {  	[hbm4b:s25+s7] =	stream.linear.scatter [tilespmem:s28], [sflag:$0xD], $0x80, $0x38;
	[tilespmem:$0x18500] =	vst v63  }
0x2ad: {  	s25 =	sadd.s32 $0x60, s16;
	s28 =	simm.s32 $0x150F0  }
0x2ae: {  	[hbm4b:s25+s7] =	stream.linear.scatter [tilespmem:s28], [sflag:$0xD], $0x80, $0x38;
	[tilespmem:$0x18500] =	vst v63  }
0x2af: {  	s16 =	sadd.s32 $0x70, s16;
	s28 =	simm.s32 $0x15178;
	s25 =	simm.s32 $0x6  }
0x2b0: {  	[hbm4b:s16+s7] =	stream.linear.scatter [tilespmem:s28], [sflag:$0xD], $0x80, $0x38;
	[tilespmem:$0x18500] =	vst v63  }
0x2b1: {  	_ =	swait.ge [sflag:s25], $0x1000  }
0x2b2: {  	[sflag:s25] =	ssyncset.done $0x0  }
0x2b3: {  	[sflag:s25] =	ssyncadd.s32 $0xFFFFF000  }
0x2b4: {  	v3 =	vld [tilespmem:s21+$0x6400]  }
0x2b5: {  	s16 =	simm.s32 $0xCD40;
	v2 =	vld [tilespmem:s21+$0x6410]  }
0x2b6: {  	v4 =	vld [tilespmem:s16+$0x20]  }
0x2b7: {  	s28 =	simm.s32 $0x3;
	v6 =	vld [tilespmem:s16+$0xFFFFFFC0]  }
0x2b8: {  	v8 =	vmov s7;
	v7 =	vmov s28;
	v5 =	vld [tilespmem:s16+$0x30]  }
0x2b9: {  	v8 =	vand.u32 $0x7C, v8;
	v7 =	vand.u32 $0x7F, v7;
	v9 =	vld [tilespmem:s16+$0xFFFFFFD0]  }
0x2ba: {  	v59 =	vadd.s32 v0, v8;
	v60 =	vadd.s32 v1, v8;
	s28 =	simm.s32 $0x2;
	v12 =	vadd.s32 v0, v7;
	v11 =	vld [tilespmem:s16+$0xFFFFFFE0]  }
0x2bb: {  	v13 =	vmov s28;
	s25 =	simm.s32 $0x1;
	v15 =	vadd.s32 v1, v7;
	v14 =	vld [tilespmem:s16+$0xFFFFFFF0];
	v4 =	vmul.f32 $5.656854150e+00, v4  }
0x2bc: {  	v13 =	vand.u32 $0x7E, v13;
	v10 =	vmov s25;
	v61 =	vld [tilespmem:s16+$0x0];
	v6 =	vmul.f32 $5.656854150e+00, v6  }
0x2bd: {  	v62 =	vld [tilespmem:s16+$0x10];
	v8 =	vand.u32 $0x7D, v10;
	v5 =	vmul.f32 $5.656854150e+00, v5;
	v4 =	vadd.f32 v4, v3  }
0x2be: {  	v7 =	vadd.s32 v0, v8;
	v9 =	vmul.f32 $5.656854150e+00, v9;
	v6 =	vadd.f32 v6, v3  }
0x2bf: {  	v11 =	vmul.f32 $5.656854150e+00, v11;
	v10 =	vadd.f32 v5, v2;
	v5 =	vadd.s32 v1, v8;
	[tilespmem:v12+s18+$0x0] =	vst.idx.msk $0xffff, v4  }
0x2c0: {  	s31 =	simm.s32 $0xCDC0;
	v14 =	vmul.f32 $5.656854150e+00, v14;
	v63 =	vadd.f32 v9, v2;
	v4 =	vadd.s32 v0, v13;
	[tilespmem:v59+s18+$0x0] =	vst.idx.msk $0xffff, v6  }
0x2c1: {  	v8 =	vld [tilespmem:s31+$0x20];
	v12 =	vmul.f32 $5.656854150e+00, v61;
	v6 =	vadd.s32 v1, v13;
	[tilespmem:v15+s18+$0x0] =	vst.idx.msk $0xffff, v10;
	v10 =	vadd.f32 v11, v3  }
0x2c2: {  	s7 =	simm.s32 $0x4;
	s25 =	simm.s32 $0x7;
	s16 =	simm.s32 $0x8;
	v9 =	vld [tilespmem:s31+$0x30];
	v13 =	vmul.f32 $5.656854150e+00, v62;
	[tilespmem:v60+s18+$0x0] =	vst.idx.msk $0xffff, v63;
	v11 =	vadd.f32 v14, v2  }
.LBB2_16:
0x2c3: {  	p0 =	slt.u32 s16, $0x7C;
	v14 =	vmov s7;
	v15 =	vld [tilespmem:s31+$0xFFFFFFC0];
	v16 =	vmov s25;
	[tilespmem:v7+s18+$0x0] =	vst.idx.msk $0xffff, v10;
	v7 =	vadd.f32 v12, v3  }
0x2c4: {  	s25 =	sadd.s32 $0x1, s7;
	s28 =	sadd.s32 $0x2, s7;
	s7 =	smov.u32 s16;
	v10 =	vld [tilespmem:s31+$0xFFFFFFD0];
	v12 =	vand.u32 $0x7C, v14;
	v14 =	vand.u32 $0x7F, v16;
	[tilespmem:v5+s18+$0x0] =	vst.idx.msk $0xffff, v11;
	v5 =	vadd.f32 v13, v2  }
0x2c5: {  	v11 =	vmov s25;
	v16 =	vmov s28;
	v13 =	vld [tilespmem:s31+$0xFFFFFFE0];
	v17 =	vadd.s32 v0, v14;
	[tilespmem:v4+s18+$0x0] =	vst.idx.msk $0xffff, v7  }
0x2c6: {  	v18 =	vadd.s32 v0, v12;
	v4 =	vld [tilespmem:s31+$0xFFFFFFF0];
	v7 =	vmul.f32 $5.656854150e+00, v8;
	v8 =	vadd.s32 v1, v14;
	[tilespmem:v6+s18+$0x0] =	vst.idx.msk $0xffff, v5  }
0x2c7: {  	v14 =	vadd.s32 v1, v12;
	v5 =	vand.u32 $0x7D, v11;
	v6 =	vld [tilespmem:s31+$0x0];
	v9 =	vmul.f32 $5.656854150e+00, v9  }
0x2c8: {  	v16 =	vand.u32 $0x7E, v16;
	v11 =	vmul.f32 $5.656854150e+00, v15;
	v15 =	vld [tilespmem:s31+$0x10];
	v12 =	vadd.f32 v7, v3  }
.Ltmp7:
0x2c9: {  	v7 =	vadd.s32 v0, v5;
	v10 =	vmul.f32 $5.656854150e+00, v10;
	v9 =	vadd.f32 v9, v2;
	(pc) =	sbr.rel @p0 .LBB2_16-.Ltmp7, $4  }
0x2ca: {  	v5 =	vadd.s32 v1, v5;
	v11 =	vadd.f32 v11, v3;
	v13 =	vmul.f32 $5.656854150e+00, v13;
	[tilespmem:v17+s18+$0x0] =	vst.idx.msk $0xffff, v12  }
0x2cb: {  	s31 =	sadd.s32 $0x80, s31;
	v17 =	vadd.f32 v10, v2;
	v19 =	vmul.f32 $5.656854150e+00, v4;
	v4 =	vadd.s32 v0, v16;
	[tilespmem:v8+s18+$0x0] =	vst.idx.msk $0xffff, v9  }
0x2cc: {  	v8 =	vld [tilespmem:s31+$0x20];
	[tilespmem:v18+s18+$0x0] =	vst.idx.msk $0xffff, v11;
	v10 =	vadd.f32 v13, v3;
	v12 =	vmul.f32 $5.656854150e+00, v6;
	v6 =	vadd.s32 v1, v16  }
0x2cd: {  	s16 =	sadd.s32 $0x4, s16;
	s25 =	sadd.s32 $0x3, s7;
	v9 =	vld [tilespmem:s31+$0x30];
	[tilespmem:v14+s18+$0x0] =	vst.idx.msk $0xffff, v17;
	v11 =	vadd.f32 v19, v2;
	v13 =	vmul.f32 $5.656854150e+00, v15  }
0x2ce: {  	_ =	sdelay $0x1  }
0x2cf: {  	v14 =	vmov s7;
	v15 =	vld [tilespmem:s31+$0xFFFFFFC0];
	v16 =	vmov s25;
	v12 =	vadd.f32 v12, v3  }
0x2d0: {  	v17 =	vld [tilespmem:s31+$0xFFFFFFD0];
	s16 =	sadd.s32 $0x1, s7;
	s25 =	sadd.s32 $0x2, s7;
	v14 =	vand.u32 $0x7C, v14;
	v16 =	vand.u32 $0x7F, v16;
	v13 =	vadd.f32 v13, v2  }
0x2d1: {  	v19 =	vld [tilespmem:s31+$0xFFFFFFE0];
	[tilespmem:v7+s18+$0x0] =	vst.idx.msk $0xffff, v10;
	v18 =	vmov s16;
	v20 =	vmov s25;
	v21 =	vadd.s32 v0, v16  }
0x2d2: {  	v10 =	vld [tilespmem:s31+$0xFFFFFFF0];
	[tilespmem:v5+s18+$0x0] =	vst.idx.msk $0xffff, v11;
	v7 =	vadd.s32 v0, v14;
	v16 =	vadd.s32 v1, v16;
	v8 =	vmul.f32 $5.656854150e+00, v8  }
0x2d3: {  	v5 =	vadd.s32 v1, v14;
	v11 =	vand.u32 $0x7D, v18;
	v14 =	vld [tilespmem:s31+$0x0];
	[tilespmem:v4+s18+$0x0] =	vst.idx.msk $0xffff, v12;
	v9 =	vmul.f32 $5.656854150e+00, v9  }
0x2d4: {  	v12 =	vld [tilespmem:s31+$0x10];
	[tilespmem:v6+s18+$0x0] =	vst.idx.msk $0xffff, v13;
	v13 =	vadd.s32 v0, v11;
	v4 =	vmul.f32 $5.656854150e+00, v15;
	v8 =	vadd.f32 v8, v3  }
0x2d5: {  	v11 =	vadd.s32 v1, v11;
	v6 =	vmul.f32 $5.656854150e+00, v17;
	v9 =	vadd.f32 v9, v2  }
0x2d6: {  	v15 =	vand.u32 $0x7E, v20;
	v58 =	vmul.f32 $5.656854150e+00, v19;
	v4 =	vadd.f32 v4, v3;
	[tilespmem:v21+s18+$0x0] =	vst.idx.msk $0xffff, v8  }
0x2d7: {  	v6 =	vadd.f32 v6, v2;
	v8 =	vmul.f32 $5.656854150e+00, v10;
	v10 =	vadd.s32 v0, v15;
	[tilespmem:v16+s18+$0x0] =	vst.idx.msk $0xffff, v9  }
0x2d8: {  	v9 =	vadd.s32 v1, v15;
	[tilespmem:v7+s18+$0x0] =	vst.idx.msk $0xffff, v4;
	v4 =	vadd.f32 v58, v3;
	v7 =	vmul.f32 $5.656854150e+00, v14  }
0x2d9: {  	[tilespmem:v5+s18+$0x0] =	vst.idx.msk $0xffff, v6;
	v5 =	vadd.f32 v8, v2;
	v6 =	vmul.f32 $5.656854150e+00, v12  }
0x2da: {  	[tilespmem:v13+s18+$0x0] =	vst.idx.msk $0xffff, v4;
	v3 =	vadd.f32 v7, v3  }
0x2db: {  	[tilespmem:v11+s18+$0x0] =	vst.idx.msk $0xffff, v5;
	v2 =	vadd.f32 v6, v2  }
0x2dc: {  	s16 =	sor.u32 $0x280, s12;
	[tilespmem:v10+s18+$0x0] =	vst.idx.msk $0xffff, v3  }
0x2dd: {  	s7 =	simm.s32 $0x0;
	s25 =	sadd.s32 s2, s16;
	[tilespmem:v9+s18+$0x0] =	vst.idx.msk $0xffff, v2  }
0x2de: {  	[hbm4b:s25+s7] =	stream.linear.scatter [tilespmem:s18], [sflag:$0xE], $0x80, $0x38;
	[tilespmem:$0x18500] =	vst v63  }
0x2df: {  	s31 =	simm.s32 $0x15288;
	s28 =	sadd.s32 $0x10, s25  }
0x2e0: {  	[hbm4b:s28+s7] =	stream.linear.scatter [tilespmem:s31], [sflag:$0xE], $0x80, $0x38;
	[tilespmem:$0x18500] =	vst v63  }
0x2e1: {  	s28 =	sadd.s32 $0x20, s25;
	s31 =	simm.s32 $0x15310  }
0x2e2: {  	[hbm4b:s28+s7] =	stream.linear.scatter [tilespmem:s31], [sflag:$0xE], $0x80, $0x38;
	[tilespmem:$0x18500] =	vst v63  }
0x2e3: {  	s28 =	sadd.s32 $0x30, s25;
	s31 =	simm.s32 $0x15398  }
0x2e4: {  	[hbm4b:s28+s7] =	stream.linear.scatter [tilespmem:s31], [sflag:$0xE], $0x80, $0x38;
	[tilespmem:$0x18500] =	vst v63  }
0x2e5: {  	s28 =	sadd.s32 $0x40, s25;
	s31 =	simm.s32 $0x15420  }
0x2e6: {  	[hbm4b:s28+s7] =	stream.linear.scatter [tilespmem:s31], [sflag:$0xE], $0x80, $0x38;
	[tilespmem:$0x18500] =	vst v63  }
0x2e7: {  	s28 =	sadd.s32 $0x50, s25;
	s31 =	simm.s32 $0x154A8  }
0x2e8: {  	[hbm4b:s28+s7] =	stream.linear.scatter [tilespmem:s31], [sflag:$0xE], $0x80, $0x38;
	[tilespmem:$0x18500] =	vst v63  }
0x2e9: {  	s28 =	sadd.s32 $0x60, s25;
	s31 =	simm.s32 $0x15530  }
0x2ea: {  	[hbm4b:s28+s7] =	stream.linear.scatter [tilespmem:s31], [sflag:$0xE], $0x80, $0x38;
	[tilespmem:$0x18500] =	vst v63  }
0x2eb: {  	s25 =	sadd.s32 $0x70, s25;
	s28 =	simm.s32 $0x155B8  }
0x2ec: {  	[hbm4b:s25+s7] =	stream.linear.scatter [tilespmem:s28], [sflag:$0xE], $0x80, $0x38;
	[tilespmem:$0x18500] =	vst v63  }
0x2ed: {  	s25 =	sadd.s32 s16, s8;
	s28 =	simm.s32 $0x15640  }
0x2ee: {  	[hbm4b:s25+s7] =	stream.linear.scatter [tilespmem:s28], [sflag:$0xE], $0x80, $0x38;
	[tilespmem:$0x18500] =	vst v63  }
0x2ef: {  	s31 =	simm.s32 $0x156C8;
	s28 =	sadd.s32 $0x10, s25  }
0x2f0: {  	[hbm4b:s28+s7] =	stream.linear.scatter [tilespmem:s31], [sflag:$0xE], $0x80, $0x38;
	[tilespmem:$0x18500] =	vst v63  }
0x2f1: {  	s28 =	sadd.s32 $0x20, s25;
	s31 =	simm.s32 $0x15750  }
0x2f2: {  	[hbm4b:s28+s7] =	stream.linear.scatter [tilespmem:s31], [sflag:$0xE], $0x80, $0x38;
	[tilespmem:$0x18500] =	vst v63  }
0x2f3: {  	s28 =	sadd.s32 $0x30, s25;
	s31 =	simm.s32 $0x157D8  }
0x2f4: {  	[hbm4b:s28+s7] =	stream.linear.scatter [tilespmem:s31], [sflag:$0xE], $0x80, $0x38;
	[tilespmem:$0x18500] =	vst v63  }
0x2f5: {  	s28 =	sadd.s32 $0x40, s25;
	s31 =	simm.s32 $0x15860  }
0x2f6: {  	[hbm4b:s28+s7] =	stream.linear.scatter [tilespmem:s31], [sflag:$0xE], $0x80, $0x38;
	[tilespmem:$0x18500] =	vst v63  }
0x2f7: {  	s28 =	sadd.s32 $0x50, s25;
	s31 =	simm.s32 $0x158E8  }
0x2f8: {  	[hbm4b:s28+s7] =	stream.linear.scatter [tilespmem:s31], [sflag:$0xE], $0x80, $0x38;
	[tilespmem:$0x18500] =	vst v63  }
0x2f9: {  	s28 =	sadd.s32 $0x60, s25;
	s31 =	simm.s32 $0x15970  }
0x2fa: {  	[hbm4b:s28+s7] =	stream.linear.scatter [tilespmem:s31], [sflag:$0xE], $0x80, $0x38;
	[tilespmem:$0x18500] =	vst v63  }
0x2fb: {  	s25 =	sadd.s32 $0x70, s25;
	s28 =	simm.s32 $0x159F8  }
0x2fc: {  	[hbm4b:s25+s7] =	stream.linear.scatter [tilespmem:s28], [sflag:$0xE], $0x80, $0x38;
	[tilespmem:$0x18500] =	vst v63  }
0x2fd: {  	s25 =	sadd.s32 s16, s9;
	s28 =	simm.s32 $0x15A80  }
0x2fe: {  	[hbm4b:s25+s7] =	stream.linear.scatter [tilespmem:s28], [sflag:$0xE], $0x80, $0x38;
	[tilespmem:$0x18500] =	vst v63  }
0x2ff: {  	s31 =	simm.s32 $0x15B08;
	s28 =	sadd.s32 $0x10, s25  }
0x300: {  	[hbm4b:s28+s7] =	stream.linear.scatter [tilespmem:s31], [sflag:$0xE], $0x80, $0x38;
	[tilespmem:$0x18500] =	vst v63  }
0x301: {  	s28 =	sadd.s32 $0x20, s25;
	s31 =	simm.s32 $0x15B90  }
0x302: {  	[hbm4b:s28+s7] =	stream.linear.scatter [tilespmem:s31], [sflag:$0xE], $0x80, $0x38;
	[tilespmem:$0x18500] =	vst v63  }
0x303: {  	s28 =	sadd.s32 $0x30, s25;
	s31 =	simm.s32 $0x15C18  }
0x304: {  	[hbm4b:s28+s7] =	stream.linear.scatter [tilespmem:s31], [sflag:$0xE], $0x80, $0x38;
	[tilespmem:$0x18500] =	vst v63  }
0x305: {  	s28 =	sadd.s32 $0x40, s25;
	s31 =	simm.s32 $0x15CA0  }
0x306: {  	[hbm4b:s28+s7] =	stream.linear.scatter [tilespmem:s31], [sflag:$0xE], $0x80, $0x38;
	[tilespmem:$0x18500] =	vst v63  }
0x307: {  	s28 =	sadd.s32 $0x50, s25;
	s31 =	simm.s32 $0x15D28  }
0x308: {  	[hbm4b:s28+s7] =	stream.linear.scatter [tilespmem:s31], [sflag:$0xE], $0x80, $0x38;
	[tilespmem:$0x18500] =	vst v63  }
0x309: {  	s28 =	sadd.s32 $0x60, s25;
	s31 =	simm.s32 $0x15DB0  }
0x30a: {  	[hbm4b:s28+s7] =	stream.linear.scatter [tilespmem:s31], [sflag:$0xE], $0x80, $0x38;
	[tilespmem:$0x18500] =	vst v63  }
0x30b: {  	s25 =	sadd.s32 $0x70, s25;
	s28 =	simm.s32 $0x15E38  }
0x30c: {  	[hbm4b:s25+s7] =	stream.linear.scatter [tilespmem:s28], [sflag:$0xE], $0x80, $0x38;
	[tilespmem:$0x18500] =	vst v63  }
0x30d: {  	s16 =	sadd.s32 s16, s10;
	s28 =	simm.s32 $0x15EC0  }
0x30e: {  	[hbm4b:s16+s7] =	stream.linear.scatter [tilespmem:s28], [sflag:$0xE], $0x80, $0x38;
	[tilespmem:$0x18500] =	vst v63  }
0x30f: {  	s25 =	sadd.s32 $0x10, s16;
	s28 =	simm.s32 $0x15F48  }
0x310: {  	[hbm4b:s25+s7] =	stream.linear.scatter [tilespmem:s28], [sflag:$0xE], $0x80, $0x38;
	[tilespmem:$0x18500] =	vst v63  }
0x311: {  	s25 =	sadd.s32 $0x20, s16;
	s28 =	simm.s32 $0x15FD0  }
0x312: {  	[hbm4b:s25+s7] =	stream.linear.scatter [tilespmem:s28], [sflag:$0xE], $0x80, $0x38;
	[tilespmem:$0x18500] =	vst v63  }
0x313: {  	s25 =	sadd.s32 $0x30, s16;
	s28 =	simm.s32 $0x16058  }
0x314: {  	[hbm4b:s25+s7] =	stream.linear.scatter [tilespmem:s28], [sflag:$0xE], $0x80, $0x38;
	[tilespmem:$0x18500] =	vst v63  }
0x315: {  	s25 =	sadd.s32 $0x40, s16;
	s28 =	simm.s32 $0x160E0  }
0x316: {  	[hbm4b:s25+s7] =	stream.linear.scatter [tilespmem:s28], [sflag:$0xE], $0x80, $0x38;
	[tilespmem:$0x18500] =	vst v63  }
0x317: {  	s25 =	sadd.s32 $0x50, s16;
	s28 =	simm.s32 $0x16168  }
0x318: {  	[hbm4b:s25+s7] =	stream.linear.scatter [tilespmem:s28], [sflag:$0xE], $0x80, $0x38;
	[tilespmem:$0x18500] =	vst v63  }
0x319: {  	s25 =	sadd.s32 $0x60, s16;
	s28 =	simm.s32 $0x161F0  }
0x31a: {  	[hbm4b:s25+s7] =	stream.linear.scatter [tilespmem:s28], [sflag:$0xE], $0x80, $0x38;
	[tilespmem:$0x18500] =	vst v63  }
0x31b: {  	s16 =	sadd.s32 $0x70, s16;
	s28 =	simm.s32 $0x16278;
	s25 =	simm.s32 $0x7  }
0x31c: {  	[hbm4b:s16+s7] =	stream.linear.scatter [tilespmem:s28], [sflag:$0xE], $0x80, $0x38;
	[tilespmem:$0x18500] =	vst v63  }
0x31d: {  	_ =	swait.ge [sflag:s25], $0x1000  }
0x31e: {  	[sflag:s25] =	ssyncset.done $0x0  }
0x31f: {  	[sflag:s25] =	ssyncadd.s32 $0xFFFFF000  }
0x320: {  	v3 =	vld [tilespmem:s21+$0x6400]  }
0x321: {  	s16 =	simm.s32 $0xDD40;
	v2 =	vld [tilespmem:s21+$0x6410]  }
0x322: {  	v4 =	vld [tilespmem:s16+$0x20]  }
0x323: {  	s28 =	simm.s32 $0x3;
	v6 =	vld [tilespmem:s16+$0xFFFFFFC0]  }
0x324: {  	v8 =	vmov s7;
	v7 =	vmov s28;
	v5 =	vld [tilespmem:s16+$0x30]  }
0x325: {  	v8 =	vand.u32 $0x7C, v8;
	v7 =	vand.u32 $0x7F, v7;
	v9 =	vld [tilespmem:s16+$0xFFFFFFD0]  }
0x326: {  	v59 =	vadd.s32 v0, v8;
	v60 =	vadd.s32 v1, v8;
	s28 =	simm.s32 $0x2;
	v12 =	vadd.s32 v0, v7;
	v11 =	vld [tilespmem:s16+$0xFFFFFFE0]  }
0x327: {  	v13 =	vmov s28;
	s25 =	simm.s32 $0x1;
	v15 =	vadd.s32 v1, v7;
	v14 =	vld [tilespmem:s16+$0xFFFFFFF0];
	v4 =	vmul.f32 $5.656854150e+00, v4  }
0x328: {  	v13 =	vand.u32 $0x7E, v13;
	v10 =	vmov s25;
	v61 =	vld [tilespmem:s16+$0x0];
	v6 =	vmul.f32 $5.656854150e+00, v6  }
0x329: {  	v62 =	vld [tilespmem:s16+$0x10];
	v8 =	vand.u32 $0x7D, v10;
	v5 =	vmul.f32 $5.656854150e+00, v5;
	v4 =	vadd.f32 v4, v3  }
0x32a: {  	v7 =	vadd.s32 v0, v8;
	v9 =	vmul.f32 $5.656854150e+00, v9;
	v6 =	vadd.f32 v6, v3  }
0x32b: {  	v11 =	vmul.f32 $5.656854150e+00, v11;
	v10 =	vadd.f32 v5, v2;
	v5 =	vadd.s32 v1, v8;
	[tilespmem:v12+s15+$0x0] =	vst.idx.msk $0xffff, v4  }
0x32c: {  	s31 =	simm.s32 $0xDDC0;
	v14 =	vmul.f32 $5.656854150e+00, v14;
	v63 =	vadd.f32 v9, v2;
	v4 =	vadd.s32 v0, v13;
	[tilespmem:v59+s15+$0x0] =	vst.idx.msk $0xffff, v6  }
0x32d: {  	v8 =	vld [tilespmem:s31+$0x20];
	v12 =	vmul.f32 $5.656854150e+00, v61;
	v6 =	vadd.s32 v1, v13;
	[tilespmem:v15+s15+$0x0] =	vst.idx.msk $0xffff, v10;
	v10 =	vadd.f32 v11, v3  }
0x32e: {  	s7 =	simm.s32 $0x4;
	s25 =	simm.s32 $0x7;
	s16 =	simm.s32 $0x8;
	v9 =	vld [tilespmem:s31+$0x30];
	v13 =	vmul.f32 $5.656854150e+00, v62;
	[tilespmem:v60+s15+$0x0] =	vst.idx.msk $0xffff, v63;
	v11 =	vadd.f32 v14, v2  }
.LBB2_18:
0x32f: {  	p0 =	slt.u32 s16, $0x7C;
	v14 =	vmov s7;
	v15 =	vld [tilespmem:s31+$0xFFFFFFC0];
	v16 =	vmov s25;
	[tilespmem:v7+s15+$0x0] =	vst.idx.msk $0xffff, v10;
	v7 =	vadd.f32 v12, v3  }
0x330: {  	s25 =	sadd.s32 $0x1, s7;
	s28 =	sadd.s32 $0x2, s7;
	s7 =	smov.u32 s16;
	v10 =	vld [tilespmem:s31+$0xFFFFFFD0];
	v12 =	vand.u32 $0x7C, v14;
	v14 =	vand.u32 $0x7F, v16;
	[tilespmem:v5+s15+$0x0] =	vst.idx.msk $0xffff, v11;
	v5 =	vadd.f32 v13, v2  }
0x331: {  	v11 =	vmov s25;
	v16 =	vmov s28;
	v13 =	vld [tilespmem:s31+$0xFFFFFFE0];
	v17 =	vadd.s32 v0, v14;
	[tilespmem:v4+s15+$0x0] =	vst.idx.msk $0xffff, v7  }
0x332: {  	v18 =	vadd.s32 v0, v12;
	v4 =	vld [tilespmem:s31+$0xFFFFFFF0];
	v7 =	vmul.f32 $5.656854150e+00, v8;
	v8 =	vadd.s32 v1, v14;
	[tilespmem:v6+s15+$0x0] =	vst.idx.msk $0xffff, v5  }
0x333: {  	v14 =	vadd.s32 v1, v12;
	v5 =	vand.u32 $0x7D, v11;
	v6 =	vld [tilespmem:s31+$0x0];
	v9 =	vmul.f32 $5.656854150e+00, v9  }
0x334: {  	v16 =	vand.u32 $0x7E, v16;
	v11 =	vmul.f32 $5.656854150e+00, v15;
	v15 =	vld [tilespmem:s31+$0x10];
	v12 =	vadd.f32 v7, v3  }
.Ltmp8:
0x335: {  	v7 =	vadd.s32 v0, v5;
	v10 =	vmul.f32 $5.656854150e+00, v10;
	v9 =	vadd.f32 v9, v2;
	(pc) =	sbr.rel @p0 .LBB2_18-.Ltmp8, $4  }
0x336: {  	v5 =	vadd.s32 v1, v5;
	v11 =	vadd.f32 v11, v3;
	v13 =	vmul.f32 $5.656854150e+00, v13;
	[tilespmem:v17+s15+$0x0] =	vst.idx.msk $0xffff, v12  }
0x337: {  	s31 =	sadd.s32 $0x80, s31;
	v17 =	vadd.f32 v10, v2;
	v19 =	vmul.f32 $5.656854150e+00, v4;
	v4 =	vadd.s32 v0, v16;
	[tilespmem:v8+s15+$0x0] =	vst.idx.msk $0xffff, v9  }
0x338: {  	v8 =	vld [tilespmem:s31+$0x20];
	[tilespmem:v18+s15+$0x0] =	vst.idx.msk $0xffff, v11;
	v10 =	vadd.f32 v13, v3;
	v12 =	vmul.f32 $5.656854150e+00, v6;
	v6 =	vadd.s32 v1, v16  }
0x339: {  	s16 =	sadd.s32 $0x4, s16;
	s25 =	sadd.s32 $0x3, s7;
	v9 =	vld [tilespmem:s31+$0x30];
	[tilespmem:v14+s15+$0x0] =	vst.idx.msk $0xffff, v17;
	v11 =	vadd.f32 v19, v2;
	v13 =	vmul.f32 $5.656854150e+00, v15  }
0x33a: {  	_ =	sdelay $0x1  }
0x33b: {  	v14 =	vmov s7;
	v15 =	vld [tilespmem:s31+$0xFFFFFFC0];
	v16 =	vmov s25;
	v12 =	vadd.f32 v12, v3  }
0x33c: {  	v17 =	vld [tilespmem:s31+$0xFFFFFFD0];
	s16 =	sadd.s32 $0x1, s7;
	s25 =	sadd.s32 $0x2, s7;
	v14 =	vand.u32 $0x7C, v14;
	v16 =	vand.u32 $0x7F, v16;
	v13 =	vadd.f32 v13, v2  }
0x33d: {  	v19 =	vld [tilespmem:s31+$0xFFFFFFE0];
	[tilespmem:v7+s15+$0x0] =	vst.idx.msk $0xffff, v10;
	v18 =	vmov s16;
	v20 =	vmov s25;
	v21 =	vadd.s32 v0, v16  }
0x33e: {  	v10 =	vld [tilespmem:s31+$0xFFFFFFF0];
	[tilespmem:v5+s15+$0x0] =	vst.idx.msk $0xffff, v11;
	v7 =	vadd.s32 v0, v14;
	v16 =	vadd.s32 v1, v16;
	v8 =	vmul.f32 $5.656854150e+00, v8  }
0x33f: {  	v5 =	vadd.s32 v1, v14;
	v11 =	vand.u32 $0x7D, v18;
	v14 =	vld [tilespmem:s31+$0x0];
	[tilespmem:v4+s15+$0x0] =	vst.idx.msk $0xffff, v12;
	v9 =	vmul.f32 $5.656854150e+00, v9  }
0x340: {  	v12 =	vld [tilespmem:s31+$0x10];
	[tilespmem:v6+s15+$0x0] =	vst.idx.msk $0xffff, v13;
	v13 =	vadd.s32 v0, v11;
	v4 =	vmul.f32 $5.656854150e+00, v15;
	v8 =	vadd.f32 v8, v3  }
0x341: {  	v11 =	vadd.s32 v1, v11;
	v6 =	vmul.f32 $5.656854150e+00, v17;
	v9 =	vadd.f32 v9, v2  }
0x342: {  	v15 =	vand.u32 $0x7E, v20;
	v58 =	vmul.f32 $5.656854150e+00, v19;
	v4 =	vadd.f32 v4, v3;
	[tilespmem:v21+s15+$0x0] =	vst.idx.msk $0xffff, v8  }
0x343: {  	v6 =	vadd.f32 v6, v2;
	v8 =	vmul.f32 $5.656854150e+00, v10;
	v10 =	vadd.s32 v0, v15;
	[tilespmem:v16+s15+$0x0] =	vst.idx.msk $0xffff, v9  }
0x344: {  	v9 =	vadd.s32 v1, v15;
	[tilespmem:v7+s15+$0x0] =	vst.idx.msk $0xffff, v4;
	v4 =	vadd.f32 v58, v3;
	v7 =	vmul.f32 $5.656854150e+00, v14  }
0x345: {  	[tilespmem:v5+s15+$0x0] =	vst.idx.msk $0xffff, v6;
	v5 =	vadd.f32 v8, v2;
	v6 =	vmul.f32 $5.656854150e+00, v12  }
0x346: {  	[tilespmem:v13+s15+$0x0] =	vst.idx.msk $0xffff, v4;
	v3 =	vadd.f32 v7, v3  }
0x347: {  	[tilespmem:v11+s15+$0x0] =	vst.idx.msk $0xffff, v5;
	v2 =	vadd.f32 v6, v2  }
0x348: {  	s16 =	sor.u32 $0x300, s12;
	[tilespmem:v10+s15+$0x0] =	vst.idx.msk $0xffff, v3  }
0x349: {  	s7 =	simm.s32 $0x0;
	s25 =	sadd.s32 s2, s16;
	[tilespmem:v9+s15+$0x0] =	vst.idx.msk $0xffff, v2  }
0x34a: {  	[hbm4b:s25+s7] =	stream.linear.scatter [tilespmem:s15], [sflag:$0xF], $0x80, $0x38;
	[tilespmem:$0x18500] =	vst v63  }
0x34b: {  	s31 =	simm.s32 $0x16388;
	s28 =	sadd.s32 $0x10, s25  }
0x34c: {  	[hbm4b:s28+s7] =	stream.linear.scatter [tilespmem:s31], [sflag:$0xF], $0x80, $0x38;
	[tilespmem:$0x18500] =	vst v63  }
0x34d: {  	s28 =	sadd.s32 $0x20, s25;
	s31 =	simm.s32 $0x16410  }
0x34e: {  	[hbm4b:s28+s7] =	stream.linear.scatter [tilespmem:s31], [sflag:$0xF], $0x80, $0x38;
	[tilespmem:$0x18500] =	vst v63  }
0x34f: {  	s28 =	sadd.s32 $0x30, s25;
	s31 =	simm.s32 $0x16498  }
0x350: {  	[hbm4b:s28+s7] =	stream.linear.scatter [tilespmem:s31], [sflag:$0xF], $0x80, $0x38;
	[tilespmem:$0x18500] =	vst v63  }
0x351: {  	s28 =	sadd.s32 $0x40, s25;
	s31 =	simm.s32 $0x16520  }
0x352: {  	[hbm4b:s28+s7] =	stream.linear.scatter [tilespmem:s31], [sflag:$0xF], $0x80, $0x38;
	[tilespmem:$0x18500] =	vst v63  }
0x353: {  	s28 =	sadd.s32 $0x50, s25;
	s31 =	simm.s32 $0x165A8  }
0x354: {  	[hbm4b:s28+s7] =	stream.linear.scatter [tilespmem:s31], [sflag:$0xF], $0x80, $0x38;
	[tilespmem:$0x18500] =	vst v63  }
0x355: {  	s28 =	sadd.s32 $0x60, s25;
	s31 =	simm.s32 $0x16630  }
0x356: {  	[hbm4b:s28+s7] =	stream.linear.scatter [tilespmem:s31], [sflag:$0xF], $0x80, $0x38;
	[tilespmem:$0x18500] =	vst v63  }
0x357: {  	s25 =	sadd.s32 $0x70, s25;
	s28 =	simm.s32 $0x166B8  }
0x358: {  	[hbm4b:s25+s7] =	stream.linear.scatter [tilespmem:s28], [sflag:$0xF], $0x80, $0x38;
	[tilespmem:$0x18500] =	vst v63  }
0x359: {  	s25 =	sadd.s32 s16, s8;
	s28 =	simm.s32 $0x16740  }
0x35a: {  	[hbm4b:s25+s7] =	stream.linear.scatter [tilespmem:s28], [sflag:$0xF], $0x80, $0x38;
	[tilespmem:$0x18500] =	vst v63  }
0x35b: {  	s31 =	simm.s32 $0x167C8;
	s28 =	sadd.s32 $0x10, s25  }
0x35c: {  	[hbm4b:s28+s7] =	stream.linear.scatter [tilespmem:s31], [sflag:$0xF], $0x80, $0x38;
	[tilespmem:$0x18500] =	vst v63  }
0x35d: {  	s28 =	sadd.s32 $0x20, s25;
	s31 =	simm.s32 $0x16850  }
0x35e: {  	[hbm4b:s28+s7] =	stream.linear.scatter [tilespmem:s31], [sflag:$0xF], $0x80, $0x38;
	[tilespmem:$0x18500] =	vst v63  }
0x35f: {  	s28 =	sadd.s32 $0x30, s25;
	s31 =	simm.s32 $0x168D8  }
0x360: {  	[hbm4b:s28+s7] =	stream.linear.scatter [tilespmem:s31], [sflag:$0xF], $0x80, $0x38;
	[tilespmem:$0x18500] =	vst v63  }
0x361: {  	s28 =	sadd.s32 $0x40, s25;
	s31 =	simm.s32 $0x16960  }
0x362: {  	[hbm4b:s28+s7] =	stream.linear.scatter [tilespmem:s31], [sflag:$0xF], $0x80, $0x38;
	[tilespmem:$0x18500] =	vst v63  }
0x363: {  	s28 =	sadd.s32 $0x50, s25;
	s31 =	simm.s32 $0x169E8  }
0x364: {  	[hbm4b:s28+s7] =	stream.linear.scatter [tilespmem:s31], [sflag:$0xF], $0x80, $0x38;
	[tilespmem:$0x18500] =	vst v63  }
0x365: {  	s28 =	sadd.s32 $0x60, s25;
	s31 =	simm.s32 $0x16A70  }
0x366: {  	[hbm4b:s28+s7] =	stream.linear.scatter [tilespmem:s31], [sflag:$0xF], $0x80, $0x38;
	[tilespmem:$0x18500] =	vst v63  }
0x367: {  	s25 =	sadd.s32 $0x70, s25;
	s28 =	simm.s32 $0x16AF8  }
0x368: {  	[hbm4b:s25+s7] =	stream.linear.scatter [tilespmem:s28], [sflag:$0xF], $0x80, $0x38;
	[tilespmem:$0x18500] =	vst v63  }
0x369: {  	s25 =	sadd.s32 s16, s9;
	s28 =	simm.s32 $0x16B80  }
0x36a: {  	[hbm4b:s25+s7] =	stream.linear.scatter [tilespmem:s28], [sflag:$0xF], $0x80, $0x38;
	[tilespmem:$0x18500] =	vst v63  }
0x36b: {  	s31 =	simm.s32 $0x16C08;
	s28 =	sadd.s32 $0x10, s25  }
0x36c: {  	[hbm4b:s28+s7] =	stream.linear.scatter [tilespmem:s31], [sflag:$0xF], $0x80, $0x38;
	[tilespmem:$0x18500] =	vst v63  }
0x36d: {  	s28 =	sadd.s32 $0x20, s25;
	s31 =	simm.s32 $0x16C90  }
0x36e: {  	[hbm4b:s28+s7] =	stream.linear.scatter [tilespmem:s31], [sflag:$0xF], $0x80, $0x38;
	[tilespmem:$0x18500] =	vst v63  }
0x36f: {  	s28 =	sadd.s32 $0x30, s25;
	s31 =	simm.s32 $0x16D18  }
0x370: {  	[hbm4b:s28+s7] =	stream.linear.scatter [tilespmem:s31], [sflag:$0xF], $0x80, $0x38;
	[tilespmem:$0x18500] =	vst v63  }
0x371: {  	s28 =	sadd.s32 $0x40, s25;
	s31 =	simm.s32 $0x16DA0  }
0x372: {  	[hbm4b:s28+s7] =	stream.linear.scatter [tilespmem:s31], [sflag:$0xF], $0x80, $0x38;
	[tilespmem:$0x18500] =	vst v63  }
0x373: {  	s28 =	sadd.s32 $0x50, s25;
	s31 =	simm.s32 $0x16E28  }
0x374: {  	[hbm4b:s28+s7] =	stream.linear.scatter [tilespmem:s31], [sflag:$0xF], $0x80, $0x38;
	[tilespmem:$0x18500] =	vst v63  }
0x375: {  	s28 =	sadd.s32 $0x60, s25;
	s31 =	simm.s32 $0x16EB0  }
0x376: {  	[hbm4b:s28+s7] =	stream.linear.scatter [tilespmem:s31], [sflag:$0xF], $0x80, $0x38;
	[tilespmem:$0x18500] =	vst v63  }
0x377: {  	s25 =	sadd.s32 $0x70, s25;
	s28 =	simm.s32 $0x16F38  }
0x378: {  	[hbm4b:s25+s7] =	stream.linear.scatter [tilespmem:s28], [sflag:$0xF], $0x80, $0x38;
	[tilespmem:$0x18500] =	vst v63  }
0x379: {  	s16 =	sadd.s32 s16, s10;
	s28 =	simm.s32 $0x16FC0  }
0x37a: {  	[hbm4b:s16+s7] =	stream.linear.scatter [tilespmem:s28], [sflag:$0xF], $0x80, $0x38;
	[tilespmem:$0x18500] =	vst v63  }
0x37b: {  	s25 =	sadd.s32 $0x10, s16;
	s28 =	simm.s32 $0x17048  }
0x37c: {  	[hbm4b:s25+s7] =	stream.linear.scatter [tilespmem:s28], [sflag:$0xF], $0x80, $0x38;
	[tilespmem:$0x18500] =	vst v63  }
0x37d: {  	s25 =	sadd.s32 $0x20, s16;
	s28 =	simm.s32 $0x170D0  }
0x37e: {  	[hbm4b:s25+s7] =	stream.linear.scatter [tilespmem:s28], [sflag:$0xF], $0x80, $0x38;
	[tilespmem:$0x18500] =	vst v63  }
0x37f: {  	s25 =	sadd.s32 $0x30, s16;
	s28 =	simm.s32 $0x17158  }
0x380: {  	[hbm4b:s25+s7] =	stream.linear.scatter [tilespmem:s28], [sflag:$0xF], $0x80, $0x38;
	[tilespmem:$0x18500] =	vst v63  }
0x381: {  	s25 =	sadd.s32 $0x40, s16;
	s28 =	simm.s32 $0x171E0  }
0x382: {  	[hbm4b:s25+s7] =	stream.linear.scatter [tilespmem:s28], [sflag:$0xF], $0x80, $0x38;
	[tilespmem:$0x18500] =	vst v63  }
0x383: {  	s25 =	sadd.s32 $0x50, s16;
	s28 =	simm.s32 $0x17268  }
0x384: {  	[hbm4b:s25+s7] =	stream.linear.scatter [tilespmem:s28], [sflag:$0xF], $0x80, $0x38;
	[tilespmem:$0x18500] =	vst v63  }
0x385: {  	s25 =	sadd.s32 $0x60, s16;
	s28 =	simm.s32 $0x172F0  }
0x386: {  	[hbm4b:s25+s7] =	stream.linear.scatter [tilespmem:s28], [sflag:$0xF], $0x80, $0x38;
	[tilespmem:$0x18500] =	vst v63  }
0x387: {  	s16 =	sadd.s32 $0x70, s16;
	s28 =	simm.s32 $0x17378;
	s25 =	simm.s32 $0x8  }
0x388: {  	[hbm4b:s16+s7] =	stream.linear.scatter [tilespmem:s28], [sflag:$0xF], $0x80, $0x38;
	[tilespmem:$0x18500] =	vst v63  }
0x389: {  	_ =	swait.ge [sflag:s25], $0x1000  }
0x38a: {  	[sflag:s25] =	ssyncset.done $0x0  }
0x38b: {  	[sflag:s25] =	ssyncadd.s32 $0xFFFFF000  }
0x38c: {  	v3 =	vld [tilespmem:s21+$0x6400]  }
0x38d: {  	s16 =	simm.s32 $0xED40;
	v2 =	vld [tilespmem:s21+$0x6410]  }
0x38e: {  	v4 =	vld [tilespmem:s16+$0x20]  }
0x38f: {  	s28 =	simm.s32 $0x3;
	v6 =	vld [tilespmem:s16+$0xFFFFFFC0]  }
0x390: {  	v8 =	vmov s7;
	v7 =	vmov s28;
	v5 =	vld [tilespmem:s16+$0x30]  }
0x391: {  	v8 =	vand.u32 $0x7C, v8;
	v7 =	vand.u32 $0x7F, v7;
	v9 =	vld [tilespmem:s16+$0xFFFFFFD0]  }
0x392: {  	v59 =	vadd.s32 v0, v8;
	v60 =	vadd.s32 v1, v8;
	s28 =	simm.s32 $0x2;
	v12 =	vadd.s32 v0, v7;
	v11 =	vld [tilespmem:s16+$0xFFFFFFE0]  }
0x393: {  	v13 =	vmov s28;
	s25 =	simm.s32 $0x1;
	v15 =	vadd.s32 v1, v7;
	v14 =	vld [tilespmem:s16+$0xFFFFFFF0];
	v4 =	vmul.f32 $5.656854150e+00, v4  }
0x394: {  	v13 =	vand.u32 $0x7E, v13;
	v10 =	vmov s25;
	v61 =	vld [tilespmem:s16+$0x0];
	v6 =	vmul.f32 $5.656854150e+00, v6  }
0x395: {  	v62 =	vld [tilespmem:s16+$0x10];
	v8 =	vand.u32 $0x7D, v10;
	v5 =	vmul.f32 $5.656854150e+00, v5;
	v4 =	vadd.f32 v4, v3  }
0x396: {  	v7 =	vadd.s32 v0, v8;
	v9 =	vmul.f32 $5.656854150e+00, v9;
	v6 =	vadd.f32 v6, v3  }
0x397: {  	v11 =	vmul.f32 $5.656854150e+00, v11;
	v10 =	vadd.f32 v5, v2;
	v5 =	vadd.s32 v1, v8;
	[tilespmem:v12+s0+$0x0] =	vst.idx.msk $0xffff, v4  }
0x398: {  	s21 =	simm.s32 $0xEDC0;
	v14 =	vmul.f32 $5.656854150e+00, v14;
	v63 =	vadd.f32 v9, v2;
	v4 =	vadd.s32 v0, v13;
	[tilespmem:v59+s0+$0x0] =	vst.idx.msk $0xffff, v6  }
0x399: {  	v8 =	vld [tilespmem:s21+$0x20];
	v12 =	vmul.f32 $5.656854150e+00, v61;
	v6 =	vadd.s32 v1, v13;
	[tilespmem:v15+s0+$0x0] =	vst.idx.msk $0xffff, v10;
	v10 =	vadd.f32 v11, v3  }
0x39a: {  	s31 =	simm.s32 $0x4;
	s7 =	simm.s32 $0x8;
	s16 =	simm.s32 $0x7;
	v9 =	vld [tilespmem:s21+$0x30];
	v13 =	vmul.f32 $5.656854150e+00, v62;
	[tilespmem:v60+s0+$0x0] =	vst.idx.msk $0xffff, v63;
	v11 =	vadd.f32 v14, v2  }
.LBB2_20:
0x39b: {  	p0 =	slt.u32 s7, $0x7C;
	v14 =	vmov s31;
	v15 =	vld [tilespmem:s21+$0xFFFFFFC0];
	v16 =	vmov s16;
	[tilespmem:v7+s0+$0x0] =	vst.idx.msk $0xffff, v10;
	v7 =	vadd.f32 v12, v3  }
0x39c: {  	s16 =	sadd.s32 $0x1, s31;
	s25 =	sadd.s32 $0x2, s31;
	s31 =	smov.u32 s7;
	v10 =	vld [tilespmem:s21+$0xFFFFFFD0];
	v12 =	vand.u32 $0x7C, v14;
	v14 =	vand.u32 $0x7F, v16;
	[tilespmem:v5+s0+$0x0] =	vst.idx.msk $0xffff, v11;
	v5 =	vadd.f32 v13, v2  }
0x39d: {  	v11 =	vmov s16;
	v16 =	vmov s25;
	v13 =	vld [tilespmem:s21+$0xFFFFFFE0];
	v17 =	vadd.s32 v0, v14;
	[tilespmem:v4+s0+$0x0] =	vst.idx.msk $0xffff, v7  }
0x39e: {  	v18 =	vadd.s32 v0, v12;
	v4 =	vld [tilespmem:s21+$0xFFFFFFF0];
	v7 =	vmul.f32 $5.656854150e+00, v8;
	v8 =	vadd.s32 v1, v14;
	[tilespmem:v6+s0+$0x0] =	vst.idx.msk $0xffff, v5  }
0x39f: {  	v14 =	vadd.s32 v1, v12;
	v5 =	vand.u32 $0x7D, v11;
	v6 =	vld [tilespmem:s21+$0x0];
	v9 =	vmul.f32 $5.656854150e+00, v9  }
0x3a0: {  	v16 =	vand.u32 $0x7E, v16;
	v11 =	vmul.f32 $5.656854150e+00, v15;
	v15 =	vld [tilespmem:s21+$0x10];
	v12 =	vadd.f32 v7, v3  }
.Ltmp9:
0x3a1: {  	v7 =	vadd.s32 v0, v5;
	v10 =	vmul.f32 $5.656854150e+00, v10;
	v9 =	vadd.f32 v9, v2;
	(pc) =	sbr.rel @p0 .LBB2_20-.Ltmp9, $4  }
0x3a2: {  	v5 =	vadd.s32 v1, v5;
	v11 =	vadd.f32 v11, v3;
	v13 =	vmul.f32 $5.656854150e+00, v13;
	[tilespmem:v17+s0+$0x0] =	vst.idx.msk $0xffff, v12  }
0x3a3: {  	s21 =	sadd.s32 $0x80, s21;
	v17 =	vadd.f32 v10, v2;
	v19 =	vmul.f32 $5.656854150e+00, v4;
	v4 =	vadd.s32 v0, v16;
	[tilespmem:v8+s0+$0x0] =	vst.idx.msk $0xffff, v9  }
0x3a4: {  	v8 =	vld [tilespmem:s21+$0x20];
	[tilespmem:v18+s0+$0x0] =	vst.idx.msk $0xffff, v11;
	v10 =	vadd.f32 v13, v3;
	v12 =	vmul.f32 $5.656854150e+00, v6;
	v6 =	vadd.s32 v1, v16  }
0x3a5: {  	s7 =	sadd.s32 $0x4, s7;
	s16 =	sadd.s32 $0x3, s31;
	v9 =	vld [tilespmem:s21+$0x30];
	[tilespmem:v14+s0+$0x0] =	vst.idx.msk $0xffff, v17;
	v11 =	vadd.f32 v19, v2;
	v13 =	vmul.f32 $5.656854150e+00, v15  }
0x3a6: {  	_ = 	snop  }
0x3a7: {  	s7 =	sadd.s32 $0x1, s31;
	v14 =	vmov s16;
	v16 =	vmov s31;
	v17 =	vld [tilespmem:s21+$0xFFFFFFC0];
	v12 =	vadd.f32 v12, v3  }
0x3a8: {  	s25 =	sadd.s32 $0x2, s31;
	v19 =	vld [tilespmem:s21+$0xFFFFFFE0];
	v15 =	vmov s7;
	v16 =	vand.u32 $0x7C, v16;
	v14 =	vand.u32 $0x7F, v14  }
0x3a9: {  	v50 =	vld [tilespmem:s21+$0x0];
	v13 =	vadd.f32 v13, v2;
	v20 =	vmov s25;
	v21 =	vadd.s32 v0, v14  }
0x3aa: {  	v18 =	vld [tilespmem:s21+$0xFFFFFFD0];
	[tilespmem:v7+s0+$0x0] =	vst.idx.msk $0xffff, v10;
	v46 =	vadd.s32 v0, v16;
	v14 =	vadd.s32 v1, v14;
	v8 =	vmul.f32 $5.656854150e+00, v8  }
0x3ab: {  	v47 =	vld [tilespmem:s21+$0xFFFFFFF0];
	[tilespmem:v5+s0+$0x0] =	vst.idx.msk $0xffff, v11;
	v49 =	vand.u32 $0x7D, v15;
	v53 =	vand.u32 $0x7E, v20;
	v9 =	vmul.f32 $5.656854150e+00, v9  }
0x3ac: {  	v52 =	vld [tilespmem:s21+$0x10];
	[tilespmem:v4+s0+$0x0] =	vst.idx.msk $0xffff, v12;
	v55 =	vadd.s32 v0, v49;
	v51 =	vmul.f32 $5.656854150e+00, v17;
	v8 =	vadd.f32 v8, v3  }
0x3ad: {  	[tilespmem:v6+s0+$0x0] =	vst.idx.msk $0xffff, v13;
	v58 =	vadd.s32 v0, v53;
	v56 =	vmul.f32 $5.656854150e+00, v19;
	v9 =	vadd.f32 v9, v2  }
0x3ae: {  	v48 =	vadd.s32 v1, v16;
	v60 =	vmul.f32 $5.656854150e+00, v50;
	v4 =	vadd.f32 v51, v3;
	[tilespmem:v21+s0+$0x0] =	vst.idx.msk $0xffff, v8  }
0x3af: {  	v11 =	vadd.s32 v1, v49;
	v54 =	vmul.f32 $5.656854150e+00, v18;
	v59 =	vadd.f32 v56, v3;
	[tilespmem:v14+s0+$0x0] =	vst.idx.msk $0xffff, v9  }
0x3b0: {  	v61 =	vadd.s32 v1, v53;
	v57 =	vmul.f32 $5.656854150e+00, v47;
	v3 =	vadd.f32 v60, v3;
	[tilespmem:v46+s0+$0x0] =	vst.idx.msk $0xffff, v4  }
0x3b1: {  	v63 =	vmul.f32 $5.656854150e+00, v52;
	v6 =	vadd.f32 v54, v2;
	[tilespmem:v55+s0+$0x0] =	vst.idx.msk $0xffff, v59  }
0x3b2: {  	v62 =	vadd.f32 v57, v2;
	[tilespmem:v58+s0+$0x0] =	vst.idx.msk $0xffff, v3  }
0x3b3: {  	v2 =	vadd.f32 v63, v2;
	[tilespmem:v48+s0+$0x0] =	vst.idx.msk $0xffff, v6  }
0x3b4: {  	s7 =	sor.u32 $0x380, s12;
	[tilespmem:v11+s0+$0x0] =	vst.idx.msk $0xffff, v62  }
0x3b5: {  	s12 =	sadd.s32 s2, s7;
	[tilespmem:v61+s0+$0x0] =	vst.idx.msk $0xffff, v2  }
0x3b6: {  	[hbm4b:s12+s3] =	stream.linear.scatter [tilespmem:s0], [sflag:$0x10], $0x80, $0x38;
	[tilespmem:$0x18500] =	vst v63  }
0x3b7: {  	s31 =	simm.s32 $0x17488;
	s28 =	sadd.s32 $0x10, s12  }
0x3b8: {  	[hbm4b:s28+s3] =	stream.linear.scatter [tilespmem:s31], [sflag:$0x10], $0x80, $0x38;
	[tilespmem:$0x18500] =	vst v63  }
0x3b9: {  	s25 =	simm.s32 $0x17510;
	s21 =	sadd.s32 $0x20, s12  }
0x3ba: {  	[hbm4b:s21+s3] =	stream.linear.scatter [tilespmem:s25], [sflag:$0x10], $0x80, $0x38;
	[tilespmem:$0x18500] =	vst v63  }
0x3bb: {  	s28 =	sadd.s32 $0x30, s12;
	s31 =	simm.s32 $0x17598  }
0x3bc: {  	[hbm4b:s28+s3] =	stream.linear.scatter [tilespmem:s31], [sflag:$0x10], $0x80, $0x38;
	[tilespmem:$0x18500] =	vst v63  }
0x3bd: {  	s21 =	sadd.s32 $0x40, s12;
	s25 =	simm.s32 $0x17620  }
0x3be: {  	[hbm4b:s21+s3] =	stream.linear.scatter [tilespmem:s25], [sflag:$0x10], $0x80, $0x38;
	[tilespmem:$0x18500] =	vst v63  }
0x3bf: {  	s28 =	sadd.s32 $0x50, s12;
	s31 =	simm.s32 $0x176A8  }
0x3c0: {  	[hbm4b:s28+s3] =	stream.linear.scatter [tilespmem:s31], [sflag:$0x10], $0x80, $0x38;
	[tilespmem:$0x18500] =	vst v63  }
0x3c1: {  	s21 =	sadd.s32 $0x60, s12;
	s25 =	simm.s32 $0x17730  }
0x3c2: {  	[hbm4b:s21+s3] =	stream.linear.scatter [tilespmem:s25], [sflag:$0x10], $0x80, $0x38;
	[tilespmem:$0x18500] =	vst v63  }
0x3c3: {  	s12 =	sadd.s32 $0x70, s12;
	s28 =	simm.s32 $0x177B8  }
0x3c4: {  	[hbm4b:s12+s3] =	stream.linear.scatter [tilespmem:s28], [sflag:$0x10], $0x80, $0x38;
	[tilespmem:$0x18500] =	vst v63  }
0x3c5: {  	s31 =	simm.s32 $0x17840;
	s12 =	sadd.s32 s7, s8  }
0x3c6: {  	[hbm4b:s12+s3] =	stream.linear.scatter [tilespmem:s31], [sflag:$0x10], $0x80, $0x38;
	[tilespmem:$0x18500] =	vst v63  }
0x3c7: {  	s25 =	simm.s32 $0x178C8;
	s21 =	sadd.s32 $0x10, s12  }
0x3c8: {  	[hbm4b:s21+s3] =	stream.linear.scatter [tilespmem:s25], [sflag:$0x10], $0x80, $0x38;
	[tilespmem:$0x18500] =	vst v63  }
0x3c9: {  	s28 =	sadd.s32 $0x20, s12;
	s31 =	simm.s32 $0x17950  }
0x3ca: {  	[hbm4b:s28+s3] =	stream.linear.scatter [tilespmem:s31], [sflag:$0x10], $0x80, $0x38;
	[tilespmem:$0x18500] =	vst v63  }
0x3cb: {  	s21 =	sadd.s32 $0x30, s12;
	s25 =	simm.s32 $0x179D8  }
0x3cc: {  	[hbm4b:s21+s3] =	stream.linear.scatter [tilespmem:s25], [sflag:$0x10], $0x80, $0x38;
	[tilespmem:$0x18500] =	vst v63  }
0x3cd: {  	s28 =	sadd.s32 $0x40, s12;
	s31 =	simm.s32 $0x17A60  }
0x3ce: {  	[hbm4b:s28+s3] =	stream.linear.scatter [tilespmem:s31], [sflag:$0x10], $0x80, $0x38;
	[tilespmem:$0x18500] =	vst v63  }
0x3cf: {  	s21 =	sadd.s32 $0x50, s12;
	s25 =	simm.s32 $0x17AE8  }
0x3d0: {  	[hbm4b:s21+s3] =	stream.linear.scatter [tilespmem:s25], [sflag:$0x10], $0x80, $0x38;
	[tilespmem:$0x18500] =	vst v63  }
0x3d1: {  	s28 =	sadd.s32 $0x60, s12;
	s31 =	simm.s32 $0x17B70  }
0x3d2: {  	[hbm4b:s28+s3] =	stream.linear.scatter [tilespmem:s31], [sflag:$0x10], $0x80, $0x38;
	[tilespmem:$0x18500] =	vst v63  }
0x3d3: {  	s12 =	sadd.s32 $0x70, s12;
	s21 =	simm.s32 $0x17BF8  }
0x3d4: {  	[hbm4b:s12+s3] =	stream.linear.scatter [tilespmem:s21], [sflag:$0x10], $0x80, $0x38;
	[tilespmem:$0x18500] =	vst v63  }
0x3d5: {  	s25 =	simm.s32 $0x17C80;
	s12 =	sadd.s32 s7, s9  }
0x3d6: {  	[hbm4b:s12+s3] =	stream.linear.scatter [tilespmem:s25], [sflag:$0x10], $0x80, $0x38;
	[tilespmem:$0x18500] =	vst v63  }
0x3d7: {  	s31 =	simm.s32 $0x17D08;
	s28 =	sadd.s32 $0x10, s12  }
0x3d8: {  	[hbm4b:s28+s3] =	stream.linear.scatter [tilespmem:s31], [sflag:$0x10], $0x80, $0x38;
	[tilespmem:$0x18500] =	vst v63  }
0x3d9: {  	s21 =	sadd.s32 $0x20, s12;
	s25 =	simm.s32 $0x17D90  }
0x3da: {  	[hbm4b:s21+s3] =	stream.linear.scatter [tilespmem:s25], [sflag:$0x10], $0x80, $0x38;
	[tilespmem:$0x18500] =	vst v63  }
0x3db: {  	s28 =	sadd.s32 $0x30, s12;
	s31 =	simm.s32 $0x17E18  }
0x3dc: {  	[hbm4b:s28+s3] =	stream.linear.scatter [tilespmem:s31], [sflag:$0x10], $0x80, $0x38;
	[tilespmem:$0x18500] =	vst v63  }
0x3dd: {  	s21 =	sadd.s32 $0x40, s12;
	s25 =	simm.s32 $0x17EA0  }
0x3de: {  	[hbm4b:s21+s3] =	stream.linear.scatter [tilespmem:s25], [sflag:$0x10], $0x80, $0x38;
	[tilespmem:$0x18500] =	vst v63  }
0x3df: {  	s28 =	sadd.s32 $0x50, s12;
	s31 =	simm.s32 $0x17F28  }
0x3e0: {  	[hbm4b:s28+s3] =	stream.linear.scatter [tilespmem:s31], [sflag:$0x10], $0x80, $0x38;
	[tilespmem:$0x18500] =	vst v63  }
0x3e1: {  	s25 =	sadd.s32 $0x60, s12;
	s28 =	simm.s32 $0x17FB0  }
0x3e2: {  	[hbm4b:s25+s3] =	stream.linear.scatter [tilespmem:s28], [sflag:$0x10], $0x80, $0x38;
	[tilespmem:$0x18500] =	vst v63  }
0x3e3: {  	s12 =	sadd.s32 $0x70, s12;
	s31 =	simm.s32 $0x18038  }
0x3e4: {  	[hbm4b:s12+s3] =	stream.linear.scatter [tilespmem:s31], [sflag:$0x10], $0x80, $0x38;
	[tilespmem:$0x18500] =	vst v63  }
0x3e5: {  	s16 =	simm.s32 $0x180C0;
	s7 =	sadd.s32 s7, s10  }
0x3e6: {  	[hbm4b:s7+s3] =	stream.linear.scatter [tilespmem:s16], [sflag:$0x10], $0x80, $0x38;
	[tilespmem:$0x18500] =	vst v63  }
0x3e7: {  	s21 =	sadd.s32 $0x10, s7;
	s25 =	simm.s32 $0x18148  }
0x3e8: {  	[hbm4b:s21+s3] =	stream.linear.scatter [tilespmem:s25], [sflag:$0x10], $0x80, $0x38;
	[tilespmem:$0x18500] =	vst v63  }
0x3e9: {  	s28 =	sadd.s32 $0x20, s7;
	s31 =	simm.s32 $0x181D0  }
0x3ea: {  	[hbm4b:s28+s3] =	stream.linear.scatter [tilespmem:s31], [sflag:$0x10], $0x80, $0x38;
	[tilespmem:$0x18500] =	vst v63  }
0x3eb: {  	s21 =	sadd.s32 $0x30, s7;
	s25 =	simm.s32 $0x18258  }
0x3ec: {  	[hbm4b:s21+s3] =	stream.linear.scatter [tilespmem:s25], [sflag:$0x10], $0x80, $0x38;
	[tilespmem:$0x18500] =	vst v63  }
0x3ed: {  	s29 =	sadd.s32 $0x1, s29;
	s28 =	sadd.s32 $0x40, s7;
	s31 =	simm.s32 $0x182E0  }
0x3ee: {  	[hbm4b:s28+s3] =	stream.linear.scatter [tilespmem:s31], [sflag:$0x10], $0x80, $0x38;
	[tilespmem:$0x18500] =	vst v63  }
0x3ef: {  	p0 =	sne.s32 s29, $0x19;
	s16 =	sadd.s32 $0x50, s7;
	s21 =	simm.s32 $0x18368  }
0x3f0: {  	[hbm4b:s16+s3] =	stream.linear.scatter [tilespmem:s21], [sflag:$0x10], $0x80, $0x38;
	[tilespmem:$0x18500] =	vst v63  }
.Ltmp10:
0x3f1: {  	_ = 	snop;
	(pc) =	sbr.rel @p0 .LBB2_2-.Ltmp10, $4  }
0x3f2: {  	s25 =	sadd.s32 $0x60, s7;
	s28 =	simm.s32 $0x183F0  }
0x3f3: {  	[hbm4b:s25+s3] =	stream.linear.scatter [tilespmem:s28], [sflag:$0x10], $0x80, $0x38;
	[tilespmem:$0x18500] =	vst v63  }
0x3f4: {  	s7 =	sadd.s32 $0x70, s7;
	s31 =	simm.s32 $0x18478  }
0x3f5: {  	[hbm4b:s7+s3] =	stream.linear.scatter [tilespmem:s31], [sflag:$0x10], $0x80, $0x38;
	[tilespmem:$0x18500] =	vst v63  }
0x3f6: {  	_ =	swait.ge [sflag:s20], $0x400  }
0x3f7: {  	[sflag:s20] =	ssyncset.done $0x0  }
0x3f8: {  	[sflag:s20] =	ssyncadd.s32 $0xFFFFFC00  }
0x3f9: {  	_ =	swait.ge [sflag:s20], $0x400  }
0x3fa: {  	[sflag:s20] =	ssyncset.done $0x0  }
0x3fb: {  	[sflag:s20] =	ssyncadd.s32 $0xFFFFFC00  }
0x3fc: {  	_ =	swait.ge [sflag:s20], $0x400  }
0x3fd: {  	[sflag:s20] =	ssyncset.done $0x0  }
0x3fe: {  	[sflag:s20] =	ssyncadd.s32 $0xFFFFFC00  }
0x3ff: {  	_ =	swait.ge [sflag:s20], $0x400  }
0x400: {  	[sflag:s20] =	ssyncset.done $0x0  }
0x401: {  	[sflag:s20] =	ssyncadd.s32 $0xFFFFFC00  }
0x402: {  	_ =	swait.ge [sflag:s22], $0x400  }
0x403: {  	[sflag:s22] =	ssyncset.done $0x0  }
0x404: {  	[sflag:s22] =	ssyncadd.s32 $0xFFFFFC00  }
0x405: {  	_ =	swait.ge [sflag:s22], $0x400  }
0x406: {  	[sflag:s22] =	ssyncset.done $0x0  }
0x407: {  	[sflag:s22] =	ssyncadd.s32 $0xFFFFFC00  }
0x408: {  	_ =	swait.ge [sflag:s22], $0x400  }
0x409: {  	[sflag:s22] =	ssyncset.done $0x0  }
0x40a: {  	[sflag:s22] =	ssyncadd.s32 $0xFFFFFC00  }
0x40b: {  	_ =	swait.ge [sflag:s22], $0x400  }
0x40c: {  	[sflag:s22] =	ssyncset.done $0x0  }
0x40d: {  	[sflag:s22] =	ssyncadd.s32 $0xFFFFFC00  }
0x40e: {  	_ =	swait.ge [sflag:s24], $0x400  }
0x40f: {  	[sflag:s24] =	ssyncset.done $0x0  }
0x410: {  	[sflag:s24] =	ssyncadd.s32 $0xFFFFFC00  }
0x411: {  	_ =	swait.ge [sflag:s24], $0x400  }
0x412: {  	[sflag:s24] =	ssyncset.done $0x0  }
0x413: {  	[sflag:s24] =	ssyncadd.s32 $0xFFFFFC00  }
0x414: {  	_ =	swait.ge [sflag:s24], $0x400  }
0x415: {  	[sflag:s24] =	ssyncset.done $0x0  }
0x416: {  	[sflag:s24] =	ssyncadd.s32 $0xFFFFFC00  }
0x417: {  	_ =	swait.ge [sflag:s24], $0x400  }
0x418: {  	[sflag:s24] =	ssyncset.done $0x0  }
0x419: {  	[sflag:s24] =	ssyncadd.s32 $0xFFFFFC00  }
0x41a: {  	_ =	swait.ge [sflag:s26], $0x400  }
0x41b: {  	[sflag:s26] =	ssyncset.done $0x0  }
0x41c: {  	[sflag:s26] =	ssyncadd.s32 $0xFFFFFC00  }
0x41d: {  	_ =	swait.ge [sflag:s26], $0x400  }
0x41e: {  	[sflag:s26] =	ssyncset.done $0x0  }
0x41f: {  	[sflag:s26] =	ssyncadd.s32 $0xFFFFFC00  }
0x420: {  	_ =	swait.ge [sflag:s26], $0x400  }
0x421: {  	[sflag:s26] =	ssyncset.done $0x0  }
0x422: {  	[sflag:s26] =	ssyncadd.s32 $0xFFFFFC00  }
0x423: {  	_ =	swait.ge [sflag:s26], $0x400  }
0x424: {  	[sflag:s26] =	ssyncset.done $0x0  }
0x425: {  	[sflag:s26] =	ssyncadd.s32 $0xFFFFFC00  }
0x426: {  	_ =	swait.ge [sflag:s13], $0x400  }
0x427: {  	[sflag:s13] =	ssyncset.done $0x0  }
0x428: {  	[sflag:s13] =	ssyncadd.s32 $0xFFFFFC00  }
0x429: {  	_ =	swait.ge [sflag:s13], $0x400  }
0x42a: {  	[sflag:s13] =	ssyncset.done $0x0  }
0x42b: {  	[sflag:s13] =	ssyncadd.s32 $0xFFFFFC00  }
0x42c: {  	_ =	swait.ge [sflag:s13], $0x400  }
0x42d: {  	[sflag:s13] =	ssyncset.done $0x0  }
0x42e: {  	[sflag:s13] =	ssyncadd.s32 $0xFFFFFC00  }
0x42f: {  	_ =	swait.ge [sflag:s13], $0x400  }
0x430: {  	[sflag:s13] =	ssyncset.done $0x0  }
0x431: {  	[sflag:s13] =	ssyncadd.s32 $0xFFFFFC00  }
0x432: {  	_ =	swait.ge [sflag:s17], $0x400  }
0x433: {  	[sflag:s17] =	ssyncset.done $0x0  }
0x434: {  	[sflag:s17] =	ssyncadd.s32 $0xFFFFFC00  }
0x435: {  	_ =	swait.ge [sflag:s17], $0x400  }
0x436: {  	[sflag:s17] =	ssyncset.done $0x0  }
0x437: {  	[sflag:s17] =	ssyncadd.s32 $0xFFFFFC00  }
0x438: {  	_ =	swait.ge [sflag:s17], $0x400  }
0x439: {  	[sflag:s17] =	ssyncset.done $0x0  }
0x43a: {  	[sflag:s17] =	ssyncadd.s32 $0xFFFFFC00  }
0x43b: {  	_ =	swait.ge [sflag:s17], $0x400  }
0x43c: {  	[sflag:s17] =	ssyncset.done $0x0  }
0x43d: {  	[sflag:s17] =	ssyncadd.s32 $0xFFFFFC00  }
0x43e: {  	_ =	swait.ge [sflag:s19], $0x400  }
0x43f: {  	[sflag:s19] =	ssyncset.done $0x0  }
0x440: {  	[sflag:s19] =	ssyncadd.s32 $0xFFFFFC00  }
0x441: {  	_ =	swait.ge [sflag:s19], $0x400  }
0x442: {  	[sflag:s19] =	ssyncset.done $0x0  }
0x443: {  	[sflag:s19] =	ssyncadd.s32 $0xFFFFFC00  }
0x444: {  	_ =	swait.ge [sflag:s19], $0x400  }
0x445: {  	[sflag:s19] =	ssyncset.done $0x0  }
0x446: {  	[sflag:s19] =	ssyncadd.s32 $0xFFFFFC00  }
0x447: {  	_ =	swait.ge [sflag:s19], $0x400  }
0x448: {  	[sflag:s19] =	ssyncset.done $0x0  }
0x449: {  	[sflag:s19] =	ssyncadd.s32 $0xFFFFFC00  }
0x44a: {  	_ =	swait.ge [sflag:s6], $0x400  }
0x44b: {  	[sflag:s6] =	ssyncset.done $0x0  }
0x44c: {  	[sflag:s6] =	ssyncadd.s32 $0xFFFFFC00  }
0x44d: {  	_ =	swait.ge [sflag:s6], $0x400  }
0x44e: {  	[sflag:s6] =	ssyncset.done $0x0  }
0x44f: {  	[sflag:s6] =	ssyncadd.s32 $0xFFFFFC00  }
0x450: {  	_ =	swait.ge [sflag:s6], $0x400  }
0x451: {  	[sflag:s6] =	ssyncset.done $0x0  }
0x452: {  	[sflag:s6] =	ssyncadd.s32 $0xFFFFFC00  }
0x453: {  	_ =	swait.ge [sflag:s6], $0x400  }
0x454: {  	s12 =	rddreg [dreg:$0x7]  }
0x455: {  	s7 =	rddreg [dreg:$0x6];
	s12 =	sadd.s32 $0x1, s12  }
0x456: {  	p0 =	sne.s32 s12, s7  }
.Ltmp11:
0x457: {  	_ = 	snop;
	(pc) =	sbr.rel @p0 .LBB2_1-.Ltmp11, $3  }
0x458: {  	_ =	sdelay $0x1  }
0x459: {  	[sflag:s6] =	ssyncset.done $0x0  }
0x45a: {  	[sflag:s6] =	ssyncadd.s32 $0xFFFFFC00  }
0x45b: {  	_ =	sfence.sel $0x180000  }
0x45c: {  	[bflag:$0x0] =	sbarrier.arrive $0xFFFF  }
0x45d: {  	_ =	strace $0x90000047  }
0x45e: {  	s0 =	stileid.u32;
	[bflag:$0x2] =	sbarrier.arrive $0xFFFF  }
0x45f: {  	p0 =	sne.s32 s0, $0x0;
	s0 =	rddreg [dreg:$0x2]  }
0x460: {  	s0 =	sadd.s32 @!p0 $0x100000, s0  }
0x461: {  	[sflag:s0] =	ssyncadd.tile.s32 @!p0 $0x1;
	_ =	shalt  }
.Lfunc_end2:
_tile_overlayer_lowered:
.L_overlay_start_2:
0x462: {  	(tag) =	ssettag $0x2  }
0x463: {  	s0 =	rddreg [dreg:$0x0];
	s2 =	stileid.u32  }
0x464: {  	s1 =	rddreg [dreg:$0x1];
	p0 =	sne.s32 s2, $0x0  }
0x465: {  	s3 =	rddreg [dreg:$0x2];
	[bflag:$0x3] =	sbarrier.arrive $0xFFFF;
	s2 =	simm.s32 @!p0 $0x1C11  }
0x466: {  	[timem:s3], [sflag:s2] =	dma.local @!p0 [hbm:s0], s1  }
0x467: {  	s0 =	simm.s32 @!p0 $0x11  }
0x468: {  	_ =	swait.ge @!p0 [sflag:s0], s1  }
0x469: {  	s1 =	ssub.s32 @!p0 $0x0, s1;
	[sflag:s0] =	ssyncset.done @!p0 $0x0  }
0x46a: {  	[sflag:s0] =	ssyncadd.s32 @!p0 s1  }
0x46b: {  	[bflag:$0x3] =	sbarrier.arrive $0xFFFF  }
0x46c: {  	_ =	shalt  }

</sc_bundles>
